<compile_context>
chip_gen: v7x
topology: tpu7x:2x2x1
jax: 0.10.2.dev20260603
libtpu: 0.0.44.dev20260713+nightly
codegen_flags: <defaults>
</compile_context>

<pallas_src>
import functools

import jax
import jax.numpy as jnp
from jax import lax
from jax.experimental import pallas as pl
from jax.experimental.pallas import tpu as pltpu
from jax.experimental.pallas import tpu_sc as plsc

ALPHA = 0.1
K = 3
NC = 2
NS = 16
B = 128
QR = 5120
NBUF = 2


def _sc_hop_kernel(np_, d, nb2):
  qch = QR // NS
  ng = nb2 // NBUF
  mesh = plsc.VectorSubcoreMesh(core_axis_name="c", subcore_axis_name="s")

  @functools.partial(
      pl.kernel,
      out_type=jax.ShapeDtypeStruct((NC, QR, d), jnp.float32),
      mesh=mesh,
      scratch_types=[
          pltpu.VMEM((nb2, B), jnp.int32),
          pltpu.VMEM((nb2, B), jnp.int32),
          pltpu.VMEM((NBUF, B), jnp.int32),
          *[pltpu.VMEM((B, d), jnp.float32) for _ in range(NBUF)],
          pltpu.VMEM((64, d), jnp.float32),
          pltpu.VMEM_SHARED((QR + 8, d), jnp.float32),
          *[pltpu.SemaphoreType.DMA for _ in range(2 * NBUF)],
      ],
  )
  def k(y_hbm, src_hbm, dst_hbm, zeros_hbm, out_hbm, src_v, gdst_v, scidx_v,
        *rest):
    rows = rest[:NBUF]
    zbuf_v = rest[NBUF]
    accum = rest[NBUF + 1]
    gsem = rest[NBUF + 2:2 * NBUF + 2]
    ssem = rest[2 * NBUF + 2:]
    c = lax.axis_index("c")
    s = lax.axis_index("s")
    cbase = c * QR
    pltpu.sync_copy(zeros_hbm, zbuf_v)
    for z in range(qch // 64):
      pltpu.sync_copy(zbuf_v, accum.at[pl.ds(s * qch + z * 64, 64)])
    pltpu.sync_copy(src_hbm.at[s], src_v)
    pltpu.sync_copy(dst_hbm.at[s], gdst_v)

    def remap(j, carry):
      for kk in range(B // 16):
        sl = pl.ds(kk * 16, 16)
        gdst_v[j, sl] = gdst_v[j, sl] - cbase
      return carry

    lax.fori_loop(0, nb2, remap, 0)
    plsc.subcore_barrier()
    for b in range(NBUF):
      pltpu.async_copy(y_hbm.at[src_v.at[b]], rows[b], gsem[b])

    def group(g, carry):
      for b in range(NBUF):
        j = g * NBUF + b
        pltpu.make_async_copy(y_hbm.at[src_v.at[j]], rows[b],
                              gsem[b]).wait()
        for kk in range(B // 16):
          sl = pl.ds(kk * 16, 16)
          v = gdst_v[j, sl]
          ok = (v >= 0) & (v < QR)
          scidx_v[b, sl] = jnp.where(ok, v, QR)
        pltpu.async_copy(rows[b], accum.at[scidx_v.at[b]], ssem[b],
                         add=True)
      for b in range(NBUF):
        pltpu.make_async_copy(rows[b], accum.at[scidx_v.at[b]],
                              ssem[b]).wait()

        @pl.when(g < ng - 1)
        def _():
          jn = (g + 1) * NBUF + b
          pltpu.async_copy(y_hbm.at[src_v.at[jn]], rows[b], gsem[b])

      return carry

    lax.fori_loop(0, ng, group, 0)
    plsc.subcore_barrier()
    for z in range(qch // 64):
      pltpu.sync_copy(accum.at[pl.ds(s * qch + z * 64, 64)], zbuf_v)
      pltpu.sync_copy(zbuf_v, out_hbm.at[c, pl.ds(s * qch + z * 64, 64)])

  return k


def _tc_prep(deg, x0):
  np_, d = x0.shape
  br = 1024

  def body(deg_ref, x0_ref, y_ref):
    r = lax.rsqrt(1.0 + deg_ref[...])
    y_ref[...] = r * x0_ref[...]

  spec = pl.BlockSpec((br, d), lambda i: (i, 0))
  return pl.pallas_call(
      body,
      grid=(np_ // br,),
      in_specs=[spec, spec],
      out_specs=spec,
      out_shape=jax.ShapeDtypeStruct((np_, d), jnp.float32),
  )(deg, x0)


def _tc_combine(deg, agg, y, x0):
  np_, d = x0.shape
  br = 1024

  def body(deg_ref, agg_ref, y_ref, x0_ref, x_ref, yn_ref):
    r = lax.rsqrt(1.0 + deg_ref[...])
    x = (1.0 - ALPHA) * r * (agg_ref[...] + y_ref[...]) + ALPHA * x0_ref[...]
    x_ref[...] = x
    yn_ref[...] = r * x

  spec = pl.BlockSpec((br, d), lambda i: (i, 0))
  return pl.pallas_call(
      body,
      grid=(np_ // br,),
      in_specs=[spec, spec, spec, spec],
      out_specs=[spec, spec],
      out_shape=[
          jax.ShapeDtypeStruct((np_, d), jnp.float32),
          jax.ShapeDtypeStruct((np_, d), jnp.float32),
      ],
  )(deg, agg, y, x0)


@jax.jit
def kernel(features, edge_index):
  n, d = features.shape
  e = edge_index.shape[1]

  np_ = ((n + 1 + 2047) // 2048) * 2048
  nb2 = -(-e // (NS * B))
  nb2 = ((nb2 + NBUF - 1) // NBUF) * NBUF
  epad = NS * nb2 * B
  pad = epad - e

  deadpad = n + jnp.arange(pad, dtype=jnp.int32) % (np_ - n)
  src = jnp.concatenate([edge_index[0], deadpad]).reshape(NS, nb2, B)
  dst = jnp.concatenate([edge_index[1], deadpad]).reshape(NS, nb2, B)

  x0 = jnp.zeros((np_, d), jnp.float32).at[:n].set(features)
  onesb = jnp.ones((B, d), jnp.float32)
  zerosb = jnp.zeros((64, d), jnp.float32)

  hop = _sc_hop_kernel(np_, d, nb2)
  onesf = jnp.ones((np_, d), jnp.float32)
  deg = hop(onesf, src, dst, zerosb).reshape(np_, d)
  y = _tc_prep(deg, x0)
  x = x0
  for _ in range(K):
    agg = hop(y, src, dst, zerosb).reshape(np_, d)
    x, y = _tc_combine(deg, agg, y, x0)
  return x[:n]

# --- scband reference (transcript-rebuilt; emitter-appended) ---
"""Pipeline reference for scband-feature-prop-19524921327756 (READ-ONLY COPY).

The authoritative reference and input builder live on the scoring server;
editing this copy changes nothing except your own understanding.
"""

import jax, jax.numpy as jnp
import numpy as np

N = 10000
E = 320000
D = 128
K = 3  # numfeatureP: number of propagation hops
ALPHA = 0.1  # featureAlpha: PPR teleport weight


def setup_inputs(seed: int = 0):
    key = jax.random.key(seed)
    k1, k2 = jax.random.split(key, 2)
    features = jax.random.normal(k1, (N, D), dtype=jnp.float32)
    edge_index = jax.random.randint(k2, (2, E), 0, N, dtype=jnp.int32)
    return {"features": features, "edge_index": edge_index}


def _gcn_norm(edge_index, num_nodes):
    # add self loops and compute symmetric GCN normalization D^-1/2 A D^-1/2
    loop = jnp.arange(num_nodes, dtype=edge_index.dtype)
    src = jnp.concatenate([edge_index[0], loop])
    dst = jnp.concatenate([edge_index[1], loop])
    ones = jnp.ones(src.shape[0], dtype=jnp.float32)
    deg = jax.ops.segment_sum(ones, dst, num_segments=num_nodes)
    dinv = jnp.where(deg > 0, jax.lax.rsqrt(deg), 0.0)
    norm = dinv[src] * dinv[dst]
    return src, dst, norm


def reference(features, edge_index):
    # GraphOp: K-hop PPR-style feature propagation (APPNP-like, parameter-free)
    # x_{t+1} = (1 - alpha) * A_hat @ x_t + alpha * x_0
    src, dst, norm = _gcn_norm(edge_index, N)
    x0 = features
    x = features
    for _ in range(K):
        msg = x[src] * norm[:, None]
        agg = jax.ops.segment_sum(msg, dst, num_segments=N)
        x = (1.0 - ALPHA) * agg + ALPHA * x0
    return x

if __name__ == "__main__":
    import jax
    _d = setup_inputs()
    print(jax.jit(kernel)(*tuple(_d.values())))

</pallas_src>

<mosaic_0001>
#map = affine_map<(d0, d1) -> (0, 0)>
#map1 = affine_map<(d0, d1) -> (0, 0, 0)>
module attributes {stable_mosaic.version = 14 : i64} {
  func.func @k(%arg0: i32, %arg1: i32, %arg2: memref<10240x128xf32, #tpu.memory_space<hbm>>, %arg3: memref<16x158x128xi32, #tpu.memory_space<hbm>>, %arg4: memref<16x158x128xi32, #tpu.memory_space<hbm>>, %arg5: memref<64x128xf32, #tpu.memory_space<hbm>>, %arg6: memref<2x5120x128xf32, #tpu.memory_space<hbm>>, %arg7: memref<158x128xi32, #tpu.memory_space<vmem>>, %arg8: memref<158x128xi32, #tpu.memory_space<vmem>>, %arg9: memref<2x128xi32, #tpu.memory_space<vmem>>, %arg10: memref<128x128xf32, #tpu.memory_space<vmem>>, %arg11: memref<128x128xf32, #tpu.memory_space<vmem>>, %arg12: memref<64x128xf32, #tpu.memory_space<vmem>>, %arg13: memref<5128x128xf32, #tpu.memory_space<vmem_shared>>, %arg14: memref<!tpu.dma_semaphore, #tpu.memory_space<semaphore_mem>>, %arg15: memref<!tpu.dma_semaphore, #tpu.memory_space<semaphore_mem>>, %arg16: memref<!tpu.dma_semaphore, #tpu.memory_space<semaphore_mem>>, %arg17: memref<!tpu.dma_semaphore, #tpu.memory_space<semaphore_mem>>) attributes {dimension_semantics = [#tpu.dimension_semantics<core_parallel>, #tpu.dimension_semantics<subcore_parallel>], iteration_bounds = array<i64: 2, 16>, scalar_prefetch = 0 : i64, scratch_operands = 11 : i64, tpu.core_type = #tpu.core_type<sc_vector_subcore>, window_params = [{transform_indices = #map}, {transform_indices = #map1}, {transform_indices = #map1}, {transform_indices = #map}, {transform_indices = #map1}]} {
    %mul3A = arith.constant 5120 : i32
    %mul3A_0 = arith.muli %arg0, %mul3A : i32
    "tpu.region"() ({
      %run_scoped3A = tpu.sem_alloc : memref<!tpu.dma_semaphore, #tpu.memory_space<semaphore_mem>>
      tpu.enqueue_dma source(%arg5 : memref<64x128xf32, #tpu.memory_space<hbm>>) target(%arg12 : memref<64x128xf32, #tpu.memory_space<vmem>>) target_semaphore(%run_scoped3A : memref<!tpu.dma_semaphore, #tpu.memory_space<semaphore_mem>>)
      tpu.wait_dma2 semaphore(%run_scoped3A : memref<!tpu.dma_semaphore, #tpu.memory_space<semaphore_mem>>) src(%arg5 : memref<64x128xf32, #tpu.memory_space<hbm>>) dst(%arg12 : memref<64x128xf32, #tpu.memory_space<vmem>>)
      tpu.yield
    }) : () -> ()
    %mul3A_1 = arith.constant 320 : i32
    %mul3A_2 = arith.muli %arg1, %mul3A_1 : i32
    %add3A = arith.constant 0 : i32
    %add3A_3 = arith.addi %mul3A_2, %add3A : i32
    "tpu.region"() ({
      %run_scoped3A = tpu.sem_alloc : memref<!tpu.dma_semaphore, #tpu.memory_space<semaphore_mem>>
      %dma_start3A_85 = arith.constant 0 : i32
      %dma_start3A_86 = tpu.memref_slice %arg13[%add3A_3, %dma_start3A_85] : memref<5128x128xf32, #tpu.memory_space<vmem_shared>> -> memref<64x128xf32, #tpu.memory_space<vmem_shared>>
      %dma_start3A_87 = arith.constant 0 : i32
      %dma_start3A_88 = tpu.memref_slice %arg13[%add3A_3, %dma_start3A_87] : memref<5128x128xf32, #tpu.memory_space<vmem_shared>> -> memref<64x128xf32, #tpu.memory_space<vmem_shared>>
      tpu.enqueue_dma source(%arg12 : memref<64x128xf32, #tpu.memory_space<vmem>>) target(%dma_start3A_88 : memref<64x128xf32, #tpu.memory_space<vmem_shared>>) target_semaphore(%run_scoped3A : memref<!tpu.dma_semaphore, #tpu.memory_space<semaphore_mem>>)
      %dma_wait3A = arith.constant 0 : i32
      %dma_wait3A_89 = tpu.memref_slice %arg13[%add3A_3, %dma_wait3A] : memref<5128x128xf32, #tpu.memory_space<vmem_shared>> -> memref<64x128xf32, #tpu.memory_space<vmem_shared>>
      %dma_wait3A_90 = arith.constant 0 : i32
      %dma_wait3A_91 = tpu.memref_slice %arg13[%add3A_3, %dma_wait3A_90] : memref<5128x128xf32, #tpu.memory_space<vmem_shared>> -> memref<64x128xf32, #tpu.memory_space<vmem_shared>>
      tpu.wait_dma2 semaphore(%run_scoped3A : memref<!tpu.dma_semaphore, #tpu.memory_space<semaphore_mem>>) src(%arg12 : memref<64x128xf32, #tpu.memory_space<vmem>>) dst(%dma_wait3A_91 : memref<64x128xf32, #tpu.memory_space<vmem_shared>>)
      tpu.yield
    }) : () -> ()
    %mul3A_4 = arith.constant 320 : i32
    %mul3A_5 = arith.muli %arg1, %mul3A_4 : i32
    %add3A_6 = arith.constant 64 : i32
    %add3A_7 = arith.addi %mul3A_5, %add3A_6 : i32
    "tpu.region"() ({
      %run_scoped3A = tpu.sem_alloc : memref<!tpu.dma_semaphore, #tpu.memory_space<semaphore_mem>>
      %dma_start3A_85 = arith.constant 0 : i32
      %dma_start3A_86 = tpu.memref_slice %arg13[%add3A_7, %dma_start3A_85] : memref<5128x128xf32, #tpu.memory_space<vmem_shared>> -> memref<64x128xf32, #tpu.memory_space<vmem_shared>>
      %dma_start3A_87 = arith.constant 0 : i32
      %dma_start3A_88 = tpu.memref_slice %arg13[%add3A_7, %dma_start3A_87] : memref<5128x128xf32, #tpu.memory_space<vmem_shared>> -> memref<64x128xf32, #tpu.memory_space<vmem_shared>>
      tpu.enqueue_dma source(%arg12 : memref<64x128xf32, #tpu.memory_space<vmem>>) target(%dma_start3A_88 : memref<64x128xf32, #tpu.memory_space<vmem_shared>>) target_semaphore(%run_scoped3A : memref<!tpu.dma_semaphore, #tpu.memory_space<semaphore_mem>>)
      %dma_wait3A = arith.constant 0 : i32
      %dma_wait3A_89 = tpu.memref_slice %arg13[%add3A_7, %dma_wait3A] : memref<5128x128xf32, #tpu.memory_space<vmem_shared>> -> memref<64x128xf32, #tpu.memory_space<vmem_shared>>
      %dma_wait3A_90 = arith.constant 0 : i32
      %dma_wait3A_91 = tpu.memref_slice %arg13[%add3A_7, %dma_wait3A_90] : memref<5128x128xf32, #tpu.memory_space<vmem_shared>> -> memref<64x128xf32, #tpu.memory_space<vmem_shared>>
      tpu.wait_dma2 semaphore(%run_scoped3A : memref<!tpu.dma_semaphore, #tpu.memory_space<semaphore_mem>>) src(%arg12 : memref<64x128xf32, #tpu.memory_space<vmem>>) dst(%dma_wait3A_91 : memref<64x128xf32, #tpu.memory_space<vmem_shared>>)
      tpu.yield
    }) : () -> ()
    %mul3A_8 = arith.constant 320 : i32
    %mul3A_9 = arith.muli %arg1, %mul3A_8 : i32
    %add3A_10 = arith.constant 128 : i32
    %add3A_11 = arith.addi %mul3A_9, %add3A_10 : i32
    "tpu.region"() ({
      %run_scoped3A = tpu.sem_alloc : memref<!tpu.dma_semaphore, #tpu.memory_space<semaphore_mem>>
      %dma_start3A_85 = arith.constant 0 : i32
      %dma_start3A_86 = tpu.memref_slice %arg13[%add3A_11, %dma_start3A_85] : memref<5128x128xf32, #tpu.memory_space<vmem_shared>> -> memref<64x128xf32, #tpu.memory_space<vmem_shared>>
      %dma_start3A_87 = arith.constant 0 : i32
      %dma_start3A_88 = tpu.memref_slice %arg13[%add3A_11, %dma_start3A_87] : memref<5128x128xf32, #tpu.memory_space<vmem_shared>> -> memref<64x128xf32, #tpu.memory_space<vmem_shared>>
      tpu.enqueue_dma source(%arg12 : memref<64x128xf32, #tpu.memory_space<vmem>>) target(%dma_start3A_88 : memref<64x128xf32, #tpu.memory_space<vmem_shared>>) target_semaphore(%run_scoped3A : memref<!tpu.dma_semaphore, #tpu.memory_space<semaphore_mem>>)
      %dma_wait3A = arith.constant 0 : i32
      %dma_wait3A_89 = tpu.memref_slice %arg13[%add3A_11, %dma_wait3A] : memref<5128x128xf32, #tpu.memory_space<vmem_shared>> -> memref<64x128xf32, #tpu.memory_space<vmem_shared>>
      %dma_wait3A_90 = arith.constant 0 : i32
      %dma_wait3A_91 = tpu.memref_slice %arg13[%add3A_11, %dma_wait3A_90] : memref<5128x128xf32, #tpu.memory_space<vmem_shared>> -> memref<64x128xf32, #tpu.memory_space<vmem_shared>>
      tpu.wait_dma2 semaphore(%run_scoped3A : memref<!tpu.dma_semaphore, #tpu.memory_space<semaphore_mem>>) src(%arg12 : memref<64x128xf32, #tpu.memory_space<vmem>>) dst(%dma_wait3A_91 : memref<64x128xf32, #tpu.memory_space<vmem_shared>>)
      tpu.yield
    }) : () -> ()
    %mul3A_12 = arith.constant 320 : i32
    %mul3A_13 = arith.muli %arg1, %mul3A_12 : i32
    %add3A_14 = arith.constant 192 : i32
    %add3A_15 = arith.addi %mul3A_13, %add3A_14 : i32
    "tpu.region"() ({
      %run_scoped3A = tpu.sem_alloc : memref<!tpu.dma_semaphore, #tpu.memory_space<semaphore_mem>>
      %dma_start3A_85 = arith.constant 0 : i32
      %dma_start3A_86 = tpu.memref_slice %arg13[%add3A_15, %dma_start3A_85] : memref<5128x128xf32, #tpu.memory_space<vmem_shared>> -> memref<64x128xf32, #tpu.memory_space<vmem_shared>>
      %dma_start3A_87 = arith.constant 0 : i32
      %dma_start3A_88 = tpu.memref_slice %arg13[%add3A_15, %dma_start3A_87] : memref<5128x128xf32, #tpu.memory_space<vmem_shared>> -> memref<64x128xf32, #tpu.memory_space<vmem_shared>>
      tpu.enqueue_dma source(%arg12 : memref<64x128xf32, #tpu.memory_space<vmem>>) target(%dma_start3A_88 : memref<64x128xf32, #tpu.memory_space<vmem_shared>>) target_semaphore(%run_scoped3A : memref<!tpu.dma_semaphore, #tpu.memory_space<semaphore_mem>>)
      %dma_wait3A = arith.constant 0 : i32
      %dma_wait3A_89 = tpu.memref_slice %arg13[%add3A_15, %dma_wait3A] : memref<5128x128xf32, #tpu.memory_space<vmem_shared>> -> memref<64x128xf32, #tpu.memory_space<vmem_shared>>
      %dma_wait3A_90 = arith.constant 0 : i32
      %dma_wait3A_91 = tpu.memref_slice %arg13[%add3A_15, %dma_wait3A_90] : memref<5128x128xf32, #tpu.memory_space<vmem_shared>> -> memref<64x128xf32, #tpu.memory_space<vmem_shared>>
      tpu.wait_dma2 semaphore(%run_scoped3A : memref<!tpu.dma_semaphore, #tpu.memory_space<semaphore_mem>>) src(%arg12 : memref<64x128xf32, #tpu.memory_space<vmem>>) dst(%dma_wait3A_91 : memref<64x128xf32, #tpu.memory_space<vmem_shared>>)
      tpu.yield
    }) : () -> ()
    %mul3A_16 = arith.constant 320 : i32
    %mul3A_17 = arith.muli %arg1, %mul3A_16 : i32
    %add3A_18 = arith.constant 256 : i32
    %add3A_19 = arith.addi %mul3A_17, %add3A_18 : i32
    "tpu.region"() ({
      %run_scoped3A = tpu.sem_alloc : memref<!tpu.dma_semaphore, #tpu.memory_space<semaphore_mem>>
      %dma_start3A_85 = arith.constant 0 : i32
      %dma_start3A_86 = tpu.memref_slice %arg13[%add3A_19, %dma_start3A_85] : memref<5128x128xf32, #tpu.memory_space<vmem_shared>> -> memref<64x128xf32, #tpu.memory_space<vmem_shared>>
      %dma_start3A_87 = arith.constant 0 : i32
      %dma_start3A_88 = tpu.memref_slice %arg13[%add3A_19, %dma_start3A_87] : memref<5128x128xf32, #tpu.memory_space<vmem_shared>> -> memref<64x128xf32, #tpu.memory_space<vmem_shared>>
      tpu.enqueue_dma source(%arg12 : memref<64x128xf32, #tpu.memory_space<vmem>>) target(%dma_start3A_88 : memref<64x128xf32, #tpu.memory_space<vmem_shared>>) target_semaphore(%run_scoped3A : memref<!tpu.dma_semaphore, #tpu.memory_space<semaphore_mem>>)
      %dma_wait3A = arith.constant 0 : i32
      %dma_wait3A_89 = tpu.memref_slice %arg13[%add3A_19, %dma_wait3A] : memref<5128x128xf32, #tpu.memory_space<vmem_shared>> -> memref<64x128xf32, #tpu.memory_space<vmem_shared>>
      %dma_wait3A_90 = arith.constant 0 : i32
      %dma_wait3A_91 = tpu.memref_slice %arg13[%add3A_19, %dma_wait3A_90] : memref<5128x128xf32, #tpu.memory_space<vmem_shared>> -> memref<64x128xf32, #tpu.memory_space<vmem_shared>>
      tpu.wait_dma2 semaphore(%run_scoped3A : memref<!tpu.dma_semaphore, #tpu.memory_space<semaphore_mem>>) src(%arg12 : memref<64x128xf32, #tpu.memory_space<vmem>>) dst(%dma_wait3A_91 : memref<64x128xf32, #tpu.memory_space<vmem_shared>>)
      tpu.yield
    }) : () -> ()
    "tpu.region"() ({
      %run_scoped3A = tpu.sem_alloc : memref<!tpu.dma_semaphore, #tpu.memory_space<semaphore_mem>>
      %dma_start3A_85 = arith.constant 0 : i32
      %dma_start3A_86 = arith.constant 0 : i32
      %dma_start3A_87 = tpu.memref_slice %arg3[%arg1, %dma_start3A_85, %dma_start3A_86] : memref<16x158x128xi32, #tpu.memory_space<hbm>> -> memref<1x158x128xi32, #tpu.memory_space<hbm>>
      %dma_start3A_88 = tpu.memref_squeeze %dma_start3A_87 : memref<1x158x128xi32, #tpu.memory_space<hbm>> -> memref<158x128xi32, #tpu.memory_space<hbm>>
      %dma_start3A_89 = arith.constant 0 : i32
      %dma_start3A_90 = arith.constant 0 : i32
      %dma_start3A_91 = tpu.memref_slice %arg3[%arg1, %dma_start3A_89, %dma_start3A_90] : memref<16x158x128xi32, #tpu.memory_space<hbm>> -> memref<1x158x128xi32, #tpu.memory_space<hbm>>
      %dma_start3A_92 = tpu.memref_squeeze %dma_start3A_91 : memref<1x158x128xi32, #tpu.memory_space<hbm>> -> memref<158x128xi32, #tpu.memory_space<hbm>>
      tpu.enqueue_dma source(%dma_start3A_92 : memref<158x128xi32, #tpu.memory_space<hbm>>) target(%arg7 : memref<158x128xi32, #tpu.memory_space<vmem>>) target_semaphore(%run_scoped3A : memref<!tpu.dma_semaphore, #tpu.memory_space<semaphore_mem>>)
      %dma_wait3A = arith.constant 0 : i32
      %dma_wait3A_93 = arith.constant 0 : i32
      %dma_wait3A_94 = tpu.memref_slice %arg3[%arg1, %dma_wait3A, %dma_wait3A_93] : memref<16x158x128xi32, #tpu.memory_space<hbm>> -> memref<1x158x128xi32, #tpu.memory_space<hbm>>
      %dma_wait3A_95 = tpu.memref_squeeze %dma_wait3A_94 : memref<1x158x128xi32, #tpu.memory_space<hbm>> -> memref<158x128xi32, #tpu.memory_space<hbm>>
      %dma_wait3A_96 = arith.constant 0 : i32
      %dma_wait3A_97 = arith.constant 0 : i32
      %dma_wait3A_98 = tpu.memref_slice %arg3[%arg1, %dma_wait3A_96, %dma_wait3A_97] : memref<16x158x128xi32, #tpu.memory_space<hbm>> -> memref<1x158x128xi32, #tpu.memory_space<hbm>>
      %dma_wait3A_99 = tpu.memref_squeeze %dma_wait3A_98 : memref<1x158x128xi32, #tpu.memory_space<hbm>> -> memref<158x128xi32, #tpu.memory_space<hbm>>
      tpu.wait_dma2 semaphore(%run_scoped3A : memref<!tpu.dma_semaphore, #tpu.memory_space<semaphore_mem>>) src(%dma_wait3A_99 : memref<158x128xi32, #tpu.memory_space<hbm>>) dst(%arg7 : memref<158x128xi32, #tpu.memory_space<vmem>>)
      tpu.yield
    }) : () -> ()
    "tpu.region"() ({
      %run_scoped3A = tpu.sem_alloc : memref<!tpu.dma_semaphore, #tpu.memory_space<semaphore_mem>>
      %dma_start3A_85 = arith.constant 0 : i32
      %dma_start3A_86 = arith.constant 0 : i32
      %dma_start3A_87 = tpu.memref_slice %arg4[%arg1, %dma_start3A_85, %dma_start3A_86] : memref<16x158x128xi32, #tpu.memory_space<hbm>> -> memref<1x158x128xi32, #tpu.memory_space<hbm>>
      %dma_start3A_88 = tpu.memref_squeeze %dma_start3A_87 : memref<1x158x128xi32, #tpu.memory_space<hbm>> -> memref<158x128xi32, #tpu.memory_space<hbm>>
      %dma_start3A_89 = arith.constant 0 : i32
      %dma_start3A_90 = arith.constant 0 : i32
      %dma_start3A_91 = tpu.memref_slice %arg4[%arg1, %dma_start3A_89, %dma_start3A_90] : memref<16x158x128xi32, #tpu.memory_space<hbm>> -> memref<1x158x128xi32, #tpu.memory_space<hbm>>
      %dma_start3A_92 = tpu.memref_squeeze %dma_start3A_91 : memref<1x158x128xi32, #tpu.memory_space<hbm>> -> memref<158x128xi32, #tpu.memory_space<hbm>>
      tpu.enqueue_dma source(%dma_start3A_92 : memref<158x128xi32, #tpu.memory_space<hbm>>) target(%arg8 : memref<158x128xi32, #tpu.memory_space<vmem>>) target_semaphore(%run_scoped3A : memref<!tpu.dma_semaphore, #tpu.memory_space<semaphore_mem>>)
      %dma_wait3A = arith.constant 0 : i32
      %dma_wait3A_93 = arith.constant 0 : i32
      %dma_wait3A_94 = tpu.memref_slice %arg4[%arg1, %dma_wait3A, %dma_wait3A_93] : memref<16x158x128xi32, #tpu.memory_space<hbm>> -> memref<1x158x128xi32, #tpu.memory_space<hbm>>
      %dma_wait3A_95 = tpu.memref_squeeze %dma_wait3A_94 : memref<1x158x128xi32, #tpu.memory_space<hbm>> -> memref<158x128xi32, #tpu.memory_space<hbm>>
      %dma_wait3A_96 = arith.constant 0 : i32
      %dma_wait3A_97 = arith.constant 0 : i32
      %dma_wait3A_98 = tpu.memref_slice %arg4[%arg1, %dma_wait3A_96, %dma_wait3A_97] : memref<16x158x128xi32, #tpu.memory_space<hbm>> -> memref<1x158x128xi32, #tpu.memory_space<hbm>>
      %dma_wait3A_99 = tpu.memref_squeeze %dma_wait3A_98 : memref<1x158x128xi32, #tpu.memory_space<hbm>> -> memref<158x128xi32, #tpu.memory_space<hbm>>
      tpu.wait_dma2 semaphore(%run_scoped3A : memref<!tpu.dma_semaphore, #tpu.memory_space<semaphore_mem>>) src(%dma_wait3A_99 : memref<158x128xi32, #tpu.memory_space<hbm>>) dst(%arg8 : memref<158x128xi32, #tpu.memory_space<vmem>>)
      tpu.yield
    }) : () -> ()
    %scan3A = arith.constant 0 : i32
    %scan3A_20 = arith.constant 0 : i32
    %scan3A_21 = arith.constant 158 : i32
    %scan3A_22 = arith.addi %scan3A_20, %scan3A_21 : i32
    %scan3A_23 = arith.constant 1 : i32
    scf.for %scan3A_85 = %scan3A_20 to %scan3A_22 step %scan3A_23  : i32 {
      %get3A = arith.index_cast %scan3A_85 : i32 to index
      %get3A_86 = arith.constant 0 : index
      %get3A_87 = tpu.vector_load %arg8[%get3A, %get3A_86] {strides = array<i32>} : memref<158x128xi32, #tpu.memory_space<vmem>>, vector<1x16xi32>,
      %get3A_88 = vector.shape_cast %get3A_87 : vector<1x16xi32> to vector<16xi32>
      %sub3A = vector.broadcast %mul3A_0 : i32 to vector<16xi32>
      %sub3A_89 = arith.subi %get3A_88, %sub3A : vector<16xi32>
      %swap3A = arith.index_cast %scan3A_85 : i32 to index
      %swap3A_90 = arith.constant 0 : index
      %swap3A_91 = tpu.vector_load %arg8[%swap3A, %swap3A_90] {strides = array<i32>} : memref<158x128xi32, #tpu.memory_space<vmem>>, vector<1x16xi32>,
      %swap3A_92 = vector.shape_cast %swap3A_91 : vector<1x16xi32> to vector<16xi32>
      %swap3A_93 = vector.shape_cast %sub3A_89 : vector<16xi32> to vector<1x16xi32>
      tpu.vector_store %arg8[%swap3A, %swap3A_90], %swap3A_93 {strides = array<i32>} : memref<158x128xi32, #tpu.memory_space<vmem>>, vector<1x16xi32>,
      %get3A_94 = arith.index_cast %scan3A_85 : i32 to index
      %get3A_95 = arith.constant 16 : index
      %get3A_96 = tpu.vector_load %arg8[%get3A_94, %get3A_95] {strides = array<i32>} : memref<158x128xi32, #tpu.memory_space<vmem>>, vector<1x16xi32>,
      %get3A_97 = vector.shape_cast %get3A_96 : vector<1x16xi32> to vector<16xi32>
      %sub3A_98 = vector.broadcast %mul3A_0 : i32 to vector<16xi32>
      %sub3A_99 = arith.subi %get3A_97, %sub3A_98 : vector<16xi32>
      %swap3A_100 = arith.index_cast %scan3A_85 : i32 to index
      %swap3A_101 = arith.constant 16 : index
      %swap3A_102 = tpu.vector_load %arg8[%swap3A_100, %swap3A_101] {strides = array<i32>} : memref<158x128xi32, #tpu.memory_space<vmem>>, vector<1x16xi32>,
      %swap3A_103 = vector.shape_cast %swap3A_102 : vector<1x16xi32> to vector<16xi32>
      %swap3A_104 = vector.shape_cast %sub3A_99 : vector<16xi32> to vector<1x16xi32>
      tpu.vector_store %arg8[%swap3A_100, %swap3A_101], %swap3A_104 {strides = array<i32>} : memref<158x128xi32, #tpu.memory_space<vmem>>, vector<1x16xi32>,
      %get3A_105 = arith.index_cast %scan3A_85 : i32 to index
      %get3A_106 = arith.constant 32 : index
      %get3A_107 = tpu.vector_load %arg8[%get3A_105, %get3A_106] {strides = array<i32>} : memref<158x128xi32, #tpu.memory_space<vmem>>, vector<1x16xi32>,
      %get3A_108 = vector.shape_cast %get3A_107 : vector<1x16xi32> to vector<16xi32>
      %sub3A_109 = vector.broadcast %mul3A_0 : i32 to vector<16xi32>
      %sub3A_110 = arith.subi %get3A_108, %sub3A_109 : vector<16xi32>
      %swap3A_111 = arith.index_cast %scan3A_85 : i32 to index
      %swap3A_112 = arith.constant 32 : index
      %swap3A_113 = tpu.vector_load %arg8[%swap3A_111, %swap3A_112] {strides = array<i32>} : memref<158x128xi32, #tpu.memory_space<vmem>>, vector<1x16xi32>,
      %swap3A_114 = vector.shape_cast %swap3A_113 : vector<1x16xi32> to vector<16xi32>
      %swap3A_115 = vector.shape_cast %sub3A_110 : vector<16xi32> to vector<1x16xi32>
      tpu.vector_store %arg8[%swap3A_111, %swap3A_112], %swap3A_115 {strides = array<i32>} : memref<158x128xi32, #tpu.memory_space<vmem>>, vector<1x16xi32>,
      %get3A_116 = arith.index_cast %scan3A_85 : i32 to index
      %get3A_117 = arith.constant 48 : index
      %get3A_118 = tpu.vector_load %arg8[%get3A_116, %get3A_117] {strides = array<i32>} : memref<158x128xi32, #tpu.memory_space<vmem>>, vector<1x16xi32>,
      %get3A_119 = vector.shape_cast %get3A_118 : vector<1x16xi32> to vector<16xi32>
      %sub3A_120 = vector.broadcast %mul3A_0 : i32 to vector<16xi32>
      %sub3A_121 = arith.subi %get3A_119, %sub3A_120 : vector<16xi32>
      %swap3A_122 = arith.index_cast %scan3A_85 : i32 to index
      %swap3A_123 = arith.constant 48 : index
      %swap3A_124 = tpu.vector_load %arg8[%swap3A_122, %swap3A_123] {strides = array<i32>} : memref<158x128xi32, #tpu.memory_space<vmem>>, vector<1x16xi32>,
      %swap3A_125 = vector.shape_cast %swap3A_124 : vector<1x16xi32> to vector<16xi32>
      %swap3A_126 = vector.shape_cast %sub3A_121 : vector<16xi32> to vector<1x16xi32>
      tpu.vector_store %arg8[%swap3A_122, %swap3A_123], %swap3A_126 {strides = array<i32>} : memref<158x128xi32, #tpu.memory_space<vmem>>, vector<1x16xi32>,
      %get3A_127 = arith.index_cast %scan3A_85 : i32 to index
      %get3A_128 = arith.constant 64 : index
      %get3A_129 = tpu.vector_load %arg8[%get3A_127, %get3A_128] {strides = array<i32>} : memref<158x128xi32, #tpu.memory_space<vmem>>, vector<1x16xi32>,
      %get3A_130 = vector.shape_cast %get3A_129 : vector<1x16xi32> to vector<16xi32>
      %sub3A_131 = vector.broadcast %mul3A_0 : i32 to vector<16xi32>
      %sub3A_132 = arith.subi %get3A_130, %sub3A_131 : vector<16xi32>
      %swap3A_133 = arith.index_cast %scan3A_85 : i32 to index
      %swap3A_134 = arith.constant 64 : index
      %swap3A_135 = tpu.vector_load %arg8[%swap3A_133, %swap3A_134] {strides = array<i32>} : memref<158x128xi32, #tpu.memory_space<vmem>>, vector<1x16xi32>,
      %swap3A_136 = vector.shape_cast %swap3A_135 : vector<1x16xi32> to vector<16xi32>
      %swap3A_137 = vector.shape_cast %sub3A_132 : vector<16xi32> to vector<1x16xi32>
      tpu.vector_store %arg8[%swap3A_133, %swap3A_134], %swap3A_137 {strides = array<i32>} : memref<158x128xi32, #tpu.memory_space<vmem>>, vector<1x16xi32>,
      %get3A_138 = arith.index_cast %scan3A_85 : i32 to index
      %get3A_139 = arith.constant 80 : index
      %get3A_140 = tpu.vector_load %arg8[%get3A_138, %get3A_139] {strides = array<i32>} : memref<158x128xi32, #tpu.memory_space<vmem>>, vector<1x16xi32>,
      %get3A_141 = vector.shape_cast %get3A_140 : vector<1x16xi32> to vector<16xi32>
      %sub3A_142 = vector.broadcast %mul3A_0 : i32 to vector<16xi32>
      %sub3A_143 = arith.subi %get3A_141, %sub3A_142 : vector<16xi32>
      %swap3A_144 = arith.index_cast %scan3A_85 : i32 to index
      %swap3A_145 = arith.constant 80 : index
      %swap3A_146 = tpu.vector_load %arg8[%swap3A_144, %swap3A_145] {strides = array<i32>} : memref<158x128xi32, #tpu.memory_space<vmem>>, vector<1x16xi32>,
      %swap3A_147 = vector.shape_cast %swap3A_146 : vector<1x16xi32> to vector<16xi32>
      %swap3A_148 = vector.shape_cast %sub3A_143 : vector<16xi32> to vector<1x16xi32>
      tpu.vector_store %arg8[%swap3A_144, %swap3A_145], %swap3A_148 {strides = array<i32>} : memref<158x128xi32, #tpu.memory_space<vmem>>, vector<1x16xi32>,
      %get3A_149 = arith.index_cast %scan3A_85 : i32 to index
      %get3A_150 = arith.constant 96 : index
      %get3A_151 = tpu.vector_load %arg8[%get3A_149, %get3A_150] {strides = array<i32>} : memref<158x128xi32, #tpu.memory_space<vmem>>, vector<1x16xi32>,
      %get3A_152 = vector.shape_cast %get3A_151 : vector<1x16xi32> to vector<16xi32>
      %sub3A_153 = vector.broadcast %mul3A_0 : i32 to vector<16xi32>
      %sub3A_154 = arith.subi %get3A_152, %sub3A_153 : vector<16xi32>
      %swap3A_155 = arith.index_cast %scan3A_85 : i32 to index
      %swap3A_156 = arith.constant 96 : index
      %swap3A_157 = tpu.vector_load %arg8[%swap3A_155, %swap3A_156] {strides = array<i32>} : memref<158x128xi32, #tpu.memory_space<vmem>>, vector<1x16xi32>,
      %swap3A_158 = vector.shape_cast %swap3A_157 : vector<1x16xi32> to vector<16xi32>
      %swap3A_159 = vector.shape_cast %sub3A_154 : vector<16xi32> to vector<1x16xi32>
      tpu.vector_store %arg8[%swap3A_155, %swap3A_156], %swap3A_159 {strides = array<i32>} : memref<158x128xi32, #tpu.memory_space<vmem>>, vector<1x16xi32>,
      %get3A_160 = arith.index_cast %scan3A_85 : i32 to index
      %get3A_161 = arith.constant 112 : index
      %get3A_162 = tpu.vector_load %arg8[%get3A_160, %get3A_161] {strides = array<i32>} : memref<158x128xi32, #tpu.memory_space<vmem>>, vector<1x16xi32>,
      %get3A_163 = vector.shape_cast %get3A_162 : vector<1x16xi32> to vector<16xi32>
      %sub3A_164 = vector.broadcast %mul3A_0 : i32 to vector<16xi32>
      %sub3A_165 = arith.subi %get3A_163, %sub3A_164 : vector<16xi32>
      %swap3A_166 = arith.index_cast %scan3A_85 : i32 to index
      %swap3A_167 = arith.constant 112 : index
      %swap3A_168 = tpu.vector_load %arg8[%swap3A_166, %swap3A_167] {strides = array<i32>} : memref<158x128xi32, #tpu.memory_space<vmem>>, vector<1x16xi32>,
      %swap3A_169 = vector.shape_cast %swap3A_168 : vector<1x16xi32> to vector<16xi32>
      %swap3A_170 = vector.shape_cast %sub3A_165 : vector<16xi32> to vector<1x16xi32>
      tpu.vector_store %arg8[%swap3A_166, %swap3A_167], %swap3A_170 {strides = array<i32>} : memref<158x128xi32, #tpu.memory_space<vmem>>, vector<1x16xi32>,
    }
    %scan3A_24 = arith.constant 158 : i32
    %barrier3A = arith.constant 0 : index
    tpu.barrier barrier_id(%barrier3A)
    %dma_start3A = arith.constant 0 : i32
    %dma_start3A_25 = arith.constant 0 : i32
    %dma_start3A_26 = tpu.memref_slice %arg7[%dma_start3A, %dma_start3A_25] : memref<158x128xi32, #tpu.memory_space<vmem>> -> memref<1x128xi32, #tpu.memory_space<vmem>>
    %dma_start3A_27 = tpu.memref_squeeze %dma_start3A_26 : memref<1x128xi32, #tpu.memory_space<vmem>> -> memref<128xi32, #tpu.memory_space<vmem>>
    %dma_start3A_28 = arith.constant 0 : i32
    %dma_start3A_29 = arith.constant 0 : i32
    %dma_start3A_30 = tpu.memref_slice %arg2[%dma_start3A_28, %dma_start3A_29] : memref<10240x128xf32, #tpu.memory_space<hbm>> -> memref<10240x128xf32, #tpu.memory_space<hbm>>
    tpu.enqueue_indirect_dma source(%dma_start3A_30 : memref<10240x128xf32, #tpu.memory_space<hbm>>) target(%arg10 : memref<128x128xf32, #tpu.memory_space<vmem>>) offsets(%dma_start3A_27 : memref<128xi32, #tpu.memory_space<vmem>>) semaphore(%arg14 : memref<!tpu.dma_semaphore, #tpu.memory_space<semaphore_mem>>)
    %dma_start3A_31 = arith.constant 1 : i32
    %dma_start3A_32 = arith.constant 0 : i32
    %dma_start3A_33 = tpu.memref_slice %arg7[%dma_start3A_31, %dma_start3A_32] : memref<158x128xi32, #tpu.memory_space<vmem>> -> memref<1x128xi32, #tpu.memory_space<vmem>>
    %dma_start3A_34 = tpu.memref_squeeze %dma_start3A_33 : memref<1x128xi32, #tpu.memory_space<vmem>> -> memref<128xi32, #tpu.memory_space<vmem>>
    %dma_start3A_35 = arith.constant 0 : i32
    %dma_start3A_36 = arith.constant 0 : i32
    %dma_start3A_37 = tpu.memref_slice %arg2[%dma_start3A_35, %dma_start3A_36] : memref<10240x128xf32, #tpu.memory_space<hbm>> -> memref<10240x128xf32, #tpu.memory_space<hbm>>
    tpu.enqueue_indirect_dma source(%dma_start3A_37 : memref<10240x128xf32, #tpu.memory_space<hbm>>) target(%arg11 : memref<128x128xf32, #tpu.memory_space<vmem>>) offsets(%dma_start3A_34 : memref<128xi32, #tpu.memory_space<vmem>>) semaphore(%arg15 : memref<!tpu.dma_semaphore, #tpu.memory_space<semaphore_mem>>)
    %scan3A_38 = arith.constant 0 : i32
    %scan3A_39 = arith.constant 0 : i32
    %scan3A_40 = arith.constant 79 : i32
    %scan3A_41 = arith.addi %scan3A_39, %scan3A_40 : i32
    %scan3A_42 = arith.constant 1 : i32
    scf.for %scan3A_85 = %scan3A_39 to %scan3A_41 step %scan3A_42  : i32 {
      %mul3A_86 = arith.constant 2 : i32
      %mul3A_87 = arith.muli %scan3A_85, %mul3A_86 : i32
      %add3A_88 = arith.constant 0 : i32
      %add3A_89 = arith.addi %mul3A_87, %add3A_88 : i32
      %dma_wait3A = arith.constant 0 : i32
      %dma_wait3A_90 = tpu.memref_slice %arg7[%add3A_89, %dma_wait3A] : memref<158x128xi32, #tpu.memory_space<vmem>> -> memref<1x128xi32, #tpu.memory_space<vmem>>
      %dma_wait3A_91 = tpu.memref_squeeze %dma_wait3A_90 : memref<1x128xi32, #tpu.memory_space<vmem>> -> memref<128xi32, #tpu.memory_space<vmem>>
      %dma_wait3A_92 = arith.constant 0 : i32
      %dma_wait3A_93 = arith.constant 0 : i32
      %dma_wait3A_94 = tpu.memref_slice %arg2[%dma_wait3A_92, %dma_wait3A_93] : memref<10240x128xf32, #tpu.memory_space<hbm>> -> memref<10240x128xf32, #tpu.memory_space<hbm>>
      tpu.wait_indirect_dma semaphore(%arg14 : memref<!tpu.dma_semaphore, #tpu.memory_space<semaphore_mem>>) src(%dma_wait3A_94 : memref<10240x128xf32, #tpu.memory_space<hbm>>) dst(%arg10 : memref<128x128xf32, #tpu.memory_space<vmem>>)
      %get3A = arith.index_cast %add3A_89 : i32 to index
      %get3A_95 = arith.constant 0 : index
      %get3A_96 = tpu.vector_load %arg8[%get3A, %get3A_95] {strides = array<i32>} : memref<158x128xi32, #tpu.memory_space<vmem>>, vector<1x16xi32>,
      %get3A_97 = vector.shape_cast %get3A_96 : vector<1x16xi32> to vector<16xi32>
      %ge3A = arith.constant 0 : i32
      %ge3A_98 = vector.broadcast %ge3A : i32 to vector<16xi32>
      %ge3A_99 = arith.cmpi sge, %get3A_97, %ge3A_98 : vector<16xi32>
      %lt3A = arith.constant 5120 : i32
      %lt3A_100 = vector.broadcast %lt3A : i32 to vector<16xi32>
      %lt3A_101 = arith.cmpi slt, %get3A_97, %lt3A_100 : vector<16xi32>
      %and3A = arith.andi %ge3A_99, %lt3A_101 : vector<16xi1>
      %jit3A = arith.constant 5120 : i32
      %broadcast_in_dim3A = vector.broadcast %jit3A : i32 to vector<16xi32>
      %select_n3A = arith.select %and3A, %get3A_97, %broadcast_in_dim3A : vector<16xi1>, vector<16xi32>
      %swap3A = arith.constant 0 : i32
      %swap3A_102 = arith.index_cast %swap3A : i32 to index
      %swap3A_103 = arith.constant 0 : index
      %swap3A_104 = tpu.vector_load %arg9[%swap3A_102, %swap3A_103] {strides = array<i32>} : memref<2x128xi32, #tpu.memory_space<vmem>>, vector<1x16xi32>,
      %swap3A_105 = vector.shape_cast %swap3A_104 : vector<1x16xi32> to vector<16xi32>
      %swap3A_106 = vector.shape_cast %select_n3A : vector<16xi32> to vector<1x16xi32>
      tpu.vector_store %arg9[%swap3A_102, %swap3A_103], %swap3A_106 {strides = array<i32>} : memref<2x128xi32, #tpu.memory_space<vmem>>, vector<1x16xi32>,
      %get3A_107 = arith.index_cast %add3A_89 : i32 to index
      %get3A_108 = arith.constant 16 : index
      %get3A_109 = tpu.vector_load %arg8[%get3A_107, %get3A_108] {strides = array<i32>} : memref<158x128xi32, #tpu.memory_space<vmem>>, vector<1x16xi32>,
      %get3A_110 = vector.shape_cast %get3A_109 : vector<1x16xi32> to vector<16xi32>
      %ge3A_111 = arith.constant 0 : i32
      %ge3A_112 = vector.broadcast %ge3A_111 : i32 to vector<16xi32>
      %ge3A_113 = arith.cmpi sge, %get3A_110, %ge3A_112 : vector<16xi32>
      %lt3A_114 = arith.constant 5120 : i32
      %lt3A_115 = vector.broadcast %lt3A_114 : i32 to vector<16xi32>
      %lt3A_116 = arith.cmpi slt, %get3A_110, %lt3A_115 : vector<16xi32>
      %and3A_117 = arith.andi %ge3A_113, %lt3A_116 : vector<16xi1>
      %jit3A_118 = arith.constant 5120 : i32
      %broadcast_in_dim3A_119 = vector.broadcast %jit3A_118 : i32 to vector<16xi32>
      %select_n3A_120 = arith.select %and3A_117, %get3A_110, %broadcast_in_dim3A_119 : vector<16xi1>, vector<16xi32>
      %swap3A_121 = arith.constant 0 : i32
      %swap3A_122 = arith.index_cast %swap3A_121 : i32 to index
      %swap3A_123 = arith.constant 16 : index
      %swap3A_124 = tpu.vector_load %arg9[%swap3A_122, %swap3A_123] {strides = array<i32>} : memref<2x128xi32, #tpu.memory_space<vmem>>, vector<1x16xi32>,
      %swap3A_125 = vector.shape_cast %swap3A_124 : vector<1x16xi32> to vector<16xi32>
      %swap3A_126 = vector.shape_cast %select_n3A_120 : vector<16xi32> to vector<1x16xi32>
      tpu.vector_store %arg9[%swap3A_122, %swap3A_123], %swap3A_126 {strides = array<i32>} : memref<2x128xi32, #tpu.memory_space<vmem>>, vector<1x16xi32>,
      %get3A_127 = arith.index_cast %add3A_89 : i32 to index
      %get3A_128 = arith.constant 32 : index
      %get3A_129 = tpu.vector_load %arg8[%get3A_127, %get3A_128] {strides = array<i32>} : memref<158x128xi32, #tpu.memory_space<vmem>>, vector<1x16xi32>,
      %get3A_130 = vector.shape_cast %get3A_129 : vector<1x16xi32> to vector<16xi32>
      %ge3A_131 = arith.constant 0 : i32
      %ge3A_132 = vector.broadcast %ge3A_131 : i32 to vector<16xi32>
      %ge3A_133 = arith.cmpi sge, %get3A_130, %ge3A_132 : vector<16xi32>
      %lt3A_134 = arith.constant 5120 : i32
      %lt3A_135 = vector.broadcast %lt3A_134 : i32 to vector<16xi32>
      %lt3A_136 = arith.cmpi slt, %get3A_130, %lt3A_135 : vector<16xi32>
      %and3A_137 = arith.andi %ge3A_133, %lt3A_136 : vector<16xi1>
      %jit3A_138 = arith.constant 5120 : i32
      %broadcast_in_dim3A_139 = vector.broadcast %jit3A_138 : i32 to vector<16xi32>
      %select_n3A_140 = arith.select %and3A_137, %get3A_130, %broadcast_in_dim3A_139 : vector<16xi1>, vector<16xi32>
      %swap3A_141 = arith.constant 0 : i32
      %swap3A_142 = arith.index_cast %swap3A_141 : i32 to index
      %swap3A_143 = arith.constant 32 : index
      %swap3A_144 = tpu.vector_load %arg9[%swap3A_142, %swap3A_143] {strides = array<i32>} : memref<2x128xi32, #tpu.memory_space<vmem>>, vector<1x16xi32>,
      %swap3A_145 = vector.shape_cast %swap3A_144 : vector<1x16xi32> to vector<16xi32>
      %swap3A_146 = vector.shape_cast %select_n3A_140 : vector<16xi32> to vector<1x16xi32>
      tpu.vector_store %arg9[%swap3A_142, %swap3A_143], %swap3A_146 {strides = array<i32>} : memref<2x128xi32, #tpu.memory_space<vmem>>, vector<1x16xi32>,
      %get3A_147 = arith.index_cast %add3A_89 : i32 to index
      %get3A_148 = arith.constant 48 : index
      %get3A_149 = tpu.vector_load %arg8[%get3A_147, %get3A_148] {strides = array<i32>} : memref<158x128xi32, #tpu.memory_space<vmem>>, vector<1x16xi32>,
      %get3A_150 = vector.shape_cast %get3A_149 : vector<1x16xi32> to vector<16xi32>
      %ge3A_151 = arith.constant 0 : i32
      %ge3A_152 = vector.broadcast %ge3A_151 : i32 to vector<16xi32>
      %ge3A_153 = arith.cmpi sge, %get3A_150, %ge3A_152 : vector<16xi32>
      %lt3A_154 = arith.constant 5120 : i32
      %lt3A_155 = vector.broadcast %lt3A_154 : i32 to vector<16xi32>
      %lt3A_156 = arith.cmpi slt, %get3A_150, %lt3A_155 : vector<16xi32>
      %and3A_157 = arith.andi %ge3A_153, %lt3A_156 : vector<16xi1>
      %jit3A_158 = arith.constant 5120 : i32
      %broadcast_in_dim3A_159 = vector.broadcast %jit3A_158 : i32 to vector<16xi32>
      %select_n3A_160 = arith.select %and3A_157, %get3A_150, %broadcast_in_dim3A_159 : vector<16xi1>, vector<16xi32>
      %swap3A_161 = arith.constant 0 : i32
      %swap3A_162 = arith.index_cast %swap3A_161 : i32 to index
      %swap3A_163 = arith.constant 48 : index
      %swap3A_164 = tpu.vector_load %arg9[%swap3A_162, %swap3A_163] {strides = array<i32>} : memref<2x128xi32, #tpu.memory_space<vmem>>, vector<1x16xi32>,
      %swap3A_165 = vector.shape_cast %swap3A_164 : vector<1x16xi32> to vector<16xi32>
      %swap3A_166 = vector.shape_cast %select_n3A_160 : vector<16xi32> to vector<1x16xi32>
      tpu.vector_store %arg9[%swap3A_162, %swap3A_163], %swap3A_166 {strides = array<i32>} : memref<2x128xi32, #tpu.memory_space<vmem>>, vector<1x16xi32>,
      %get3A_167 = arith.index_cast %add3A_89 : i32 to index
      %get3A_168 = arith.constant 64 : index
      %get3A_169 = tpu.vector_load %arg8[%get3A_167, %get3A_168] {strides = array<i32>} : memref<158x128xi32, #tpu.memory_space<vmem>>, vector<1x16xi32>,
      %get3A_170 = vector.shape_cast %get3A_169 : vector<1x16xi32> to vector<16xi32>
      %ge3A_171 = arith.constant 0 : i32
      %ge3A_172 = vector.broadcast %ge3A_171 : i32 to vector<16xi32>
      %ge3A_173 = arith.cmpi sge, %get3A_170, %ge3A_172 : vector<16xi32>
      %lt3A_174 = arith.constant 5120 : i32
      %lt3A_175 = vector.broadcast %lt3A_174 : i32 to vector<16xi32>
      %lt3A_176 = arith.cmpi slt, %get3A_170, %lt3A_175 : vector<16xi32>
      %and3A_177 = arith.andi %ge3A_173, %lt3A_176 : vector<16xi1>
      %jit3A_178 = arith.constant 5120 : i32
      %broadcast_in_dim3A_179 = vector.broadcast %jit3A_178 : i32 to vector<16xi32>
      %select_n3A_180 = arith.select %and3A_177, %get3A_170, %broadcast_in_dim3A_179 : vector<16xi1>, vector<16xi32>
      %swap3A_181 = arith.constant 0 : i32
      %swap3A_182 = arith.index_cast %swap3A_181 : i32 to index
      %swap3A_183 = arith.constant 64 : index
      %swap3A_184 = tpu.vector_load %arg9[%swap3A_182, %swap3A_183] {strides = array<i32>} : memref<2x128xi32, #tpu.memory_space<vmem>>, vector<1x16xi32>,
      %swap3A_185 = vector.shape_cast %swap3A_184 : vector<1x16xi32> to vector<16xi32>
      %swap3A_186 = vector.shape_cast %select_n3A_180 : vector<16xi32> to vector<1x16xi32>
      tpu.vector_store %arg9[%swap3A_182, %swap3A_183], %swap3A_186 {strides = array<i32>} : memref<2x128xi32, #tpu.memory_space<vmem>>, vector<1x16xi32>,
      %get3A_187 = arith.index_cast %add3A_89 : i32 to index
      %get3A_188 = arith.constant 80 : index
      %get3A_189 = tpu.vector_load %arg8[%get3A_187, %get3A_188] {strides = array<i32>} : memref<158x128xi32, #tpu.memory_space<vmem>>, vector<1x16xi32>,
      %get3A_190 = vector.shape_cast %get3A_189 : vector<1x16xi32> to vector<16xi32>
      %ge3A_191 = arith.constant 0 : i32
      %ge3A_192 = vector.broadcast %ge3A_191 : i32 to vector<16xi32>
      %ge3A_193 = arith.cmpi sge, %get3A_190, %ge3A_192 : vector<16xi32>
      %lt3A_194 = arith.constant 5120 : i32
      %lt3A_195 = vector.broadcast %lt3A_194 : i32 to vector<16xi32>
      %lt3A_196 = arith.cmpi slt, %get3A_190, %lt3A_195 : vector<16xi32>
      %and3A_197 = arith.andi %ge3A_193, %lt3A_196 : vector<16xi1>
      %jit3A_198 = arith.constant 5120 : i32
      %broadcast_in_dim3A_199 = vector.broadcast %jit3A_198 : i32 to vector<16xi32>
      %select_n3A_200 = arith.select %and3A_197, %get3A_190, %broadcast_in_dim3A_199 : vector<16xi1>, vector<16xi32>
      %swap3A_201 = arith.constant 0 : i32
      %swap3A_202 = arith.index_cast %swap3A_201 : i32 to index
      %swap3A_203 = arith.constant 80 : index
      %swap3A_204 = tpu.vector_load %arg9[%swap3A_202, %swap3A_203] {strides = array<i32>} : memref<2x128xi32, #tpu.memory_space<vmem>>, vector<1x16xi32>,
      %swap3A_205 = vector.shape_cast %swap3A_204 : vector<1x16xi32> to vector<16xi32>
      %swap3A_206 = vector.shape_cast %select_n3A_200 : vector<16xi32> to vector<1x16xi32>
      tpu.vector_store %arg9[%swap3A_202, %swap3A_203], %swap3A_206 {strides = array<i32>} : memref<2x128xi32, #tpu.memory_space<vmem>>, vector<1x16xi32>,
      %get3A_207 = arith.index_cast %add3A_89 : i32 to index
      %get3A_208 = arith.constant 96 : index
      %get3A_209 = tpu.vector_load %arg8[%get3A_207, %get3A_208] {strides = array<i32>} : memref<158x128xi32, #tpu.memory_space<vmem>>, vector<1x16xi32>,
      %get3A_210 = vector.shape_cast %get3A_209 : vector<1x16xi32> to vector<16xi32>
      %ge3A_211 = arith.constant 0 : i32
      %ge3A_212 = vector.broadcast %ge3A_211 : i32 to vector<16xi32>
      %ge3A_213 = arith.cmpi sge, %get3A_210, %ge3A_212 : vector<16xi32>
      %lt3A_214 = arith.constant 5120 : i32
      %lt3A_215 = vector.broadcast %lt3A_214 : i32 to vector<16xi32>
      %lt3A_216 = arith.cmpi slt, %get3A_210, %lt3A_215 : vector<16xi32>
      %and3A_217 = arith.andi %ge3A_213, %lt3A_216 : vector<16xi1>
      %jit3A_218 = arith.constant 5120 : i32
      %broadcast_in_dim3A_219 = vector.broadcast %jit3A_218 : i32 to vector<16xi32>
      %select_n3A_220 = arith.select %and3A_217, %get3A_210, %broadcast_in_dim3A_219 : vector<16xi1>, vector<16xi32>
      %swap3A_221 = arith.constant 0 : i32
      %swap3A_222 = arith.index_cast %swap3A_221 : i32 to index
      %swap3A_223 = arith.constant 96 : index
      %swap3A_224 = tpu.vector_load %arg9[%swap3A_222, %swap3A_223] {strides = array<i32>} : memref<2x128xi32, #tpu.memory_space<vmem>>, vector<1x16xi32>,
      %swap3A_225 = vector.shape_cast %swap3A_224 : vector<1x16xi32> to vector<16xi32>
      %swap3A_226 = vector.shape_cast %select_n3A_220 : vector<16xi32> to vector<1x16xi32>
      tpu.vector_store %arg9[%swap3A_222, %swap3A_223], %swap3A_226 {strides = array<i32>} : memref<2x128xi32, #tpu.memory_space<vmem>>, vector<1x16xi32>,
      %get3A_227 = arith.index_cast %add3A_89 : i32 to index
      %get3A_228 = arith.constant 112 : index
      %get3A_229 = tpu.vector_load %arg8[%get3A_227, %get3A_228] {strides = array<i32>} : memref<158x128xi32, #tpu.memory_space<vmem>>, vector<1x16xi32>,
      %get3A_230 = vector.shape_cast %get3A_229 : vector<1x16xi32> to vector<16xi32>
      %ge3A_231 = arith.constant 0 : i32
      %ge3A_232 = vector.broadcast %ge3A_231 : i32 to vector<16xi32>
      %ge3A_233 = arith.cmpi sge, %get3A_230, %ge3A_232 : vector<16xi32>
      %lt3A_234 = arith.constant 5120 : i32
      %lt3A_235 = vector.broadcast %lt3A_234 : i32 to vector<16xi32>
      %lt3A_236 = arith.cmpi slt, %get3A_230, %lt3A_235 : vector<16xi32>
      %and3A_237 = arith.andi %ge3A_233, %lt3A_236 : vector<16xi1>
      %jit3A_238 = arith.constant 5120 : i32
      %broadcast_in_dim3A_239 = vector.broadcast %jit3A_238 : i32 to vector<16xi32>
      %select_n3A_240 = arith.select %and3A_237, %get3A_230, %broadcast_in_dim3A_239 : vector<16xi1>, vector<16xi32>
      %swap3A_241 = arith.constant 0 : i32
      %swap3A_242 = arith.index_cast %swap3A_241 : i32 to index
      %swap3A_243 = arith.constant 112 : index
      %swap3A_244 = tpu.vector_load %arg9[%swap3A_242, %swap3A_243] {strides = array<i32>} : memref<2x128xi32, #tpu.memory_space<vmem>>, vector<1x16xi32>,
      %swap3A_245 = vector.shape_cast %swap3A_244 : vector<1x16xi32> to vector<16xi32>
      %swap3A_246 = vector.shape_cast %select_n3A_240 : vector<16xi32> to vector<1x16xi32>
      tpu.vector_store %arg9[%swap3A_242, %swap3A_243], %swap3A_246 {strides = array<i32>} : memref<2x128xi32, #tpu.memory_space<vmem>>, vector<1x16xi32>,
      %dma_start3A_247 = arith.constant 0 : i32
      %dma_start3A_248 = arith.constant 0 : i32
      %dma_start3A_249 = tpu.memref_slice %arg9[%dma_start3A_247, %dma_start3A_248] : memref<2x128xi32, #tpu.memory_space<vmem>> -> memref<1x128xi32, #tpu.memory_space<vmem>>
      %dma_start3A_250 = tpu.memref_squeeze %dma_start3A_249 : memref<1x128xi32, #tpu.memory_space<vmem>> -> memref<128xi32, #tpu.memory_space<vmem>>
      %dma_start3A_251 = arith.constant 0 : i32
      %dma_start3A_252 = arith.constant 0 : i32
      %dma_start3A_253 = tpu.memref_slice %arg13[%dma_start3A_251, %dma_start3A_252] : memref<5128x128xf32, #tpu.memory_space<vmem_shared>> -> memref<5128x128xf32, #tpu.memory_space<vmem_shared>>
      tpu.enqueue_indirect_dma source(%arg10 : memref<128x128xf32, #tpu.memory_space<vmem>>) target(%dma_start3A_253 : memref<5128x128xf32, #tpu.memory_space<vmem_shared>>) offsets(%dma_start3A_250 : memref<128xi32, #tpu.memory_space<vmem>>) semaphore(%arg16 : memref<!tpu.dma_semaphore, #tpu.memory_space<semaphore_mem>>) {add = true}
      %mul3A_254 = arith.constant 2 : i32
      %mul3A_255 = arith.muli %scan3A_85, %mul3A_254 : i32
      %add3A_256 = arith.constant 1 : i32
      %add3A_257 = arith.addi %mul3A_255, %add3A_256 : i32
      %dma_wait3A_258 = arith.constant 0 : i32
      %dma_wait3A_259 = tpu.memref_slice %arg7[%add3A_257, %dma_wait3A_258] : memref<158x128xi32, #tpu.memory_space<vmem>> -> memref<1x128xi32, #tpu.memory_space<vmem>>
      %dma_wait3A_260 = tpu.memref_squeeze %dma_wait3A_259 : memref<1x128xi32, #tpu.memory_space<vmem>> -> memref<128xi32, #tpu.memory_space<vmem>>
      %dma_wait3A_261 = arith.constant 0 : i32
      %dma_wait3A_262 = arith.constant 0 : i32
      %dma_wait3A_263 = tpu.memref_slice %arg2[%dma_wait3A_261, %dma_wait3A_262] : memref<10240x128xf32, #tpu.memory_space<hbm>> -> memref<10240x128xf32, #tpu.memory_space<hbm>>
      tpu.wait_indirect_dma semaphore(%arg15 : memref<!tpu.dma_semaphore, #tpu.memory_space<semaphore_mem>>) src(%dma_wait3A_263 : memref<10240x128xf32, #tpu.memory_space<hbm>>) dst(%arg11 : memref<128x128xf32, #tpu.memory_space<vmem>>)
      %get3A_264 = arith.index_cast %add3A_257 : i32 to index
      %get3A_265 = arith.constant 0 : index
      %get3A_266 = tpu.vector_load %arg8[%get3A_264, %get3A_265] {strides = array<i32>} : memref<158x128xi32, #tpu.memory_space<vmem>>, vector<1x16xi32>,
      %get3A_267 = vector.shape_cast %get3A_266 : vector<1x16xi32> to vector<16xi32>
      %ge3A_268 = arith.constant 0 : i32
      %ge3A_269 = vector.broadcast %ge3A_268 : i32 to vector<16xi32>
      %ge3A_270 = arith.cmpi sge, %get3A_267, %ge3A_269 : vector<16xi32>
      %lt3A_271 = arith.constant 5120 : i32
      %lt3A_272 = vector.broadcast %lt3A_271 : i32 to vector<16xi32>
      %lt3A_273 = arith.cmpi slt, %get3A_267, %lt3A_272 : vector<16xi32>
      %and3A_274 = arith.andi %ge3A_270, %lt3A_273 : vector<16xi1>
      %jit3A_275 = arith.constant 5120 : i32
      %broadcast_in_dim3A_276 = vector.broadcast %jit3A_275 : i32 to vector<16xi32>
      %select_n3A_277 = arith.select %and3A_274, %get3A_267, %broadcast_in_dim3A_276 : vector<16xi1>, vector<16xi32>
      %swap3A_278 = arith.constant 1 : i32
      %swap3A_279 = arith.index_cast %swap3A_278 : i32 to index
      %swap3A_280 = arith.constant 0 : index
      %swap3A_281 = tpu.vector_load %arg9[%swap3A_279, %swap3A_280] {strides = array<i32>} : memref<2x128xi32, #tpu.memory_space<vmem>>, vector<1x16xi32>,
      %swap3A_282 = vector.shape_cast %swap3A_281 : vector<1x16xi32> to vector<16xi32>
      %swap3A_283 = vector.shape_cast %select_n3A_277 : vector<16xi32> to vector<1x16xi32>
      tpu.vector_store %arg9[%swap3A_279, %swap3A_280], %swap3A_283 {strides = array<i32>} : memref<2x128xi32, #tpu.memory_space<vmem>>, vector<1x16xi32>,
      %get3A_284 = arith.index_cast %add3A_257 : i32 to index
      %get3A_285 = arith.constant 16 : index
      %get3A_286 = tpu.vector_load %arg8[%get3A_284, %get3A_285] {strides = array<i32>} : memref<158x128xi32, #tpu.memory_space<vmem>>, vector<1x16xi32>,
      %get3A_287 = vector.shape_cast %get3A_286 : vector<1x16xi32> to vector<16xi32>
      %ge3A_288 = arith.constant 0 : i32
      %ge3A_289 = vector.broadcast %ge3A_288 : i32 to vector<16xi32>
      %ge3A_290 = arith.cmpi sge, %get3A_287, %ge3A_289 : vector<16xi32>
      %lt3A_291 = arith.constant 5120 : i32
      %lt3A_292 = vector.broadcast %lt3A_291 : i32 to vector<16xi32>
      %lt3A_293 = arith.cmpi slt, %get3A_287, %lt3A_292 : vector<16xi32>
      %and3A_294 = arith.andi %ge3A_290, %lt3A_293 : vector<16xi1>
      %jit3A_295 = arith.constant 5120 : i32
      %broadcast_in_dim3A_296 = vector.broadcast %jit3A_295 : i32 to vector<16xi32>
      %select_n3A_297 = arith.select %and3A_294, %get3A_287, %broadcast_in_dim3A_296 : vector<16xi1>, vector<16xi32>
      %swap3A_298 = arith.constant 1 : i32
      %swap3A_299 = arith.index_cast %swap3A_298 : i32 to index
      %swap3A_300 = arith.constant 16 : index
      %swap3A_301 = tpu.vector_load %arg9[%swap3A_299, %swap3A_300] {strides = array<i32>} : memref<2x128xi32, #tpu.memory_space<vmem>>, vector<1x16xi32>,
      %swap3A_302 = vector.shape_cast %swap3A_301 : vector<1x16xi32> to vector<16xi32>
      %swap3A_303 = vector.shape_cast %select_n3A_297 : vector<16xi32> to vector<1x16xi32>
      tpu.vector_store %arg9[%swap3A_299, %swap3A_300], %swap3A_303 {strides = array<i32>} : memref<2x128xi32, #tpu.memory_space<vmem>>, vector<1x16xi32>,
      %get3A_304 = arith.index_cast %add3A_257 : i32 to index
      %get3A_305 = arith.constant 32 : index
      %get3A_306 = tpu.vector_load %arg8[%get3A_304, %get3A_305] {strides = array<i32>} : memref<158x128xi32, #tpu.memory_space<vmem>>, vector<1x16xi32>,
      %get3A_307 = vector.shape_cast %get3A_306 : vector<1x16xi32> to vector<16xi32>
      %ge3A_308 = arith.constant 0 : i32
      %ge3A_309 = vector.broadcast %ge3A_308 : i32 to vector<16xi32>
      %ge3A_310 = arith.cmpi sge, %get3A_307, %ge3A_309 : vector<16xi32>
      %lt3A_311 = arith.constant 5120 : i32
      %lt3A_312 = vector.broadcast %lt3A_311 : i32 to vector<16xi32>
      %lt3A_313 = arith.cmpi slt, %get3A_307, %lt3A_312 : vector<16xi32>
      %and3A_314 = arith.andi %ge3A_310, %lt3A_313 : vector<16xi1>
      %jit3A_315 = arith.constant 5120 : i32
      %broadcast_in_dim3A_316 = vector.broadcast %jit3A_315 : i32 to vector<16xi32>
      %select_n3A_317 = arith.select %and3A_314, %get3A_307, %broadcast_in_dim3A_316 : vector<16xi1>, vector<16xi32>
      %swap3A_318 = arith.constant 1 : i32
      %swap3A_319 = arith.index_cast %swap3A_318 : i32 to index
      %swap3A_320 = arith.constant 32 : index
      %swap3A_321 = tpu.vector_load %arg9[%swap3A_319, %swap3A_320] {strides = array<i32>} : memref<2x128xi32, #tpu.memory_space<vmem>>, vector<1x16xi32>,
      %swap3A_322 = vector.shape_cast %swap3A_321 : vector<1x16xi32> to vector<16xi32>
      %swap3A_323 = vector.shape_cast %select_n3A_317 : vector<16xi32> to vector<1x16xi32>
      tpu.vector_store %arg9[%swap3A_319, %swap3A_320], %swap3A_323 {strides = array<i32>} : memref<2x128xi32, #tpu.memory_space<vmem>>, vector<1x16xi32>,
      %get3A_324 = arith.index_cast %add3A_257 : i32 to index
      %get3A_325 = arith.constant 48 : index
      %get3A_326 = tpu.vector_load %arg8[%get3A_324, %get3A_325] {strides = array<i32>} : memref<158x128xi32, #tpu.memory_space<vmem>>, vector<1x16xi32>,
      %get3A_327 = vector.shape_cast %get3A_326 : vector<1x16xi32> to vector<16xi32>
      %ge3A_328 = arith.constant 0 : i32
      %ge3A_329 = vector.broadcast %ge3A_328 : i32 to vector<16xi32>
      %ge3A_330 = arith.cmpi sge, %get3A_327, %ge3A_329 : vector<16xi32>
      %lt3A_331 = arith.constant 5120 : i32
      %lt3A_332 = vector.broadcast %lt3A_331 : i32 to vector<16xi32>
      %lt3A_333 = arith.cmpi slt, %get3A_327, %lt3A_332 : vector<16xi32>
      %and3A_334 = arith.andi %ge3A_330, %lt3A_333 : vector<16xi1>
      %jit3A_335 = arith.constant 5120 : i32
      %broadcast_in_dim3A_336 = vector.broadcast %jit3A_335 : i32 to vector<16xi32>
      %select_n3A_337 = arith.select %and3A_334, %get3A_327, %broadcast_in_dim3A_336 : vector<16xi1>, vector<16xi32>
      %swap3A_338 = arith.constant 1 : i32
      %swap3A_339 = arith.index_cast %swap3A_338 : i32 to index
      %swap3A_340 = arith.constant 48 : index
      %swap3A_341 = tpu.vector_load %arg9[%swap3A_339, %swap3A_340] {strides = array<i32>} : memref<2x128xi32, #tpu.memory_space<vmem>>, vector<1x16xi32>,
      %swap3A_342 = vector.shape_cast %swap3A_341 : vector<1x16xi32> to vector<16xi32>
      %swap3A_343 = vector.shape_cast %select_n3A_337 : vector<16xi32> to vector<1x16xi32>
      tpu.vector_store %arg9[%swap3A_339, %swap3A_340], %swap3A_343 {strides = array<i32>} : memref<2x128xi32, #tpu.memory_space<vmem>>, vector<1x16xi32>,
      %get3A_344 = arith.index_cast %add3A_257 : i32 to index
      %get3A_345 = arith.constant 64 : index
      %get3A_346 = tpu.vector_load %arg8[%get3A_344, %get3A_345] {strides = array<i32>} : memref<158x128xi32, #tpu.memory_space<vmem>>, vector<1x16xi32>,
      %get3A_347 = vector.shape_cast %get3A_346 : vector<1x16xi32> to vector<16xi32>
      %ge3A_348 = arith.constant 0 : i32
      %ge3A_349 = vector.broadcast %ge3A_348 : i32 to vector<16xi32>
      %ge3A_350 = arith.cmpi sge, %get3A_347, %ge3A_349 : vector<16xi32>
      %lt3A_351 = arith.constant 5120 : i32
      %lt3A_352 = vector.broadcast %lt3A_351 : i32 to vector<16xi32>
      %lt3A_353 = arith.cmpi slt, %get3A_347, %lt3A_352 : vector<16xi32>
      %and3A_354 = arith.andi %ge3A_350, %lt3A_353 : vector<16xi1>
      %jit3A_355 = arith.constant 5120 : i32
      %broadcast_in_dim3A_356 = vector.broadcast %jit3A_355 : i32 to vector<16xi32>
      %select_n3A_357 = arith.select %and3A_354, %get3A_347, %broadcast_in_dim3A_356 : vector<16xi1>, vector<16xi32>
      %swap3A_358 = arith.constant 1 : i32
      %swap3A_359 = arith.index_cast %swap3A_358 : i32 to index
      %swap3A_360 = arith.constant 64 : index
      %swap3A_361 = tpu.vector_load %arg9[%swap3A_359, %swap3A_360] {strides = array<i32>} : memref<2x128xi32, #tpu.memory_space<vmem>>, vector<1x16xi32>,
      %swap3A_362 = vector.shape_cast %swap3A_361 : vector<1x16xi32> to vector<16xi32>
      %swap3A_363 = vector.shape_cast %select_n3A_357 : vector<16xi32> to vector<1x16xi32>
      tpu.vector_store %arg9[%swap3A_359, %swap3A_360], %swap3A_363 {strides = array<i32>} : memref<2x128xi32, #tpu.memory_space<vmem>>, vector<1x16xi32>,
      %get3A_364 = arith.index_cast %add3A_257 : i32 to index
      %get3A_365 = arith.constant 80 : index
      %get3A_366 = tpu.vector_load %arg8[%get3A_364, %get3A_365] {strides = array<i32>} : memref<158x128xi32, #tpu.memory_space<vmem>>, vector<1x16xi32>,
      %get3A_367 = vector.shape_cast %get3A_366 : vector<1x16xi32> to vector<16xi32>
      %ge3A_368 = arith.constant 0 : i32
      %ge3A_369 = vector.broadcast %ge3A_368 : i32 to vector<16xi32>
      %ge3A_370 = arith.cmpi sge, %get3A_367, %ge3A_369 : vector<16xi32>
      %lt3A_371 = arith.constant 5120 : i32
      %lt3A_372 = vector.broadcast %lt3A_371 : i32 to vector<16xi32>
      %lt3A_373 = arith.cmpi slt, %get3A_367, %lt3A_372 : vector<16xi32>
      %and3A_374 = arith.andi %ge3A_370, %lt3A_373 : vector<16xi1>
      %jit3A_375 = arith.constant 5120 : i32
      %broadcast_in_dim3A_376 = vector.broadcast %jit3A_375 : i32 to vector<16xi32>
      %select_n3A_377 = arith.select %and3A_374, %get3A_367, %broadcast_in_dim3A_376 : vector<16xi1>, vector<16xi32>
      %swap3A_378 = arith.constant 1 : i32
      %swap3A_379 = arith.index_cast %swap3A_378 : i32 to index
      %swap3A_380 = arith.constant 80 : index
      %swap3A_381 = tpu.vector_load %arg9[%swap3A_379, %swap3A_380] {strides = array<i32>} : memref<2x128xi32, #tpu.memory_space<vmem>>, vector<1x16xi32>,
      %swap3A_382 = vector.shape_cast %swap3A_381 : vector<1x16xi32> to vector<16xi32>
      %swap3A_383 = vector.shape_cast %select_n3A_377 : vector<16xi32> to vector<1x16xi32>
      tpu.vector_store %arg9[%swap3A_379, %swap3A_380], %swap3A_383 {strides = array<i32>} : memref<2x128xi32, #tpu.memory_space<vmem>>, vector<1x16xi32>,
      %get3A_384 = arith.index_cast %add3A_257 : i32 to index
      %get3A_385 = arith.constant 96 : index
      %get3A_386 = tpu.vector_load %arg8[%get3A_384, %get3A_385] {strides = array<i32>} : memref<158x128xi32, #tpu.memory_space<vmem>>, vector<1x16xi32>,
      %get3A_387 = vector.shape_cast %get3A_386 : vector<1x16xi32> to vector<16xi32>
      %ge3A_388 = arith.constant 0 : i32
      %ge3A_389 = vector.broadcast %ge3A_388 : i32 to vector<16xi32>
      %ge3A_390 = arith.cmpi sge, %get3A_387, %ge3A_389 : vector<16xi32>
      %lt3A_391 = arith.constant 5120 : i32
      %lt3A_392 = vector.broadcast %lt3A_391 : i32 to vector<16xi32>
      %lt3A_393 = arith.cmpi slt, %get3A_387, %lt3A_392 : vector<16xi32>
      %and3A_394 = arith.andi %ge3A_390, %lt3A_393 : vector<16xi1>
      %jit3A_395 = arith.constant 5120 : i32
      %broadcast_in_dim3A_396 = vector.broadcast %jit3A_395 : i32 to vector<16xi32>
      %select_n3A_397 = arith.select %and3A_394, %get3A_387, %broadcast_in_dim3A_396 : vector<16xi1>, vector<16xi32>
      %swap3A_398 = arith.constant 1 : i32
      %swap3A_399 = arith.index_cast %swap3A_398 : i32 to index
      %swap3A_400 = arith.constant 96 : index
      %swap3A_401 = tpu.vector_load %arg9[%swap3A_399, %swap3A_400] {strides = array<i32>} : memref<2x128xi32, #tpu.memory_space<vmem>>, vector<1x16xi32>,
      %swap3A_402 = vector.shape_cast %swap3A_401 : vector<1x16xi32> to vector<16xi32>
      %swap3A_403 = vector.shape_cast %select_n3A_397 : vector<16xi32> to vector<1x16xi32>
      tpu.vector_store %arg9[%swap3A_399, %swap3A_400], %swap3A_403 {strides = array<i32>} : memref<2x128xi32, #tpu.memory_space<vmem>>, vector<1x16xi32>,
      %get3A_404 = arith.index_cast %add3A_257 : i32 to index
      %get3A_405 = arith.constant 112 : index
      %get3A_406 = tpu.vector_load %arg8[%get3A_404, %get3A_405] {strides = array<i32>} : memref<158x128xi32, #tpu.memory_space<vmem>>, vector<1x16xi32>,
      %get3A_407 = vector.shape_cast %get3A_406 : vector<1x16xi32> to vector<16xi32>
      %ge3A_408 = arith.constant 0 : i32
      %ge3A_409 = vector.broadcast %ge3A_408 : i32 to vector<16xi32>
      %ge3A_410 = arith.cmpi sge, %get3A_407, %ge3A_409 : vector<16xi32>
      %lt3A_411 = arith.constant 5120 : i32
      %lt3A_412 = vector.broadcast %lt3A_411 : i32 to vector<16xi32>
      %lt3A_413 = arith.cmpi slt, %get3A_407, %lt3A_412 : vector<16xi32>
      %and3A_414 = arith.andi %ge3A_410, %lt3A_413 : vector<16xi1>
      %jit3A_415 = arith.constant 5120 : i32
      %broadcast_in_dim3A_416 = vector.broadcast %jit3A_415 : i32 to vector<16xi32>
      %select_n3A_417 = arith.select %and3A_414, %get3A_407, %broadcast_in_dim3A_416 : vector<16xi1>, vector<16xi32>
      %swap3A_418 = arith.constant 1 : i32
      %swap3A_419 = arith.index_cast %swap3A_418 : i32 to index
      %swap3A_420 = arith.constant 112 : index
      %swap3A_421 = tpu.vector_load %arg9[%swap3A_419, %swap3A_420] {strides = array<i32>} : memref<2x128xi32, #tpu.memory_space<vmem>>, vector<1x16xi32>,
      %swap3A_422 = vector.shape_cast %swap3A_421 : vector<1x16xi32> to vector<16xi32>
      %swap3A_423 = vector.shape_cast %select_n3A_417 : vector<16xi32> to vector<1x16xi32>
      tpu.vector_store %arg9[%swap3A_419, %swap3A_420], %swap3A_423 {strides = array<i32>} : memref<2x128xi32, #tpu.memory_space<vmem>>, vector<1x16xi32>,
      %dma_start3A_424 = arith.constant 1 : i32
      %dma_start3A_425 = arith.constant 0 : i32
      %dma_start3A_426 = tpu.memref_slice %arg9[%dma_start3A_424, %dma_start3A_425] : memref<2x128xi32, #tpu.memory_space<vmem>> -> memref<1x128xi32, #tpu.memory_space<vmem>>
      %dma_start3A_427 = tpu.memref_squeeze %dma_start3A_426 : memref<1x128xi32, #tpu.memory_space<vmem>> -> memref<128xi32, #tpu.memory_space<vmem>>
      %dma_start3A_428 = arith.constant 0 : i32
      %dma_start3A_429 = arith.constant 0 : i32
      %dma_start3A_430 = tpu.memref_slice %arg13[%dma_start3A_428, %dma_start3A_429] : memref<5128x128xf32, #tpu.memory_space<vmem_shared>> -> memref<5128x128xf32, #tpu.memory_space<vmem_shared>>
      tpu.enqueue_indirect_dma source(%arg11 : memref<128x128xf32, #tpu.memory_space<vmem>>) target(%dma_start3A_430 : memref<5128x128xf32, #tpu.memory_space<vmem_shared>>) offsets(%dma_start3A_427 : memref<128xi32, #tpu.memory_space<vmem>>) semaphore(%arg17 : memref<!tpu.dma_semaphore, #tpu.memory_space<semaphore_mem>>) {add = true}
      %dma_wait3A_431 = arith.constant 0 : i32
      %dma_wait3A_432 = arith.constant 0 : i32
      %dma_wait3A_433 = tpu.memref_slice %arg9[%dma_wait3A_431, %dma_wait3A_432] : memref<2x128xi32, #tpu.memory_space<vmem>> -> memref<1x128xi32, #tpu.memory_space<vmem>>
      %dma_wait3A_434 = tpu.memref_squeeze %dma_wait3A_433 : memref<1x128xi32, #tpu.memory_space<vmem>> -> memref<128xi32, #tpu.memory_space<vmem>>
      %dma_wait3A_435 = arith.constant 0 : i32
      %dma_wait3A_436 = arith.constant 0 : i32
      %dma_wait3A_437 = tpu.memref_slice %arg13[%dma_wait3A_435, %dma_wait3A_436] : memref<5128x128xf32, #tpu.memory_space<vmem_shared>> -> memref<5128x128xf32, #tpu.memory_space<vmem_shared>>
      tpu.wait_indirect_dma semaphore(%arg16 : memref<!tpu.dma_semaphore, #tpu.memory_space<semaphore_mem>>) src(%arg10 : memref<128x128xf32, #tpu.memory_space<vmem>>) dst(%dma_wait3A_437 : memref<5128x128xf32, #tpu.memory_space<vmem_shared>>)
      %lt3A_438 = arith.constant 78 : i32
      %lt3A_439 = arith.cmpi slt, %scan3A_85, %lt3A_438 : i32
      %convert_element_type3A = arith.extui %lt3A_439 : i1 to i32
      %cond3A = arith.constant 0 : i32
      %cond3A_440 = arith.cmpi ne, %convert_element_type3A, %cond3A : i32
      scf.if %cond3A_440 {
        %add3A_453 = arith.constant 1 : i32
        %add3A_454 = arith.addi %scan3A_85, %add3A_453 : i32
        %mul3A_455 = arith.constant 2 : i32
        %mul3A_456 = arith.muli %add3A_454, %mul3A_455 : i32
        %add3A_457 = arith.constant 0 : i32
        %add3A_458 = arith.addi %mul3A_456, %add3A_457 : i32
        %dma_start3A_459 = arith.constant 0 : i32
        %dma_start3A_460 = tpu.memref_slice %arg7[%add3A_458, %dma_start3A_459] : memref<158x128xi32, #tpu.memory_space<vmem>> -> memref<1x128xi32, #tpu.memory_space<vmem>>
        %dma_start3A_461 = tpu.memref_squeeze %dma_start3A_460 : memref<1x128xi32, #tpu.memory_space<vmem>> -> memref<128xi32, #tpu.memory_space<vmem>>
        %dma_start3A_462 = arith.constant 0 : i32
        %dma_start3A_463 = arith.constant 0 : i32
        %dma_start3A_464 = tpu.memref_slice %arg2[%dma_start3A_462, %dma_start3A_463] : memref<10240x128xf32, #tpu.memory_space<hbm>> -> memref<10240x128xf32, #tpu.memory_space<hbm>>
        tpu.enqueue_indirect_dma source(%dma_start3A_464 : memref<10240x128xf32, #tpu.memory_space<hbm>>) target(%arg10 : memref<128x128xf32, #tpu.memory_space<vmem>>) offsets(%dma_start3A_461 : memref<128xi32, #tpu.memory_space<vmem>>) semaphore(%arg14 : memref<!tpu.dma_semaphore, #tpu.memory_space<semaphore_mem>>)
      } else {
      }
      %dma_wait3A_441 = arith.constant 1 : i32
      %dma_wait3A_442 = arith.constant 0 : i32
      %dma_wait3A_443 = tpu.memref_slice %arg9[%dma_wait3A_441, %dma_wait3A_442] : memref<2x128xi32, #tpu.memory_space<vmem>> -> memref<1x128xi32, #tpu.memory_space<vmem>>
      %dma_wait3A_444 = tpu.memref_squeeze %dma_wait3A_443 : memref<1x128xi32, #tpu.memory_space<vmem>> -> memref<128xi32, #tpu.memory_space<vmem>>
      %dma_wait3A_445 = arith.constant 0 : i32
      %dma_wait3A_446 = arith.constant 0 : i32
      %dma_wait3A_447 = tpu.memref_slice %arg13[%dma_wait3A_445, %dma_wait3A_446] : memref<5128x128xf32, #tpu.memory_space<vmem_shared>> -> memref<5128x128xf32, #tpu.memory_space<vmem_shared>>
      tpu.wait_indirect_dma semaphore(%arg17 : memref<!tpu.dma_semaphore, #tpu.memory_space<semaphore_mem>>) src(%arg11 : memref<128x128xf32, #tpu.memory_space<vmem>>) dst(%dma_wait3A_447 : memref<5128x128xf32, #tpu.memory_space<vmem_shared>>)
      %lt3A_448 = arith.constant 78 : i32
      %lt3A_449 = arith.cmpi slt, %scan3A_85, %lt3A_448 : i32
      %convert_element_type3A_450 = arith.extui %lt3A_449 : i1 to i32
      %cond3A_451 = arith.constant 0 : i32
      %cond3A_452 = arith.cmpi ne, %convert_element_type3A_450, %cond3A_451 : i32
      scf.if %cond3A_452 {
        %add3A_453 = arith.constant 1 : i32
        %add3A_454 = arith.addi %scan3A_85, %add3A_453 : i32
        %mul3A_455 = arith.constant 2 : i32
        %mul3A_456 = arith.muli %add3A_454, %mul3A_455 : i32
        %add3A_457 = arith.constant 1 : i32
        %add3A_458 = arith.addi %mul3A_456, %add3A_457 : i32
        %dma_start3A_459 = arith.constant 0 : i32
        %dma_start3A_460 = tpu.memref_slice %arg7[%add3A_458, %dma_start3A_459] : memref<158x128xi32, #tpu.memory_space<vmem>> -> memref<1x128xi32, #tpu.memory_space<vmem>>
        %dma_start3A_461 = tpu.memref_squeeze %dma_start3A_460 : memref<1x128xi32, #tpu.memory_space<vmem>> -> memref<128xi32, #tpu.memory_space<vmem>>
        %dma_start3A_462 = arith.constant 0 : i32
        %dma_start3A_463 = arith.constant 0 : i32
        %dma_start3A_464 = tpu.memref_slice %arg2[%dma_start3A_462, %dma_start3A_463] : memref<10240x128xf32, #tpu.memory_space<hbm>> -> memref<10240x128xf32, #tpu.memory_space<hbm>>
        tpu.enqueue_indirect_dma source(%dma_start3A_464 : memref<10240x128xf32, #tpu.memory_space<hbm>>) target(%arg11 : memref<128x128xf32, #tpu.memory_space<vmem>>) offsets(%dma_start3A_461 : memref<128xi32, #tpu.memory_space<vmem>>) semaphore(%arg15 : memref<!tpu.dma_semaphore, #tpu.memory_space<semaphore_mem>>)
      } else {
      }
    }
    %scan3A_43 = arith.constant 79 : i32
    %barrier3A_44 = arith.constant 0 : index
    tpu.barrier barrier_id(%barrier3A_44)
    %mul3A_45 = arith.constant 320 : i32
    %mul3A_46 = arith.muli %arg1, %mul3A_45 : i32
    %add3A_47 = arith.constant 0 : i32
    %add3A_48 = arith.addi %mul3A_46, %add3A_47 : i32
    "tpu.region"() ({
      %run_scoped3A = tpu.sem_alloc : memref<!tpu.dma_semaphore, #tpu.memory_space<semaphore_mem>>
      %dma_start3A_85 = arith.constant 0 : i32
      %dma_start3A_86 = tpu.memref_slice %arg13[%add3A_48, %dma_start3A_85] : memref<5128x128xf32, #tpu.memory_space<vmem_shared>> -> memref<64x128xf32, #tpu.memory_space<vmem_shared>>
      %dma_start3A_87 = arith.constant 0 : i32
      %dma_start3A_88 = tpu.memref_slice %arg13[%add3A_48, %dma_start3A_87] : memref<5128x128xf32, #tpu.memory_space<vmem_shared>> -> memref<64x128xf32, #tpu.memory_space<vmem_shared>>
      tpu.enqueue_dma source(%dma_start3A_88 : memref<64x128xf32, #tpu.memory_space<vmem_shared>>) target(%arg12 : memref<64x128xf32, #tpu.memory_space<vmem>>) target_semaphore(%run_scoped3A : memref<!tpu.dma_semaphore, #tpu.memory_space<semaphore_mem>>)
      %dma_wait3A = arith.constant 0 : i32
      %dma_wait3A_89 = tpu.memref_slice %arg13[%add3A_48, %dma_wait3A] : memref<5128x128xf32, #tpu.memory_space<vmem_shared>> -> memref<64x128xf32, #tpu.memory_space<vmem_shared>>
      %dma_wait3A_90 = arith.constant 0 : i32
      %dma_wait3A_91 = tpu.memref_slice %arg13[%add3A_48, %dma_wait3A_90] : memref<5128x128xf32, #tpu.memory_space<vmem_shared>> -> memref<64x128xf32, #tpu.memory_space<vmem_shared>>
      tpu.wait_dma2 semaphore(%run_scoped3A : memref<!tpu.dma_semaphore, #tpu.memory_space<semaphore_mem>>) src(%dma_wait3A_91 : memref<64x128xf32, #tpu.memory_space<vmem_shared>>) dst(%arg12 : memref<64x128xf32, #tpu.memory_space<vmem>>)
      tpu.yield
    }) : () -> ()
    %mul3A_49 = arith.constant 320 : i32
    %mul3A_50 = arith.muli %arg1, %mul3A_49 : i32
    %add3A_51 = arith.constant 0 : i32
    %add3A_52 = arith.addi %mul3A_50, %add3A_51 : i32
    "tpu.region"() ({
      %run_scoped3A = tpu.sem_alloc : memref<!tpu.dma_semaphore, #tpu.memory_space<semaphore_mem>>
      %dma_start3A_85 = arith.constant 0 : i32
      %dma_start3A_86 = tpu.memref_slice %arg6[%arg0, %add3A_52, %dma_start3A_85] : memref<2x5120x128xf32, #tpu.memory_space<hbm>> -> memref<1x64x128xf32, #tpu.memory_space<hbm>>
      %dma_start3A_87 = tpu.memref_squeeze %dma_start3A_86 : memref<1x64x128xf32, #tpu.memory_space<hbm>> -> memref<64x128xf32, #tpu.memory_space<hbm>>
      %dma_start3A_88 = arith.constant 0 : i32
      %dma_start3A_89 = tpu.memref_slice %arg6[%arg0, %add3A_52, %dma_start3A_88] : memref<2x5120x128xf32, #tpu.memory_space<hbm>> -> memref<1x64x128xf32, #tpu.memory_space<hbm>>
      %dma_start3A_90 = tpu.memref_squeeze %dma_start3A_89 : memref<1x64x128xf32, #tpu.memory_space<hbm>> -> memref<64x128xf32, #tpu.memory_space<hbm>>
      tpu.enqueue_dma source(%arg12 : memref<64x128xf32, #tpu.memory_space<vmem>>) target(%dma_start3A_90 : memref<64x128xf32, #tpu.memory_space<hbm>>) target_semaphore(%run_scoped3A : memref<!tpu.dma_semaphore, #tpu.memory_space<semaphore_mem>>)
      %dma_wait3A = arith.constant 0 : i32
      %dma_wait3A_91 = tpu.memref_slice %arg6[%arg0, %add3A_52, %dma_wait3A] : memref<2x5120x128xf32, #tpu.memory_space<hbm>> -> memref<1x64x128xf32, #tpu.memory_space<hbm>>
      %dma_wait3A_92 = tpu.memref_squeeze %dma_wait3A_91 : memref<1x64x128xf32, #tpu.memory_space<hbm>> -> memref<64x128xf32, #tpu.memory_space<hbm>>
      %dma_wait3A_93 = arith.constant 0 : i32
      %dma_wait3A_94 = tpu.memref_slice %arg6[%arg0, %add3A_52, %dma_wait3A_93] : memref<2x5120x128xf32, #tpu.memory_space<hbm>> -> memref<1x64x128xf32, #tpu.memory_space<hbm>>
      %dma_wait3A_95 = tpu.memref_squeeze %dma_wait3A_94 : memref<1x64x128xf32, #tpu.memory_space<hbm>> -> memref<64x128xf32, #tpu.memory_space<hbm>>
      tpu.wait_dma2 semaphore(%run_scoped3A : memref<!tpu.dma_semaphore, #tpu.memory_space<semaphore_mem>>) src(%arg12 : memref<64x128xf32, #tpu.memory_space<vmem>>) dst(%dma_wait3A_95 : memref<64x128xf32, #tpu.memory_space<hbm>>)
      tpu.yield
    }) : () -> ()
    %mul3A_53 = arith.constant 320 : i32
    %mul3A_54 = arith.muli %arg1, %mul3A_53 : i32
    %add3A_55 = arith.constant 64 : i32
    %add3A_56 = arith.addi %mul3A_54, %add3A_55 : i32
    "tpu.region"() ({
      %run_scoped3A = tpu.sem_alloc : memref<!tpu.dma_semaphore, #tpu.memory_space<semaphore_mem>>
      %dma_start3A_85 = arith.constant 0 : i32
      %dma_start3A_86 = tpu.memref_slice %arg13[%add3A_56, %dma_start3A_85] : memref<5128x128xf32, #tpu.memory_space<vmem_shared>> -> memref<64x128xf32, #tpu.memory_space<vmem_shared>>
      %dma_start3A_87 = arith.constant 0 : i32
      %dma_start3A_88 = tpu.memref_slice %arg13[%add3A_56, %dma_start3A_87] : memref<5128x128xf32, #tpu.memory_space<vmem_shared>> -> memref<64x128xf32, #tpu.memory_space<vmem_shared>>
      tpu.enqueue_dma source(%dma_start3A_88 : memref<64x128xf32, #tpu.memory_space<vmem_shared>>) target(%arg12 : memref<64x128xf32, #tpu.memory_space<vmem>>) target_semaphore(%run_scoped3A : memref<!tpu.dma_semaphore, #tpu.memory_space<semaphore_mem>>)
      %dma_wait3A = arith.constant 0 : i32
      %dma_wait3A_89 = tpu.memref_slice %arg13[%add3A_56, %dma_wait3A] : memref<5128x128xf32, #tpu.memory_space<vmem_shared>> -> memref<64x128xf32, #tpu.memory_space<vmem_shared>>
      %dma_wait3A_90 = arith.constant 0 : i32
      %dma_wait3A_91 = tpu.memref_slice %arg13[%add3A_56, %dma_wait3A_90] : memref<5128x128xf32, #tpu.memory_space<vmem_shared>> -> memref<64x128xf32, #tpu.memory_space<vmem_shared>>
      tpu.wait_dma2 semaphore(%run_scoped3A : memref<!tpu.dma_semaphore, #tpu.memory_space<semaphore_mem>>) src(%dma_wait3A_91 : memref<64x128xf32, #tpu.memory_space<vmem_shared>>) dst(%arg12 : memref<64x128xf32, #tpu.memory_space<vmem>>)
      tpu.yield
    }) : () -> ()
    %mul3A_57 = arith.constant 320 : i32
    %mul3A_58 = arith.muli %arg1, %mul3A_57 : i32
    %add3A_59 = arith.constant 64 : i32
    %add3A_60 = arith.addi %mul3A_58, %add3A_59 : i32
    "tpu.region"() ({
      %run_scoped3A = tpu.sem_alloc : memref<!tpu.dma_semaphore, #tpu.memory_space<semaphore_mem>>
      %dma_start3A_85 = arith.constant 0 : i32
      %dma_start3A_86 = tpu.memref_slice %arg6[%arg0, %add3A_60, %dma_start3A_85] : memref<2x5120x128xf32, #tpu.memory_space<hbm>> -> memref<1x64x128xf32, #tpu.memory_space<hbm>>
      %dma_start3A_87 = tpu.memref_squeeze %dma_start3A_86 : memref<1x64x128xf32, #tpu.memory_space<hbm>> -> memref<64x128xf32, #tpu.memory_space<hbm>>
      %dma_start3A_88 = arith.constant 0 : i32
      %dma_start3A_89 = tpu.memref_slice %arg6[%arg0, %add3A_60, %dma_start3A_88] : memref<2x5120x128xf32, #tpu.memory_space<hbm>> -> memref<1x64x128xf32, #tpu.memory_space<hbm>>
      %dma_start3A_90 = tpu.memref_squeeze %dma_start3A_89 : memref<1x64x128xf32, #tpu.memory_space<hbm>> -> memref<64x128xf32, #tpu.memory_space<hbm>>
      tpu.enqueue_dma source(%arg12 : memref<64x128xf32, #tpu.memory_space<vmem>>) target(%dma_start3A_90 : memref<64x128xf32, #tpu.memory_space<hbm>>) target_semaphore(%run_scoped3A : memref<!tpu.dma_semaphore, #tpu.memory_space<semaphore_mem>>)
      %dma_wait3A = arith.constant 0 : i32
      %dma_wait3A_91 = tpu.memref_slice %arg6[%arg0, %add3A_60, %dma_wait3A] : memref<2x5120x128xf32, #tpu.memory_space<hbm>> -> memref<1x64x128xf32, #tpu.memory_space<hbm>>
      %dma_wait3A_92 = tpu.memref_squeeze %dma_wait3A_91 : memref<1x64x128xf32, #tpu.memory_space<hbm>> -> memref<64x128xf32, #tpu.memory_space<hbm>>
      %dma_wait3A_93 = arith.constant 0 : i32
      %dma_wait3A_94 = tpu.memref_slice %arg6[%arg0, %add3A_60, %dma_wait3A_93] : memref<2x5120x128xf32, #tpu.memory_space<hbm>> -> memref<1x64x128xf32, #tpu.memory_space<hbm>>
      %dma_wait3A_95 = tpu.memref_squeeze %dma_wait3A_94 : memref<1x64x128xf32, #tpu.memory_space<hbm>> -> memref<64x128xf32, #tpu.memory_space<hbm>>
      tpu.wait_dma2 semaphore(%run_scoped3A : memref<!tpu.dma_semaphore, #tpu.memory_space<semaphore_mem>>) src(%arg12 : memref<64x128xf32, #tpu.memory_space<vmem>>) dst(%dma_wait3A_95 : memref<64x128xf32, #tpu.memory_space<hbm>>)
      tpu.yield
    }) : () -> ()
    %mul3A_61 = arith.constant 320 : i32
    %mul3A_62 = arith.muli %arg1, %mul3A_61 : i32
    %add3A_63 = arith.constant 128 : i32
    %add3A_64 = arith.addi %mul3A_62, %add3A_63 : i32
    "tpu.region"() ({
      %run_scoped3A = tpu.sem_alloc : memref<!tpu.dma_semaphore, #tpu.memory_space<semaphore_mem>>
      %dma_start3A_85 = arith.constant 0 : i32
      %dma_start3A_86 = tpu.memref_slice %arg13[%add3A_64, %dma_start3A_85] : memref<5128x128xf32, #tpu.memory_space<vmem_shared>> -> memref<64x128xf32, #tpu.memory_space<vmem_shared>>
      %dma_start3A_87 = arith.constant 0 : i32
      %dma_start3A_88 = tpu.memref_slice %arg13[%add3A_64, %dma_start3A_87] : memref<5128x128xf32, #tpu.memory_space<vmem_shared>> -> memref<64x128xf32, #tpu.memory_space<vmem_shared>>
      tpu.enqueue_dma source(%dma_start3A_88 : memref<64x128xf32, #tpu.memory_space<vmem_shared>>) target(%arg12 : memref<64x128xf32, #tpu.memory_space<vmem>>) target_semaphore(%run_scoped3A : memref<!tpu.dma_semaphore, #tpu.memory_space<semaphore_mem>>)
      %dma_wait3A = arith.constant 0 : i32
      %dma_wait3A_89 = tpu.memref_slice %arg13[%add3A_64, %dma_wait3A] : memref<5128x128xf32, #tpu.memory_space<vmem_shared>> -> memref<64x128xf32, #tpu.memory_space<vmem_shared>>
      %dma_wait3A_90 = arith.constant 0 : i32
      %dma_wait3A_91 = tpu.memref_slice %arg13[%add3A_64, %dma_wait3A_90] : memref<5128x128xf32, #tpu.memory_space<vmem_shared>> -> memref<64x128xf32, #tpu.memory_space<vmem_shared>>
      tpu.wait_dma2 semaphore(%run_scoped3A : memref<!tpu.dma_semaphore, #tpu.memory_space<semaphore_mem>>) src(%dma_wait3A_91 : memref<64x128xf32, #tpu.memory_space<vmem_shared>>) dst(%arg12 : memref<64x128xf32, #tpu.memory_space<vmem>>)
      tpu.yield
    }) : () -> ()
    %mul3A_65 = arith.constant 320 : i32
    %mul3A_66 = arith.muli %arg1, %mul3A_65 : i32
    %add3A_67 = arith.constant 128 : i32
    %add3A_68 = arith.addi %mul3A_66, %add3A_67 : i32
    "tpu.region"() ({
      %run_scoped3A = tpu.sem_alloc : memref<!tpu.dma_semaphore, #tpu.memory_space<semaphore_mem>>
      %dma_start3A_85 = arith.constant 0 : i32
      %dma_start3A_86 = tpu.memref_slice %arg6[%arg0, %add3A_68, %dma_start3A_85] : memref<2x5120x128xf32, #tpu.memory_space<hbm>> -> memref<1x64x128xf32, #tpu.memory_space<hbm>>
      %dma_start3A_87 = tpu.memref_squeeze %dma_start3A_86 : memref<1x64x128xf32, #tpu.memory_space<hbm>> -> memref<64x128xf32, #tpu.memory_space<hbm>>
      %dma_start3A_88 = arith.constant 0 : i32
      %dma_start3A_89 = tpu.memref_slice %arg6[%arg0, %add3A_68, %dma_start3A_88] : memref<2x5120x128xf32, #tpu.memory_space<hbm>> -> memref<1x64x128xf32, #tpu.memory_space<hbm>>
      %dma_start3A_90 = tpu.memref_squeeze %dma_start3A_89 : memref<1x64x128xf32, #tpu.memory_space<hbm>> -> memref<64x128xf32, #tpu.memory_space<hbm>>
      tpu.enqueue_dma source(%arg12 : memref<64x128xf32, #tpu.memory_space<vmem>>) target(%dma_start3A_90 : memref<64x128xf32, #tpu.memory_space<hbm>>) target_semaphore(%run_scoped3A : memref<!tpu.dma_semaphore, #tpu.memory_space<semaphore_mem>>)
      %dma_wait3A = arith.constant 0 : i32
      %dma_wait3A_91 = tpu.memref_slice %arg6[%arg0, %add3A_68, %dma_wait3A] : memref<2x5120x128xf32, #tpu.memory_space<hbm>> -> memref<1x64x128xf32, #tpu.memory_space<hbm>>
      %dma_wait3A_92 = tpu.memref_squeeze %dma_wait3A_91 : memref<1x64x128xf32, #tpu.memory_space<hbm>> -> memref<64x128xf32, #tpu.memory_space<hbm>>
      %dma_wait3A_93 = arith.constant 0 : i32
      %dma_wait3A_94 = tpu.memref_slice %arg6[%arg0, %add3A_68, %dma_wait3A_93] : memref<2x5120x128xf32, #tpu.memory_space<hbm>> -> memref<1x64x128xf32, #tpu.memory_space<hbm>>
      %dma_wait3A_95 = tpu.memref_squeeze %dma_wait3A_94 : memref<1x64x128xf32, #tpu.memory_space<hbm>> -> memref<64x128xf32, #tpu.memory_space<hbm>>
      tpu.wait_dma2 semaphore(%run_scoped3A : memref<!tpu.dma_semaphore, #tpu.memory_space<semaphore_mem>>) src(%arg12 : memref<64x128xf32, #tpu.memory_space<vmem>>) dst(%dma_wait3A_95 : memref<64x128xf32, #tpu.memory_space<hbm>>)
      tpu.yield
    }) : () -> ()
    %mul3A_69 = arith.constant 320 : i32
    %mul3A_70 = arith.muli %arg1, %mul3A_69 : i32
    %add3A_71 = arith.constant 192 : i32
    %add3A_72 = arith.addi %mul3A_70, %add3A_71 : i32
    "tpu.region"() ({
      %run_scoped3A = tpu.sem_alloc : memref<!tpu.dma_semaphore, #tpu.memory_space<semaphore_mem>>
      %dma_start3A_85 = arith.constant 0 : i32
      %dma_start3A_86 = tpu.memref_slice %arg13[%add3A_72, %dma_start3A_85] : memref<5128x128xf32, #tpu.memory_space<vmem_shared>> -> memref<64x128xf32, #tpu.memory_space<vmem_shared>>
      %dma_start3A_87 = arith.constant 0 : i32
      %dma_start3A_88 = tpu.memref_slice %arg13[%add3A_72, %dma_start3A_87] : memref<5128x128xf32, #tpu.memory_space<vmem_shared>> -> memref<64x128xf32, #tpu.memory_space<vmem_shared>>
      tpu.enqueue_dma source(%dma_start3A_88 : memref<64x128xf32, #tpu.memory_space<vmem_shared>>) target(%arg12 : memref<64x128xf32, #tpu.memory_space<vmem>>) target_semaphore(%run_scoped3A : memref<!tpu.dma_semaphore, #tpu.memory_space<semaphore_mem>>)
      %dma_wait3A = arith.constant 0 : i32
      %dma_wait3A_89 = tpu.memref_slice %arg13[%add3A_72, %dma_wait3A] : memref<5128x128xf32, #tpu.memory_space<vmem_shared>> -> memref<64x128xf32, #tpu.memory_space<vmem_shared>>
      %dma_wait3A_90 = arith.constant 0 : i32
      %dma_wait3A_91 = tpu.memref_slice %arg13[%add3A_72, %dma_wait3A_90] : memref<5128x128xf32, #tpu.memory_space<vmem_shared>> -> memref<64x128xf32, #tpu.memory_space<vmem_shared>>
      tpu.wait_dma2 semaphore(%run_scoped3A : memref<!tpu.dma_semaphore, #tpu.memory_space<semaphore_mem>>) src(%dma_wait3A_91 : memref<64x128xf32, #tpu.memory_space<vmem_shared>>) dst(%arg12 : memref<64x128xf32, #tpu.memory_space<vmem>>)
      tpu.yield
    }) : () -> ()
    %mul3A_73 = arith.constant 320 : i32
    %mul3A_74 = arith.muli %arg1, %mul3A_73 : i32
    %add3A_75 = arith.constant 192 : i32
    %add3A_76 = arith.addi %mul3A_74, %add3A_75 : i32
    "tpu.region"() ({
      %run_scoped3A = tpu.sem_alloc : memref<!tpu.dma_semaphore, #tpu.memory_space<semaphore_mem>>
      %dma_start3A_85 = arith.constant 0 : i32
      %dma_start3A_86 = tpu.memref_slice %arg6[%arg0, %add3A_76, %dma_start3A_85] : memref<2x5120x128xf32, #tpu.memory_space<hbm>> -> memref<1x64x128xf32, #tpu.memory_space<hbm>>
      %dma_start3A_87 = tpu.memref_squeeze %dma_start3A_86 : memref<1x64x128xf32, #tpu.memory_space<hbm>> -> memref<64x128xf32, #tpu.memory_space<hbm>>
      %dma_start3A_88 = arith.constant 0 : i32
      %dma_start3A_89 = tpu.memref_slice %arg6[%arg0, %add3A_76, %dma_start3A_88] : memref<2x5120x128xf32, #tpu.memory_space<hbm>> -> memref<1x64x128xf32, #tpu.memory_space<hbm>>
      %dma_start3A_90 = tpu.memref_squeeze %dma_start3A_89 : memref<1x64x128xf32, #tpu.memory_space<hbm>> -> memref<64x128xf32, #tpu.memory_space<hbm>>
      tpu.enqueue_dma source(%arg12 : memref<64x128xf32, #tpu.memory_space<vmem>>) target(%dma_start3A_90 : memref<64x128xf32, #tpu.memory_space<hbm>>) target_semaphore(%run_scoped3A : memref<!tpu.dma_semaphore, #tpu.memory_space<semaphore_mem>>)
      %dma_wait3A = arith.constant 0 : i32
      %dma_wait3A_91 = tpu.memref_slice %arg6[%arg0, %add3A_76, %dma_wait3A] : memref<2x5120x128xf32, #tpu.memory_space<hbm>> -> memref<1x64x128xf32, #tpu.memory_space<hbm>>
      %dma_wait3A_92 = tpu.memref_squeeze %dma_wait3A_91 : memref<1x64x128xf32, #tpu.memory_space<hbm>> -> memref<64x128xf32, #tpu.memory_space<hbm>>
      %dma_wait3A_93 = arith.constant 0 : i32
      %dma_wait3A_94 = tpu.memref_slice %arg6[%arg0, %add3A_76, %dma_wait3A_93] : memref<2x5120x128xf32, #tpu.memory_space<hbm>> -> memref<1x64x128xf32, #tpu.memory_space<hbm>>
      %dma_wait3A_95 = tpu.memref_squeeze %dma_wait3A_94 : memref<1x64x128xf32, #tpu.memory_space<hbm>> -> memref<64x128xf32, #tpu.memory_space<hbm>>
      tpu.wait_dma2 semaphore(%run_scoped3A : memref<!tpu.dma_semaphore, #tpu.memory_space<semaphore_mem>>) src(%arg12 : memref<64x128xf32, #tpu.memory_space<vmem>>) dst(%dma_wait3A_95 : memref<64x128xf32, #tpu.memory_space<hbm>>)
      tpu.yield
    }) : () -> ()
    %mul3A_77 = arith.constant 320 : i32
    %mul3A_78 = arith.muli %arg1, %mul3A_77 : i32
    %add3A_79 = arith.constant 256 : i32
    %add3A_80 = arith.addi %mul3A_78, %add3A_79 : i32
    "tpu.region"() ({
      %run_scoped3A = tpu.sem_alloc : memref<!tpu.dma_semaphore, #tpu.memory_space<semaphore_mem>>
      %dma_start3A_85 = arith.constant 0 : i32
      %dma_start3A_86 = tpu.memref_slice %arg13[%add3A_80, %dma_start3A_85] : memref<5128x128xf32, #tpu.memory_space<vmem_shared>> -> memref<64x128xf32, #tpu.memory_space<vmem_shared>>
      %dma_start3A_87 = arith.constant 0 : i32
      %dma_start3A_88 = tpu.memref_slice %arg13[%add3A_80, %dma_start3A_87] : memref<5128x128xf32, #tpu.memory_space<vmem_shared>> -> memref<64x128xf32, #tpu.memory_space<vmem_shared>>
      tpu.enqueue_dma source(%dma_start3A_88 : memref<64x128xf32, #tpu.memory_space<vmem_shared>>) target(%arg12 : memref<64x128xf32, #tpu.memory_space<vmem>>) target_semaphore(%run_scoped3A : memref<!tpu.dma_semaphore, #tpu.memory_space<semaphore_mem>>)
      %dma_wait3A = arith.constant 0 : i32
      %dma_wait3A_89 = tpu.memref_slice %arg13[%add3A_80, %dma_wait3A] : memref<5128x128xf32, #tpu.memory_space<vmem_shared>> -> memref<64x128xf32, #tpu.memory_space<vmem_shared>>
      %dma_wait3A_90 = arith.constant 0 : i32
      %dma_wait3A_91 = tpu.memref_slice %arg13[%add3A_80, %dma_wait3A_90] : memref<5128x128xf32, #tpu.memory_space<vmem_shared>> -> memref<64x128xf32, #tpu.memory_space<vmem_shared>>
      tpu.wait_dma2 semaphore(%run_scoped3A : memref<!tpu.dma_semaphore, #tpu.memory_space<semaphore_mem>>) src(%dma_wait3A_91 : memref<64x128xf32, #tpu.memory_space<vmem_shared>>) dst(%arg12 : memref<64x128xf32, #tpu.memory_space<vmem>>)
      tpu.yield
    }) : () -> ()
    %mul3A_81 = arith.constant 320 : i32
    %mul3A_82 = arith.muli %arg1, %mul3A_81 : i32
    %add3A_83 = arith.constant 256 : i32
    %add3A_84 = arith.addi %mul3A_82, %add3A_83 : i32
    "tpu.region"() ({
      %run_scoped3A = tpu.sem_alloc : memref<!tpu.dma_semaphore, #tpu.memory_space<semaphore_mem>>
      %dma_start3A_85 = arith.constant 0 : i32
      %dma_start3A_86 = tpu.memref_slice %arg6[%arg0, %add3A_84, %dma_start3A_85] : memref<2x5120x128xf32, #tpu.memory_space<hbm>> -> memref<1x64x128xf32, #tpu.memory_space<hbm>>
      %dma_start3A_87 = tpu.memref_squeeze %dma_start3A_86 : memref<1x64x128xf32, #tpu.memory_space<hbm>> -> memref<64x128xf32, #tpu.memory_space<hbm>>
      %dma_start3A_88 = arith.constant 0 : i32
      %dma_start3A_89 = tpu.memref_slice %arg6[%arg0, %add3A_84, %dma_start3A_88] : memref<2x5120x128xf32, #tpu.memory_space<hbm>> -> memref<1x64x128xf32, #tpu.memory_space<hbm>>
      %dma_start3A_90 = tpu.memref_squeeze %dma_start3A_89 : memref<1x64x128xf32, #tpu.memory_space<hbm>> -> memref<64x128xf32, #tpu.memory_space<hbm>>
      tpu.enqueue_dma source(%arg12 : memref<64x128xf32, #tpu.memory_space<vmem>>) target(%dma_start3A_90 : memref<64x128xf32, #tpu.memory_space<hbm>>) target_semaphore(%run_scoped3A : memref<!tpu.dma_semaphore, #tpu.memory_space<semaphore_mem>>)
      %dma_wait3A = arith.constant 0 : i32
      %dma_wait3A_91 = tpu.memref_slice %arg6[%arg0, %add3A_84, %dma_wait3A] : memref<2x5120x128xf32, #tpu.memory_space<hbm>> -> memref<1x64x128xf32, #tpu.memory_space<hbm>>
      %dma_wait3A_92 = tpu.memref_squeeze %dma_wait3A_91 : memref<1x64x128xf32, #tpu.memory_space<hbm>> -> memref<64x128xf32, #tpu.memory_space<hbm>>
      %dma_wait3A_93 = arith.constant 0 : i32
      %dma_wait3A_94 = tpu.memref_slice %arg6[%arg0, %add3A_84, %dma_wait3A_93] : memref<2x5120x128xf32, #tpu.memory_space<hbm>> -> memref<1x64x128xf32, #tpu.memory_space<hbm>>
      %dma_wait3A_95 = tpu.memref_squeeze %dma_wait3A_94 : memref<1x64x128xf32, #tpu.memory_space<hbm>> -> memref<64x128xf32, #tpu.memory_space<hbm>>
      tpu.wait_dma2 semaphore(%run_scoped3A : memref<!tpu.dma_semaphore, #tpu.memory_space<semaphore_mem>>) src(%arg12 : memref<64x128xf32, #tpu.memory_space<vmem>>) dst(%dma_wait3A_95 : memref<64x128xf32, #tpu.memory_space<hbm>>)
      tpu.yield
    }) : () -> ()
    return
  }
}

#map = affine_map<(d0, d1) -> (0, 0)>
#map1 = affine_map<(d0, d1) -> (0, 0, 0)>
module attributes {stable_mosaic.version = 14 : i64} {
  func.func @k(%arg0: i32, %arg1: i32, %arg2: memref<10240x128xf32, #tpu.memory_space<hbm>>, %arg3: memref<16x158x128xi32, #tpu.memory_space<hbm>>, %arg4: memref<16x158x128xi32, #tpu.memory_space<hbm>>, %arg5: memref<64x128xf32, #tpu.memory_space<hbm>>, %arg6: memref<2x5120x128xf32, #tpu.memory_space<hbm>>, %arg7: memref<158x128xi32, #tpu.memory_space<vmem>>, %arg8: memref<158x128xi32, #tpu.memory_space<vmem>>, %arg9: memref<2x128xi32, #tpu.memory_space<vmem>>, %arg10: memref<128x128xf32, #tpu.memory_space<vmem>>, %arg11: memref<128x128xf32, #tpu.memory_space<vmem>>, %arg12: memref<64x128xf32, #tpu.memory_space<vmem>>, %arg13: memref<5128x128xf32, #tpu.memory_space<vmem_shared>>, %arg14: memref<!tpu.dma_semaphore, #tpu.memory_space<semaphore_mem>>, %arg15: memref<!tpu.dma_semaphore, #tpu.memory_space<semaphore_mem>>, %arg16: memref<!tpu.dma_semaphore, #tpu.memory_space<semaphore_mem>>, %arg17: memref<!tpu.dma_semaphore, #tpu.memory_space<semaphore_mem>>) attributes {dimension_semantics = [#tpu.dimension_semantics<core_parallel>, #tpu.dimension_semantics<subcore_parallel>], iteration_bounds = array<i64: 2, 16>, scalar_prefetch = 0 : i64, scratch_operands = 11 : i64, tpu.core_type = #tpu.core_type<sc_vector_subcore>, window_params = [{transform_indices = #map}, {transform_indices = #map1}, {transform_indices = #map1}, {transform_indices = #map}, {transform_indices = #map1}]} {
    %mul3A = arith.constant 5120 : i32
    %mul3A_0 = arith.muli %arg0, %mul3A : i32
    "tpu.region"() ({
      %run_scoped3A = tpu.sem_alloc : memref<!tpu.dma_semaphore, #tpu.memory_space<semaphore_mem>>
      tpu.enqueue_dma source(%arg5 : memref<64x128xf32, #tpu.memory_space<hbm>>) target(%arg12 : memref<64x128xf32, #tpu.memory_space<vmem>>) target_semaphore(%run_scoped3A : memref<!tpu.dma_semaphore, #tpu.memory_space<semaphore_mem>>)
      tpu.wait_dma2 semaphore(%run_scoped3A : memref<!tpu.dma_semaphore, #tpu.memory_space<semaphore_mem>>) src(%arg5 : memref<64x128xf32, #tpu.memory_space<hbm>>) dst(%arg12 : memref<64x128xf32, #tpu.memory_space<vmem>>)
      tpu.yield
    }) : () -> ()
    %mul3A_1 = arith.constant 320 : i32
    %mul3A_2 = arith.muli %arg1, %mul3A_1 : i32
    %add3A = arith.constant 0 : i32
    %add3A_3 = arith.addi %mul3A_2, %add3A : i32
    "tpu.region"() ({
      %run_scoped3A = tpu.sem_alloc : memref<!tpu.dma_semaphore, #tpu.memory_space<semaphore_mem>>
      %dma_start3A_85 = arith.constant 0 : i32
      %dma_start3A_86 = tpu.memref_slice %arg13[%add3A_3, %dma_start3A_85] : memref<5128x128xf32, #tpu.memory_space<vmem_shared>> -> memref<64x128xf32, #tpu.memory_space<vmem_shared>>
      %dma_start3A_87 = arith.constant 0 : i32
      %dma_start3A_88 = tpu.memref_slice %arg13[%add3A_3, %dma_start3A_87] : memref<5128x128xf32, #tpu.memory_space<vmem_shared>> -> memref<64x128xf32, #tpu.memory_space<vmem_shared>>
      tpu.enqueue_dma source(%arg12 : memref<64x128xf32, #tpu.memory_space<vmem>>) target(%dma_start3A_88 : memref<64x128xf32, #tpu.memory_space<vmem_shared>>) target_semaphore(%run_scoped3A : memref<!tpu.dma_semaphore, #tpu.memory_space<semaphore_mem>>)
      %dma_wait3A = arith.constant 0 : i32
      %dma_wait3A_89 = tpu.memref_slice %arg13[%add3A_3, %dma_wait3A] : memref<5128x128xf32, #tpu.memory_space<vmem_shared>> -> memref<64x128xf32, #tpu.memory_space<vmem_shared>>
      %dma_wait3A_90 = arith.constant 0 : i32
      %dma_wait3A_91 = tpu.memref_slice %arg13[%add3A_3, %dma_wait3A_90] : memref<5128x128xf32, #tpu.memory_space<vmem_shared>> -> memref<64x128xf32, #tpu.memory_space<vmem_shared>>
      tpu.wait_dma2 semaphore(%run_scoped3A : memref<!tpu.dma_semaphore, #tpu.memory_space<semaphore_mem>>) src(%arg12 : memref<64x128xf32, #tpu.memory_space<vmem>>) dst(%dma_wait3A_91 : memref<64x128xf32, #tpu.memory_space<vmem_shared>>)
      tpu.yield
    }) : () -> ()
    %mul3A_4 = arith.constant 320 : i32
    %mul3A_5 = arith.muli %arg1, %mul3A_4 : i32
    %add3A_6 = arith.constant 64 : i32
    %add3A_7 = arith.addi %mul3A_5, %add3A_6 : i32
    "tpu.region"() ({
      %run_scoped3A = tpu.sem_alloc : memref<!tpu.dma_semaphore, #tpu.memory_space<semaphore_mem>>
      %dma_start3A_85 = arith.constant 0 : i32
      %dma_start3A_86 = tpu.memref_slice %arg13[%add3A_7, %dma_start3A_85] : memref<5128x128xf32, #tpu.memory_space<vmem_shared>> -> memref<64x128xf32, #tpu.memory_space<vmem_shared>>
      %dma_start3A_87 = arith.constant 0 : i32
      %dma_start3A_88 = tpu.memref_slice %arg13[%add3A_7, %dma_start3A_87] : memref<5128x128xf32, #tpu.memory_space<vmem_shared>> -> memref<64x128xf32, #tpu.memory_space<vmem_shared>>
      tpu.enqueue_dma source(%arg12 : memref<64x128xf32, #tpu.memory_space<vmem>>) target(%dma_start3A_88 : memref<64x128xf32, #tpu.memory_space<vmem_shared>>) target_semaphore(%run_scoped3A : memref<!tpu.dma_semaphore, #tpu.memory_space<semaphore_mem>>)
      %dma_wait3A = arith.constant 0 : i32
      %dma_wait3A_89 = tpu.memref_slice %arg13[%add3A_7, %dma_wait3A] : memref<5128x128xf32, #tpu.memory_space<vmem_shared>> -> memref<64x128xf32, #tpu.memory_space<vmem_shared>>
      %dma_wait3A_90 = arith.constant 0 : i32
      %dma_wait3A_91 = tpu.memref_slice %arg13[%add3A_7, %dma_wait3A_90] : memref<5128x128xf32, #tpu.memory_space<vmem_shared>> -> memref<64x128xf32, #tpu.memory_space<vmem_shared>>
      tpu.wait_dma2 semaphore(%run_scoped3A : memref<!tpu.dma_semaphore, #tpu.memory_space<semaphore_mem>>) src(%arg12 : memref<64x128xf32, #tpu.memory_space<vmem>>) dst(%dma_wait3A_91 : memref<64x128xf32, #tpu.memory_space<vmem_shared>>)
      tpu.yield
    }) : () -> ()
    %mul3A_8 = arith.constant 320 : i32
    %mul3A_9 = arith.muli %arg1, %mul3A_8 : i32
    %add3A_10 = arith.constant 128 : i32
    %add3A_11 = arith.addi %mul3A_9, %add3A_10 : i32
    "tpu.region"() ({
      %run_scoped3A = tpu.sem_alloc : memref<!tpu.dma_semaphore, #tpu.memory_space<semaphore_mem>>
      %dma_start3A_85 = arith.constant 0 : i32
      %dma_start3A_86 = tpu.memref_slice %arg13[%add3A_11, %dma_start3A_85] : memref<5128x128xf32, #tpu.memory_space<vmem_shared>> -> memref<64x128xf32, #tpu.memory_space<vmem_shared>>
      %dma_start3A_87 = arith.constant 0 : i32
      %dma_start3A_88 = tpu.memref_slice %arg13[%add3A_11, %dma_start3A_87] : memref<5128x128xf32, #tpu.memory_space<vmem_shared>> -> memref<64x128xf32, #tpu.memory_space<vmem_shared>>
      tpu.enqueue_dma source(%arg12 : memref<64x128xf32, #tpu.memory_space<vmem>>) target(%dma_start3A_88 : memref<64x128xf32, #tpu.memory_space<vmem_shared>>) target_semaphore(%run_scoped3A : memref<!tpu.dma_semaphore, #tpu.memory_space<semaphore_mem>>)
      %dma_wait3A = arith.constant 0 : i32
      %dma_wait3A_89 = tpu.memref_slice %arg13[%add3A_11, %dma_wait3A] : memref<5128x128xf32, #tpu.memory_space<vmem_shared>> -> memref<64x128xf32, #tpu.memory_space<vmem_shared>>
      %dma_wait3A_90 = arith.constant 0 : i32
      %dma_wait3A_91 = tpu.memref_slice %arg13[%add3A_11, %dma_wait3A_90] : memref<5128x128xf32, #tpu.memory_space<vmem_shared>> -> memref<64x128xf32, #tpu.memory_space<vmem_shared>>
      tpu.wait_dma2 semaphore(%run_scoped3A : memref<!tpu.dma_semaphore, #tpu.memory_space<semaphore_mem>>) src(%arg12 : memref<64x128xf32, #tpu.memory_space<vmem>>) dst(%dma_wait3A_91 : memref<64x128xf32, #tpu.memory_space<vmem_shared>>)
      tpu.yield
    }) : () -> ()
    %mul3A_12 = arith.constant 320 : i32
    %mul3A_13 = arith.muli %arg1, %mul3A_12 : i32
    %add3A_14 = arith.constant 192 : i32
    %add3A_15 = arith.addi %mul3A_13, %add3A_14 : i32
    "tpu.region"() ({
      %run_scoped3A = tpu.sem_alloc : memref<!tpu.dma_semaphore, #tpu.memory_space<semaphore_mem>>
      %dma_start3A_85 = arith.constant 0 : i32
      %dma_start3A_86 = tpu.memref_slice %arg13[%add3A_15, %dma_start3A_85] : memref<5128x128xf32, #tpu.memory_space<vmem_shared>> -> memref<64x128xf32, #tpu.memory_space<vmem_shared>>
      %dma_start3A_87 = arith.constant 0 : i32
      %dma_start3A_88 = tpu.memref_slice %arg13[%add3A_15, %dma_start3A_87] : memref<5128x128xf32, #tpu.memory_space<vmem_shared>> -> memref<64x128xf32, #tpu.memory_space<vmem_shared>>
      tpu.enqueue_dma source(%arg12 : memref<64x128xf32, #tpu.memory_space<vmem>>) target(%dma_start3A_88 : memref<64x128xf32, #tpu.memory_space<vmem_shared>>) target_semaphore(%run_scoped3A : memref<!tpu.dma_semaphore, #tpu.memory_space<semaphore_mem>>)
      %dma_wait3A = arith.constant 0 : i32
      %dma_wait3A_89 = tpu.memref_slice %arg13[%add3A_15, %dma_wait3A] : memref<5128x128xf32, #tpu.memory_space<vmem_shared>> -> memref<64x128xf32, #tpu.memory_space<vmem_shared>>
      %dma_wait3A_90 = arith.constant 0 : i32
      %dma_wait3A_91 = tpu.memref_slice %arg13[%add3A_15, %dma_wait3A_90] : memref<5128x128xf32, #tpu.memory_space<vmem_shared>> -> memref<64x128xf32, #tpu.memory_space<vmem_shared>>
      tpu.wait_dma2 semaphore(%run_scoped3A : memref<!tpu.dma_semaphore, #tpu.memory_space<semaphore_mem>>) src(%arg12 : memref<64x128xf32, #tpu.memory_space<vmem>>) dst(%dma_wait3A_91 : memref<64x128xf32, #tpu.memory_space<vmem_shared>>)
      tpu.yield
    }) : () -> ()
    %mul3A_16 = arith.constant 320 : i32
    %mul3A_17 = arith.muli %arg1, %mul3A_16 : i32
    %add3A_18 = arith.constant 256 : i32
    %add3A_19 = arith.addi %mul3A_17, %add3A_18 : i32
    "tpu.region"() ({
      %run_scoped3A = tpu.sem_alloc : memref<!tpu.dma_semaphore, #tpu.memory_space<semaphore_mem>>
      %dma_start3A_85 = arith.constant 0 : i32
      %dma_start3A_86 = tpu.memref_slice %arg13[%add3A_19, %dma_start3A_85] : memref<5128x128xf32, #tpu.memory_space<vmem_shared>> -> memref<64x128xf32, #tpu.memory_space<vmem_shared>>
      %dma_start3A_87 = arith.constant 0 : i32
      %dma_start3A_88 = tpu.memref_slice %arg13[%add3A_19, %dma_start3A_87] : memref<5128x128xf32, #tpu.memory_space<vmem_shared>> -> memref<64x128xf32, #tpu.memory_space<vmem_shared>>
      tpu.enqueue_dma source(%arg12 : memref<64x128xf32, #tpu.memory_space<vmem>>) target(%dma_start3A_88 : memref<64x128xf32, #tpu.memory_space<vmem_shared>>) target_semaphore(%run_scoped3A : memref<!tpu.dma_semaphore, #tpu.memory_space<semaphore_mem>>)
      %dma_wait3A = arith.constant 0 : i32
      %dma_wait3A_89 = tpu.memref_slice %arg13[%add3A_19, %dma_wait3A] : memref<5128x128xf32, #tpu.memory_space<vmem_shared>> -> memref<64x128xf32, #tpu.memory_space<vmem_shared>>
      %dma_wait3A_90 = arith.constant 0 : i32
      %dma_wait3A_91 = tpu.memref_slice %arg13[%add3A_19, %dma_wait3A_90] : memref<5128x128xf32, #tpu.memory_space<vmem_shared>> -> memref<64x128xf32, #tpu.memory_space<vmem_shared>>
      tpu.wait_dma2 semaphore(%run_scoped3A : memref<!tpu.dma_semaphore, #tpu.memory_space<semaphore_mem>>) src(%arg12 : memref<64x128xf32, #tpu.memory_space<vmem>>) dst(%dma_wait3A_91 : memref<64x128xf32, #tpu.memory_space<vmem_shared>>)
      tpu.yield
    }) : () -> ()
    "tpu.region"() ({
      %run_scoped3A = tpu.sem_alloc : memref<!tpu.dma_semaphore, #tpu.memory_space<semaphore_mem>>
      %dma_start3A_85 = arith.constant 0 : i32
      %dma_start3A_86 = arith.constant 0 : i32
      %dma_start3A_87 = tpu.memref_slice %arg3[%arg1, %dma_start3A_85, %dma_start3A_86] : memref<16x158x128xi32, #tpu.memory_space<hbm>> -> memref<1x158x128xi32, #tpu.memory_space<hbm>>
      %dma_start3A_88 = tpu.memref_squeeze %dma_start3A_87 : memref<1x158x128xi32, #tpu.memory_space<hbm>> -> memref<158x128xi32, #tpu.memory_space<hbm>>
      %dma_start3A_89 = arith.constant 0 : i32
      %dma_start3A_90 = arith.constant 0 : i32
      %dma_start3A_91 = tpu.memref_slice %arg3[%arg1, %dma_start3A_89, %dma_start3A_90] : memref<16x158x128xi32, #tpu.memory_space<hbm>> -> memref<1x158x128xi32, #tpu.memory_space<hbm>>
      %dma_start3A_92 = tpu.memref_squeeze %dma_start3A_91 : memref<1x158x128xi32, #tpu.memory_space<hbm>> -> memref<158x128xi32, #tpu.memory_space<hbm>>
      tpu.enqueue_dma source(%dma_start3A_92 : memref<158x128xi32, #tpu.memory_space<hbm>>) target(%arg7 : memref<158x128xi32, #tpu.memory_space<vmem>>) target_semaphore(%run_scoped3A : memref<!tpu.dma_semaphore, #tpu.memory_space<semaphore_mem>>)
      %dma_wait3A = arith.constant 0 : i32
      %dma_wait3A_93 = arith.constant 0 : i32
      %dma_wait3A_94 = tpu.memref_slice %arg3[%arg1, %dma_wait3A, %dma_wait3A_93] : memref<16x158x128xi32, #tpu.memory_space<hbm>> -> memref<1x158x128xi32, #tpu.memory_space<hbm>>
      %dma_wait3A_95 = tpu.memref_squeeze %dma_wait3A_94 : memref<1x158x128xi32, #tpu.memory_space<hbm>> -> memref<158x128xi32, #tpu.memory_space<hbm>>
      %dma_wait3A_96 = arith.constant 0 : i32
      %dma_wait3A_97 = arith.constant 0 : i32
      %dma_wait3A_98 = tpu.memref_slice %arg3[%arg1, %dma_wait3A_96, %dma_wait3A_97] : memref<16x158x128xi32, #tpu.memory_space<hbm>> -> memref<1x158x128xi32, #tpu.memory_space<hbm>>
      %dma_wait3A_99 = tpu.memref_squeeze %dma_wait3A_98 : memref<1x158x128xi32, #tpu.memory_space<hbm>> -> memref<158x128xi32, #tpu.memory_space<hbm>>
      tpu.wait_dma2 semaphore(%run_scoped3A : memref<!tpu.dma_semaphore, #tpu.memory_space<semaphore_mem>>) src(%dma_wait3A_99 : memref<158x128xi32, #tpu.memory_space<hbm>>) dst(%arg7 : memref<158x128xi32, #tpu.memory_space<vmem>>)
      tpu.yield
    }) : () -> ()
    "tpu.region"() ({
      %run_scoped3A = tpu.sem_alloc : memref<!tpu.dma_semaphore, #tpu.memory_space<semaphore_mem>>
      %dma_start3A_85 = arith.constant 0 : i32
      %dma_start3A_86 = arith.constant 0 : i32
      %dma_start3A_87 = tpu.memref_slice %arg4[%arg1, %dma_start3A_85, %dma_start3A_86] : memref<16x158x128xi32, #tpu.memory_space<hbm>> -> memref<1x158x128xi32, #tpu.memory_space<hbm>>
      %dma_start3A_88 = tpu.memref_squeeze %dma_start3A_87 : memref<1x158x128xi32, #tpu.memory_space<hbm>> -> memref<158x128xi32, #tpu.memory_space<hbm>>
      %dma_start3A_89 = arith.constant 0 : i32
      %dma_start3A_90 = arith.constant 0 : i32
      %dma_start3A_91 = tpu.memref_slice %arg4[%arg1, %dma_start3A_89, %dma_start3A_90] : memref<16x158x128xi32, #tpu.memory_space<hbm>> -> memref<1x158x128xi32, #tpu.memory_space<hbm>>
      %dma_start3A_92 = tpu.memref_squeeze %dma_start3A_91 : memref<1x158x128xi32, #tpu.memory_space<hbm>> -> memref<158x128xi32, #tpu.memory_space<hbm>>
      tpu.enqueue_dma source(%dma_start3A_92 : memref<158x128xi32, #tpu.memory_space<hbm>>) target(%arg8 : memref<158x128xi32, #tpu.memory_space<vmem>>) target_semaphore(%run_scoped3A : memref<!tpu.dma_semaphore, #tpu.memory_space<semaphore_mem>>)
      %dma_wait3A = arith.constant 0 : i32
      %dma_wait3A_93 = arith.constant 0 : i32
      %dma_wait3A_94 = tpu.memref_slice %arg4[%arg1, %dma_wait3A, %dma_wait3A_93] : memref<16x158x128xi32, #tpu.memory_space<hbm>> -> memref<1x158x128xi32, #tpu.memory_space<hbm>>
      %dma_wait3A_95 = tpu.memref_squeeze %dma_wait3A_94 : memref<1x158x128xi32, #tpu.memory_space<hbm>> -> memref<158x128xi32, #tpu.memory_space<hbm>>
      %dma_wait3A_96 = arith.constant 0 : i32
      %dma_wait3A_97 = arith.constant 0 : i32
      %dma_wait3A_98 = tpu.memref_slice %arg4[%arg1, %dma_wait3A_96, %dma_wait3A_97] : memref<16x158x128xi32, #tpu.memory_space<hbm>> -> memref<1x158x128xi32, #tpu.memory_space<hbm>>
      %dma_wait3A_99 = tpu.memref_squeeze %dma_wait3A_98 : memref<1x158x128xi32, #tpu.memory_space<hbm>> -> memref<158x128xi32, #tpu.memory_space<hbm>>
      tpu.wait_dma2 semaphore(%run_scoped3A : memref<!tpu.dma_semaphore, #tpu.memory_space<semaphore_mem>>) src(%dma_wait3A_99 : memref<158x128xi32, #tpu.memory_space<hbm>>) dst(%arg8 : memref<158x128xi32, #tpu.memory_space<vmem>>)
      tpu.yield
    }) : () -> ()
    %scan3A = arith.constant 0 : i32
    %scan3A_20 = arith.constant 0 : i32
    %scan3A_21 = arith.constant 158 : i32
    %scan3A_22 = arith.addi %scan3A_20, %scan3A_21 : i32
    %scan3A_23 = arith.constant 1 : i32
    scf.for %scan3A_85 = %scan3A_20 to %scan3A_22 step %scan3A_23  : i32 {
      %get3A = arith.index_cast %scan3A_85 : i32 to index
      %get3A_86 = arith.constant 0 : index
      %get3A_87 = tpu.vector_load %arg8[%get3A, %get3A_86] {strides = array<i32>} : memref<158x128xi32, #tpu.memory_space<vmem>>, vector<1x16xi32>,
      %get3A_88 = vector.shape_cast %get3A_87 : vector<1x16xi32> to vector<16xi32>
      %sub3A = vector.broadcast %mul3A_0 : i32 to vector<16xi32>
      %sub3A_89 = arith.subi %get3A_88, %sub3A : vector<16xi32>
      %swap3A = arith.index_cast %scan3A_85 : i32 to index
      %swap3A_90 = arith.constant 0 : index
      %swap3A_91 = tpu.vector_load %arg8[%swap3A, %swap3A_90] {strides = array<i32>} : memref<158x128xi32, #tpu.memory_space<vmem>>, vector<1x16xi32>,
      %swap3A_92 = vector.shape_cast %swap3A_91 : vector<1x16xi32> to vector<16xi32>
      %swap3A_93 = vector.shape_cast %sub3A_89 : vector<16xi32> to vector<1x16xi32>
      tpu.vector_store %arg8[%swap3A, %swap3A_90], %swap3A_93 {strides = array<i32>} : memref<158x128xi32, #tpu.memory_space<vmem>>, vector<1x16xi32>,
      %get3A_94 = arith.index_cast %scan3A_85 : i32 to index
      %get3A_95 = arith.constant 16 : index
      %get3A_96 = tpu.vector_load %arg8[%get3A_94, %get3A_95] {strides = array<i32>} : memref<158x128xi32, #tpu.memory_space<vmem>>, vector<1x16xi32>,
      %get3A_97 = vector.shape_cast %get3A_96 : vector<1x16xi32> to vector<16xi32>
      %sub3A_98 = vector.broadcast %mul3A_0 : i32 to vector<16xi32>
      %sub3A_99 = arith.subi %get3A_97, %sub3A_98 : vector<16xi32>
      %swap3A_100 = arith.index_cast %scan3A_85 : i32 to index
      %swap3A_101 = arith.constant 16 : index
      %swap3A_102 = tpu.vector_load %arg8[%swap3A_100, %swap3A_101] {strides = array<i32>} : memref<158x128xi32, #tpu.memory_space<vmem>>, vector<1x16xi32>,
      %swap3A_103 = vector.shape_cast %swap3A_102 : vector<1x16xi32> to vector<16xi32>
      %swap3A_104 = vector.shape_cast %sub3A_99 : vector<16xi32> to vector<1x16xi32>
      tpu.vector_store %arg8[%swap3A_100, %swap3A_101], %swap3A_104 {strides = array<i32>} : memref<158x128xi32, #tpu.memory_space<vmem>>, vector<1x16xi32>,
      %get3A_105 = arith.index_cast %scan3A_85 : i32 to index
      %get3A_106 = arith.constant 32 : index
      %get3A_107 = tpu.vector_load %arg8[%get3A_105, %get3A_106] {strides = array<i32>} : memref<158x128xi32, #tpu.memory_space<vmem>>, vector<1x16xi32>,
      %get3A_108 = vector.shape_cast %get3A_107 : vector<1x16xi32> to vector<16xi32>
      %sub3A_109 = vector.broadcast %mul3A_0 : i32 to vector<16xi32>
      %sub3A_110 = arith.subi %get3A_108, %sub3A_109 : vector<16xi32>
      %swap3A_111 = arith.index_cast %scan3A_85 : i32 to index
      %swap3A_112 = arith.constant 32 : index
      %swap3A_113 = tpu.vector_load %arg8[%swap3A_111, %swap3A_112] {strides = array<i32>} : memref<158x128xi32, #tpu.memory_space<vmem>>, vector<1x16xi32>,
      %swap3A_114 = vector.shape_cast %swap3A_113 : vector<1x16xi32> to vector<16xi32>
      %swap3A_115 = vector.shape_cast %sub3A_110 : vector<16xi32> to vector<1x16xi32>
      tpu.vector_store %arg8[%swap3A_111, %swap3A_112], %swap3A_115 {strides = array<i32>} : memref<158x128xi32, #tpu.memory_space<vmem>>, vector<1x16xi32>,
      %get3A_116 = arith.index_cast %scan3A_85 : i32 to index
      %get3A_117 = arith.constant 48 : index
      %get3A_118 = tpu.vector_load %arg8[%get3A_116, %get3A_117] {strides = array<i32>} : memref<158x128xi32, #tpu.memory_space<vmem>>, vector<1x16xi32>,
      %get3A_119 = vector.shape_cast %get3A_118 : vector<1x16xi32> to vector<16xi32>
      %sub3A_120 = vector.broadcast %mul3A_0 : i32 to vector<16xi32>
      %sub3A_121 = arith.subi %get3A_119, %sub3A_120 : vector<16xi32>
      %swap3A_122 = arith.index_cast %scan3A_85 : i32 to index
      %swap3A_123 = arith.constant 48 : index
      %swap3A_124 = tpu.vector_load %arg8[%swap3A_122, %swap3A_123] {strides = array<i32>} : memref<158x128xi32, #tpu.memory_space<vmem>>, vector<1x16xi32>,
      %swap3A_125 = vector.shape_cast %swap3A_124 : vector<1x16xi32> to vector<16xi32>
      %swap3A_126 = vector.shape_cast %sub3A_121 : vector<16xi32> to vector<1x16xi32>
      tpu.vector_store %arg8[%swap3A_122, %swap3A_123], %swap3A_126 {strides = array<i32>} : memref<158x128xi32, #tpu.memory_space<vmem>>, vector<1x16xi32>,
      %get3A_127 = arith.index_cast %scan3A_85 : i32 to index
      %get3A_128 = arith.constant 64 : index
      %get3A_129 = tpu.vector_load %arg8[%get3A_127, %get3A_128] {strides = array<i32>} : memref<158x128xi32, #tpu.memory_space<vmem>>, vector<1x16xi32>,
      %get3A_130 = vector.shape_cast %get3A_129 : vector<1x16xi32> to vector<16xi32>
      %sub3A_131 = vector.broadcast %mul3A_0 : i32 to vector<16xi32>
      %sub3A_132 = arith.subi %get3A_130, %sub3A_131 : vector<16xi32>
      %swap3A_133 = arith.index_cast %scan3A_85 : i32 to index
      %swap3A_134 = arith.constant 64 : index
      %swap3A_135 = tpu.vector_load %arg8[%swap3A_133, %swap3A_134] {strides = array<i32>} : memref<158x128xi32, #tpu.memory_space<vmem>>, vector<1x16xi32>,
      %swap3A_136 = vector.shape_cast %swap3A_135 : vector<1x16xi32> to vector<16xi32>
      %swap3A_137 = vector.shape_cast %sub3A_132 : vector<16xi32> to vector<1x16xi32>
      tpu.vector_store %arg8[%swap3A_133, %swap3A_134], %swap3A_137 {strides = array<i32>} : memref<158x128xi32, #tpu.memory_space<vmem>>, vector<1x16xi32>,
      %get3A_138 = arith.index_cast %scan3A_85 : i32 to index
      %get3A_139 = arith.constant 80 : index
      %get3A_140 = tpu.vector_load %arg8[%get3A_138, %get3A_139] {strides = array<i32>} : memref<158x128xi32, #tpu.memory_space<vmem>>, vector<1x16xi32>,
      %get3A_141 = vector.shape_cast %get3A_140 : vector<1x16xi32> to vector<16xi32>
      %sub3A_142 = vector.broadcast %mul3A_0 : i32 to vector<16xi32>
      %sub3A_143 = arith.subi %get3A_141, %sub3A_142 : vector<16xi32>
      %swap3A_144 = arith.index_cast %scan3A_85 : i32 to index
      %swap3A_145 = arith.constant 80 : index
      %swap3A_146 = tpu.vector_load %arg8[%swap3A_144, %swap3A_145] {strides = array<i32>} : memref<158x128xi32, #tpu.memory_space<vmem>>, vector<1x16xi32>,
      %swap3A_147 = vector.shape_cast %swap3A_146 : vector<1x16xi32> to vector<16xi32>
      %swap3A_148 = vector.shape_cast %sub3A_143 : vector<16xi32> to vector<1x16xi32>
      tpu.vector_store %arg8[%swap3A_144, %swap3A_145], %swap3A_148 {strides = array<i32>} : memref<158x128xi32, #tpu.memory_space<vmem>>, vector<1x16xi32>,
      %get3A_149 = arith.index_cast %scan3A_85 : i32 to index
      %get3A_150 = arith.constant 96 : index
      %get3A_151 = tpu.vector_load %arg8[%get3A_149, %get3A_150] {strides = array<i32>} : memref<158x128xi32, #tpu.memory_space<vmem>>, vector<1x16xi32>,
      %get3A_152 = vector.shape_cast %get3A_151 : vector<1x16xi32> to vector<16xi32>
      %sub3A_153 = vector.broadcast %mul3A_0 : i32 to vector<16xi32>
      %sub3A_154 = arith.subi %get3A_152, %sub3A_153 : vector<16xi32>
      %swap3A_155 = arith.index_cast %scan3A_85 : i32 to index
      %swap3A_156 = arith.constant 96 : index
      %swap3A_157 = tpu.vector_load %arg8[%swap3A_155, %swap3A_156] {strides = array<i32>} : memref<158x128xi32, #tpu.memory_space<vmem>>, vector<1x16xi32>,
      %swap3A_158 = vector.shape_cast %swap3A_157 : vector<1x16xi32> to vector<16xi32>
      %swap3A_159 = vector.shape_cast %sub3A_154 : vector<16xi32> to vector<1x16xi32>
      tpu.vector_store %arg8[%swap3A_155, %swap3A_156], %swap3A_159 {strides = array<i32>} : memref<158x128xi32, #tpu.memory_space<vmem>>, vector<1x16xi32>,
      %get3A_160 = arith.index_cast %scan3A_85 : i32 to index
      %get3A_161 = arith.constant 112 : index
      %get3A_162 = tpu.vector_load %arg8[%get3A_160, %get3A_161] {strides = array<i32>} : memref<158x128xi32, #tpu.memory_space<vmem>>, vector<1x16xi32>,
      %get3A_163 = vector.shape_cast %get3A_162 : vector<1x16xi32> to vector<16xi32>
      %sub3A_164 = vector.broadcast %mul3A_0 : i32 to vector<16xi32>
      %sub3A_165 = arith.subi %get3A_163, %sub3A_164 : vector<16xi32>
      %swap3A_166 = arith.index_cast %scan3A_85 : i32 to index
      %swap3A_167 = arith.constant 112 : index
      %swap3A_168 = tpu.vector_load %arg8[%swap3A_166, %swap3A_167] {strides = array<i32>} : memref<158x128xi32, #tpu.memory_space<vmem>>, vector<1x16xi32>,
      %swap3A_169 = vector.shape_cast %swap3A_168 : vector<1x16xi32> to vector<16xi32>
      %swap3A_170 = vector.shape_cast %sub3A_165 : vector<16xi32> to vector<1x16xi32>
      tpu.vector_store %arg8[%swap3A_166, %swap3A_167], %swap3A_170 {strides = array<i32>} : memref<158x128xi32, #tpu.memory_space<vmem>>, vector<1x16xi32>,
    }
    %scan3A_24 = arith.constant 158 : i32
    %barrier3A = arith.constant 0 : index
    tpu.barrier barrier_id(%barrier3A)
    %dma_start3A = arith.constant 0 : i32
    %dma_start3A_25 = arith.constant 0 : i32
    %dma_start3A_26 = tpu.memref_slice %arg7[%dma_start3A, %dma_start3A_25] : memref<158x128xi32, #tpu.memory_space<vmem>> -> memref<1x128xi32, #tpu.memory_space<vmem>>
    %dma_start3A_27 = tpu.memref_squeeze %dma_start3A_26 : memref<1x128xi32, #tpu.memory_space<vmem>> -> memref<128xi32, #tpu.memory_space<vmem>>
    %dma_start3A_28 = arith.constant 0 : i32
    %dma_start3A_29 = arith.constant 0 : i32
    %dma_start3A_30 = tpu.memref_slice %arg2[%dma_start3A_28, %dma_start3A_29] : memref<10240x128xf32, #tpu.memory_space<hbm>> -> memref<10240x128xf32, #tpu.memory_space<hbm>>
    tpu.enqueue_indirect_dma source(%dma_start3A_30 : memref<10240x128xf32, #tpu.memory_space<hbm>>) target(%arg10 : memref<128x128xf32, #tpu.memory_space<vmem>>) offsets(%dma_start3A_27 : memref<128xi32, #tpu.memory_space<vmem>>) semaphore(%arg14 : memref<!tpu.dma_semaphore, #tpu.memory_space<semaphore_mem>>)
    %dma_start3A_31 = arith.constant 1 : i32
    %dma_start3A_32 = arith.constant 0 : i32
    %dma_start3A_33 = tpu.memref_slice %arg7[%dma_start3A_31, %dma_start3A_32] : memref<158x128xi32, #tpu.memory_space<vmem>> -> memref<1x128xi32, #tpu.memory_space<vmem>>
    %dma_start3A_34 = tpu.memref_squeeze %dma_start3A_33 : memref<1x128xi32, #tpu.memory_space<vmem>> -> memref<128xi32, #tpu.memory_space<vmem>>
    %dma_start3A_35 = arith.constant 0 : i32
    %dma_start3A_36 = arith.constant 0 : i32
    %dma_start3A_37 = tpu.memref_slice %arg2[%dma_start3A_35, %dma_start3A_36] : memref<10240x128xf32, #tpu.memory_space<hbm>> -> memref<10240x128xf32, #tpu.memory_space<hbm>>
    tpu.enqueue_indirect_dma source(%dma_start3A_37 : memref<10240x128xf32, #tpu.memory_space<hbm>>) target(%arg11 : memref<128x128xf32, #tpu.memory_space<vmem>>) offsets(%dma_start3A_34 : memref<128xi32, #tpu.memory_space<vmem>>) semaphore(%arg15 : memref<!tpu.dma_semaphore, #tpu.memory_space<semaphore_mem>>)
    %scan3A_38 = arith.constant 0 : i32
    %scan3A_39 = arith.constant 0 : i32
    %scan3A_40 = arith.constant 79 : i32
    %scan3A_41 = arith.addi %scan3A_39, %scan3A_40 : i32
    %scan3A_42 = arith.constant 1 : i32
    scf.for %scan3A_85 = %scan3A_39 to %scan3A_41 step %scan3A_42  : i32 {
      %mul3A_86 = arith.constant 2 : i32
      %mul3A_87 = arith.muli %scan3A_85, %mul3A_86 : i32
      %add3A_88 = arith.constant 0 : i32
      %add3A_89 = arith.addi %mul3A_87, %add3A_88 : i32
      %dma_wait3A = arith.constant 0 : i32
      %dma_wait3A_90 = tpu.memref_slice %arg7[%add3A_89, %dma_wait3A] : memref<158x128xi32, #tpu.memory_space<vmem>> -> memref<1x128xi32, #tpu.memory_space<vmem>>
      %dma_wait3A_91 = tpu.memref_squeeze %dma_wait3A_90 : memref<1x128xi32, #tpu.memory_space<vmem>> -> memref<128xi32, #tpu.memory_space<vmem>>
      %dma_wait3A_92 = arith.constant 0 : i32
      %dma_wait3A_93 = arith.constant 0 : i32
      %dma_wait3A_94 = tpu.memref_slice %arg2[%dma_wait3A_92, %dma_wait3A_93] : memref<10240x128xf32, #tpu.memory_space<hbm>> -> memref<10240x128xf32, #tpu.memory_space<hbm>>
      tpu.wait_indirect_dma semaphore(%arg14 : memref<!tpu.dma_semaphore, #tpu.memory_space<semaphore_mem>>) src(%dma_wait3A_94 : memref<10240x128xf32, #tpu.memory_space<hbm>>) dst(%arg10 : memref<128x128xf32, #tpu.memory_space<vmem>>)
      %get3A = arith.index_cast %add3A_89 : i32 to index
      %get3A_95 = arith.constant 0 : index
      %get3A_96 = tpu.vector_load %arg8[%get3A, %get3A_95] {strides = array<i32>} : memref<158x128xi32, #tpu.memory_space<vmem>>, vector<1x16xi32>,
      %get3A_97 = vector.shape_cast %get3A_96 : vector<1x16xi32> to vector<16xi32>
      %ge3A = arith.constant 0 : i32
      %ge3A_98 = vector.broadcast %ge3A : i32 to vector<16xi32>
      %ge3A_99 = arith.cmpi sge, %get3A_97, %ge3A_98 : vector<16xi32>
      %lt3A = arith.constant 5120 : i32
      %lt3A_100 = vector.broadcast %lt3A : i32 to vector<16xi32>
      %lt3A_101 = arith.cmpi slt, %get3A_97, %lt3A_100 : vector<16xi32>
      %and3A = arith.andi %ge3A_99, %lt3A_101 : vector<16xi1>
      %jit3A = arith.constant 5120 : i32
      %broadcast_in_dim3A = vector.broadcast %jit3A : i32 to vector<16xi32>
      %select_n3A = arith.select %and3A, %get3A_97, %broadcast_in_dim3A : vector<16xi1>, vector<16xi32>
      %swap3A = arith.constant 0 : i32
      %swap3A_102 = arith.index_cast %swap3A : i32 to index
      %swap3A_103 = arith.constant 0 : index
      %swap3A_104 = tpu.vector_load %arg9[%swap3A_102, %swap3A_103] {strides = array<i32>} : memref<2x128xi32, #tpu.memory_space<vmem>>, vector<1x16xi32>,
      %swap3A_105 = vector.shape_cast %swap3A_104 : vector<1x16xi32> to vector<16xi32>
      %swap3A_106 = vector.shape_cast %select_n3A : vector<16xi32> to vector<1x16xi32>
      tpu.vector_store %arg9[%swap3A_102, %swap3A_103], %swap3A_106 {strides = array<i32>} : memref<2x128xi32, #tpu.memory_space<vmem>>, vector<1x16xi32>,
      %get3A_107 = arith.index_cast %add3A_89 : i32 to index
      %get3A_108 = arith.constant 16 : index
      %get3A_109 = tpu.vector_load %arg8[%get3A_107, %get3A_108] {strides = array<i32>} : memref<158x128xi32, #tpu.memory_space<vmem>>, vector<1x16xi32>,
      %get3A_110 = vector.shape_cast %get3A_109 : vector<1x16xi32> to vector<16xi32>
      %ge3A_111 = arith.constant 0 : i32
      %ge3A_112 = vector.broadcast %ge3A_111 : i32 to vector<16xi32>
      %ge3A_113 = arith.cmpi sge, %get3A_110, %ge3A_112 : vector<16xi32>
      %lt3A_114 = arith.constant 5120 : i32
      %lt3A_115 = vector.broadcast %lt3A_114 : i32 to vector<16xi32>
      %lt3A_116 = arith.cmpi slt, %get3A_110, %lt3A_115 : vector<16xi32>
      %and3A_117 = arith.andi %ge3A_113, %lt3A_116 : vector<16xi1>
      %jit3A_118 = arith.constant 5120 : i32
      %broadcast_in_dim3A_119 = vector.broadcast %jit3A_118 : i32 to vector<16xi32>
      %select_n3A_120 = arith.select %and3A_117, %get3A_110, %broadcast_in_dim3A_119 : vector<16xi1>, vector<16xi32>
      %swap3A_121 = arith.constant 0 : i32
      %swap3A_122 = arith.index_cast %swap3A_121 : i32 to index
      %swap3A_123 = arith.constant 16 : index
      %swap3A_124 = tpu.vector_load %arg9[%swap3A_122, %swap3A_123] {strides = array<i32>} : memref<2x128xi32, #tpu.memory_space<vmem>>, vector<1x16xi32>,
      %swap3A_125 = vector.shape_cast %swap3A_124 : vector<1x16xi32> to vector<16xi32>
      %swap3A_126 = vector.shape_cast %select_n3A_120 : vector<16xi32> to vector<1x16xi32>
      tpu.vector_store %arg9[%swap3A_122, %swap3A_123], %swap3A_126 {strides = array<i32>} : memref<2x128xi32, #tpu.memory_space<vmem>>, vector<1x16xi32>,
      %get3A_127 = arith.index_cast %add3A_89 : i32 to index
      %get3A_128 = arith.constant 32 : index
      %get3A_129 = tpu.vector_load %arg8[%get3A_127, %get3A_128] {strides = array<i32>} : memref<158x128xi32, #tpu.memory_space<vmem>>, vector<1x16xi32>,
      %get3A_130 = vector.shape_cast %get3A_129 : vector<1x16xi32> to vector<16xi32>
      %ge3A_131 = arith.constant 0 : i32
      %ge3A_132 = vector.broadcast %ge3A_131 : i32 to vector<16xi32>
      %ge3A_133 = arith.cmpi sge, %get3A_130, %ge3A_132 : vector<16xi32>
      %lt3A_134 = arith.constant 5120 : i32
      %lt3A_135 = vector.broadcast %lt3A_134 : i32 to vector<16xi32>
      %lt3A_136 = arith.cmpi slt, %get3A_130, %lt3A_135 : vector<16xi32>
      %and3A_137 = arith.andi %ge3A_133, %lt3A_136 : vector<16xi1>
      %jit3A_138 = arith.constant 5120 : i32
      %broadcast_in_dim3A_139 = vector.broadcast %jit3A_138 : i32 to vector<16xi32>
      %select_n3A_140 = arith.select %and3A_137, %get3A_130, %broadcast_in_dim3A_139 : vector<16xi1>, vector<16xi32>
      %swap3A_141 = arith.constant 0 : i32
      %swap3A_142 = arith.index_cast %swap3A_141 : i32 to index
      %swap3A_143 = arith.constant 32 : index
      %swap3A_144 = tpu.vector_load %arg9[%swap3A_142, %swap3A_143] {strides = array<i32>} : memref<2x128xi32, #tpu.memory_space<vmem>>, vector<1x16xi32>,
      %swap3A_145 = vector.shape_cast %swap3A_144 : vector<1x16xi32> to vector<16xi32>
      %swap3A_146 = vector.shape_cast %select_n3A_140 : vector<16xi32> to vector<1x16xi32>
      tpu.vector_store %arg9[%swap3A_142, %swap3A_143], %swap3A_146 {strides = array<i32>} : memref<2x128xi32, #tpu.memory_space<vmem>>, vector<1x16xi32>,
      %get3A_147 = arith.index_cast %add3A_89 : i32 to index
      %get3A_148 = arith.constant 48 : index
      %get3A_149 = tpu.vector_load %arg8[%get3A_147, %get3A_148] {strides = array<i32>} : memref<158x128xi32, #tpu.memory_space<vmem>>, vector<1x16xi32>,
      %get3A_150 = vector.shape_cast %get3A_149 : vector<1x16xi32> to vector<16xi32>
      %ge3A_151 = arith.constant 0 : i32
      %ge3A_152 = vector.broadcast %ge3A_151 : i32 to vector<16xi32>
      %ge3A_153 = arith.cmpi sge, %get3A_150, %ge3A_152 : vector<16xi32>
      %lt3A_154 = arith.constant 5120 : i32
      %lt3A_155 = vector.broadcast %lt3A_154 : i32 to vector<16xi32>
      %lt3A_156 = arith.cmpi slt, %get3A_150, %lt3A_155 : vector<16xi32>
      %and3A_157 = arith.andi %ge3A_153, %lt3A_156 : vector<16xi1>
      %jit3A_158 = arith.constant 5120 : i32
      %broadcast_in_dim3A_159 = vector.broadcast %jit3A_158 : i32 to vector<16xi32>
      %select_n3A_160 = arith.select %and3A_157, %get3A_150, %broadcast_in_dim3A_159 : vector<16xi1>, vector<16xi32>
      %swap3A_161 = arith.constant 0 : i32
      %swap3A_162 = arith.index_cast %swap3A_161 : i32 to index
      %swap3A_163 = arith.constant 48 : index
      %swap3A_164 = tpu.vector_load %arg9[%swap3A_162, %swap3A_163] {strides = array<i32>} : memref<2x128xi32, #tpu.memory_space<vmem>>, vector<1x16xi32>,
      %swap3A_165 = vector.shape_cast %swap3A_164 : vector<1x16xi32> to vector<16xi32>
      %swap3A_166 = vector.shape_cast %select_n3A_160 : vector<16xi32> to vector<1x16xi32>
      tpu.vector_store %arg9[%swap3A_162, %swap3A_163], %swap3A_166 {strides = array<i32>} : memref<2x128xi32, #tpu.memory_space<vmem>>, vector<1x16xi32>,
      %get3A_167 = arith.index_cast %add3A_89 : i32 to index
      %get3A_168 = arith.constant 64 : index
      %get3A_169 = tpu.vector_load %arg8[%get3A_167, %get3A_168] {strides = array<i32>} : memref<158x128xi32, #tpu.memory_space<vmem>>, vector<1x16xi32>,
      %get3A_170 = vector.shape_cast %get3A_169 : vector<1x16xi32> to vector<16xi32>
      %ge3A_171 = arith.constant 0 : i32
      %ge3A_172 = vector.broadcast %ge3A_171 : i32 to vector<16xi32>
      %ge3A_173 = arith.cmpi sge, %get3A_170, %ge3A_172 : vector<16xi32>
      %lt3A_174 = arith.constant 5120 : i32
      %lt3A_175 = vector.broadcast %lt3A_174 : i32 to vector<16xi32>
      %lt3A_176 = arith.cmpi slt, %get3A_170, %lt3A_175 : vector<16xi32>
      %and3A_177 = arith.andi %ge3A_173, %lt3A_176 : vector<16xi1>
      %jit3A_178 = arith.constant 5120 : i32
      %broadcast_in_dim3A_179 = vector.broadcast %jit3A_178 : i32 to vector<16xi32>
      %select_n3A_180 = arith.select %and3A_177, %get3A_170, %broadcast_in_dim3A_179 : vector<16xi1>, vector<16xi32>
      %swap3A_181 = arith.constant 0 : i32
      %swap3A_182 = arith.index_cast %swap3A_181 : i32 to index
      %swap3A_183 = arith.constant 64 : index
      %swap3A_184 = tpu.vector_load %arg9[%swap3A_182, %swap3A_183] {strides = array<i32>} : memref<2x128xi32, #tpu.memory_space<vmem>>, vector<1x16xi32>,
      %swap3A_185 = vector.shape_cast %swap3A_184 : vector<1x16xi32> to vector<16xi32>
      %swap3A_186 = vector.shape_cast %select_n3A_180 : vector<16xi32> to vector<1x16xi32>
      tpu.vector_store %arg9[%swap3A_182, %swap3A_183], %swap3A_186 {strides = array<i32>} : memref<2x128xi32, #tpu.memory_space<vmem>>, vector<1x16xi32>,
      %get3A_187 = arith.index_cast %add3A_89 : i32 to index
      %get3A_188 = arith.constant 80 : index
      %get3A_189 = tpu.vector_load %arg8[%get3A_187, %get3A_188] {strides = array<i32>} : memref<158x128xi32, #tpu.memory_space<vmem>>, vector<1x16xi32>,
      %get3A_190 = vector.shape_cast %get3A_189 : vector<1x16xi32> to vector<16xi32>
      %ge3A_191 = arith.constant 0 : i32
      %ge3A_192 = vector.broadcast %ge3A_191 : i32 to vector<16xi32>
      %ge3A_193 = arith.cmpi sge, %get3A_190, %ge3A_192 : vector<16xi32>
      %lt3A_194 = arith.constant 5120 : i32
      %lt3A_195 = vector.broadcast %lt3A_194 : i32 to vector<16xi32>
      %lt3A_196 = arith.cmpi slt, %get3A_190, %lt3A_195 : vector<16xi32>
      %and3A_197 = arith.andi %ge3A_193, %lt3A_196 : vector<16xi1>
      %jit3A_198 = arith.constant 5120 : i32
      %broadcast_in_dim3A_199 = vector.broadcast %jit3A_198 : i32 to vector<16xi32>
      %select_n3A_200 = arith.select %and3A_197, %get3A_190, %broadcast_in_dim3A_199 : vector<16xi1>, vector<16xi32>
      %swap3A_201 = arith.constant 0 : i32
      %swap3A_202 = arith.index_cast %swap3A_201 : i32 to index
      %swap3A_203 = arith.constant 80 : index
      %swap3A_204 = tpu.vector_load %arg9[%swap3A_202, %swap3A_203] {strides = array<i32>} : memref<2x128xi32, #tpu.memory_space<vmem>>, vector<1x16xi32>,
      %swap3A_205 = vector.shape_cast %swap3A_204 : vector<1x16xi32> to vector<16xi32>
      %swap3A_206 = vector.shape_cast %select_n3A_200 : vector<16xi32> to vector<1x16xi32>
      tpu.vector_store %arg9[%swap3A_202, %swap3A_203], %swap3A_206 {strides = array<i32>} : memref<2x128xi32, #tpu.memory_space<vmem>>, vector<1x16xi32>,
      %get3A_207 = arith.index_cast %add3A_89 : i32 to index
      %get3A_208 = arith.constant 96 : index
      %get3A_209 = tpu.vector_load %arg8[%get3A_207, %get3A_208] {strides = array<i32>} : memref<158x128xi32, #tpu.memory_space<vmem>>, vector<1x16xi32>,
      %get3A_210 = vector.shape_cast %get3A_209 : vector<1x16xi32> to vector<16xi32>
      %ge3A_211 = arith.constant 0 : i32
      %ge3A_212 = vector.broadcast %ge3A_211 : i32 to vector<16xi32>
      %ge3A_213 = arith.cmpi sge, %get3A_210, %ge3A_212 : vector<16xi32>
      %lt3A_214 = arith.constant 5120 : i32
      %lt3A_215 = vector.broadcast %lt3A_214 : i32 to vector<16xi32>
      %lt3A_216 = arith.cmpi slt, %get3A_210, %lt3A_215 : vector<16xi32>
      %and3A_217 = arith.andi %ge3A_213, %lt3A_216 : vector<16xi1>
      %jit3A_218 = arith.constant 5120 : i32
      %broadcast_in_dim3A_219 = vector.broadcast %jit3A_218 : i32 to vector<16xi32>
      %select_n3A_220 = arith.select %and3A_217, %get3A_210, %broadcast_in_dim3A_219 : vector<16xi1>, vector<16xi32>
      %swap3A_221 = arith.constant 0 : i32
      %swap3A_222 = arith.index_cast %swap3A_221 : i32 to index
      %swap3A_223 = arith.constant 96 : index
      %swap3A_224 = tpu.vector_load %arg9[%swap3A_222, %swap3A_223] {strides = array<i32>} : memref<2x128xi32, #tpu.memory_space<vmem>>, vector<1x16xi32>,
      %swap3A_225 = vector.shape_cast %swap3A_224 : vector<1x16xi32> to vector<16xi32>
      %swap3A_226 = vector.shape_cast %select_n3A_220 : vector<16xi32> to vector<1x16xi32>
      tpu.vector_store %arg9[%swap3A_222, %swap3A_223], %swap3A_226 {strides = array<i32>} : memref<2x128xi32, #tpu.memory_space<vmem>>, vector<1x16xi32>,
      %get3A_227 = arith.index_cast %add3A_89 : i32 to index
      %get3A_228 = arith.constant 112 : index
      %get3A_229 = tpu.vector_load %arg8[%get3A_227, %get3A_228] {strides = array<i32>} : memref<158x128xi32, #tpu.memory_space<vmem>>, vector<1x16xi32>,
      %get3A_230 = vector.shape_cast %get3A_229 : vector<1x16xi32> to vector<16xi32>
      %ge3A_231 = arith.constant 0 : i32
      %ge3A_232 = vector.broadcast %ge3A_231 : i32 to vector<16xi32>
      %ge3A_233 = arith.cmpi sge, %get3A_230, %ge3A_232 : vector<16xi32>
      %lt3A_234 = arith.constant 5120 : i32
      %lt3A_235 = vector.broadcast %lt3A_234 : i32 to vector<16xi32>
      %lt3A_236 = arith.cmpi slt, %get3A_230, %lt3A_235 : vector<16xi32>
      %and3A_237 = arith.andi %ge3A_233, %lt3A_236 : vector<16xi1>
      %jit3A_238 = arith.constant 5120 : i32
      %broadcast_in_dim3A_239 = vector.broadcast %jit3A_238 : i32 to vector<16xi32>
      %select_n3A_240 = arith.select %and3A_237, %get3A_230, %broadcast_in_dim3A_239 : vector<16xi1>, vector<16xi32>
      %swap3A_241 = arith.constant 0 : i32
      %swap3A_242 = arith.index_cast %swap3A_241 : i32 to index
      %swap3A_243 = arith.constant 112 : index
      %swap3A_244 = tpu.vector_load %arg9[%swap3A_242, %swap3A_243] {strides = array<i32>} : memref<2x128xi32, #tpu.memory_space<vmem>>, vector<1x16xi32>,
      %swap3A_245 = vector.shape_cast %swap3A_244 : vector<1x16xi32> to vector<16xi32>
      %swap3A_246 = vector.shape_cast %select_n3A_240 : vector<16xi32> to vector<1x16xi32>
      tpu.vector_store %arg9[%swap3A_242, %swap3A_243], %swap3A_246 {strides = array<i32>} : memref<2x128xi32, #tpu.memory_space<vmem>>, vector<1x16xi32>,
      %dma_start3A_247 = arith.constant 0 : i32
      %dma_start3A_248 = arith.constant 0 : i32
      %dma_start3A_249 = tpu.memref_slice %arg9[%dma_start3A_247, %dma_start3A_248] : memref<2x128xi32, #tpu.memory_space<vmem>> -> memref<1x128xi32, #tpu.memory_space<vmem>>
      %dma_start3A_250 = tpu.memref_squeeze %dma_start3A_249 : memref<1x128xi32, #tpu.memory_space<vmem>> -> memref<128xi32, #tpu.memory_space<vmem>>
      %dma_start3A_251 = arith.constant 0 : i32
      %dma_start3A_252 = arith.constant 0 : i32
      %dma_start3A_253 = tpu.memref_slice %arg13[%dma_start3A_251, %dma_start3A_252] : memref<5128x128xf32, #tpu.memory_space<vmem_shared>> -> memref<5128x128xf32, #tpu.memory_space<vmem_shared>>
      tpu.enqueue_indirect_dma source(%arg10 : memref<128x128xf32, #tpu.memory_space<vmem>>) target(%dma_start3A_253 : memref<5128x128xf32, #tpu.memory_space<vmem_shared>>) offsets(%dma_start3A_250 : memref<128xi32, #tpu.memory_space<vmem>>) semaphore(%arg16 : memref<!tpu.dma_semaphore, #tpu.memory_space<semaphore_mem>>) {add = true}
      %mul3A_254 = arith.constant 2 : i32
      %mul3A_255 = arith.muli %scan3A_85, %mul3A_254 : i32
      %add3A_256 = arith.constant 1 : i32
      %add3A_257 = arith.addi %mul3A_255, %add3A_256 : i32
      %dma_wait3A_258 = arith.constant 0 : i32
      %dma_wait3A_259 = tpu.memref_slice %arg7[%add3A_257, %dma_wait3A_258] : memref<158x128xi32, #tpu.memory_space<vmem>> -> memref<1x128xi32, #tpu.memory_space<vmem>>
      %dma_wait3A_260 = tpu.memref_squeeze %dma_wait3A_259 : memref<1x128xi32, #tpu.memory_space<vmem>> -> memref<128xi32, #tpu.memory_space<vmem>>
      %dma_wait3A_261 = arith.constant 0 : i32
      %dma_wait3A_262 = arith.constant 0 : i32
      %dma_wait3A_263 = tpu.memref_slice %arg2[%dma_wait3A_261, %dma_wait3A_262] : memref<10240x128xf32, #tpu.memory_space<hbm>> -> memref<10240x128xf32, #tpu.memory_space<hbm>>
      tpu.wait_indirect_dma semaphore(%arg15 : memref<!tpu.dma_semaphore, #tpu.memory_space<semaphore_mem>>) src(%dma_wait3A_263 : memref<10240x128xf32, #tpu.memory_space<hbm>>) dst(%arg11 : memref<128x128xf32, #tpu.memory_space<vmem>>)
      %get3A_264 = arith.index_cast %add3A_257 : i32 to index
      %get3A_265 = arith.constant 0 : index
      %get3A_266 = tpu.vector_load %arg8[%get3A_264, %get3A_265] {strides = array<i32>} : memref<158x128xi32, #tpu.memory_space<vmem>>, vector<1x16xi32>,
      %get3A_267 = vector.shape_cast %get3A_266 : vector<1x16xi32> to vector<16xi32>
      %ge3A_268 = arith.constant 0 : i32
      %ge3A_269 = vector.broadcast %ge3A_268 : i32 to vector<16xi32>
      %ge3A_270 = arith.cmpi sge, %get3A_267, %ge3A_269 : vector<16xi32>
      %lt3A_271 = arith.constant 5120 : i32
      %lt3A_272 = vector.broadcast %lt3A_271 : i32 to vector<16xi32>
      %lt3A_273 = arith.cmpi slt, %get3A_267, %lt3A_272 : vector<16xi32>
      %and3A_274 = arith.andi %ge3A_270, %lt3A_273 : vector<16xi1>
      %jit3A_275 = arith.constant 5120 : i32
      %broadcast_in_dim3A_276 = vector.broadcast %jit3A_275 : i32 to vector<16xi32>
      %select_n3A_277 = arith.select %and3A_274, %get3A_267, %broadcast_in_dim3A_276 : vector<16xi1>, vector<16xi32>
      %swap3A_278 = arith.constant 1 : i32
      %swap3A_279 = arith.index_cast %swap3A_278 : i32 to index
      %swap3A_280 = arith.constant 0 : index
      %swap3A_281 = tpu.vector_load %arg9[%swap3A_279, %swap3A_280] {strides = array<i32>} : memref<2x128xi32, #tpu.memory_space<vmem>>, vector<1x16xi32>,
      %swap3A_282 = vector.shape_cast %swap3A_281 : vector<1x16xi32> to vector<16xi32>
      %swap3A_283 = vector.shape_cast %select_n3A_277 : vector<16xi32> to vector<1x16xi32>
      tpu.vector_store %arg9[%swap3A_279, %swap3A_280], %swap3A_283 {strides = array<i32>} : memref<2x128xi32, #tpu.memory_space<vmem>>, vector<1x16xi32>,
      %get3A_284 = arith.index_cast %add3A_257 : i32 to index
      %get3A_285 = arith.constant 16 : index
      %get3A_286 = tpu.vector_load %arg8[%get3A_284, %get3A_285] {strides = array<i32>} : memref<158x128xi32, #tpu.memory_space<vmem>>, vector<1x16xi32>,
      %get3A_287 = vector.shape_cast %get3A_286 : vector<1x16xi32> to vector<16xi32>
      %ge3A_288 = arith.constant 0 : i32
      %ge3A_289 = vector.broadcast %ge3A_288 : i32 to vector<16xi32>
      %ge3A_290 = arith.cmpi sge, %get3A_287, %ge3A_289 : vector<16xi32>
      %lt3A_291 = arith.constant 5120 : i32
      %lt3A_292 = vector.broadcast %lt3A_291 : i32 to vector<16xi32>
      %lt3A_293 = arith.cmpi slt, %get3A_287, %lt3A_292 : vector<16xi32>
      %and3A_294 = arith.andi %ge3A_290, %lt3A_293 : vector<16xi1>
      %jit3A_295 = arith.constant 5120 : i32
      %broadcast_in_dim3A_296 = vector.broadcast %jit3A_295 : i32 to vector<16xi32>
      %select_n3A_297 = arith.select %and3A_294, %get3A_287, %broadcast_in_dim3A_296 : vector<16xi1>, vector<16xi32>
      %swap3A_298 = arith.constant 1 : i32
      %swap3A_299 = arith.index_cast %swap3A_298 : i32 to index
      %swap3A_300 = arith.constant 16 : index
      %swap3A_301 = tpu.vector_load %arg9[%swap3A_299, %swap3A_300] {strides = array<i32>} : memref<2x128xi32, #tpu.memory_space<vmem>>, vector<1x16xi32>,
      %swap3A_302 = vector.shape_cast %swap3A_301 : vector<1x16xi32> to vector<16xi32>
      %swap3A_303 = vector.shape_cast %select_n3A_297 : vector<16xi32> to vector<1x16xi32>
      tpu.vector_store %arg9[%swap3A_299, %swap3A_300], %swap3A_303 {strides = array<i32>} : memref<2x128xi32, #tpu.memory_space<vmem>>, vector<1x16xi32>,
      %get3A_304 = arith.index_cast %add3A_257 : i32 to index
      %get3A_305 = arith.constant 32 : index
      %get3A_306 = tpu.vector_load %arg8[%get3A_304, %get3A_305] {strides = array<i32>} : memref<158x128xi32, #tpu.memory_space<vmem>>, vector<1x16xi32>,
      %get3A_307 = vector.shape_cast %get3A_306 : vector<1x16xi32> to vector<16xi32>
      %ge3A_308 = arith.constant 0 : i32
      %ge3A_309 = vector.broadcast %ge3A_308 : i32 to vector<16xi32>
      %ge3A_310 = arith.cmpi sge, %get3A_307, %ge3A_309 : vector<16xi32>
      %lt3A_311 = arith.constant 5120 : i32
      %lt3A_312 = vector.broadcast %lt3A_311 : i32 to vector<16xi32>
      %lt3A_313 = arith.cmpi slt, %get3A_307, %lt3A_312 : vector<16xi32>
      %and3A_314 = arith.andi %ge3A_310, %lt3A_313 : vector<16xi1>
      %jit3A_315 = arith.constant 5120 : i32
      %broadcast_in_dim3A_316 = vector.broadcast %jit3A_315 : i32 to vector<16xi32>
      %select_n3A_317 = arith.select %and3A_314, %get3A_307, %broadcast_in_dim3A_316 : vector<16xi1>, vector<16xi32>
      %swap3A_318 = arith.constant 1 : i32
      %swap3A_319 = arith.index_cast %swap3A_318 : i32 to index
      %swap3A_320 = arith.constant 32 : index
      %swap3A_321 = tpu.vector_load %arg9[%swap3A_319, %swap3A_320] {strides = array<i32>} : memref<2x128xi32, #tpu.memory_space<vmem>>, vector<1x16xi32>,
      %swap3A_322 = vector.shape_cast %swap3A_321 : vector<1x16xi32> to vector<16xi32>
      %swap3A_323 = vector.shape_cast %select_n3A_317 : vector<16xi32> to vector<1x16xi32>
      tpu.vector_store %arg9[%swap3A_319, %swap3A_320], %swap3A_323 {strides = array<i32>} : memref<2x128xi32, #tpu.memory_space<vmem>>, vector<1x16xi32>,
      %get3A_324 = arith.index_cast %add3A_257 : i32 to index
      %get3A_325 = arith.constant 48 : index
      %get3A_326 = tpu.vector_load %arg8[%get3A_324, %get3A_325] {strides = array<i32>} : memref<158x128xi32, #tpu.memory_space<vmem>>, vector<1x16xi32>,
      %get3A_327 = vector.shape_cast %get3A_326 : vector<1x16xi32> to vector<16xi32>
      %ge3A_328 = arith.constant 0 : i32
      %ge3A_329 = vector.broadcast %ge3A_328 : i32 to vector<16xi32>
      %ge3A_330 = arith.cmpi sge, %get3A_327, %ge3A_329 : vector<16xi32>
      %lt3A_331 = arith.constant 5120 : i32
      %lt3A_332 = vector.broadcast %lt3A_331 : i32 to vector<16xi32>
      %lt3A_333 = arith.cmpi slt, %get3A_327, %lt3A_332 : vector<16xi32>
      %and3A_334 = arith.andi %ge3A_330, %lt3A_333 : vector<16xi1>
      %jit3A_335 = arith.constant 5120 : i32
      %broadcast_in_dim3A_336 = vector.broadcast %jit3A_335 : i32 to vector<16xi32>
      %select_n3A_337 = arith.select %and3A_334, %get3A_327, %broadcast_in_dim3A_336 : vector<16xi1>, vector<16xi32>
      %swap3A_338 = arith.constant 1 : i32
      %swap3A_339 = arith.index_cast %swap3A_338 : i32 to index
      %swap3A_340 = arith.constant 48 : index
      %swap3A_341 = tpu.vector_load %arg9[%swap3A_339, %swap3A_340] {strides = array<i32>} : memref<2x128xi32, #tpu.memory_space<vmem>>, vector<1x16xi32>,
      %swap3A_342 = vector.shape_cast %swap3A_341 : vector<1x16xi32> to vector<16xi32>
      %swap3A_343 = vector.shape_cast %select_n3A_337 : vector<16xi32> to vector<1x16xi32>
      tpu.vector_store %arg9[%swap3A_339, %swap3A_340], %swap3A_343 {strides = array<i32>} : memref<2x128xi32, #tpu.memory_space<vmem>>, vector<1x16xi32>,
      %get3A_344 = arith.index_cast %add3A_257 : i32 to index
      %get3A_345 = arith.constant 64 : index
      %get3A_346 = tpu.vector_load %arg8[%get3A_344, %get3A_345] {strides = array<i32>} : memref<158x128xi32, #tpu.memory_space<vmem>>, vector<1x16xi32>,
      %get3A_347 = vector.shape_cast %get3A_346 : vector<1x16xi32> to vector<16xi32>
      %ge3A_348 = arith.constant 0 : i32
      %ge3A_349 = vector.broadcast %ge3A_348 : i32 to vector<16xi32>
      %ge3A_350 = arith.cmpi sge, %get3A_347, %ge3A_349 : vector<16xi32>
      %lt3A_351 = arith.constant 5120 : i32
      %lt3A_352 = vector.broadcast %lt3A_351 : i32 to vector<16xi32>
      %lt3A_353 = arith.cmpi slt, %get3A_347, %lt3A_352 : vector<16xi32>
      %and3A_354 = arith.andi %ge3A_350, %lt3A_353 : vector<16xi1>
      %jit3A_355 = arith.constant 5120 : i32
      %broadcast_in_dim3A_356 = vector.broadcast %jit3A_355 : i32 to vector<16xi32>
      %select_n3A_357 = arith.select %and3A_354, %get3A_347, %broadcast_in_dim3A_356 : vector<16xi1>, vector<16xi32>
      %swap3A_358 = arith.constant 1 : i32
      %swap3A_359 = arith.index_cast %swap3A_358 : i32 to index
      %swap3A_360 = arith.constant 64 : index
      %swap3A_361 = tpu.vector_load %arg9[%swap3A_359, %swap3A_360] {strides = array<i32>} : memref<2x128xi32, #tpu.memory_space<vmem>>, vector<1x16xi32>,
      %swap3A_362 = vector.shape_cast %swap3A_361 : vector<1x16xi32> to vector<16xi32>
      %swap3A_363 = vector.shape_cast %select_n3A_357 : vector<16xi32> to vector<1x16xi32>
      tpu.vector_store %arg9[%swap3A_359, %swap3A_360], %swap3A_363 {strides = array<i32>} : memref<2x128xi32, #tpu.memory_space<vmem>>, vector<1x16xi32>,
      %get3A_364 = arith.index_cast %add3A_257 : i32 to index
      %get3A_365 = arith.constant 80 : index
      %get3A_366 = tpu.vector_load %arg8[%get3A_364, %get3A_365] {strides = array<i32>} : memref<158x128xi32, #tpu.memory_space<vmem>>, vector<1x16xi32>,
      %get3A_367 = vector.shape_cast %get3A_366 : vector<1x16xi32> to vector<16xi32>
      %ge3A_368 = arith.constant 0 : i32
      %ge3A_369 = vector.broadcast %ge3A_368 : i32 to vector<16xi32>
      %ge3A_370 = arith.cmpi sge, %get3A_367, %ge3A_369 : vector<16xi32>
      %lt3A_371 = arith.constant 5120 : i32
      %lt3A_372 = vector.broadcast %lt3A_371 : i32 to vector<16xi32>
      %lt3A_373 = arith.cmpi slt, %get3A_367, %lt3A_372 : vector<16xi32>
      %and3A_374 = arith.andi %ge3A_370, %lt3A_373 : vector<16xi1>
      %jit3A_375 = arith.constant 5120 : i32
      %broadcast_in_dim3A_376 = vector.broadcast %jit3A_375 : i32 to vector<16xi32>
      %select_n3A_377 = arith.select %and3A_374, %get3A_367, %broadcast_in_dim3A_376 : vector<16xi1>, vector<16xi32>
      %swap3A_378 = arith.constant 1 : i32
      %swap3A_379 = arith.index_cast %swap3A_378 : i32 to index
      %swap3A_380 = arith.constant 80 : index
      %swap3A_381 = tpu.vector_load %arg9[%swap3A_379, %swap3A_380] {strides = array<i32>} : memref<2x128xi32, #tpu.memory_space<vmem>>, vector<1x16xi32>,
      %swap3A_382 = vector.shape_cast %swap3A_381 : vector<1x16xi32> to vector<16xi32>
      %swap3A_383 = vector.shape_cast %select_n3A_377 : vector<16xi32> to vector<1x16xi32>
      tpu.vector_store %arg9[%swap3A_379, %swap3A_380], %swap3A_383 {strides = array<i32>} : memref<2x128xi32, #tpu.memory_space<vmem>>, vector<1x16xi32>,
      %get3A_384 = arith.index_cast %add3A_257 : i32 to index
      %get3A_385 = arith.constant 96 : index
      %get3A_386 = tpu.vector_load %arg8[%get3A_384, %get3A_385] {strides = array<i32>} : memref<158x128xi32, #tpu.memory_space<vmem>>, vector<1x16xi32>,
      %get3A_387 = vector.shape_cast %get3A_386 : vector<1x16xi32> to vector<16xi32>
      %ge3A_388 = arith.constant 0 : i32
      %ge3A_389 = vector.broadcast %ge3A_388 : i32 to vector<16xi32>
      %ge3A_390 = arith.cmpi sge, %get3A_387, %ge3A_389 : vector<16xi32>
      %lt3A_391 = arith.constant 5120 : i32
      %lt3A_392 = vector.broadcast %lt3A_391 : i32 to vector<16xi32>
      %lt3A_393 = arith.cmpi slt, %get3A_387, %lt3A_392 : vector<16xi32>
      %and3A_394 = arith.andi %ge3A_390, %lt3A_393 : vector<16xi1>
      %jit3A_395 = arith.constant 5120 : i32
      %broadcast_in_dim3A_396 = vector.broadcast %jit3A_395 : i32 to vector<16xi32>
      %select_n3A_397 = arith.select %and3A_394, %get3A_387, %broadcast_in_dim3A_396 : vector<16xi1>, vector<16xi32>
      %swap3A_398 = arith.constant 1 : i32
      %swap3A_399 = arith.index_cast %swap3A_398 : i32 to index
      %swap3A_400 = arith.constant 96 : index
      %swap3A_401 = tpu.vector_load %arg9[%swap3A_399, %swap3A_400] {strides = array<i32>} : memref<2x128xi32, #tpu.memory_space<vmem>>, vector<1x16xi32>,
      %swap3A_402 = vector.shape_cast %swap3A_401 : vector<1x16xi32> to vector<16xi32>
      %swap3A_403 = vector.shape_cast %select_n3A_397 : vector<16xi32> to vector<1x16xi32>
      tpu.vector_store %arg9[%swap3A_399, %swap3A_400], %swap3A_403 {strides = array<i32>} : memref<2x128xi32, #tpu.memory_space<vmem>>, vector<1x16xi32>,
      %get3A_404 = arith.index_cast %add3A_257 : i32 to index
      %get3A_405 = arith.constant 112 : index
      %get3A_406 = tpu.vector_load %arg8[%get3A_404, %get3A_405] {strides = array<i32>} : memref<158x128xi32, #tpu.memory_space<vmem>>, vector<1x16xi32>,
      %get3A_407 = vector.shape_cast %get3A_406 : vector<1x16xi32> to vector<16xi32>
      %ge3A_408 = arith.constant 0 : i32
      %ge3A_409 = vector.broadcast %ge3A_408 : i32 to vector<16xi32>
      %ge3A_410 = arith.cmpi sge, %get3A_407, %ge3A_409 : vector<16xi32>
      %lt3A_411 = arith.constant 5120 : i32
      %lt3A_412 = vector.broadcast %lt3A_411 : i32 to vector<16xi32>
      %lt3A_413 = arith.cmpi slt, %get3A_407, %lt3A_412 : vector<16xi32>
      %and3A_414 = arith.andi %ge3A_410, %lt3A_413 : vector<16xi1>
      %jit3A_415 = arith.constant 5120 : i32
      %broadcast_in_dim3A_416 = vector.broadcast %jit3A_415 : i32 to vector<16xi32>
      %select_n3A_417 = arith.select %and3A_414, %get3A_407, %broadcast_in_dim3A_416 : vector<16xi1>, vector<16xi32>
      %swap3A_418 = arith.constant 1 : i32
      %swap3A_419 = arith.index_cast %swap3A_418 : i32 to index
      %swap3A_420 = arith.constant 112 : index
      %swap3A_421 = tpu.vector_load %arg9[%swap3A_419, %swap3A_420] {strides = array<i32>} : memref<2x128xi32, #tpu.memory_space<vmem>>, vector<1x16xi32>,
      %swap3A_422 = vector.shape_cast %swap3A_421 : vector<1x16xi32> to vector<16xi32>
      %swap3A_423 = vector.shape_cast %select_n3A_417 : vector<16xi32> to vector<1x16xi32>
      tpu.vector_store %arg9[%swap3A_419, %swap3A_420], %swap3A_423 {strides = array<i32>} : memref<2x128xi32, #tpu.memory_space<vmem>>, vector<1x16xi32>,
      %dma_start3A_424 = arith.constant 1 : i32
      %dma_start3A_425 = arith.constant 0 : i32
      %dma_start3A_426 = tpu.memref_slice %arg9[%dma_start3A_424, %dma_start3A_425] : memref<2x128xi32, #tpu.memory_space<vmem>> -> memref<1x128xi32, #tpu.memory_space<vmem>>
      %dma_start3A_427 = tpu.memref_squeeze %dma_start3A_426 : memref<1x128xi32, #tpu.memory_space<vmem>> -> memref<128xi32, #tpu.memory_space<vmem>>
      %dma_start3A_428 = arith.constant 0 : i32
      %dma_start3A_429 = arith.constant 0 : i32
      %dma_start3A_430 = tpu.memref_slice %arg13[%dma_start3A_428, %dma_start3A_429] : memref<5128x128xf32, #tpu.memory_space<vmem_shared>> -> memref<5128x128xf32, #tpu.memory_space<vmem_shared>>
      tpu.enqueue_indirect_dma source(%arg11 : memref<128x128xf32, #tpu.memory_space<vmem>>) target(%dma_start3A_430 : memref<5128x128xf32, #tpu.memory_space<vmem_shared>>) offsets(%dma_start3A_427 : memref<128xi32, #tpu.memory_space<vmem>>) semaphore(%arg17 : memref<!tpu.dma_semaphore, #tpu.memory_space<semaphore_mem>>) {add = true}
      %dma_wait3A_431 = arith.constant 0 : i32
      %dma_wait3A_432 = arith.constant 0 : i32
      %dma_wait3A_433 = tpu.memref_slice %arg9[%dma_wait3A_431, %dma_wait3A_432] : memref<2x128xi32, #tpu.memory_space<vmem>> -> memref<1x128xi32, #tpu.memory_space<vmem>>
      %dma_wait3A_434 = tpu.memref_squeeze %dma_wait3A_433 : memref<1x128xi32, #tpu.memory_space<vmem>> -> memref<128xi32, #tpu.memory_space<vmem>>
      %dma_wait3A_435 = arith.constant 0 : i32
      %dma_wait3A_436 = arith.constant 0 : i32
      %dma_wait3A_437 = tpu.memref_slice %arg13[%dma_wait3A_435, %dma_wait3A_436] : memref<5128x128xf32, #tpu.memory_space<vmem_shared>> -> memref<5128x128xf32, #tpu.memory_space<vmem_shared>>
      tpu.wait_indirect_dma semaphore(%arg16 : memref<!tpu.dma_semaphore, #tpu.memory_space<semaphore_mem>>) src(%arg10 : memref<128x128xf32, #tpu.memory_space<vmem>>) dst(%dma_wait3A_437 : memref<5128x128xf32, #tpu.memory_space<vmem_shared>>)
      %lt3A_438 = arith.constant 78 : i32
      %lt3A_439 = arith.cmpi slt, %scan3A_85, %lt3A_438 : i32
      %convert_element_type3A = arith.extui %lt3A_439 : i1 to i32
      %cond3A = arith.constant 0 : i32
      %cond3A_440 = arith.cmpi ne, %convert_element_type3A, %cond3A : i32
      scf.if %cond3A_440 {
        %add3A_453 = arith.constant 1 : i32
        %add3A_454 = arith.addi %scan3A_85, %add3A_453 : i32
        %mul3A_455 = arith.constant 2 : i32
        %mul3A_456 = arith.muli %add3A_454, %mul3A_455 : i32
        %add3A_457 = arith.constant 0 : i32
        %add3A_458 = arith.addi %mul3A_456, %add3A_457 : i32
        %dma_start3A_459 = arith.constant 0 : i32
        %dma_start3A_460 = tpu.memref_slice %arg7[%add3A_458, %dma_start3A_459] : memref<158x128xi32, #tpu.memory_space<vmem>> -> memref<1x128xi32, #tpu.memory_space<vmem>>
        %dma_start3A_461 = tpu.memref_squeeze %dma_start3A_460 : memref<1x128xi32, #tpu.memory_space<vmem>> -> memref<128xi32, #tpu.memory_space<vmem>>
        %dma_start3A_462 = arith.constant 0 : i32
        %dma_start3A_463 = arith.constant 0 : i32
        %dma_start3A_464 = tpu.memref_slice %arg2[%dma_start3A_462, %dma_start3A_463] : memref<10240x128xf32, #tpu.memory_space<hbm>> -> memref<10240x128xf32, #tpu.memory_space<hbm>>
        tpu.enqueue_indirect_dma source(%dma_start3A_464 : memref<10240x128xf32, #tpu.memory_space<hbm>>) target(%arg10 : memref<128x128xf32, #tpu.memory_space<vmem>>) offsets(%dma_start3A_461 : memref<128xi32, #tpu.memory_space<vmem>>) semaphore(%arg14 : memref<!tpu.dma_semaphore, #tpu.memory_space<semaphore_mem>>)
      } else {
      }
      %dma_wait3A_441 = arith.constant 1 : i32
      %dma_wait3A_442 = arith.constant 0 : i32
      %dma_wait3A_443 = tpu.memref_slice %arg9[%dma_wait3A_441, %dma_wait3A_442] : memref<2x128xi32, #tpu.memory_space<vmem>> -> memref<1x128xi32, #tpu.memory_space<vmem>>
      %dma_wait3A_444 = tpu.memref_squeeze %dma_wait3A_443 : memref<1x128xi32, #tpu.memory_space<vmem>> -> memref<128xi32, #tpu.memory_space<vmem>>
      %dma_wait3A_445 = arith.constant 0 : i32
      %dma_wait3A_446 = arith.constant 0 : i32
      %dma_wait3A_447 = tpu.memref_slice %arg13[%dma_wait3A_445, %dma_wait3A_446] : memref<5128x128xf32, #tpu.memory_space<vmem_shared>> -> memref<5128x128xf32, #tpu.memory_space<vmem_shared>>
      tpu.wait_indirect_dma semaphore(%arg17 : memref<!tpu.dma_semaphore, #tpu.memory_space<semaphore_mem>>) src(%arg11 : memref<128x128xf32, #tpu.memory_space<vmem>>) dst(%dma_wait3A_447 : memref<5128x128xf32, #tpu.memory_space<vmem_shared>>)
      %lt3A_448 = arith.constant 78 : i32
      %lt3A_449 = arith.cmpi slt, %scan3A_85, %lt3A_448 : i32
      %convert_element_type3A_450 = arith.extui %lt3A_449 : i1 to i32
      %cond3A_451 = arith.constant 0 : i32
      %cond3A_452 = arith.cmpi ne, %convert_element_type3A_450, %cond3A_451 : i32
      scf.if %cond3A_452 {
        %add3A_453 = arith.constant 1 : i32
        %add3A_454 = arith.addi %scan3A_85, %add3A_453 : i32
        %mul3A_455 = arith.constant 2 : i32
        %mul3A_456 = arith.muli %add3A_454, %mul3A_455 : i32
        %add3A_457 = arith.constant 1 : i32
        %add3A_458 = arith.addi %mul3A_456, %add3A_457 : i32
        %dma_start3A_459 = arith.constant 0 : i32
        %dma_start3A_460 = tpu.memref_slice %arg7[%add3A_458, %dma_start3A_459] : memref<158x128xi32, #tpu.memory_space<vmem>> -> memref<1x128xi32, #tpu.memory_space<vmem>>
        %dma_start3A_461 = tpu.memref_squeeze %dma_start3A_460 : memref<1x128xi32, #tpu.memory_space<vmem>> -> memref<128xi32, #tpu.memory_space<vmem>>
        %dma_start3A_462 = arith.constant 0 : i32
        %dma_start3A_463 = arith.constant 0 : i32
        %dma_start3A_464 = tpu.memref_slice %arg2[%dma_start3A_462, %dma_start3A_463] : memref<10240x128xf32, #tpu.memory_space<hbm>> -> memref<10240x128xf32, #tpu.memory_space<hbm>>
        tpu.enqueue_indirect_dma source(%dma_start3A_464 : memref<10240x128xf32, #tpu.memory_space<hbm>>) target(%arg11 : memref<128x128xf32, #tpu.memory_space<vmem>>) offsets(%dma_start3A_461 : memref<128xi32, #tpu.memory_space<vmem>>) semaphore(%arg15 : memref<!tpu.dma_semaphore, #tpu.memory_space<semaphore_mem>>)
      } else {
      }
    }
    %scan3A_43 = arith.constant 79 : i32
    %barrier3A_44 = arith.constant 0 : index
    tpu.barrier barrier_id(%barrier3A_44)
    %mul3A_45 = arith.constant 320 : i32
    %mul3A_46 = arith.muli %arg1, %mul3A_45 : i32
    %add3A_47 = arith.constant 0 : i32
    %add3A_48 = arith.addi %mul3A_46, %add3A_47 : i32
    "tpu.region"() ({
      %run_scoped3A = tpu.sem_alloc : memref<!tpu.dma_semaphore, #tpu.memory_space<semaphore_mem>>
      %dma_start3A_85 = arith.constant 0 : i32
      %dma_start3A_86 = tpu.memref_slice %arg13[%add3A_48, %dma_start3A_85] : memref<5128x128xf32, #tpu.memory_space<vmem_shared>> -> memref<64x128xf32, #tpu.memory_space<vmem_shared>>
      %dma_start3A_87 = arith.constant 0 : i32
      %dma_start3A_88 = tpu.memref_slice %arg13[%add3A_48, %dma_start3A_87] : memref<5128x128xf32, #tpu.memory_space<vmem_shared>> -> memref<64x128xf32, #tpu.memory_space<vmem_shared>>
      tpu.enqueue_dma source(%dma_start3A_88 : memref<64x128xf32, #tpu.memory_space<vmem_shared>>) target(%arg12 : memref<64x128xf32, #tpu.memory_space<vmem>>) target_semaphore(%run_scoped3A : memref<!tpu.dma_semaphore, #tpu.memory_space<semaphore_mem>>)
      %dma_wait3A = arith.constant 0 : i32
      %dma_wait3A_89 = tpu.memref_slice %arg13[%add3A_48, %dma_wait3A] : memref<5128x128xf32, #tpu.memory_space<vmem_shared>> -> memref<64x128xf32, #tpu.memory_space<vmem_shared>>
      %dma_wait3A_90 = arith.constant 0 : i32
      %dma_wait3A_91 = tpu.memref_slice %arg13[%add3A_48, %dma_wait3A_90] : memref<5128x128xf32, #tpu.memory_space<vmem_shared>> -> memref<64x128xf32, #tpu.memory_space<vmem_shared>>
      tpu.wait_dma2 semaphore(%run_scoped3A : memref<!tpu.dma_semaphore, #tpu.memory_space<semaphore_mem>>) src(%dma_wait3A_91 : memref<64x128xf32, #tpu.memory_space<vmem_shared>>) dst(%arg12 : memref<64x128xf32, #tpu.memory_space<vmem>>)
      tpu.yield
    }) : () -> ()
    %mul3A_49 = arith.constant 320 : i32
    %mul3A_50 = arith.muli %arg1, %mul3A_49 : i32
    %add3A_51 = arith.constant 0 : i32
    %add3A_52 = arith.addi %mul3A_50, %add3A_51 : i32
    "tpu.region"() ({
      %run_scoped3A = tpu.sem_alloc : memref<!tpu.dma_semaphore, #tpu.memory_space<semaphore_mem>>
      %dma_start3A_85 = arith.constant 0 : i32
      %dma_start3A_86 = tpu.memref_slice %arg6[%arg0, %add3A_52, %dma_start3A_85] : memref<2x5120x128xf32, #tpu.memory_space<hbm>> -> memref<1x64x128xf32, #tpu.memory_space<hbm>>
      %dma_start3A_87 = tpu.memref_squeeze %dma_start3A_86 : memref<1x64x128xf32, #tpu.memory_space<hbm>> -> memref<64x128xf32, #tpu.memory_space<hbm>>
      %dma_start3A_88 = arith.constant 0 : i32
      %dma_start3A_89 = tpu.memref_slice %arg6[%arg0, %add3A_52, %dma_start3A_88] : memref<2x5120x128xf32, #tpu.memory_space<hbm>> -> memref<1x64x128xf32, #tpu.memory_space<hbm>>
      %dma_start3A_90 = tpu.memref_squeeze %dma_start3A_89 : memref<1x64x128xf32, #tpu.memory_space<hbm>> -> memref<64x128xf32, #tpu.memory_space<hbm>>
      tpu.enqueue_dma source(%arg12 : memref<64x128xf32, #tpu.memory_space<vmem>>) target(%dma_start3A_90 : memref<64x128xf32, #tpu.memory_space<hbm>>) target_semaphore(%run_scoped3A : memref<!tpu.dma_semaphore, #tpu.memory_space<semaphore_mem>>)
      %dma_wait3A = arith.constant 0 : i32
      %dma_wait3A_91 = tpu.memref_slice %arg6[%arg0, %add3A_52, %dma_wait3A] : memref<2x5120x128xf32, #tpu.memory_space<hbm>> -> memref<1x64x128xf32, #tpu.memory_space<hbm>>
      %dma_wait3A_92 = tpu.memref_squeeze %dma_wait3A_91 : memref<1x64x128xf32, #tpu.memory_space<hbm>> -> memref<64x128xf32, #tpu.memory_space<hbm>>
      %dma_wait3A_93 = arith.constant 0 : i32
      %dma_wait3A_94 = tpu.memref_slice %arg6[%arg0, %add3A_52, %dma_wait3A_93] : memref<2x5120x128xf32, #tpu.memory_space<hbm>> -> memref<1x64x128xf32, #tpu.memory_space<hbm>>
      %dma_wait3A_95 = tpu.memref_squeeze %dma_wait3A_94 : memref<1x64x128xf32, #tpu.memory_space<hbm>> -> memref<64x128xf32, #tpu.memory_space<hbm>>
      tpu.wait_dma2 semaphore(%run_scoped3A : memref<!tpu.dma_semaphore, #tpu.memory_space<semaphore_mem>>) src(%arg12 : memref<64x128xf32, #tpu.memory_space<vmem>>) dst(%dma_wait3A_95 : memref<64x128xf32, #tpu.memory_space<hbm>>)
      tpu.yield
    }) : () -> ()
    %mul3A_53 = arith.constant 320 : i32
    %mul3A_54 = arith.muli %arg1, %mul3A_53 : i32
    %add3A_55 = arith.constant 64 : i32
    %add3A_56 = arith.addi %mul3A_54, %add3A_55 : i32
    "tpu.region"() ({
      %run_scoped3A = tpu.sem_alloc : memref<!tpu.dma_semaphore, #tpu.memory_space<semaphore_mem>>
      %dma_start3A_85 = arith.constant 0 : i32
      %dma_start3A_86 = tpu.memref_slice %arg13[%add3A_56, %dma_start3A_85] : memref<5128x128xf32, #tpu.memory_space<vmem_shared>> -> memref<64x128xf32, #tpu.memory_space<vmem_shared>>
      %dma_start3A_87 = arith.constant 0 : i32
      %dma_start3A_88 = tpu.memref_slice %arg13[%add3A_56, %dma_start3A_87] : memref<5128x128xf32, #tpu.memory_space<vmem_shared>> -> memref<64x128xf32, #tpu.memory_space<vmem_shared>>
      tpu.enqueue_dma source(%dma_start3A_88 : memref<64x128xf32, #tpu.memory_space<vmem_shared>>) target(%arg12 : memref<64x128xf32, #tpu.memory_space<vmem>>) target_semaphore(%run_scoped3A : memref<!tpu.dma_semaphore, #tpu.memory_space<semaphore_mem>>)
      %dma_wait3A = arith.constant 0 : i32
      %dma_wait3A_89 = tpu.memref_slice %arg13[%add3A_56, %dma_wait3A] : memref<5128x128xf32, #tpu.memory_space<vmem_shared>> -> memref<64x128xf32, #tpu.memory_space<vmem_shared>>
      %dma_wait3A_90 = arith.constant 0 : i32
      %dma_wait3A_91 = tpu.memref_slice %arg13[%add3A_56, %dma_wait3A_90] : memref<5128x128xf32, #tpu.memory_space<vmem_shared>> -> memref<64x128xf32, #tpu.memory_space<vmem_shared>>
      tpu.wait_dma2 semaphore(%run_scoped3A : memref<!tpu.dma_semaphore, #tpu.memory_space<semaphore_mem>>) src(%dma_wait3A_91 : memref<64x128xf32, #tpu.memory_space<vmem_shared>>) dst(%arg12 : memref<64x128xf32, #tpu.memory_space<vmem>>)
      tpu.yield
    }) : () -> ()
    %mul3A_57 = arith.constant 320 : i32
    %mul3A_58 = arith.muli %arg1, %mul3A_57 : i32
    %add3A_59 = arith.constant 64 : i32
    %add3A_60 = arith.addi %mul3A_58, %add3A_59 : i32
    "tpu.region"() ({
      %run_scoped3A = tpu.sem_alloc : memref<!tpu.dma_semaphore, #tpu.memory_space<semaphore_mem>>
      %dma_start3A_85 = arith.constant 0 : i32
      %dma_start3A_86 = tpu.memref_slice %arg6[%arg0, %add3A_60, %dma_start3A_85] : memref<2x5120x128xf32, #tpu.memory_space<hbm>> -> memref<1x64x128xf32, #tpu.memory_space<hbm>>
      %dma_start3A_87 = tpu.memref_squeeze %dma_start3A_86 : memref<1x64x128xf32, #tpu.memory_space<hbm>> -> memref<64x128xf32, #tpu.memory_space<hbm>>
      %dma_start3A_88 = arith.constant 0 : i32
      %dma_start3A_89 = tpu.memref_slice %arg6[%arg0, %add3A_60, %dma_start3A_88] : memref<2x5120x128xf32, #tpu.memory_space<hbm>> -> memref<1x64x128xf32, #tpu.memory_space<hbm>>
      %dma_start3A_90 = tpu.memref_squeeze %dma_start3A_89 : memref<1x64x128xf32, #tpu.memory_space<hbm>> -> memref<64x128xf32, #tpu.memory_space<hbm>>
      tpu.enqueue_dma source(%arg12 : memref<64x128xf32, #tpu.memory_space<vmem>>) target(%dma_start3A_90 : memref<64x128xf32, #tpu.memory_space<hbm>>) target_semaphore(%run_scoped3A : memref<!tpu.dma_semaphore, #tpu.memory_space<semaphore_mem>>)
      %dma_wait3A = arith.constant 0 : i32
      %dma_wait3A_91 = tpu.memref_slice %arg6[%arg0, %add3A_60, %dma_wait3A] : memref<2x5120x128xf32, #tpu.memory_space<hbm>> -> memref<1x64x128xf32, #tpu.memory_space<hbm>>
      %dma_wait3A_92 = tpu.memref_squeeze %dma_wait3A_91 : memref<1x64x128xf32, #tpu.memory_space<hbm>> -> memref<64x128xf32, #tpu.memory_space<hbm>>
      %dma_wait3A_93 = arith.constant 0 : i32
      %dma_wait3A_94 = tpu.memref_slice %arg6[%arg0, %add3A_60, %dma_wait3A_93] : memref<2x5120x128xf32, #tpu.memory_space<hbm>> -> memref<1x64x128xf32, #tpu.memory_space<hbm>>
      %dma_wait3A_95 = tpu.memref_squeeze %dma_wait3A_94 : memref<1x64x128xf32, #tpu.memory_space<hbm>> -> memref<64x128xf32, #tpu.memory_space<hbm>>
      tpu.wait_dma2 semaphore(%run_scoped3A : memref<!tpu.dma_semaphore, #tpu.memory_space<semaphore_mem>>) src(%arg12 : memref<64x128xf32, #tpu.memory_space<vmem>>) dst(%dma_wait3A_95 : memref<64x128xf32, #tpu.memory_space<hbm>>)
      tpu.yield
    }) : () -> ()
    %mul3A_61 = arith.constant 320 : i32
    %mul3A_62 = arith.muli %arg1, %mul3A_61 : i32
    %add3A_63 = arith.constant 128 : i32
    %add3A_64 = arith.addi %mul3A_62, %add3A_63 : i32
    "tpu.region"() ({
      %run_scoped3A = tpu.sem_alloc : memref<!tpu.dma_semaphore, #tpu.memory_space<semaphore_mem>>
      %dma_start3A_85 = arith.constant 0 : i32
      %dma_start3A_86 = tpu.memref_slice %arg13[%add3A_64, %dma_start3A_85] : memref<5128x128xf32, #tpu.memory_space<vmem_shared>> -> memref<64x128xf32, #tpu.memory_space<vmem_shared>>
      %dma_start3A_87 = arith.constant 0 : i32
      %dma_start3A_88 = tpu.memref_slice %arg13[%add3A_64, %dma_start3A_87] : memref<5128x128xf32, #tpu.memory_space<vmem_shared>> -> memref<64x128xf32, #tpu.memory_space<vmem_shared>>
      tpu.enqueue_dma source(%dma_start3A_88 : memref<64x128xf32, #tpu.memory_space<vmem_shared>>) target(%arg12 : memref<64x128xf32, #tpu.memory_space<vmem>>) target_semaphore(%run_scoped3A : memref<!tpu.dma_semaphore, #tpu.memory_space<semaphore_mem>>)
      %dma_wait3A = arith.constant 0 : i32
      %dma_wait3A_89 = tpu.memref_slice %arg13[%add3A_64, %dma_wait3A] : memref<5128x128xf32, #tpu.memory_space<vmem_shared>> -> memref<64x128xf32, #tpu.memory_space<vmem_shared>>
      %dma_wait3A_90 = arith.constant 0 : i32
      %dma_wait3A_91 = tpu.memref_slice %arg13[%add3A_64, %dma_wait3A_90] : memref<5128x128xf32, #tpu.memory_space<vmem_shared>> -> memref<64x128xf32, #tpu.memory_space<vmem_shared>>
      tpu.wait_dma2 semaphore(%run_scoped3A : memref<!tpu.dma_semaphore, #tpu.memory_space<semaphore_mem>>) src(%dma_wait3A_91 : memref<64x128xf32, #tpu.memory_space<vmem_shared>>) dst(%arg12 : memref<64x128xf32, #tpu.memory_space<vmem>>)
      tpu.yield
    }) : () -> ()
    %mul3A_65 = arith.constant 320 : i32
    %mul3A_66 = arith.muli %arg1, %mul3A_65 : i32
    %add3A_67 = arith.constant 128 : i32
    %add3A_68 = arith.addi %mul3A_66, %add3A_67 : i32
    "tpu.region"() ({
      %run_scoped3A = tpu.sem_alloc : memref<!tpu.dma_semaphore, #tpu.memory_space<semaphore_mem>>
      %dma_start3A_85 = arith.constant 0 : i32
      %dma_start3A_86 = tpu.memref_slice %arg6[%arg0, %add3A_68, %dma_start3A_85] : memref<2x5120x128xf32, #tpu.memory_space<hbm>> -> memref<1x64x128xf32, #tpu.memory_space<hbm>>
      %dma_start3A_87 = tpu.memref_squeeze %dma_start3A_86 : memref<1x64x128xf32, #tpu.memory_space<hbm>> -> memref<64x128xf32, #tpu.memory_space<hbm>>
      %dma_start3A_88 = arith.constant 0 : i32
      %dma_start3A_89 = tpu.memref_slice %arg6[%arg0, %add3A_68, %dma_start3A_88] : memref<2x5120x128xf32, #tpu.memory_space<hbm>> -> memref<1x64x128xf32, #tpu.memory_space<hbm>>
      %dma_start3A_90 = tpu.memref_squeeze %dma_start3A_89 : memref<1x64x128xf32, #tpu.memory_space<hbm>> -> memref<64x128xf32, #tpu.memory_space<hbm>>
      tpu.enqueue_dma source(%arg12 : memref<64x128xf32, #tpu.memory_space<vmem>>) target(%dma_start3A_90 : memref<64x128xf32, #tpu.memory_space<hbm>>) target_semaphore(%run_scoped3A : memref<!tpu.dma_semaphore, #tpu.memory_space<semaphore_mem>>)
      %dma_wait3A = arith.constant 0 : i32
      %dma_wait3A_91 = tpu.memref_slice %arg6[%arg0, %add3A_68, %dma_wait3A] : memref<2x5120x128xf32, #tpu.memory_space<hbm>> -> memref<1x64x128xf32, #tpu.memory_space<hbm>>
      %dma_wait3A_92 = tpu.memref_squeeze %dma_wait3A_91 : memref<1x64x128xf32, #tpu.memory_space<hbm>> -> memref<64x128xf32, #tpu.memory_space<hbm>>
      %dma_wait3A_93 = arith.constant 0 : i32
      %dma_wait3A_94 = tpu.memref_slice %arg6[%arg0, %add3A_68, %dma_wait3A_93] : memref<2x5120x128xf32, #tpu.memory_space<hbm>> -> memref<1x64x128xf32, #tpu.memory_space<hbm>>
      %dma_wait3A_95 = tpu.memref_squeeze %dma_wait3A_94 : memref<1x64x128xf32, #tpu.memory_space<hbm>> -> memref<64x128xf32, #tpu.memory_space<hbm>>
      tpu.wait_dma2 semaphore(%run_scoped3A : memref<!tpu.dma_semaphore, #tpu.memory_space<semaphore_mem>>) src(%arg12 : memref<64x128xf32, #tpu.memory_space<vmem>>) dst(%dma_wait3A_95 : memref<64x128xf32, #tpu.memory_space<hbm>>)
      tpu.yield
    }) : () -> ()
    %mul3A_69 = arith.constant 320 : i32
    %mul3A_70 = arith.muli %arg1, %mul3A_69 : i32
    %add3A_71 = arith.constant 192 : i32
    %add3A_72 = arith.addi %mul3A_70, %add3A_71 : i32
    "tpu.region"() ({
      %run_scoped3A = tpu.sem_alloc : memref<!tpu.dma_semaphore, #tpu.memory_space<semaphore_mem>>
      %dma_start3A_85 = arith.constant 0 : i32
      %dma_start3A_86 = tpu.memref_slice %arg13[%add3A_72, %dma_start3A_85] : memref<5128x128xf32, #tpu.memory_space<vmem_shared>> -> memref<64x128xf32, #tpu.memory_space<vmem_shared>>
      %dma_start3A_87 = arith.constant 0 : i32
      %dma_start3A_88 = tpu.memref_slice %arg13[%add3A_72, %dma_start3A_87] : memref<5128x128xf32, #tpu.memory_space<vmem_shared>> -> memref<64x128xf32, #tpu.memory_space<vmem_shared>>
      tpu.enqueue_dma source(%dma_start3A_88 : memref<64x128xf32, #tpu.memory_space<vmem_shared>>) target(%arg12 : memref<64x128xf32, #tpu.memory_space<vmem>>) target_semaphore(%run_scoped3A : memref<!tpu.dma_semaphore, #tpu.memory_space<semaphore_mem>>)
      %dma_wait3A = arith.constant 0 : i32
      %dma_wait3A_89 = tpu.memref_slice %arg13[%add3A_72, %dma_wait3A] : memref<5128x128xf32, #tpu.memory_space<vmem_shared>> -> memref<64x128xf32, #tpu.memory_space<vmem_shared>>
      %dma_wait3A_90 = arith.constant 0 : i32
      %dma_wait3A_91 = tpu.memref_slice %arg13[%add3A_72, %dma_wait3A_90] : memref<5128x128xf32, #tpu.memory_space<vmem_shared>> -> memref<64x128xf32, #tpu.memory_space<vmem_shared>>
      tpu.wait_dma2 semaphore(%run_scoped3A : memref<!tpu.dma_semaphore, #tpu.memory_space<semaphore_mem>>) src(%dma_wait3A_91 : memref<64x128xf32, #tpu.memory_space<vmem_shared>>) dst(%arg12 : memref<64x128xf32, #tpu.memory_space<vmem>>)
      tpu.yield
    }) : () -> ()
    %mul3A_73 = arith.constant 320 : i32
    %mul3A_74 = arith.muli %arg1, %mul3A_73 : i32
    %add3A_75 = arith.constant 192 : i32
    %add3A_76 = arith.addi %mul3A_74, %add3A_75 : i32
    "tpu.region"() ({
      %run_scoped3A = tpu.sem_alloc : memref<!tpu.dma_semaphore, #tpu.memory_space<semaphore_mem>>
      %dma_start3A_85 = arith.constant 0 : i32
      %dma_start3A_86 = tpu.memref_slice %arg6[%arg0, %add3A_76, %dma_start3A_85] : memref<2x5120x128xf32, #tpu.memory_space<hbm>> -> memref<1x64x128xf32, #tpu.memory_space<hbm>>
      %dma_start3A_87 = tpu.memref_squeeze %dma_start3A_86 : memref<1x64x128xf32, #tpu.memory_space<hbm>> -> memref<64x128xf32, #tpu.memory_space<hbm>>
      %dma_start3A_88 = arith.constant 0 : i32
      %dma_start3A_89 = tpu.memref_slice %arg6[%arg0, %add3A_76, %dma_start3A_88] : memref<2x5120x128xf32, #tpu.memory_space<hbm>> -> memref<1x64x128xf32, #tpu.memory_space<hbm>>
      %dma_start3A_90 = tpu.memref_squeeze %dma_start3A_89 : memref<1x64x128xf32, #tpu.memory_space<hbm>> -> memref<64x128xf32, #tpu.memory_space<hbm>>
      tpu.enqueue_dma source(%arg12 : memref<64x128xf32, #tpu.memory_space<vmem>>) target(%dma_start3A_90 : memref<64x128xf32, #tpu.memory_space<hbm>>) target_semaphore(%run_scoped3A : memref<!tpu.dma_semaphore, #tpu.memory_space<semaphore_mem>>)
      %dma_wait3A = arith.constant 0 : i32
      %dma_wait3A_91 = tpu.memref_slice %arg6[%arg0, %add3A_76, %dma_wait3A] : memref<2x5120x128xf32, #tpu.memory_space<hbm>> -> memref<1x64x128xf32, #tpu.memory_space<hbm>>
      %dma_wait3A_92 = tpu.memref_squeeze %dma_wait3A_91 : memref<1x64x128xf32, #tpu.memory_space<hbm>> -> memref<64x128xf32, #tpu.memory_space<hbm>>
      %dma_wait3A_93 = arith.constant 0 : i32
      %dma_wait3A_94 = tpu.memref_slice %arg6[%arg0, %add3A_76, %dma_wait3A_93] : memref<2x5120x128xf32, #tpu.memory_space<hbm>> -> memref<1x64x128xf32, #tpu.memory_space<hbm>>
      %dma_wait3A_95 = tpu.memref_squeeze %dma_wait3A_94 : memref<1x64x128xf32, #tpu.memory_space<hbm>> -> memref<64x128xf32, #tpu.memory_space<hbm>>
      tpu.wait_dma2 semaphore(%run_scoped3A : memref<!tpu.dma_semaphore, #tpu.memory_space<semaphore_mem>>) src(%arg12 : memref<64x128xf32, #tpu.memory_space<vmem>>) dst(%dma_wait3A_95 : memref<64x128xf32, #tpu.memory_space<hbm>>)
      tpu.yield
    }) : () -> ()
    %mul3A_77 = arith.constant 320 : i32
    %mul3A_78 = arith.muli %arg1, %mul3A_77 : i32
    %add3A_79 = arith.constant 256 : i32
    %add3A_80 = arith.addi %mul3A_78, %add3A_79 : i32
    "tpu.region"() ({
      %run_scoped3A = tpu.sem_alloc : memref<!tpu.dma_semaphore, #tpu.memory_space<semaphore_mem>>
      %dma_start3A_85 = arith.constant 0 : i32
      %dma_start3A_86 = tpu.memref_slice %arg13[%add3A_80, %dma_start3A_85] : memref<5128x128xf32, #tpu.memory_space<vmem_shared>> -> memref<64x128xf32, #tpu.memory_space<vmem_shared>>
      %dma_start3A_87 = arith.constant 0 : i32
      %dma_start3A_88 = tpu.memref_slice %arg13[%add3A_80, %dma_start3A_87] : memref<5128x128xf32, #tpu.memory_space<vmem_shared>> -> memref<64x128xf32, #tpu.memory_space<vmem_shared>>
      tpu.enqueue_dma source(%dma_start3A_88 : memref<64x128xf32, #tpu.memory_space<vmem_shared>>) target(%arg12 : memref<64x128xf32, #tpu.memory_space<vmem>>) target_semaphore(%run_scoped3A : memref<!tpu.dma_semaphore, #tpu.memory_space<semaphore_mem>>)
      %dma_wait3A = arith.constant 0 : i32
      %dma_wait3A_89 = tpu.memref_slice %arg13[%add3A_80, %dma_wait3A] : memref<5128x128xf32, #tpu.memory_space<vmem_shared>> -> memref<64x128xf32, #tpu.memory_space<vmem_shared>>
      %dma_wait3A_90 = arith.constant 0 : i32
      %dma_wait3A_91 = tpu.memref_slice %arg13[%add3A_80, %dma_wait3A_90] : memref<5128x128xf32, #tpu.memory_space<vmem_shared>> -> memref<64x128xf32, #tpu.memory_space<vmem_shared>>
      tpu.wait_dma2 semaphore(%run_scoped3A : memref<!tpu.dma_semaphore, #tpu.memory_space<semaphore_mem>>) src(%dma_wait3A_91 : memref<64x128xf32, #tpu.memory_space<vmem_shared>>) dst(%arg12 : memref<64x128xf32, #tpu.memory_space<vmem>>)
      tpu.yield
    }) : () -> ()
    %mul3A_81 = arith.constant 320 : i32
    %mul3A_82 = arith.muli %arg1, %mul3A_81 : i32
    %add3A_83 = arith.constant 256 : i32
    %add3A_84 = arith.addi %mul3A_82, %add3A_83 : i32
    "tpu.region"() ({
      %run_scoped3A = tpu.sem_alloc : memref<!tpu.dma_semaphore, #tpu.memory_space<semaphore_mem>>
      %dma_start3A_85 = arith.constant 0 : i32
      %dma_start3A_86 = tpu.memref_slice %arg6[%arg0, %add3A_84, %dma_start3A_85] : memref<2x5120x128xf32, #tpu.memory_space<hbm>> -> memref<1x64x128xf32, #tpu.memory_space<hbm>>
      %dma_start3A_87 = tpu.memref_squeeze %dma_start3A_86 : memref<1x64x128xf32, #tpu.memory_space<hbm>> -> memref<64x128xf32, #tpu.memory_space<hbm>>
      %dma_start3A_88 = arith.constant 0 : i32
      %dma_start3A_89 = tpu.memref_slice %arg6[%arg0, %add3A_84, %dma_start3A_88] : memref<2x5120x128xf32, #tpu.memory_space<hbm>> -> memref<1x64x128xf32, #tpu.memory_space<hbm>>
      %dma_start3A_90 = tpu.memref_squeeze %dma_start3A_89 : memref<1x64x128xf32, #tpu.memory_space<hbm>> -> memref<64x128xf32, #tpu.memory_space<hbm>>
      tpu.enqueue_dma source(%arg12 : memref<64x128xf32, #tpu.memory_space<vmem>>) target(%dma_start3A_90 : memref<64x128xf32, #tpu.memory_space<hbm>>) target_semaphore(%run_scoped3A : memref<!tpu.dma_semaphore, #tpu.memory_space<semaphore_mem>>)
      %dma_wait3A = arith.constant 0 : i32
      %dma_wait3A_91 = tpu.memref_slice %arg6[%arg0, %add3A_84, %dma_wait3A] : memref<2x5120x128xf32, #tpu.memory_space<hbm>> -> memref<1x64x128xf32, #tpu.memory_space<hbm>>
      %dma_wait3A_92 = tpu.memref_squeeze %dma_wait3A_91 : memref<1x64x128xf32, #tpu.memory_space<hbm>> -> memref<64x128xf32, #tpu.memory_space<hbm>>
      %dma_wait3A_93 = arith.constant 0 : i32
      %dma_wait3A_94 = tpu.memref_slice %arg6[%arg0, %add3A_84, %dma_wait3A_93] : memref<2x5120x128xf32, #tpu.memory_space<hbm>> -> memref<1x64x128xf32, #tpu.memory_space<hbm>>
      %dma_wait3A_95 = tpu.memref_squeeze %dma_wait3A_94 : memref<1x64x128xf32, #tpu.memory_space<hbm>> -> memref<64x128xf32, #tpu.memory_space<hbm>>
      tpu.wait_dma2 semaphore(%run_scoped3A : memref<!tpu.dma_semaphore, #tpu.memory_space<semaphore_mem>>) src(%arg12 : memref<64x128xf32, #tpu.memory_space<vmem>>) dst(%dma_wait3A_95 : memref<64x128xf32, #tpu.memory_space<hbm>>)
      tpu.yield
    }) : () -> ()
    return
  }
}

#map = affine_map<(d0, d1) -> (0, 0)>
#map1 = affine_map<(d0, d1) -> (0, 0, 0)>
module attributes {stable_mosaic.version = 14 : i64} {
  func.func @k(%arg0: i32, %arg1: i32, %arg2: memref<10240x128xf32, #tpu.memory_space<hbm>>, %arg3: memref<16x158x128xi32, #tpu.memory_space<hbm>>, %arg4: memref<16x158x128xi32, #tpu.memory_space<hbm>>, %arg5: memref<64x128xf32, #tpu.memory_space<hbm>>, %arg6: memref<2x5120x128xf32, #tpu.memory_space<hbm>>, %arg7: memref<158x128xi32, #tpu.memory_space<vmem>>, %arg8: memref<158x128xi32, #tpu.memory_space<vmem>>, %arg9: memref<2x128xi32, #tpu.memory_space<vmem>>, %arg10: memref<128x128xf32, #tpu.memory_space<vmem>>, %arg11: memref<128x128xf32, #tpu.memory_space<vmem>>, %arg12: memref<64x128xf32, #tpu.memory_space<vmem>>, %arg13: memref<5128x128xf32, #tpu.memory_space<vmem_shared>>, %arg14: memref<!tpu.dma_semaphore, #tpu.memory_space<semaphore_mem>>, %arg15: memref<!tpu.dma_semaphore, #tpu.memory_space<semaphore_mem>>, %arg16: memref<!tpu.dma_semaphore, #tpu.memory_space<semaphore_mem>>, %arg17: memref<!tpu.dma_semaphore, #tpu.memory_space<semaphore_mem>>) attributes {dimension_semantics = [#tpu.dimension_semantics<core_parallel>, #tpu.dimension_semantics<subcore_parallel>], iteration_bounds = array<i64: 2, 16>, scalar_prefetch = 0 : i64, scratch_operands = 11 : i64, tpu.core_type = #tpu.core_type<sc_vector_subcore>, window_params = [{transform_indices = #map}, {transform_indices = #map1}, {transform_indices = #map1}, {transform_indices = #map}, {transform_indices = #map1}]} {
    %mul3A = arith.constant 5120 : i32
    %mul3A_0 = arith.muli %arg0, %mul3A : i32
    "tpu.region"() ({
      %run_scoped3A = tpu.sem_alloc : memref<!tpu.dma_semaphore, #tpu.memory_space<semaphore_mem>>
      tpu.enqueue_dma source(%arg5 : memref<64x128xf32, #tpu.memory_space<hbm>>) target(%arg12 : memref<64x128xf32, #tpu.memory_space<vmem>>) target_semaphore(%run_scoped3A : memref<!tpu.dma_semaphore, #tpu.memory_space<semaphore_mem>>)
      tpu.wait_dma2 semaphore(%run_scoped3A : memref<!tpu.dma_semaphore, #tpu.memory_space<semaphore_mem>>) src(%arg5 : memref<64x128xf32, #tpu.memory_space<hbm>>) dst(%arg12 : memref<64x128xf32, #tpu.memory_space<vmem>>)
      tpu.yield
    }) : () -> ()
    %mul3A_1 = arith.constant 320 : i32
    %mul3A_2 = arith.muli %arg1, %mul3A_1 : i32
    %add3A = arith.constant 0 : i32
    %add3A_3 = arith.addi %mul3A_2, %add3A : i32
    "tpu.region"() ({
      %run_scoped3A = tpu.sem_alloc : memref<!tpu.dma_semaphore, #tpu.memory_space<semaphore_mem>>
      %dma_start3A_85 = arith.constant 0 : i32
      %dma_start3A_86 = tpu.memref_slice %arg13[%add3A_3, %dma_start3A_85] : memref<5128x128xf32, #tpu.memory_space<vmem_shared>> -> memref<64x128xf32, #tpu.memory_space<vmem_shared>>
      %dma_start3A_87 = arith.constant 0 : i32
      %dma_start3A_88 = tpu.memref_slice %arg13[%add3A_3, %dma_start3A_87] : memref<5128x128xf32, #tpu.memory_space<vmem_shared>> -> memref<64x128xf32, #tpu.memory_space<vmem_shared>>
      tpu.enqueue_dma source(%arg12 : memref<64x128xf32, #tpu.memory_space<vmem>>) target(%dma_start3A_88 : memref<64x128xf32, #tpu.memory_space<vmem_shared>>) target_semaphore(%run_scoped3A : memref<!tpu.dma_semaphore, #tpu.memory_space<semaphore_mem>>)
      %dma_wait3A = arith.constant 0 : i32
      %dma_wait3A_89 = tpu.memref_slice %arg13[%add3A_3, %dma_wait3A] : memref<5128x128xf32, #tpu.memory_space<vmem_shared>> -> memref<64x128xf32, #tpu.memory_space<vmem_shared>>
      %dma_wait3A_90 = arith.constant 0 : i32
      %dma_wait3A_91 = tpu.memref_slice %arg13[%add3A_3, %dma_wait3A_90] : memref<5128x128xf32, #tpu.memory_space<vmem_shared>> -> memref<64x128xf32, #tpu.memory_space<vmem_shared>>
      tpu.wait_dma2 semaphore(%run_scoped3A : memref<!tpu.dma_semaphore, #tpu.memory_space<semaphore_mem>>) src(%arg12 : memref<64x128xf32, #tpu.memory_space<vmem>>) dst(%dma_wait3A_91 : memref<64x128xf32, #tpu.memory_space<vmem_shared>>)
      tpu.yield
    }) : () -> ()
    %mul3A_4 = arith.constant 320 : i32
    %mul3A_5 = arith.muli %arg1, %mul3A_4 : i32
    %add3A_6 = arith.constant 64 : i32
    %add3A_7 = arith.addi %mul3A_5, %add3A_6 : i32
    "tpu.region"() ({
      %run_scoped3A = tpu.sem_alloc : memref<!tpu.dma_semaphore, #tpu.memory_space<semaphore_mem>>
      %dma_start3A_85 = arith.constant 0 : i32
      %dma_start3A_86 = tpu.memref_slice %arg13[%add3A_7, %dma_start3A_85] : memref<5128x128xf32, #tpu.memory_space<vmem_shared>> -> memref<64x128xf32, #tpu.memory_space<vmem_shared>>
      %dma_start3A_87 = arith.constant 0 : i32
      %dma_start3A_88 = tpu.memref_slice %arg13[%add3A_7, %dma_start3A_87] : memref<5128x128xf32, #tpu.memory_space<vmem_shared>> -> memref<64x128xf32, #tpu.memory_space<vmem_shared>>
      tpu.enqueue_dma source(%arg12 : memref<64x128xf32, #tpu.memory_space<vmem>>) target(%dma_start3A_88 : memref<64x128xf32, #tpu.memory_space<vmem_shared>>) target_semaphore(%run_scoped3A : memref<!tpu.dma_semaphore, #tpu.memory_space<semaphore_mem>>)
      %dma_wait3A = arith.constant 0 : i32
      %dma_wait3A_89 = tpu.memref_slice %arg13[%add3A_7, %dma_wait3A] : memref<5128x128xf32, #tpu.memory_space<vmem_shared>> -> memref<64x128xf32, #tpu.memory_space<vmem_shared>>
      %dma_wait3A_90 = arith.constant 0 : i32
      %dma_wait3A_91 = tpu.memref_slice %arg13[%add3A_7, %dma_wait3A_90] : memref<5128x128xf32, #tpu.memory_space<vmem_shared>> -> memref<64x128xf32, #tpu.memory_space<vmem_shared>>
      tpu.wait_dma2 semaphore(%run_scoped3A : memref<!tpu.dma_semaphore, #tpu.memory_space<semaphore_mem>>) src(%arg12 : memref<64x128xf32, #tpu.memory_space<vmem>>) dst(%dma_wait3A_91 : memref<64x128xf32, #tpu.memory_space<vmem_shared>>)
      tpu.yield
    }) : () -> ()
    %mul3A_8 = arith.constant 320 : i32
    %mul3A_9 = arith.muli %arg1, %mul3A_8 : i32
    %add3A_10 = arith.constant 128 : i32
    %add3A_11 = arith.addi %mul3A_9, %add3A_10 : i32
    "tpu.region"() ({
      %run_scoped3A = tpu.sem_alloc : memref<!tpu.dma_semaphore, #tpu.memory_space<semaphore_mem>>
      %dma_start3A_85 = arith.constant 0 : i32
      %dma_start3A_86 = tpu.memref_slice %arg13[%add3A_11, %dma_start3A_85] : memref<5128x128xf32, #tpu.memory_space<vmem_shared>> -> memref<64x128xf32, #tpu.memory_space<vmem_shared>>
      %dma_start3A_87 = arith.constant 0 : i32
      %dma_start3A_88 = tpu.memref_slice %arg13[%add3A_11, %dma_start3A_87] : memref<5128x128xf32, #tpu.memory_space<vmem_shared>> -> memref<64x128xf32, #tpu.memory_space<vmem_shared>>
      tpu.enqueue_dma source(%arg12 : memref<64x128xf32, #tpu.memory_space<vmem>>) target(%dma_start3A_88 : memref<64x128xf32, #tpu.memory_space<vmem_shared>>) target_semaphore(%run_scoped3A : memref<!tpu.dma_semaphore, #tpu.memory_space<semaphore_mem>>)
      %dma_wait3A = arith.constant 0 : i32
      %dma_wait3A_89 = tpu.memref_slice %arg13[%add3A_11, %dma_wait3A] : memref<5128x128xf32, #tpu.memory_space<vmem_shared>> -> memref<64x128xf32, #tpu.memory_space<vmem_shared>>
      %dma_wait3A_90 = arith.constant 0 : i32
      %dma_wait3A_91 = tpu.memref_slice %arg13[%add3A_11, %dma_wait3A_90] : memref<5128x128xf32, #tpu.memory_space<vmem_shared>> -> memref<64x128xf32, #tpu.memory_space<vmem_shared>>
      tpu.wait_dma2 semaphore(%run_scoped3A : memref<!tpu.dma_semaphore, #tpu.memory_space<semaphore_mem>>) src(%arg12 : memref<64x128xf32, #tpu.memory_space<vmem>>) dst(%dma_wait3A_91 : memref<64x128xf32, #tpu.memory_space<vmem_shared>>)
      tpu.yield
    }) : () -> ()
    %mul3A_12 = arith.constant 320 : i32
    %mul3A_13 = arith.muli %arg1, %mul3A_12 : i32
    %add3A_14 = arith.constant 192 : i32
    %add3A_15 = arith.addi %mul3A_13, %add3A_14 : i32
    "tpu.region"() ({
      %run_scoped3A = tpu.sem_alloc : memref<!tpu.dma_semaphore, #tpu.memory_space<semaphore_mem>>
      %dma_start3A_85 = arith.constant 0 : i32
      %dma_start3A_86 = tpu.memref_slice %arg13[%add3A_15, %dma_start3A_85] : memref<5128x128xf32, #tpu.memory_space<vmem_shared>> -> memref<64x128xf32, #tpu.memory_space<vmem_shared>>
      %dma_start3A_87 = arith.constant 0 : i32
      %dma_start3A_88 = tpu.memref_slice %arg13[%add3A_15, %dma_start3A_87] : memref<5128x128xf32, #tpu.memory_space<vmem_shared>> -> memref<64x128xf32, #tpu.memory_space<vmem_shared>>
      tpu.enqueue_dma source(%arg12 : memref<64x128xf32, #tpu.memory_space<vmem>>) target(%dma_start3A_88 : memref<64x128xf32, #tpu.memory_space<vmem_shared>>) target_semaphore(%run_scoped3A : memref<!tpu.dma_semaphore, #tpu.memory_space<semaphore_mem>>)
      %dma_wait3A = arith.constant 0 : i32
      %dma_wait3A_89 = tpu.memref_slice %arg13[%add3A_15, %dma_wait3A] : memref<5128x128xf32, #tpu.memory_space<vmem_shared>> -> memref<64x128xf32, #tpu.memory_space<vmem_shared>>
      %dma_wait3A_90 = arith.constant 0 : i32
      %dma_wait3A_91 = tpu.memref_slice %arg13[%add3A_15, %dma_wait3A_90] : memref<5128x128xf32, #tpu.memory_space<vmem_shared>> -> memref<64x128xf32, #tpu.memory_space<vmem_shared>>
      tpu.wait_dma2 semaphore(%run_scoped3A : memref<!tpu.dma_semaphore, #tpu.memory_space<semaphore_mem>>) src(%arg12 : memref<64x128xf32, #tpu.memory_space<vmem>>) dst(%dma_wait3A_91 : memref<64x128xf32, #tpu.memory_space<vmem_shared>>)
      tpu.yield
    }) : () -> ()
    %mul3A_16 = arith.constant 320 : i32
    %mul3A_17 = arith.muli %arg1, %mul3A_16 : i32
    %add3A_18 = arith.constant 256 : i32
    %add3A_19 = arith.addi %mul3A_17, %add3A_18 : i32
    "tpu.region"() ({
      %run_scoped3A = tpu.sem_alloc : memref<!tpu.dma_semaphore, #tpu.memory_space<semaphore_mem>>
      %dma_start3A_85 = arith.constant 0 : i32
      %dma_start3A_86 = tpu.memref_slice %arg13[%add3A_19, %dma_start3A_85] : memref<5128x128xf32, #tpu.memory_space<vmem_shared>> -> memref<64x128xf32, #tpu.memory_space<vmem_shared>>
      %dma_start3A_87 = arith.constant 0 : i32
      %dma_start3A_88 = tpu.memref_slice %arg13[%add3A_19, %dma_start3A_87] : memref<5128x128xf32, #tpu.memory_space<vmem_shared>> -> memref<64x128xf32, #tpu.memory_space<vmem_shared>>
      tpu.enqueue_dma source(%arg12 : memref<64x128xf32, #tpu.memory_space<vmem>>) target(%dma_start3A_88 : memref<64x128xf32, #tpu.memory_space<vmem_shared>>) target_semaphore(%run_scoped3A : memref<!tpu.dma_semaphore, #tpu.memory_space<semaphore_mem>>)
      %dma_wait3A = arith.constant 0 : i32
      %dma_wait3A_89 = tpu.memref_slice %arg13[%add3A_19, %dma_wait3A] : memref<5128x128xf32, #tpu.memory_space<vmem_shared>> -> memref<64x128xf32, #tpu.memory_space<vmem_shared>>
      %dma_wait3A_90 = arith.constant 0 : i32
      %dma_wait3A_91 = tpu.memref_slice %arg13[%add3A_19, %dma_wait3A_90] : memref<5128x128xf32, #tpu.memory_space<vmem_shared>> -> memref<64x128xf32, #tpu.memory_space<vmem_shared>>
      tpu.wait_dma2 semaphore(%run_scoped3A : memref<!tpu.dma_semaphore, #tpu.memory_space<semaphore_mem>>) src(%arg12 : memref<64x128xf32, #tpu.memory_space<vmem>>) dst(%dma_wait3A_91 : memref<64x128xf32, #tpu.memory_space<vmem_shared>>)
      tpu.yield
    }) : () -> ()
    "tpu.region"() ({
      %run_scoped3A = tpu.sem_alloc : memref<!tpu.dma_semaphore, #tpu.memory_space<semaphore_mem>>
      %dma_start3A_85 = arith.constant 0 : i32
      %dma_start3A_86 = arith.constant 0 : i32
      %dma_start3A_87 = tpu.memref_slice %arg3[%arg1, %dma_start3A_85, %dma_start3A_86] : memref<16x158x128xi32, #tpu.memory_space<hbm>> -> memref<1x158x128xi32, #tpu.memory_space<hbm>>
      %dma_start3A_88 = tpu.memref_squeeze %dma_start3A_87 : memref<1x158x128xi32, #tpu.memory_space<hbm>> -> memref<158x128xi32, #tpu.memory_space<hbm>>
      %dma_start3A_89 = arith.constant 0 : i32
      %dma_start3A_90 = arith.constant 0 : i32
      %dma_start3A_91 = tpu.memref_slice %arg3[%arg1, %dma_start3A_89, %dma_start3A_90] : memref<16x158x128xi32, #tpu.memory_space<hbm>> -> memref<1x158x128xi32, #tpu.memory_space<hbm>>
      %dma_start3A_92 = tpu.memref_squeeze %dma_start3A_91 : memref<1x158x128xi32, #tpu.memory_space<hbm>> -> memref<158x128xi32, #tpu.memory_space<hbm>>
      tpu.enqueue_dma source(%dma_start3A_92 : memref<158x128xi32, #tpu.memory_space<hbm>>) target(%arg7 : memref<158x128xi32, #tpu.memory_space<vmem>>) target_semaphore(%run_scoped3A : memref<!tpu.dma_semaphore, #tpu.memory_space<semaphore_mem>>)
      %dma_wait3A = arith.constant 0 : i32
      %dma_wait3A_93 = arith.constant 0 : i32
      %dma_wait3A_94 = tpu.memref_slice %arg3[%arg1, %dma_wait3A, %dma_wait3A_93] : memref<16x158x128xi32, #tpu.memory_space<hbm>> -> memref<1x158x128xi32, #tpu.memory_space<hbm>>
      %dma_wait3A_95 = tpu.memref_squeeze %dma_wait3A_94 : memref<1x158x128xi32, #tpu.memory_space<hbm>> -> memref<158x128xi32, #tpu.memory_space<hbm>>
      %dma_wait3A_96 = arith.constant 0 : i32
      %dma_wait3A_97 = arith.constant 0 : i32
      %dma_wait3A_98 = tpu.memref_slice %arg3[%arg1, %dma_wait3A_96, %dma_wait3A_97] : memref<16x158x128xi32, #tpu.memory_space<hbm>> -> memref<1x158x128xi32, #tpu.memory_space<hbm>>
      %dma_wait3A_99 = tpu.memref_squeeze %dma_wait3A_98 : memref<1x158x128xi32, #tpu.memory_space<hbm>> -> memref<158x128xi32, #tpu.memory_space<hbm>>
      tpu.wait_dma2 semaphore(%run_scoped3A : memref<!tpu.dma_semaphore, #tpu.memory_space<semaphore_mem>>) src(%dma_wait3A_99 : memref<158x128xi32, #tpu.memory_space<hbm>>) dst(%arg7 : memref<158x128xi32, #tpu.memory_space<vmem>>)
      tpu.yield
    }) : () -> ()
    "tpu.region"() ({
      %run_scoped3A = tpu.sem_alloc : memref<!tpu.dma_semaphore, #tpu.memory_space<semaphore_mem>>
      %dma_start3A_85 = arith.constant 0 : i32
      %dma_start3A_86 = arith.constant 0 : i32
      %dma_start3A_87 = tpu.memref_slice %arg4[%arg1, %dma_start3A_85, %dma_start3A_86] : memref<16x158x128xi32, #tpu.memory_space<hbm>> -> memref<1x158x128xi32, #tpu.memory_space<hbm>>
      %dma_start3A_88 = tpu.memref_squeeze %dma_start3A_87 : memref<1x158x128xi32, #tpu.memory_space<hbm>> -> memref<158x128xi32, #tpu.memory_space<hbm>>
      %dma_start3A_89 = arith.constant 0 : i32
      %dma_start3A_90 = arith.constant 0 : i32
      %dma_start3A_91 = tpu.memref_slice %arg4[%arg1, %dma_start3A_89, %dma_start3A_90] : memref<16x158x128xi32, #tpu.memory_space<hbm>> -> memref<1x158x128xi32, #tpu.memory_space<hbm>>
      %dma_start3A_92 = tpu.memref_squeeze %dma_start3A_91 : memref<1x158x128xi32, #tpu.memory_space<hbm>> -> memref<158x128xi32, #tpu.memory_space<hbm>>
      tpu.enqueue_dma source(%dma_start3A_92 : memref<158x128xi32, #tpu.memory_space<hbm>>) target(%arg8 : memref<158x128xi32, #tpu.memory_space<vmem>>) target_semaphore(%run_scoped3A : memref<!tpu.dma_semaphore, #tpu.memory_space<semaphore_mem>>)
      %dma_wait3A = arith.constant 0 : i32
      %dma_wait3A_93 = arith.constant 0 : i32
      %dma_wait3A_94 = tpu.memref_slice %arg4[%arg1, %dma_wait3A, %dma_wait3A_93] : memref<16x158x128xi32, #tpu.memory_space<hbm>> -> memref<1x158x128xi32, #tpu.memory_space<hbm>>
      %dma_wait3A_95 = tpu.memref_squeeze %dma_wait3A_94 : memref<1x158x128xi32, #tpu.memory_space<hbm>> -> memref<158x128xi32, #tpu.memory_space<hbm>>
      %dma_wait3A_96 = arith.constant 0 : i32
      %dma_wait3A_97 = arith.constant 0 : i32
      %dma_wait3A_98 = tpu.memref_slice %arg4[%arg1, %dma_wait3A_96, %dma_wait3A_97] : memref<16x158x128xi32, #tpu.memory_space<hbm>> -> memref<1x158x128xi32, #tpu.memory_space<hbm>>
      %dma_wait3A_99 = tpu.memref_squeeze %dma_wait3A_98 : memref<1x158x128xi32, #tpu.memory_space<hbm>> -> memref<158x128xi32, #tpu.memory_space<hbm>>
      tpu.wait_dma2 semaphore(%run_scoped3A : memref<!tpu.dma_semaphore, #tpu.memory_space<semaphore_mem>>) src(%dma_wait3A_99 : memref<158x128xi32, #tpu.memory_space<hbm>>) dst(%arg8 : memref<158x128xi32, #tpu.memory_space<vmem>>)
      tpu.yield
    }) : () -> ()
    %scan3A = arith.constant 0 : i32
    %scan3A_20 = arith.constant 0 : i32
    %scan3A_21 = arith.constant 158 : i32
    %scan3A_22 = arith.addi %scan3A_20, %scan3A_21 : i32
    %scan3A_23 = arith.constant 1 : i32
    scf.for %scan3A_85 = %scan3A_20 to %scan3A_22 step %scan3A_23  : i32 {
      %get3A = arith.index_cast %scan3A_85 : i32 to index
      %get3A_86 = arith.constant 0 : index
      %get3A_87 = tpu.vector_load %arg8[%get3A, %get3A_86] {strides = array<i32>} : memref<158x128xi32, #tpu.memory_space<vmem>>, vector<1x16xi32>,
      %get3A_88 = vector.shape_cast %get3A_87 : vector<1x16xi32> to vector<16xi32>
      %sub3A = vector.broadcast %mul3A_0 : i32 to vector<16xi32>
      %sub3A_89 = arith.subi %get3A_88, %sub3A : vector<16xi32>
      %swap3A = arith.index_cast %scan3A_85 : i32 to index
      %swap3A_90 = arith.constant 0 : index
      %swap3A_91 = tpu.vector_load %arg8[%swap3A, %swap3A_90] {strides = array<i32>} : memref<158x128xi32, #tpu.memory_space<vmem>>, vector<1x16xi32>,
      %swap3A_92 = vector.shape_cast %swap3A_91 : vector<1x16xi32> to vector<16xi32>
      %swap3A_93 = vector.shape_cast %sub3A_89 : vector<16xi32> to vector<1x16xi32>
      tpu.vector_store %arg8[%swap3A, %swap3A_90], %swap3A_93 {strides = array<i32>} : memref<158x128xi32, #tpu.memory_space<vmem>>, vector<1x16xi32>,
      %get3A_94 = arith.index_cast %scan3A_85 : i32 to index
      %get3A_95 = arith.constant 16 : index
      %get3A_96 = tpu.vector_load %arg8[%get3A_94, %get3A_95] {strides = array<i32>} : memref<158x128xi32, #tpu.memory_space<vmem>>, vector<1x16xi32>,
      %get3A_97 = vector.shape_cast %get3A_96 : vector<1x16xi32> to vector<16xi32>
      %sub3A_98 = vector.broadcast %mul3A_0 : i32 to vector<16xi32>
      %sub3A_99 = arith.subi %get3A_97, %sub3A_98 : vector<16xi32>
      %swap3A_100 = arith.index_cast %scan3A_85 : i32 to index
      %swap3A_101 = arith.constant 16 : index
      %swap3A_102 = tpu.vector_load %arg8[%swap3A_100, %swap3A_101] {strides = array<i32>} : memref<158x128xi32, #tpu.memory_space<vmem>>, vector<1x16xi32>,
      %swap3A_103 = vector.shape_cast %swap3A_102 : vector<1x16xi32> to vector<16xi32>
      %swap3A_104 = vector.shape_cast %sub3A_99 : vector<16xi32> to vector<1x16xi32>
      tpu.vector_store %arg8[%swap3A_100, %swap3A_101], %swap3A_104 {strides = array<i32>} : memref<158x128xi32, #tpu.memory_space<vmem>>, vector<1x16xi32>,
      %get3A_105 = arith.index_cast %scan3A_85 : i32 to index
      %get3A_106 = arith.constant 32 : index
      %get3A_107 = tpu.vector_load %arg8[%get3A_105, %get3A_106] {strides = array<i32>} : memref<158x128xi32, #tpu.memory_space<vmem>>, vector<1x16xi32>,
      %get3A_108 = vector.shape_cast %get3A_107 : vector<1x16xi32> to vector<16xi32>
      %sub3A_109 = vector.broadcast %mul3A_0 : i32 to vector<16xi32>
      %sub3A_110 = arith.subi %get3A_108, %sub3A_109 : vector<16xi32>
      %swap3A_111 = arith.index_cast %scan3A_85 : i32 to index
      %swap3A_112 = arith.constant 32 : index
      %swap3A_113 = tpu.vector_load %arg8[%swap3A_111, %swap3A_112] {strides = array<i32>} : memref<158x128xi32, #tpu.memory_space<vmem>>, vector<1x16xi32>,
      %swap3A_114 = vector.shape_cast %swap3A_113 : vector<1x16xi32> to vector<16xi32>
      %swap3A_115 = vector.shape_cast %sub3A_110 : vector<16xi32> to vector<1x16xi32>
      tpu.vector_store %arg8[%swap3A_111, %swap3A_112], %swap3A_115 {strides = array<i32>} : memref<158x128xi32, #tpu.memory_space<vmem>>, vector<1x16xi32>,
      %get3A_116 = arith.index_cast %scan3A_85 : i32 to index
      %get3A_117 = arith.constant 48 : index
      %get3A_118 = tpu.vector_load %arg8[%get3A_116, %get3A_117] {strides = array<i32>} : memref<158x128xi32, #tpu.memory_space<vmem>>, vector<1x16xi32>,
      %get3A_119 = vector.shape_cast %get3A_118 : vector<1x16xi32> to vector<16xi32>
      %sub3A_120 = vector.broadcast %mul3A_0 : i32 to vector<16xi32>
      %sub3A_121 = arith.subi %get3A_119, %sub3A_120 : vector<16xi32>
      %swap3A_122 = arith.index_cast %scan3A_85 : i32 to index
      %swap3A_123 = arith.constant 48 : index
      %swap3A_124 = tpu.vector_load %arg8[%swap3A_122, %swap3A_123] {strides = array<i32>} : memref<158x128xi32, #tpu.memory_space<vmem>>, vector<1x16xi32>,
      %swap3A_125 = vector.shape_cast %swap3A_124 : vector<1x16xi32> to vector<16xi32>
      %swap3A_126 = vector.shape_cast %sub3A_121 : vector<16xi32> to vector<1x16xi32>
      tpu.vector_store %arg8[%swap3A_122, %swap3A_123], %swap3A_126 {strides = array<i32>} : memref<158x128xi32, #tpu.memory_space<vmem>>, vector<1x16xi32>,
      %get3A_127 = arith.index_cast %scan3A_85 : i32 to index
      %get3A_128 = arith.constant 64 : index
      %get3A_129 = tpu.vector_load %arg8[%get3A_127, %get3A_128] {strides = array<i32>} : memref<158x128xi32, #tpu.memory_space<vmem>>, vector<1x16xi32>,
      %get3A_130 = vector.shape_cast %get3A_129 : vector<1x16xi32> to vector<16xi32>
      %sub3A_131 = vector.broadcast %mul3A_0 : i32 to vector<16xi32>
      %sub3A_132 = arith.subi %get3A_130, %sub3A_131 : vector<16xi32>
      %swap3A_133 = arith.index_cast %scan3A_85 : i32 to index
      %swap3A_134 = arith.constant 64 : index
      %swap3A_135 = tpu.vector_load %arg8[%swap3A_133, %swap3A_134] {strides = array<i32>} : memref<158x128xi32, #tpu.memory_space<vmem>>, vector<1x16xi32>,
      %swap3A_136 = vector.shape_cast %swap3A_135 : vector<1x16xi32> to vector<16xi32>
      %swap3A_137 = vector.shape_cast %sub3A_132 : vector<16xi32> to vector<1x16xi32>
      tpu.vector_store %arg8[%swap3A_133, %swap3A_134], %swap3A_137 {strides = array<i32>} : memref<158x128xi32, #tpu.memory_space<vmem>>, vector<1x16xi32>,
      %get3A_138 = arith.index_cast %scan3A_85 : i32 to index
      %get3A_139 = arith.constant 80 : index
      %get3A_140 = tpu.vector_load %arg8[%get3A_138, %get3A_139] {strides = array<i32>} : memref<158x128xi32, #tpu.memory_space<vmem>>, vector<1x16xi32>,
      %get3A_141 = vector.shape_cast %get3A_140 : vector<1x16xi32> to vector<16xi32>
      %sub3A_142 = vector.broadcast %mul3A_0 : i32 to vector<16xi32>
      %sub3A_143 = arith.subi %get3A_141, %sub3A_142 : vector<16xi32>
      %swap3A_144 = arith.index_cast %scan3A_85 : i32 to index
      %swap3A_145 = arith.constant 80 : index
      %swap3A_146 = tpu.vector_load %arg8[%swap3A_144, %swap3A_145] {strides = array<i32>} : memref<158x128xi32, #tpu.memory_space<vmem>>, vector<1x16xi32>,
      %swap3A_147 = vector.shape_cast %swap3A_146 : vector<1x16xi32> to vector<16xi32>
      %swap3A_148 = vector.shape_cast %sub3A_143 : vector<16xi32> to vector<1x16xi32>
      tpu.vector_store %arg8[%swap3A_144, %swap3A_145], %swap3A_148 {strides = array<i32>} : memref<158x128xi32, #tpu.memory_space<vmem>>, vector<1x16xi32>,
      %get3A_149 = arith.index_cast %scan3A_85 : i32 to index
      %get3A_150 = arith.constant 96 : index
      %get3A_151 = tpu.vector_load %arg8[%get3A_149, %get3A_150] {strides = array<i32>} : memref<158x128xi32, #tpu.memory_space<vmem>>, vector<1x16xi32>,
      %get3A_152 = vector.shape_cast %get3A_151 : vector<1x16xi32> to vector<16xi32>
      %sub3A_153 = vector.broadcast %mul3A_0 : i32 to vector<16xi32>
      %sub3A_154 = arith.subi %get3A_152, %sub3A_153 : vector<16xi32>
      %swap3A_155 = arith.index_cast %scan3A_85 : i32 to index
      %swap3A_156 = arith.constant 96 : index
      %swap3A_157 = tpu.vector_load %arg8[%swap3A_155, %swap3A_156] {strides = array<i32>} : memref<158x128xi32, #tpu.memory_space<vmem>>, vector<1x16xi32>,
      %swap3A_158 = vector.shape_cast %swap3A_157 : vector<1x16xi32> to vector<16xi32>
      %swap3A_159 = vector.shape_cast %sub3A_154 : vector<16xi32> to vector<1x16xi32>
      tpu.vector_store %arg8[%swap3A_155, %swap3A_156], %swap3A_159 {strides = array<i32>} : memref<158x128xi32, #tpu.memory_space<vmem>>, vector<1x16xi32>,
      %get3A_160 = arith.index_cast %scan3A_85 : i32 to index
      %get3A_161 = arith.constant 112 : index
      %get3A_162 = tpu.vector_load %arg8[%get3A_160, %get3A_161] {strides = array<i32>} : memref<158x128xi32, #tpu.memory_space<vmem>>, vector<1x16xi32>,
      %get3A_163 = vector.shape_cast %get3A_162 : vector<1x16xi32> to vector<16xi32>
      %sub3A_164 = vector.broadcast %mul3A_0 : i32 to vector<16xi32>
      %sub3A_165 = arith.subi %get3A_163, %sub3A_164 : vector<16xi32>
      %swap3A_166 = arith.index_cast %scan3A_85 : i32 to index
      %swap3A_167 = arith.constant 112 : index
      %swap3A_168 = tpu.vector_load %arg8[%swap3A_166, %swap3A_167] {strides = array<i32>} : memref<158x128xi32, #tpu.memory_space<vmem>>, vector<1x16xi32>,
      %swap3A_169 = vector.shape_cast %swap3A_168 : vector<1x16xi32> to vector<16xi32>
      %swap3A_170 = vector.shape_cast %sub3A_165 : vector<16xi32> to vector<1x16xi32>
      tpu.vector_store %arg8[%swap3A_166, %swap3A_167], %swap3A_170 {strides = array<i32>} : memref<158x128xi32, #tpu.memory_space<vmem>>, vector<1x16xi32>,
    }
    %scan3A_24 = arith.constant 158 : i32
    %barrier3A = arith.constant 0 : index
    tpu.barrier barrier_id(%barrier3A)
    %dma_start3A = arith.constant 0 : i32
    %dma_start3A_25 = arith.constant 0 : i32
    %dma_start3A_26 = tpu.memref_slice %arg7[%dma_start3A, %dma_start3A_25] : memref<158x128xi32, #tpu.memory_space<vmem>> -> memref<1x128xi32, #tpu.memory_space<vmem>>
    %dma_start3A_27 = tpu.memref_squeeze %dma_start3A_26 : memref<1x128xi32, #tpu.memory_space<vmem>> -> memref<128xi32, #tpu.memory_space<vmem>>
    %dma_start3A_28 = arith.constant 0 : i32
    %dma_start3A_29 = arith.constant 0 : i32
    %dma_start3A_30 = tpu.memref_slice %arg2[%dma_start3A_28, %dma_start3A_29] : memref<10240x128xf32, #tpu.memory_space<hbm>> -> memref<10240x128xf32, #tpu.memory_space<hbm>>
    tpu.enqueue_indirect_dma source(%dma_start3A_30 : memref<10240x128xf32, #tpu.memory_space<hbm>>) target(%arg10 : memref<128x128xf32, #tpu.memory_space<vmem>>) offsets(%dma_start3A_27 : memref<128xi32, #tpu.memory_space<vmem>>) semaphore(%arg14 : memref<!tpu.dma_semaphore, #tpu.memory_space<semaphore_mem>>)
    %dma_start3A_31 = arith.constant 1 : i32
    %dma_start3A_32 = arith.constant 0 : i32
    %dma_start3A_33 = tpu.memref_slice %arg7[%dma_start3A_31, %dma_start3A_32] : memref<158x128xi32, #tpu.memory_space<vmem>> -> memref<1x128xi32, #tpu.memory_space<vmem>>
    %dma_start3A_34 = tpu.memref_squeeze %dma_start3A_33 : memref<1x128xi32, #tpu.memory_space<vmem>> -> memref<128xi32, #tpu.memory_space<vmem>>
    %dma_start3A_35 = arith.constant 0 : i32
    %dma_start3A_36 = arith.constant 0 : i32
    %dma_start3A_37 = tpu.memref_slice %arg2[%dma_start3A_35, %dma_start3A_36] : memref<10240x128xf32, #tpu.memory_space<hbm>> -> memref<10240x128xf32, #tpu.memory_space<hbm>>
    tpu.enqueue_indirect_dma source(%dma_start3A_37 : memref<10240x128xf32, #tpu.memory_space<hbm>>) target(%arg11 : memref<128x128xf32, #tpu.memory_space<vmem>>) offsets(%dma_start3A_34 : memref<128xi32, #tpu.memory_space<vmem>>) semaphore(%arg15 : memref<!tpu.dma_semaphore, #tpu.memory_space<semaphore_mem>>)
    %scan3A_38 = arith.constant 0 : i32
    %scan3A_39 = arith.constant 0 : i32
    %scan3A_40 = arith.constant 79 : i32
    %scan3A_41 = arith.addi %scan3A_39, %scan3A_40 : i32
    %scan3A_42 = arith.constant 1 : i32
    scf.for %scan3A_85 = %scan3A_39 to %scan3A_41 step %scan3A_42  : i32 {
      %mul3A_86 = arith.constant 2 : i32
      %mul3A_87 = arith.muli %scan3A_85, %mul3A_86 : i32
      %add3A_88 = arith.constant 0 : i32
      %add3A_89 = arith.addi %mul3A_87, %add3A_88 : i32
      %dma_wait3A = arith.constant 0 : i32
      %dma_wait3A_90 = tpu.memref_slice %arg7[%add3A_89, %dma_wait3A] : memref<158x128xi32, #tpu.memory_space<vmem>> -> memref<1x128xi32, #tpu.memory_space<vmem>>
      %dma_wait3A_91 = tpu.memref_squeeze %dma_wait3A_90 : memref<1x128xi32, #tpu.memory_space<vmem>> -> memref<128xi32, #tpu.memory_space<vmem>>
      %dma_wait3A_92 = arith.constant 0 : i32
      %dma_wait3A_93 = arith.constant 0 : i32
      %dma_wait3A_94 = tpu.memref_slice %arg2[%dma_wait3A_92, %dma_wait3A_93] : memref<10240x128xf32, #tpu.memory_space<hbm>> -> memref<10240x128xf32, #tpu.memory_space<hbm>>
      tpu.wait_indirect_dma semaphore(%arg14 : memref<!tpu.dma_semaphore, #tpu.memory_space<semaphore_mem>>) src(%dma_wait3A_94 : memref<10240x128xf32, #tpu.memory_space<hbm>>) dst(%arg10 : memref<128x128xf32, #tpu.memory_space<vmem>>)
      %get3A = arith.index_cast %add3A_89 : i32 to index
      %get3A_95 = arith.constant 0 : index
      %get3A_96 = tpu.vector_load %arg8[%get3A, %get3A_95] {strides = array<i32>} : memref<158x128xi32, #tpu.memory_space<vmem>>, vector<1x16xi32>,
      %get3A_97 = vector.shape_cast %get3A_96 : vector<1x16xi32> to vector<16xi32>
      %ge3A = arith.constant 0 : i32
      %ge3A_98 = vector.broadcast %ge3A : i32 to vector<16xi32>
      %ge3A_99 = arith.cmpi sge, %get3A_97, %ge3A_98 : vector<16xi32>
      %lt3A = arith.constant 5120 : i32
      %lt3A_100 = vector.broadcast %lt3A : i32 to vector<16xi32>
      %lt3A_101 = arith.cmpi slt, %get3A_97, %lt3A_100 : vector<16xi32>
      %and3A = arith.andi %ge3A_99, %lt3A_101 : vector<16xi1>
      %jit3A = arith.constant 5120 : i32
      %broadcast_in_dim3A = vector.broadcast %jit3A : i32 to vector<16xi32>
      %select_n3A = arith.select %and3A, %get3A_97, %broadcast_in_dim3A : vector<16xi1>, vector<16xi32>
      %swap3A = arith.constant 0 : i32
      %swap3A_102 = arith.index_cast %swap3A : i32 to index
      %swap3A_103 = arith.constant 0 : index
      %swap3A_104 = tpu.vector_load %arg9[%swap3A_102, %swap3A_103] {strides = array<i32>} : memref<2x128xi32, #tpu.memory_space<vmem>>, vector<1x16xi32>,
      %swap3A_105 = vector.shape_cast %swap3A_104 : vector<1x16xi32> to vector<16xi32>
      %swap3A_106 = vector.shape_cast %select_n3A : vector<16xi32> to vector<1x16xi32>
      tpu.vector_store %arg9[%swap3A_102, %swap3A_103], %swap3A_106 {strides = array<i32>} : memref<2x128xi32, #tpu.memory_space<vmem>>, vector<1x16xi32>,
      %get3A_107 = arith.index_cast %add3A_89 : i32 to index
      %get3A_108 = arith.constant 16 : index
      %get3A_109 = tpu.vector_load %arg8[%get3A_107, %get3A_108] {strides = array<i32>} : memref<158x128xi32, #tpu.memory_space<vmem>>, vector<1x16xi32>,
      %get3A_110 = vector.shape_cast %get3A_109 : vector<1x16xi32> to vector<16xi32>
      %ge3A_111 = arith.constant 0 : i32
      %ge3A_112 = vector.broadcast %ge3A_111 : i32 to vector<16xi32>
      %ge3A_113 = arith.cmpi sge, %get3A_110, %ge3A_112 : vector<16xi32>
      %lt3A_114 = arith.constant 5120 : i32
      %lt3A_115 = vector.broadcast %lt3A_114 : i32 to vector<16xi32>
      %lt3A_116 = arith.cmpi slt, %get3A_110, %lt3A_115 : vector<16xi32>
      %and3A_117 = arith.andi %ge3A_113, %lt3A_116 : vector<16xi1>
      %jit3A_118 = arith.constant 5120 : i32
      %broadcast_in_dim3A_119 = vector.broadcast %jit3A_118 : i32 to vector<16xi32>
      %select_n3A_120 = arith.select %and3A_117, %get3A_110, %broadcast_in_dim3A_119 : vector<16xi1>, vector<16xi32>
      %swap3A_121 = arith.constant 0 : i32
      %swap3A_122 = arith.index_cast %swap3A_121 : i32 to index
      %swap3A_123 = arith.constant 16 : index
      %swap3A_124 = tpu.vector_load %arg9[%swap3A_122, %swap3A_123] {strides = array<i32>} : memref<2x128xi32, #tpu.memory_space<vmem>>, vector<1x16xi32>,
      %swap3A_125 = vector.shape_cast %swap3A_124 : vector<1x16xi32> to vector<16xi32>
      %swap3A_126 = vector.shape_cast %select_n3A_120 : vector<16xi32> to vector<1x16xi32>
      tpu.vector_store %arg9[%swap3A_122, %swap3A_123], %swap3A_126 {strides = array<i32>} : memref<2x128xi32, #tpu.memory_space<vmem>>, vector<1x16xi32>,
      %get3A_127 = arith.index_cast %add3A_89 : i32 to index
      %get3A_128 = arith.constant 32 : index
      %get3A_129 = tpu.vector_load %arg8[%get3A_127, %get3A_128] {strides = array<i32>} : memref<158x128xi32, #tpu.memory_space<vmem>>, vector<1x16xi32>,
      %get3A_130 = vector.shape_cast %get3A_129 : vector<1x16xi32> to vector<16xi32>
      %ge3A_131 = arith.constant 0 : i32
      %ge3A_132 = vector.broadcast %ge3A_131 : i32 to vector<16xi32>
      %ge3A_133 = arith.cmpi sge, %get3A_130, %ge3A_132 : vector<16xi32>
      %lt3A_134 = arith.constant 5120 : i32
      %lt3A_135 = vector.broadcast %lt3A_134 : i32 to vector<16xi32>
      %lt3A_136 = arith.cmpi slt, %get3A_130, %lt3A_135 : vector<16xi32>
      %and3A_137 = arith.andi %ge3A_133, %lt3A_136 : vector<16xi1>
      %jit3A_138 = arith.constant 5120 : i32
      %broadcast_in_dim3A_139 = vector.broadcast %jit3A_138 : i32 to vector<16xi32>
      %select_n3A_140 = arith.select %and3A_137, %get3A_130, %broadcast_in_dim3A_139 : vector<16xi1>, vector<16xi32>
      %swap3A_141 = arith.constant 0 : i32
      %swap3A_142 = arith.index_cast %swap3A_141 : i32 to index
      %swap3A_143 = arith.constant 32 : index
      %swap3A_144 = tpu.vector_load %arg9[%swap3A_142, %swap3A_143] {strides = array<i32>} : memref<2x128xi32, #tpu.memory_space<vmem>>, vector<1x16xi32>,
      %swap3A_145 = vector.shape_cast %swap3A_144 : vector<1x16xi32> to vector<16xi32>
      %swap3A_146 = vector.shape_cast %select_n3A_140 : vector<16xi32> to vector<1x16xi32>
      tpu.vector_store %arg9[%swap3A_142, %swap3A_143], %swap3A_146 {strides = array<i32>} : memref<2x128xi32, #tpu.memory_space<vmem>>, vector<1x16xi32>,
      %get3A_147 = arith.index_cast %add3A_89 : i32 to index
      %get3A_148 = arith.constant 48 : index
      %get3A_149 = tpu.vector_load %arg8[%get3A_147, %get3A_148] {strides = array<i32>} : memref<158x128xi32, #tpu.memory_space<vmem>>, vector<1x16xi32>,
      %get3A_150 = vector.shape_cast %get3A_149 : vector<1x16xi32> to vector<16xi32>
      %ge3A_151 = arith.constant 0 : i32
      %ge3A_152 = vector.broadcast %ge3A_151 : i32 to vector<16xi32>
      %ge3A_153 = arith.cmpi sge, %get3A_150, %ge3A_152 : vector<16xi32>
      %lt3A_154 = arith.constant 5120 : i32
      %lt3A_155 = vector.broadcast %lt3A_154 : i32 to vector<16xi32>
      %lt3A_156 = arith.cmpi slt, %get3A_150, %lt3A_155 : vector<16xi32>
      %and3A_157 = arith.andi %ge3A_153, %lt3A_156 : vector<16xi1>
      %jit3A_158 = arith.constant 5120 : i32
      %broadcast_in_dim3A_159 = vector.broadcast %jit3A_158 : i32 to vector<16xi32>
      %select_n3A_160 = arith.select %and3A_157, %get3A_150, %broadcast_in_dim3A_159 : vector<16xi1>, vector<16xi32>
      %swap3A_161 = arith.constant 0 : i32
      %swap3A_162 = arith.index_cast %swap3A_161 : i32 to index
      %swap3A_163 = arith.constant 48 : index
      %swap3A_164 = tpu.vector_load %arg9[%swap3A_162, %swap3A_163] {strides = array<i32>} : memref<2x128xi32, #tpu.memory_space<vmem>>, vector<1x16xi32>,
      %swap3A_165 = vector.shape_cast %swap3A_164 : vector<1x16xi32> to vector<16xi32>
      %swap3A_166 = vector.shape_cast %select_n3A_160 : vector<16xi32> to vector<1x16xi32>
      tpu.vector_store %arg9[%swap3A_162, %swap3A_163], %swap3A_166 {strides = array<i32>} : memref<2x128xi32, #tpu.memory_space<vmem>>, vector<1x16xi32>,
      %get3A_167 = arith.index_cast %add3A_89 : i32 to index
      %get3A_168 = arith.constant 64 : index
      %get3A_169 = tpu.vector_load %arg8[%get3A_167, %get3A_168] {strides = array<i32>} : memref<158x128xi32, #tpu.memory_space<vmem>>, vector<1x16xi32>,
      %get3A_170 = vector.shape_cast %get3A_169 : vector<1x16xi32> to vector<16xi32>
      %ge3A_171 = arith.constant 0 : i32
      %ge3A_172 = vector.broadcast %ge3A_171 : i32 to vector<16xi32>
      %ge3A_173 = arith.cmpi sge, %get3A_170, %ge3A_172 : vector<16xi32>
      %lt3A_174 = arith.constant 5120 : i32
      %lt3A_175 = vector.broadcast %lt3A_174 : i32 to vector<16xi32>
      %lt3A_176 = arith.cmpi slt, %get3A_170, %lt3A_175 : vector<16xi32>
      %and3A_177 = arith.andi %ge3A_173, %lt3A_176 : vector<16xi1>
      %jit3A_178 = arith.constant 5120 : i32
      %broadcast_in_dim3A_179 = vector.broadcast %jit3A_178 : i32 to vector<16xi32>
      %select_n3A_180 = arith.select %and3A_177, %get3A_170, %broadcast_in_dim3A_179 : vector<16xi1>, vector<16xi32>
      %swap3A_181 = arith.constant 0 : i32
      %swap3A_182 = arith.index_cast %swap3A_181 : i32 to index
      %swap3A_183 = arith.constant 64 : index
      %swap3A_184 = tpu.vector_load %arg9[%swap3A_182, %swap3A_183] {strides = array<i32>} : memref<2x128xi32, #tpu.memory_space<vmem>>, vector<1x16xi32>,
      %swap3A_185 = vector.shape_cast %swap3A_184 : vector<1x16xi32> to vector<16xi32>
      %swap3A_186 = vector.shape_cast %select_n3A_180 : vector<16xi32> to vector<1x16xi32>
      tpu.vector_store %arg9[%swap3A_182, %swap3A_183], %swap3A_186 {strides = array<i32>} : memref<2x128xi32, #tpu.memory_space<vmem>>, vector<1x16xi32>,
      %get3A_187 = arith.index_cast %add3A_89 : i32 to index
      %get3A_188 = arith.constant 80 : index
      %get3A_189 = tpu.vector_load %arg8[%get3A_187, %get3A_188] {strides = array<i32>} : memref<158x128xi32, #tpu.memory_space<vmem>>, vector<1x16xi32>,
      %get3A_190 = vector.shape_cast %get3A_189 : vector<1x16xi32> to vector<16xi32>
      %ge3A_191 = arith.constant 0 : i32
      %ge3A_192 = vector.broadcast %ge3A_191 : i32 to vector<16xi32>
      %ge3A_193 = arith.cmpi sge, %get3A_190, %ge3A_192 : vector<16xi32>
      %lt3A_194 = arith.constant 5120 : i32
      %lt3A_195 = vector.broadcast %lt3A_194 : i32 to vector<16xi32>
      %lt3A_196 = arith.cmpi slt, %get3A_190, %lt3A_195 : vector<16xi32>
      %and3A_197 = arith.andi %ge3A_193, %lt3A_196 : vector<16xi1>
      %jit3A_198 = arith.constant 5120 : i32
      %broadcast_in_dim3A_199 = vector.broadcast %jit3A_198 : i32 to vector<16xi32>
      %select_n3A_200 = arith.select %and3A_197, %get3A_190, %broadcast_in_dim3A_199 : vector<16xi1>, vector<16xi32>
      %swap3A_201 = arith.constant 0 : i32
      %swap3A_202 = arith.index_cast %swap3A_201 : i32 to index
      %swap3A_203 = arith.constant 80 : index
      %swap3A_204 = tpu.vector_load %arg9[%swap3A_202, %swap3A_203] {strides = array<i32>} : memref<2x128xi32, #tpu.memory_space<vmem>>, vector<1x16xi32>,
      %swap3A_205 = vector.shape_cast %swap3A_204 : vector<1x16xi32> to vector<16xi32>
      %swap3A_206 = vector.shape_cast %select_n3A_200 : vector<16xi32> to vector<1x16xi32>
      tpu.vector_store %arg9[%swap3A_202, %swap3A_203], %swap3A_206 {strides = array<i32>} : memref<2x128xi32, #tpu.memory_space<vmem>>, vector<1x16xi32>,
      %get3A_207 = arith.index_cast %add3A_89 : i32 to index
      %get3A_208 = arith.constant 96 : index
      %get3A_209 = tpu.vector_load %arg8[%get3A_207, %get3A_208] {strides = array<i32>} : memref<158x128xi32, #tpu.memory_space<vmem>>, vector<1x16xi32>,
      %get3A_210 = vector.shape_cast %get3A_209 : vector<1x16xi32> to vector<16xi32>
      %ge3A_211 = arith.constant 0 : i32
      %ge3A_212 = vector.broadcast %ge3A_211 : i32 to vector<16xi32>
      %ge3A_213 = arith.cmpi sge, %get3A_210, %ge3A_212 : vector<16xi32>
      %lt3A_214 = arith.constant 5120 : i32
      %lt3A_215 = vector.broadcast %lt3A_214 : i32 to vector<16xi32>
      %lt3A_216 = arith.cmpi slt, %get3A_210, %lt3A_215 : vector<16xi32>
      %and3A_217 = arith.andi %ge3A_213, %lt3A_216 : vector<16xi1>
      %jit3A_218 = arith.constant 5120 : i32
      %broadcast_in_dim3A_219 = vector.broadcast %jit3A_218 : i32 to vector<16xi32>
      %select_n3A_220 = arith.select %and3A_217, %get3A_210, %broadcast_in_dim3A_219 : vector<16xi1>, vector<16xi32>
      %swap3A_221 = arith.constant 0 : i32
      %swap3A_222 = arith.index_cast %swap3A_221 : i32 to index
      %swap3A_223 = arith.constant 96 : index
      %swap3A_224 = tpu.vector_load %arg9[%swap3A_222, %swap3A_223] {strides = array<i32>} : memref<2x128xi32, #tpu.memory_space<vmem>>, vector<1x16xi32>,
      %swap3A_225 = vector.shape_cast %swap3A_224 : vector<1x16xi32> to vector<16xi32>
      %swap3A_226 = vector.shape_cast %select_n3A_220 : vector<16xi32> to vector<1x16xi32>
      tpu.vector_store %arg9[%swap3A_222, %swap3A_223], %swap3A_226 {strides = array<i32>} : memref<2x128xi32, #tpu.memory_space<vmem>>, vector<1x16xi32>,
      %get3A_227 = arith.index_cast %add3A_89 : i32 to index
      %get3A_228 = arith.constant 112 : index
      %get3A_229 = tpu.vector_load %arg8[%get3A_227, %get3A_228] {strides = array<i32>} : memref<158x128xi32, #tpu.memory_space<vmem>>, vector<1x16xi32>,
      %get3A_230 = vector.shape_cast %get3A_229 : vector<1x16xi32> to vector<16xi32>
      %ge3A_231 = arith.constant 0 : i32
      %ge3A_232 = vector.broadcast %ge3A_231 : i32 to vector<16xi32>
      %ge3A_233 = arith.cmpi sge, %get3A_230, %ge3A_232 : vector<16xi32>
      %lt3A_234 = arith.constant 5120 : i32
      %lt3A_235 = vector.broadcast %lt3A_234 : i32 to vector<16xi32>
      %lt3A_236 = arith.cmpi slt, %get3A_230, %lt3A_235 : vector<16xi32>
      %and3A_237 = arith.andi %ge3A_233, %lt3A_236 : vector<16xi1>
      %jit3A_238 = arith.constant 5120 : i32
      %broadcast_in_dim3A_239 = vector.broadcast %jit3A_238 : i32 to vector<16xi32>
      %select_n3A_240 = arith.select %and3A_237, %get3A_230, %broadcast_in_dim3A_239 : vector<16xi1>, vector<16xi32>
      %swap3A_241 = arith.constant 0 : i32
      %swap3A_242 = arith.index_cast %swap3A_241 : i32 to index
      %swap3A_243 = arith.constant 112 : index
      %swap3A_244 = tpu.vector_load %arg9[%swap3A_242, %swap3A_243] {strides = array<i32>} : memref<2x128xi32, #tpu.memory_space<vmem>>, vector<1x16xi32>,
      %swap3A_245 = vector.shape_cast %swap3A_244 : vector<1x16xi32> to vector<16xi32>
      %swap3A_246 = vector.shape_cast %select_n3A_240 : vector<16xi32> to vector<1x16xi32>
      tpu.vector_store %arg9[%swap3A_242, %swap3A_243], %swap3A_246 {strides = array<i32>} : memref<2x128xi32, #tpu.memory_space<vmem>>, vector<1x16xi32>,
      %dma_start3A_247 = arith.constant 0 : i32
      %dma_start3A_248 = arith.constant 0 : i32
      %dma_start3A_249 = tpu.memref_slice %arg9[%dma_start3A_247, %dma_start3A_248] : memref<2x128xi32, #tpu.memory_space<vmem>> -> memref<1x128xi32, #tpu.memory_space<vmem>>
      %dma_start3A_250 = tpu.memref_squeeze %dma_start3A_249 : memref<1x128xi32, #tpu.memory_space<vmem>> -> memref<128xi32, #tpu.memory_space<vmem>>
      %dma_start3A_251 = arith.constant 0 : i32
      %dma_start3A_252 = arith.constant 0 : i32
      %dma_start3A_253 = tpu.memref_slice %arg13[%dma_start3A_251, %dma_start3A_252] : memref<5128x128xf32, #tpu.memory_space<vmem_shared>> -> memref<5128x128xf32, #tpu.memory_space<vmem_shared>>
      tpu.enqueue_indirect_dma source(%arg10 : memref<128x128xf32, #tpu.memory_space<vmem>>) target(%dma_start3A_253 : memref<5128x128xf32, #tpu.memory_space<vmem_shared>>) offsets(%dma_start3A_250 : memref<128xi32, #tpu.memory_space<vmem>>) semaphore(%arg16 : memref<!tpu.dma_semaphore, #tpu.memory_space<semaphore_mem>>) {add = true}
      %mul3A_254 = arith.constant 2 : i32
      %mul3A_255 = arith.muli %scan3A_85, %mul3A_254 : i32
      %add3A_256 = arith.constant 1 : i32
      %add3A_257 = arith.addi %mul3A_255, %add3A_256 : i32
      %dma_wait3A_258 = arith.constant 0 : i32
      %dma_wait3A_259 = tpu.memref_slice %arg7[%add3A_257, %dma_wait3A_258] : memref<158x128xi32, #tpu.memory_space<vmem>> -> memref<1x128xi32, #tpu.memory_space<vmem>>
      %dma_wait3A_260 = tpu.memref_squeeze %dma_wait3A_259 : memref<1x128xi32, #tpu.memory_space<vmem>> -> memref<128xi32, #tpu.memory_space<vmem>>
      %dma_wait3A_261 = arith.constant 0 : i32
      %dma_wait3A_262 = arith.constant 0 : i32
      %dma_wait3A_263 = tpu.memref_slice %arg2[%dma_wait3A_261, %dma_wait3A_262] : memref<10240x128xf32, #tpu.memory_space<hbm>> -> memref<10240x128xf32, #tpu.memory_space<hbm>>
      tpu.wait_indirect_dma semaphore(%arg15 : memref<!tpu.dma_semaphore, #tpu.memory_space<semaphore_mem>>) src(%dma_wait3A_263 : memref<10240x128xf32, #tpu.memory_space<hbm>>) dst(%arg11 : memref<128x128xf32, #tpu.memory_space<vmem>>)
      %get3A_264 = arith.index_cast %add3A_257 : i32 to index
      %get3A_265 = arith.constant 0 : index
      %get3A_266 = tpu.vector_load %arg8[%get3A_264, %get3A_265] {strides = array<i32>} : memref<158x128xi32, #tpu.memory_space<vmem>>, vector<1x16xi32>,
      %get3A_267 = vector.shape_cast %get3A_266 : vector<1x16xi32> to vector<16xi32>
      %ge3A_268 = arith.constant 0 : i32
      %ge3A_269 = vector.broadcast %ge3A_268 : i32 to vector<16xi32>
      %ge3A_270 = arith.cmpi sge, %get3A_267, %ge3A_269 : vector<16xi32>
      %lt3A_271 = arith.constant 5120 : i32
      %lt3A_272 = vector.broadcast %lt3A_271 : i32 to vector<16xi32>
      %lt3A_273 = arith.cmpi slt, %get3A_267, %lt3A_272 : vector<16xi32>
      %and3A_274 = arith.andi %ge3A_270, %lt3A_273 : vector<16xi1>
      %jit3A_275 = arith.constant 5120 : i32
      %broadcast_in_dim3A_276 = vector.broadcast %jit3A_275 : i32 to vector<16xi32>
      %select_n3A_277 = arith.select %and3A_274, %get3A_267, %broadcast_in_dim3A_276 : vector<16xi1>, vector<16xi32>
      %swap3A_278 = arith.constant 1 : i32
      %swap3A_279 = arith.index_cast %swap3A_278 : i32 to index
      %swap3A_280 = arith.constant 0 : index
      %swap3A_281 = tpu.vector_load %arg9[%swap3A_279, %swap3A_280] {strides = array<i32>} : memref<2x128xi32, #tpu.memory_space<vmem>>, vector<1x16xi32>,
      %swap3A_282 = vector.shape_cast %swap3A_281 : vector<1x16xi32> to vector<16xi32>
      %swap3A_283 = vector.shape_cast %select_n3A_277 : vector<16xi32> to vector<1x16xi32>
      tpu.vector_store %arg9[%swap3A_279, %swap3A_280], %swap3A_283 {strides = array<i32>} : memref<2x128xi32, #tpu.memory_space<vmem>>, vector<1x16xi32>,
      %get3A_284 = arith.index_cast %add3A_257 : i32 to index
      %get3A_285 = arith.constant 16 : index
      %get3A_286 = tpu.vector_load %arg8[%get3A_284, %get3A_285] {strides = array<i32>} : memref<158x128xi32, #tpu.memory_space<vmem>>, vector<1x16xi32>,
      %get3A_287 = vector.shape_cast %get3A_286 : vector<1x16xi32> to vector<16xi32>
      %ge3A_288 = arith.constant 0 : i32
      %ge3A_289 = vector.broadcast %ge3A_288 : i32 to vector<16xi32>
      %ge3A_290 = arith.cmpi sge, %get3A_287, %ge3A_289 : vector<16xi32>
      %lt3A_291 = arith.constant 5120 : i32
      %lt3A_292 = vector.broadcast %lt3A_291 : i32 to vector<16xi32>
      %lt3A_293 = arith.cmpi slt, %get3A_287, %lt3A_292 : vector<16xi32>
      %and3A_294 = arith.andi %ge3A_290, %lt3A_293 : vector<16xi1>
      %jit3A_295 = arith.constant 5120 : i32
      %broadcast_in_dim3A_296 = vector.broadcast %jit3A_295 : i32 to vector<16xi32>
      %select_n3A_297 = arith.select %and3A_294, %get3A_287, %broadcast_in_dim3A_296 : vector<16xi1>, vector<16xi32>
      %swap3A_298 = arith.constant 1 : i32
      %swap3A_299 = arith.index_cast %swap3A_298 : i32 to index
      %swap3A_300 = arith.constant 16 : index
      %swap3A_301 = tpu.vector_load %arg9[%swap3A_299, %swap3A_300] {strides = array<i32>} : memref<2x128xi32, #tpu.memory_space<vmem>>, vector<1x16xi32>,
      %swap3A_302 = vector.shape_cast %swap3A_301 : vector<1x16xi32> to vector<16xi32>
      %swap3A_303 = vector.shape_cast %select_n3A_297 : vector<16xi32> to vector<1x16xi32>
      tpu.vector_store %arg9[%swap3A_299, %swap3A_300], %swap3A_303 {strides = array<i32>} : memref<2x128xi32, #tpu.memory_space<vmem>>, vector<1x16xi32>,
      %get3A_304 = arith.index_cast %add3A_257 : i32 to index
      %get3A_305 = arith.constant 32 : index
      %get3A_306 = tpu.vector_load %arg8[%get3A_304, %get3A_305] {strides = array<i32>} : memref<158x128xi32, #tpu.memory_space<vmem>>, vector<1x16xi32>,
      %get3A_307 = vector.shape_cast %get3A_306 : vector<1x16xi32> to vector<16xi32>
      %ge3A_308 = arith.constant 0 : i32
      %ge3A_309 = vector.broadcast %ge3A_308 : i32 to vector<16xi32>
      %ge3A_310 = arith.cmpi sge, %get3A_307, %ge3A_309 : vector<16xi32>
      %lt3A_311 = arith.constant 5120 : i32
      %lt3A_312 = vector.broadcast %lt3A_311 : i32 to vector<16xi32>
      %lt3A_313 = arith.cmpi slt, %get3A_307, %lt3A_312 : vector<16xi32>
      %and3A_314 = arith.andi %ge3A_310, %lt3A_313 : vector<16xi1>
      %jit3A_315 = arith.constant 5120 : i32
      %broadcast_in_dim3A_316 = vector.broadcast %jit3A_315 : i32 to vector<16xi32>
      %select_n3A_317 = arith.select %and3A_314, %get3A_307, %broadcast_in_dim3A_316 : vector<16xi1>, vector<16xi32>
      %swap3A_318 = arith.constant 1 : i32
      %swap3A_319 = arith.index_cast %swap3A_318 : i32 to index
      %swap3A_320 = arith.constant 32 : index
      %swap3A_321 = tpu.vector_load %arg9[%swap3A_319, %swap3A_320] {strides = array<i32>} : memref<2x128xi32, #tpu.memory_space<vmem>>, vector<1x16xi32>,
      %swap3A_322 = vector.shape_cast %swap3A_321 : vector<1x16xi32> to vector<16xi32>
      %swap3A_323 = vector.shape_cast %select_n3A_317 : vector<16xi32> to vector<1x16xi32>
      tpu.vector_store %arg9[%swap3A_319, %swap3A_320], %swap3A_323 {strides = array<i32>} : memref<2x128xi32, #tpu.memory_space<vmem>>, vector<1x16xi32>,
      %get3A_324 = arith.index_cast %add3A_257 : i32 to index
      %get3A_325 = arith.constant 48 : index
      %get3A_326 = tpu.vector_load %arg8[%get3A_324, %get3A_325] {strides = array<i32>} : memref<158x128xi32, #tpu.memory_space<vmem>>, vector<1x16xi32>,
      %get3A_327 = vector.shape_cast %get3A_326 : vector<1x16xi32> to vector<16xi32>
      %ge3A_328 = arith.constant 0 : i32
      %ge3A_329 = vector.broadcast %ge3A_328 : i32 to vector<16xi32>
      %ge3A_330 = arith.cmpi sge, %get3A_327, %ge3A_329 : vector<16xi32>
      %lt3A_331 = arith.constant 5120 : i32
      %lt3A_332 = vector.broadcast %lt3A_331 : i32 to vector<16xi32>
      %lt3A_333 = arith.cmpi slt, %get3A_327, %lt3A_332 : vector<16xi32>
      %and3A_334 = arith.andi %ge3A_330, %lt3A_333 : vector<16xi1>
      %jit3A_335 = arith.constant 5120 : i32
      %broadcast_in_dim3A_336 = vector.broadcast %jit3A_335 : i32 to vector<16xi32>
      %select_n3A_337 = arith.select %and3A_334, %get3A_327, %broadcast_in_dim3A_336 : vector<16xi1>, vector<16xi32>
      %swap3A_338 = arith.constant 1 : i32
      %swap3A_339 = arith.index_cast %swap3A_338 : i32 to index
      %swap3A_340 = arith.constant 48 : index
      %swap3A_341 = tpu.vector_load %arg9[%swap3A_339, %swap3A_340] {strides = array<i32>} : memref<2x128xi32, #tpu.memory_space<vmem>>, vector<1x16xi32>,
      %swap3A_342 = vector.shape_cast %swap3A_341 : vector<1x16xi32> to vector<16xi32>
      %swap3A_343 = vector.shape_cast %select_n3A_337 : vector<16xi32> to vector<1x16xi32>
      tpu.vector_store %arg9[%swap3A_339, %swap3A_340], %swap3A_343 {strides = array<i32>} : memref<2x128xi32, #tpu.memory_space<vmem>>, vector<1x16xi32>,
      %get3A_344 = arith.index_cast %add3A_257 : i32 to index
      %get3A_345 = arith.constant 64 : index
      %get3A_346 = tpu.vector_load %arg8[%get3A_344, %get3A_345] {strides = array<i32>} : memref<158x128xi32, #tpu.memory_space<vmem>>, vector<1x16xi32>,
      %get3A_347 = vector.shape_cast %get3A_346 : vector<1x16xi32> to vector<16xi32>
      %ge3A_348 = arith.constant 0 : i32
      %ge3A_349 = vector.broadcast %ge3A_348 : i32 to vector<16xi32>
      %ge3A_350 = arith.cmpi sge, %get3A_347, %ge3A_349 : vector<16xi32>
      %lt3A_351 = arith.constant 5120 : i32
      %lt3A_352 = vector.broadcast %lt3A_351 : i32 to vector<16xi32>
      %lt3A_353 = arith.cmpi slt, %get3A_347, %lt3A_352 : vector<16xi32>
      %and3A_354 = arith.andi %ge3A_350, %lt3A_353 : vector<16xi1>
      %jit3A_355 = arith.constant 5120 : i32
      %broadcast_in_dim3A_356 = vector.broadcast %jit3A_355 : i32 to vector<16xi32>
      %select_n3A_357 = arith.select %and3A_354, %get3A_347, %broadcast_in_dim3A_356 : vector<16xi1>, vector<16xi32>
      %swap3A_358 = arith.constant 1 : i32
      %swap3A_359 = arith.index_cast %swap3A_358 : i32 to index
      %swap3A_360 = arith.constant 64 : index
      %swap3A_361 = tpu.vector_load %arg9[%swap3A_359, %swap3A_360] {strides = array<i32>} : memref<2x128xi32, #tpu.memory_space<vmem>>, vector<1x16xi32>,
      %swap3A_362 = vector.shape_cast %swap3A_361 : vector<1x16xi32> to vector<16xi32>
      %swap3A_363 = vector.shape_cast %select_n3A_357 : vector<16xi32> to vector<1x16xi32>
      tpu.vector_store %arg9[%swap3A_359, %swap3A_360], %swap3A_363 {strides = array<i32>} : memref<2x128xi32, #tpu.memory_space<vmem>>, vector<1x16xi32>,
      %get3A_364 = arith.index_cast %add3A_257 : i32 to index
      %get3A_365 = arith.constant 80 : index
      %get3A_366 = tpu.vector_load %arg8[%get3A_364, %get3A_365] {strides = array<i32>} : memref<158x128xi32, #tpu.memory_space<vmem>>, vector<1x16xi32>,
      %get3A_367 = vector.shape_cast %get3A_366 : vector<1x16xi32> to vector<16xi32>
      %ge3A_368 = arith.constant 0 : i32
      %ge3A_369 = vector.broadcast %ge3A_368 : i32 to vector<16xi32>
      %ge3A_370 = arith.cmpi sge, %get3A_367, %ge3A_369 : vector<16xi32>
      %lt3A_371 = arith.constant 5120 : i32
      %lt3A_372 = vector.broadcast %lt3A_371 : i32 to vector<16xi32>
      %lt3A_373 = arith.cmpi slt, %get3A_367, %lt3A_372 : vector<16xi32>
      %and3A_374 = arith.andi %ge3A_370, %lt3A_373 : vector<16xi1>
      %jit3A_375 = arith.constant 5120 : i32
      %broadcast_in_dim3A_376 = vector.broadcast %jit3A_375 : i32 to vector<16xi32>
      %select_n3A_377 = arith.select %and3A_374, %get3A_367, %broadcast_in_dim3A_376 : vector<16xi1>, vector<16xi32>
      %swap3A_378 = arith.constant 1 : i32
      %swap3A_379 = arith.index_cast %swap3A_378 : i32 to index
      %swap3A_380 = arith.constant 80 : index
      %swap3A_381 = tpu.vector_load %arg9[%swap3A_379, %swap3A_380] {strides = array<i32>} : memref<2x128xi32, #tpu.memory_space<vmem>>, vector<1x16xi32>,
      %swap3A_382 = vector.shape_cast %swap3A_381 : vector<1x16xi32> to vector<16xi32>
      %swap3A_383 = vector.shape_cast %select_n3A_377 : vector<16xi32> to vector<1x16xi32>
      tpu.vector_store %arg9[%swap3A_379, %swap3A_380], %swap3A_383 {strides = array<i32>} : memref<2x128xi32, #tpu.memory_space<vmem>>, vector<1x16xi32>,
      %get3A_384 = arith.index_cast %add3A_257 : i32 to index
      %get3A_385 = arith.constant 96 : index
      %get3A_386 = tpu.vector_load %arg8[%get3A_384, %get3A_385] {strides = array<i32>} : memref<158x128xi32, #tpu.memory_space<vmem>>, vector<1x16xi32>,
      %get3A_387 = vector.shape_cast %get3A_386 : vector<1x16xi32> to vector<16xi32>
      %ge3A_388 = arith.constant 0 : i32
      %ge3A_389 = vector.broadcast %ge3A_388 : i32 to vector<16xi32>
      %ge3A_390 = arith.cmpi sge, %get3A_387, %ge3A_389 : vector<16xi32>
      %lt3A_391 = arith.constant 5120 : i32
      %lt3A_392 = vector.broadcast %lt3A_391 : i32 to vector<16xi32>
      %lt3A_393 = arith.cmpi slt, %get3A_387, %lt3A_392 : vector<16xi32>
      %and3A_394 = arith.andi %ge3A_390, %lt3A_393 : vector<16xi1>
      %jit3A_395 = arith.constant 5120 : i32
      %broadcast_in_dim3A_396 = vector.broadcast %jit3A_395 : i32 to vector<16xi32>
      %select_n3A_397 = arith.select %and3A_394, %get3A_387, %broadcast_in_dim3A_396 : vector<16xi1>, vector<16xi32>
      %swap3A_398 = arith.constant 1 : i32
      %swap3A_399 = arith.index_cast %swap3A_398 : i32 to index
      %swap3A_400 = arith.constant 96 : index
      %swap3A_401 = tpu.vector_load %arg9[%swap3A_399, %swap3A_400] {strides = array<i32>} : memref<2x128xi32, #tpu.memory_space<vmem>>, vector<1x16xi32>,
      %swap3A_402 = vector.shape_cast %swap3A_401 : vector<1x16xi32> to vector<16xi32>
      %swap3A_403 = vector.shape_cast %select_n3A_397 : vector<16xi32> to vector<1x16xi32>
      tpu.vector_store %arg9[%swap3A_399, %swap3A_400], %swap3A_403 {strides = array<i32>} : memref<2x128xi32, #tpu.memory_space<vmem>>, vector<1x16xi32>,
      %get3A_404 = arith.index_cast %add3A_257 : i32 to index
      %get3A_405 = arith.constant 112 : index
      %get3A_406 = tpu.vector_load %arg8[%get3A_404, %get3A_405] {strides = array<i32>} : memref<158x128xi32, #tpu.memory_space<vmem>>, vector<1x16xi32>,
      %get3A_407 = vector.shape_cast %get3A_406 : vector<1x16xi32> to vector<16xi32>
      %ge3A_408 = arith.constant 0 : i32
      %ge3A_409 = vector.broadcast %ge3A_408 : i32 to vector<16xi32>
      %ge3A_410 = arith.cmpi sge, %get3A_407, %ge3A_409 : vector<16xi32>
      %lt3A_411 = arith.constant 5120 : i32
      %lt3A_412 = vector.broadcast %lt3A_411 : i32 to vector<16xi32>
      %lt3A_413 = arith.cmpi slt, %get3A_407, %lt3A_412 : vector<16xi32>
      %and3A_414 = arith.andi %ge3A_410, %lt3A_413 : vector<16xi1>
      %jit3A_415 = arith.constant 5120 : i32
      %broadcast_in_dim3A_416 = vector.broadcast %jit3A_415 : i32 to vector<16xi32>
      %select_n3A_417 = arith.select %and3A_414, %get3A_407, %broadcast_in_dim3A_416 : vector<16xi1>, vector<16xi32>
      %swap3A_418 = arith.constant 1 : i32
      %swap3A_419 = arith.index_cast %swap3A_418 : i32 to index
      %swap3A_420 = arith.constant 112 : index
      %swap3A_421 = tpu.vector_load %arg9[%swap3A_419, %swap3A_420] {strides = array<i32>} : memref<2x128xi32, #tpu.memory_space<vmem>>, vector<1x16xi32>,
      %swap3A_422 = vector.shape_cast %swap3A_421 : vector<1x16xi32> to vector<16xi32>
      %swap3A_423 = vector.shape_cast %select_n3A_417 : vector<16xi32> to vector<1x16xi32>
      tpu.vector_store %arg9[%swap3A_419, %swap3A_420], %swap3A_423 {strides = array<i32>} : memref<2x128xi32, #tpu.memory_space<vmem>>, vector<1x16xi32>,
      %dma_start3A_424 = arith.constant 1 : i32
      %dma_start3A_425 = arith.constant 0 : i32
      %dma_start3A_426 = tpu.memref_slice %arg9[%dma_start3A_424, %dma_start3A_425] : memref<2x128xi32, #tpu.memory_space<vmem>> -> memref<1x128xi32, #tpu.memory_space<vmem>>
      %dma_start3A_427 = tpu.memref_squeeze %dma_start3A_426 : memref<1x128xi32, #tpu.memory_space<vmem>> -> memref<128xi32, #tpu.memory_space<vmem>>
      %dma_start3A_428 = arith.constant 0 : i32
      %dma_start3A_429 = arith.constant 0 : i32
      %dma_start3A_430 = tpu.memref_slice %arg13[%dma_start3A_428, %dma_start3A_429] : memref<5128x128xf32, #tpu.memory_space<vmem_shared>> -> memref<5128x128xf32, #tpu.memory_space<vmem_shared>>
      tpu.enqueue_indirect_dma source(%arg11 : memref<128x128xf32, #tpu.memory_space<vmem>>) target(%dma_start3A_430 : memref<5128x128xf32, #tpu.memory_space<vmem_shared>>) offsets(%dma_start3A_427 : memref<128xi32, #tpu.memory_space<vmem>>) semaphore(%arg17 : memref<!tpu.dma_semaphore, #tpu.memory_space<semaphore_mem>>) {add = true}
      %dma_wait3A_431 = arith.constant 0 : i32
      %dma_wait3A_432 = arith.constant 0 : i32
      %dma_wait3A_433 = tpu.memref_slice %arg9[%dma_wait3A_431, %dma_wait3A_432] : memref<2x128xi32, #tpu.memory_space<vmem>> -> memref<1x128xi32, #tpu.memory_space<vmem>>
      %dma_wait3A_434 = tpu.memref_squeeze %dma_wait3A_433 : memref<1x128xi32, #tpu.memory_space<vmem>> -> memref<128xi32, #tpu.memory_space<vmem>>
      %dma_wait3A_435 = arith.constant 0 : i32
      %dma_wait3A_436 = arith.constant 0 : i32
      %dma_wait3A_437 = tpu.memref_slice %arg13[%dma_wait3A_435, %dma_wait3A_436] : memref<5128x128xf32, #tpu.memory_space<vmem_shared>> -> memref<5128x128xf32, #tpu.memory_space<vmem_shared>>
      tpu.wait_indirect_dma semaphore(%arg16 : memref<!tpu.dma_semaphore, #tpu.memory_space<semaphore_mem>>) src(%arg10 : memref<128x128xf32, #tpu.memory_space<vmem>>) dst(%dma_wait3A_437 : memref<5128x128xf32, #tpu.memory_space<vmem_shared>>)
      %lt3A_438 = arith.constant 78 : i32
      %lt3A_439 = arith.cmpi slt, %scan3A_85, %lt3A_438 : i32
      %convert_element_type3A = arith.extui %lt3A_439 : i1 to i32
      %cond3A = arith.constant 0 : i32
      %cond3A_440 = arith.cmpi ne, %convert_element_type3A, %cond3A : i32
      scf.if %cond3A_440 {
        %add3A_453 = arith.constant 1 : i32
        %add3A_454 = arith.addi %scan3A_85, %add3A_453 : i32
        %mul3A_455 = arith.constant 2 : i32
        %mul3A_456 = arith.muli %add3A_454, %mul3A_455 : i32
        %add3A_457 = arith.constant 0 : i32
        %add3A_458 = arith.addi %mul3A_456, %add3A_457 : i32
        %dma_start3A_459 = arith.constant 0 : i32
        %dma_start3A_460 = tpu.memref_slice %arg7[%add3A_458, %dma_start3A_459] : memref<158x128xi32, #tpu.memory_space<vmem>> -> memref<1x128xi32, #tpu.memory_space<vmem>>
        %dma_start3A_461 = tpu.memref_squeeze %dma_start3A_460 : memref<1x128xi32, #tpu.memory_space<vmem>> -> memref<128xi32, #tpu.memory_space<vmem>>
        %dma_start3A_462 = arith.constant 0 : i32
        %dma_start3A_463 = arith.constant 0 : i32
        %dma_start3A_464 = tpu.memref_slice %arg2[%dma_start3A_462, %dma_start3A_463] : memref<10240x128xf32, #tpu.memory_space<hbm>> -> memref<10240x128xf32, #tpu.memory_space<hbm>>
        tpu.enqueue_indirect_dma source(%dma_start3A_464 : memref<10240x128xf32, #tpu.memory_space<hbm>>) target(%arg10 : memref<128x128xf32, #tpu.memory_space<vmem>>) offsets(%dma_start3A_461 : memref<128xi32, #tpu.memory_space<vmem>>) semaphore(%arg14 : memref<!tpu.dma_semaphore, #tpu.memory_space<semaphore_mem>>)
      } else {
      }
      %dma_wait3A_441 = arith.constant 1 : i32
      %dma_wait3A_442 = arith.constant 0 : i32
      %dma_wait3A_443 = tpu.memref_slice %arg9[%dma_wait3A_441, %dma_wait3A_442] : memref<2x128xi32, #tpu.memory_space<vmem>> -> memref<1x128xi32, #tpu.memory_space<vmem>>
      %dma_wait3A_444 = tpu.memref_squeeze %dma_wait3A_443 : memref<1x128xi32, #tpu.memory_space<vmem>> -> memref<128xi32, #tpu.memory_space<vmem>>
      %dma_wait3A_445 = arith.constant 0 : i32
      %dma_wait3A_446 = arith.constant 0 : i32
      %dma_wait3A_447 = tpu.memref_slice %arg13[%dma_wait3A_445, %dma_wait3A_446] : memref<5128x128xf32, #tpu.memory_space<vmem_shared>> -> memref<5128x128xf32, #tpu.memory_space<vmem_shared>>
      tpu.wait_indirect_dma semaphore(%arg17 : memref<!tpu.dma_semaphore, #tpu.memory_space<semaphore_mem>>) src(%arg11 : memref<128x128xf32, #tpu.memory_space<vmem>>) dst(%dma_wait3A_447 : memref<5128x128xf32, #tpu.memory_space<vmem_shared>>)
      %lt3A_448 = arith.constant 78 : i32
      %lt3A_449 = arith.cmpi slt, %scan3A_85, %lt3A_448 : i32
      %convert_element_type3A_450 = arith.extui %lt3A_449 : i1 to i32
      %cond3A_451 = arith.constant 0 : i32
      %cond3A_452 = arith.cmpi ne, %convert_element_type3A_450, %cond3A_451 : i32
      scf.if %cond3A_452 {
        %add3A_453 = arith.constant 1 : i32
        %add3A_454 = arith.addi %scan3A_85, %add3A_453 : i32
        %mul3A_455 = arith.constant 2 : i32
        %mul3A_456 = arith.muli %add3A_454, %mul3A_455 : i32
        %add3A_457 = arith.constant 1 : i32
        %add3A_458 = arith.addi %mul3A_456, %add3A_457 : i32
        %dma_start3A_459 = arith.constant 0 : i32
        %dma_start3A_460 = tpu.memref_slice %arg7[%add3A_458, %dma_start3A_459] : memref<158x128xi32, #tpu.memory_space<vmem>> -> memref<1x128xi32, #tpu.memory_space<vmem>>
        %dma_start3A_461 = tpu.memref_squeeze %dma_start3A_460 : memref<1x128xi32, #tpu.memory_space<vmem>> -> memref<128xi32, #tpu.memory_space<vmem>>
        %dma_start3A_462 = arith.constant 0 : i32
        %dma_start3A_463 = arith.constant 0 : i32
        %dma_start3A_464 = tpu.memref_slice %arg2[%dma_start3A_462, %dma_start3A_463] : memref<10240x128xf32, #tpu.memory_space<hbm>> -> memref<10240x128xf32, #tpu.memory_space<hbm>>
        tpu.enqueue_indirect_dma source(%dma_start3A_464 : memref<10240x128xf32, #tpu.memory_space<hbm>>) target(%arg11 : memref<128x128xf32, #tpu.memory_space<vmem>>) offsets(%dma_start3A_461 : memref<128xi32, #tpu.memory_space<vmem>>) semaphore(%arg15 : memref<!tpu.dma_semaphore, #tpu.memory_space<semaphore_mem>>)
      } else {
      }
    }
    %scan3A_43 = arith.constant 79 : i32
    %barrier3A_44 = arith.constant 0 : index
    tpu.barrier barrier_id(%barrier3A_44)
    %mul3A_45 = arith.constant 320 : i32
    %mul3A_46 = arith.muli %arg1, %mul3A_45 : i32
    %add3A_47 = arith.constant 0 : i32
    %add3A_48 = arith.addi %mul3A_46, %add3A_47 : i32
    "tpu.region"() ({
      %run_scoped3A = tpu.sem_alloc : memref<!tpu.dma_semaphore, #tpu.memory_space<semaphore_mem>>
      %dma_start3A_85 = arith.constant 0 : i32
      %dma_start3A_86 = tpu.memref_slice %arg13[%add3A_48, %dma_start3A_85] : memref<5128x128xf32, #tpu.memory_space<vmem_shared>> -> memref<64x128xf32, #tpu.memory_space<vmem_shared>>
      %dma_start3A_87 = arith.constant 0 : i32
      %dma_start3A_88 = tpu.memref_slice %arg13[%add3A_48, %dma_start3A_87] : memref<5128x128xf32, #tpu.memory_space<vmem_shared>> -> memref<64x128xf32, #tpu.memory_space<vmem_shared>>
      tpu.enqueue_dma source(%dma_start3A_88 : memref<64x128xf32, #tpu.memory_space<vmem_shared>>) target(%arg12 : memref<64x128xf32, #tpu.memory_space<vmem>>) target_semaphore(%run_scoped3A : memref<!tpu.dma_semaphore, #tpu.memory_space<semaphore_mem>>)
      %dma_wait3A = arith.constant 0 : i32
      %dma_wait3A_89 = tpu.memref_slice %arg13[%add3A_48, %dma_wait3A] : memref<5128x128xf32, #tpu.memory_space<vmem_shared>> -> memref<64x128xf32, #tpu.memory_space<vmem_shared>>
      %dma_wait3A_90 = arith.constant 0 : i32
      %dma_wait3A_91 = tpu.memref_slice %arg13[%add3A_48, %dma_wait3A_90] : memref<5128x128xf32, #tpu.memory_space<vmem_shared>> -> memref<64x128xf32, #tpu.memory_space<vmem_shared>>
      tpu.wait_dma2 semaphore(%run_scoped3A : memref<!tpu.dma_semaphore, #tpu.memory_space<semaphore_mem>>) src(%dma_wait3A_91 : memref<64x128xf32, #tpu.memory_space<vmem_shared>>) dst(%arg12 : memref<64x128xf32, #tpu.memory_space<vmem>>)
      tpu.yield
    }) : () -> ()
    %mul3A_49 = arith.constant 320 : i32
    %mul3A_50 = arith.muli %arg1, %mul3A_49 : i32
    %add3A_51 = arith.constant 0 : i32
    %add3A_52 = arith.addi %mul3A_50, %add3A_51 : i32
    "tpu.region"() ({
      %run_scoped3A = tpu.sem_alloc : memref<!tpu.dma_semaphore, #tpu.memory_space<semaphore_mem>>
      %dma_start3A_85 = arith.constant 0 : i32
      %dma_start3A_86 = tpu.memref_slice %arg6[%arg0, %add3A_52, %dma_start3A_85] : memref<2x5120x128xf32, #tpu.memory_space<hbm>> -> memref<1x64x128xf32, #tpu.memory_space<hbm>>
      %dma_start3A_87 = tpu.memref_squeeze %dma_start3A_86 : memref<1x64x128xf32, #tpu.memory_space<hbm>> -> memref<64x128xf32, #tpu.memory_space<hbm>>
      %dma_start3A_88 = arith.constant 0 : i32
      %dma_start3A_89 = tpu.memref_slice %arg6[%arg0, %add3A_52, %dma_start3A_88] : memref<2x5120x128xf32, #tpu.memory_space<hbm>> -> memref<1x64x128xf32, #tpu.memory_space<hbm>>
      %dma_start3A_90 = tpu.memref_squeeze %dma_start3A_89 : memref<1x64x128xf32, #tpu.memory_space<hbm>> -> memref<64x128xf32, #tpu.memory_space<hbm>>
      tpu.enqueue_dma source(%arg12 : memref<64x128xf32, #tpu.memory_space<vmem>>) target(%dma_start3A_90 : memref<64x128xf32, #tpu.memory_space<hbm>>) target_semaphore(%run_scoped3A : memref<!tpu.dma_semaphore, #tpu.memory_space<semaphore_mem>>)
      %dma_wait3A = arith.constant 0 : i32
      %dma_wait3A_91 = tpu.memref_slice %arg6[%arg0, %add3A_52, %dma_wait3A] : memref<2x5120x128xf32, #tpu.memory_space<hbm>> -> memref<1x64x128xf32, #tpu.memory_space<hbm>>
      %dma_wait3A_92 = tpu.memref_squeeze %dma_wait3A_91 : memref<1x64x128xf32, #tpu.memory_space<hbm>> -> memref<64x128xf32, #tpu.memory_space<hbm>>
      %dma_wait3A_93 = arith.constant 0 : i32
      %dma_wait3A_94 = tpu.memref_slice %arg6[%arg0, %add3A_52, %dma_wait3A_93] : memref<2x5120x128xf32, #tpu.memory_space<hbm>> -> memref<1x64x128xf32, #tpu.memory_space<hbm>>
      %dma_wait3A_95 = tpu.memref_squeeze %dma_wait3A_94 : memref<1x64x128xf32, #tpu.memory_space<hbm>> -> memref<64x128xf32, #tpu.memory_space<hbm>>
      tpu.wait_dma2 semaphore(%run_scoped3A : memref<!tpu.dma_semaphore, #tpu.memory_space<semaphore_mem>>) src(%arg12 : memref<64x128xf32, #tpu.memory_space<vmem>>) dst(%dma_wait3A_95 : memref<64x128xf32, #tpu.memory_space<hbm>>)
      tpu.yield
    }) : () -> ()
    %mul3A_53 = arith.constant 320 : i32
    %mul3A_54 = arith.muli %arg1, %mul3A_53 : i32
    %add3A_55 = arith.constant 64 : i32
    %add3A_56 = arith.addi %mul3A_54, %add3A_55 : i32
    "tpu.region"() ({
      %run_scoped3A = tpu.sem_alloc : memref<!tpu.dma_semaphore, #tpu.memory_space<semaphore_mem>>
      %dma_start3A_85 = arith.constant 0 : i32
      %dma_start3A_86 = tpu.memref_slice %arg13[%add3A_56, %dma_start3A_85] : memref<5128x128xf32, #tpu.memory_space<vmem_shared>> -> memref<64x128xf32, #tpu.memory_space<vmem_shared>>
      %dma_start3A_87 = arith.constant 0 : i32
      %dma_start3A_88 = tpu.memref_slice %arg13[%add3A_56, %dma_start3A_87] : memref<5128x128xf32, #tpu.memory_space<vmem_shared>> -> memref<64x128xf32, #tpu.memory_space<vmem_shared>>
      tpu.enqueue_dma source(%dma_start3A_88 : memref<64x128xf32, #tpu.memory_space<vmem_shared>>) target(%arg12 : memref<64x128xf32, #tpu.memory_space<vmem>>) target_semaphore(%run_scoped3A : memref<!tpu.dma_semaphore, #tpu.memory_space<semaphore_mem>>)
      %dma_wait3A = arith.constant 0 : i32
      %dma_wait3A_89 = tpu.memref_slice %arg13[%add3A_56, %dma_wait3A] : memref<5128x128xf32, #tpu.memory_space<vmem_shared>> -> memref<64x128xf32, #tpu.memory_space<vmem_shared>>
      %dma_wait3A_90 = arith.constant 0 : i32
      %dma_wait3A_91 = tpu.memref_slice %arg13[%add3A_56, %dma_wait3A_90] : memref<5128x128xf32, #tpu.memory_space<vmem_shared>> -> memref<64x128xf32, #tpu.memory_space<vmem_shared>>
      tpu.wait_dma2 semaphore(%run_scoped3A : memref<!tpu.dma_semaphore, #tpu.memory_space<semaphore_mem>>) src(%dma_wait3A_91 : memref<64x128xf32, #tpu.memory_space<vmem_shared>>) dst(%arg12 : memref<64x128xf32, #tpu.memory_space<vmem>>)
      tpu.yield
    }) : () -> ()
    %mul3A_57 = arith.constant 320 : i32
    %mul3A_58 = arith.muli %arg1, %mul3A_57 : i32
    %add3A_59 = arith.constant 64 : i32
    %add3A_60 = arith.addi %mul3A_58, %add3A_59 : i32
    "tpu.region"() ({
      %run_scoped3A = tpu.sem_alloc : memref<!tpu.dma_semaphore, #tpu.memory_space<semaphore_mem>>
      %dma_start3A_85 = arith.constant 0 : i32
      %dma_start3A_86 = tpu.memref_slice %arg6[%arg0, %add3A_60, %dma_start3A_85] : memref<2x5120x128xf32, #tpu.memory_space<hbm>> -> memref<1x64x128xf32, #tpu.memory_space<hbm>>
      %dma_start3A_87 = tpu.memref_squeeze %dma_start3A_86 : memref<1x64x128xf32, #tpu.memory_space<hbm>> -> memref<64x128xf32, #tpu.memory_space<hbm>>
      %dma_start3A_88 = arith.constant 0 : i32
      %dma_start3A_89 = tpu.memref_slice %arg6[%arg0, %add3A_60, %dma_start3A_88] : memref<2x5120x128xf32, #tpu.memory_space<hbm>> -> memref<1x64x128xf32, #tpu.memory_space<hbm>>
      %dma_start3A_90 = tpu.memref_squeeze %dma_start3A_89 : memref<1x64x128xf32, #tpu.memory_space<hbm>> -> memref<64x128xf32, #tpu.memory_space<hbm>>
      tpu.enqueue_dma source(%arg12 : memref<64x128xf32, #tpu.memory_space<vmem>>) target(%dma_start3A_90 : memref<64x128xf32, #tpu.memory_space<hbm>>) target_semaphore(%run_scoped3A : memref<!tpu.dma_semaphore, #tpu.memory_space<semaphore_mem>>)
      %dma_wait3A = arith.constant 0 : i32
      %dma_wait3A_91 = tpu.memref_slice %arg6[%arg0, %add3A_60, %dma_wait3A] : memref<2x5120x128xf32, #tpu.memory_space<hbm>> -> memref<1x64x128xf32, #tpu.memory_space<hbm>>
      %dma_wait3A_92 = tpu.memref_squeeze %dma_wait3A_91 : memref<1x64x128xf32, #tpu.memory_space<hbm>> -> memref<64x128xf32, #tpu.memory_space<hbm>>
      %dma_wait3A_93 = arith.constant 0 : i32
      %dma_wait3A_94 = tpu.memref_slice %arg6[%arg0, %add3A_60, %dma_wait3A_93] : memref<2x5120x128xf32, #tpu.memory_space<hbm>> -> memref<1x64x128xf32, #tpu.memory_space<hbm>>
      %dma_wait3A_95 = tpu.memref_squeeze %dma_wait3A_94 : memref<1x64x128xf32, #tpu.memory_space<hbm>> -> memref<64x128xf32, #tpu.memory_space<hbm>>
      tpu.wait_dma2 semaphore(%run_scoped3A : memref<!tpu.dma_semaphore, #tpu.memory_space<semaphore_mem>>) src(%arg12 : memref<64x128xf32, #tpu.memory_space<vmem>>) dst(%dma_wait3A_95 : memref<64x128xf32, #tpu.memory_space<hbm>>)
      tpu.yield
    }) : () -> ()
    %mul3A_61 = arith.constant 320 : i32
    %mul3A_62 = arith.muli %arg1, %mul3A_61 : i32
    %add3A_63 = arith.constant 128 : i32
    %add3A_64 = arith.addi %mul3A_62, %add3A_63 : i32
    "tpu.region"() ({
      %run_scoped3A = tpu.sem_alloc : memref<!tpu.dma_semaphore, #tpu.memory_space<semaphore_mem>>
      %dma_start3A_85 = arith.constant 0 : i32
      %dma_start3A_86 = tpu.memref_slice %arg13[%add3A_64, %dma_start3A_85] : memref<5128x128xf32, #tpu.memory_space<vmem_shared>> -> memref<64x128xf32, #tpu.memory_space<vmem_shared>>
      %dma_start3A_87 = arith.constant 0 : i32
      %dma_start3A_88 = tpu.memref_slice %arg13[%add3A_64, %dma_start3A_87] : memref<5128x128xf32, #tpu.memory_space<vmem_shared>> -> memref<64x128xf32, #tpu.memory_space<vmem_shared>>
      tpu.enqueue_dma source(%dma_start3A_88 : memref<64x128xf32, #tpu.memory_space<vmem_shared>>) target(%arg12 : memref<64x128xf32, #tpu.memory_space<vmem>>) target_semaphore(%run_scoped3A : memref<!tpu.dma_semaphore, #tpu.memory_space<semaphore_mem>>)
      %dma_wait3A = arith.constant 0 : i32
      %dma_wait3A_89 = tpu.memref_slice %arg13[%add3A_64, %dma_wait3A] : memref<5128x128xf32, #tpu.memory_space<vmem_shared>> -> memref<64x128xf32, #tpu.memory_space<vmem_shared>>
      %dma_wait3A_90 = arith.constant 0 : i32
      %dma_wait3A_91 = tpu.memref_slice %arg13[%add3A_64, %dma_wait3A_90] : memref<5128x128xf32, #tpu.memory_space<vmem_shared>> -> memref<64x128xf32, #tpu.memory_space<vmem_shared>>
      tpu.wait_dma2 semaphore(%run_scoped3A : memref<!tpu.dma_semaphore, #tpu.memory_space<semaphore_mem>>) src(%dma_wait3A_91 : memref<64x128xf32, #tpu.memory_space<vmem_shared>>) dst(%arg12 : memref<64x128xf32, #tpu.memory_space<vmem>>)
      tpu.yield
    }) : () -> ()
    %mul3A_65 = arith.constant 320 : i32
    %mul3A_66 = arith.muli %arg1, %mul3A_65 : i32
    %add3A_67 = arith.constant 128 : i32
    %add3A_68 = arith.addi %mul3A_66, %add3A_67 : i32
    "tpu.region"() ({
      %run_scoped3A = tpu.sem_alloc : memref<!tpu.dma_semaphore, #tpu.memory_space<semaphore_mem>>
      %dma_start3A_85 = arith.constant 0 : i32
      %dma_start3A_86 = tpu.memref_slice %arg6[%arg0, %add3A_68, %dma_start3A_85] : memref<2x5120x128xf32, #tpu.memory_space<hbm>> -> memref<1x64x128xf32, #tpu.memory_space<hbm>>
      %dma_start3A_87 = tpu.memref_squeeze %dma_start3A_86 : memref<1x64x128xf32, #tpu.memory_space<hbm>> -> memref<64x128xf32, #tpu.memory_space<hbm>>
      %dma_start3A_88 = arith.constant 0 : i32
      %dma_start3A_89 = tpu.memref_slice %arg6[%arg0, %add3A_68, %dma_start3A_88] : memref<2x5120x128xf32, #tpu.memory_space<hbm>> -> memref<1x64x128xf32, #tpu.memory_space<hbm>>
      %dma_start3A_90 = tpu.memref_squeeze %dma_start3A_89 : memref<1x64x128xf32, #tpu.memory_space<hbm>> -> memref<64x128xf32, #tpu.memory_space<hbm>>
      tpu.enqueue_dma source(%arg12 : memref<64x128xf32, #tpu.memory_space<vmem>>) target(%dma_start3A_90 : memref<64x128xf32, #tpu.memory_space<hbm>>) target_semaphore(%run_scoped3A : memref<!tpu.dma_semaphore, #tpu.memory_space<semaphore_mem>>)
      %dma_wait3A = arith.constant 0 : i32
      %dma_wait3A_91 = tpu.memref_slice %arg6[%arg0, %add3A_68, %dma_wait3A] : memref<2x5120x128xf32, #tpu.memory_space<hbm>> -> memref<1x64x128xf32, #tpu.memory_space<hbm>>
      %dma_wait3A_92 = tpu.memref_squeeze %dma_wait3A_91 : memref<1x64x128xf32, #tpu.memory_space<hbm>> -> memref<64x128xf32, #tpu.memory_space<hbm>>
      %dma_wait3A_93 = arith.constant 0 : i32
      %dma_wait3A_94 = tpu.memref_slice %arg6[%arg0, %add3A_68, %dma_wait3A_93] : memref<2x5120x128xf32, #tpu.memory_space<hbm>> -> memref<1x64x128xf32, #tpu.memory_space<hbm>>
      %dma_wait3A_95 = tpu.memref_squeeze %dma_wait3A_94 : memref<1x64x128xf32, #tpu.memory_space<hbm>> -> memref<64x128xf32, #tpu.memory_space<hbm>>
      tpu.wait_dma2 semaphore(%run_scoped3A : memref<!tpu.dma_semaphore, #tpu.memory_space<semaphore_mem>>) src(%arg12 : memref<64x128xf32, #tpu.memory_space<vmem>>) dst(%dma_wait3A_95 : memref<64x128xf32, #tpu.memory_space<hbm>>)
      tpu.yield
    }) : () -> ()
    %mul3A_69 = arith.constant 320 : i32
    %mul3A_70 = arith.muli %arg1, %mul3A_69 : i32
    %add3A_71 = arith.constant 192 : i32
    %add3A_72 = arith.addi %mul3A_70, %add3A_71 : i32
    "tpu.region"() ({
      %run_scoped3A = tpu.sem_alloc : memref<!tpu.dma_semaphore, #tpu.memory_space<semaphore_mem>>
      %dma_start3A_85 = arith.constant 0 : i32
      %dma_start3A_86 = tpu.memref_slice %arg13[%add3A_72, %dma_start3A_85] : memref<5128x128xf32, #tpu.memory_space<vmem_shared>> -> memref<64x128xf32, #tpu.memory_space<vmem_shared>>
      %dma_start3A_87 = arith.constant 0 : i32
      %dma_start3A_88 = tpu.memref_slice %arg13[%add3A_72, %dma_start3A_87] : memref<5128x128xf32, #tpu.memory_space<vmem_shared>> -> memref<64x128xf32, #tpu.memory_space<vmem_shared>>
      tpu.enqueue_dma source(%dma_start3A_88 : memref<64x128xf32, #tpu.memory_space<vmem_shared>>) target(%arg12 : memref<64x128xf32, #tpu.memory_space<vmem>>) target_semaphore(%run_scoped3A : memref<!tpu.dma_semaphore, #tpu.memory_space<semaphore_mem>>)
      %dma_wait3A = arith.constant 0 : i32
      %dma_wait3A_89 = tpu.memref_slice %arg13[%add3A_72, %dma_wait3A] : memref<5128x128xf32, #tpu.memory_space<vmem_shared>> -> memref<64x128xf32, #tpu.memory_space<vmem_shared>>
      %dma_wait3A_90 = arith.constant 0 : i32
      %dma_wait3A_91 = tpu.memref_slice %arg13[%add3A_72, %dma_wait3A_90] : memref<5128x128xf32, #tpu.memory_space<vmem_shared>> -> memref<64x128xf32, #tpu.memory_space<vmem_shared>>
      tpu.wait_dma2 semaphore(%run_scoped3A : memref<!tpu.dma_semaphore, #tpu.memory_space<semaphore_mem>>) src(%dma_wait3A_91 : memref<64x128xf32, #tpu.memory_space<vmem_shared>>) dst(%arg12 : memref<64x128xf32, #tpu.memory_space<vmem>>)
      tpu.yield
    }) : () -> ()
    %mul3A_73 = arith.constant 320 : i32
    %mul3A_74 = arith.muli %arg1, %mul3A_73 : i32
    %add3A_75 = arith.constant 192 : i32
    %add3A_76 = arith.addi %mul3A_74, %add3A_75 : i32
    "tpu.region"() ({
      %run_scoped3A = tpu.sem_alloc : memref<!tpu.dma_semaphore, #tpu.memory_space<semaphore_mem>>
      %dma_start3A_85 = arith.constant 0 : i32
      %dma_start3A_86 = tpu.memref_slice %arg6[%arg0, %add3A_76, %dma_start3A_85] : memref<2x5120x128xf32, #tpu.memory_space<hbm>> -> memref<1x64x128xf32, #tpu.memory_space<hbm>>
      %dma_start3A_87 = tpu.memref_squeeze %dma_start3A_86 : memref<1x64x128xf32, #tpu.memory_space<hbm>> -> memref<64x128xf32, #tpu.memory_space<hbm>>
      %dma_start3A_88 = arith.constant 0 : i32
      %dma_start3A_89 = tpu.memref_slice %arg6[%arg0, %add3A_76, %dma_start3A_88] : memref<2x5120x128xf32, #tpu.memory_space<hbm>> -> memref<1x64x128xf32, #tpu.memory_space<hbm>>
      %dma_start3A_90 = tpu.memref_squeeze %dma_start3A_89 : memref<1x64x128xf32, #tpu.memory_space<hbm>> -> memref<64x128xf32, #tpu.memory_space<hbm>>
      tpu.enqueue_dma source(%arg12 : memref<64x128xf32, #tpu.memory_space<vmem>>) target(%dma_start3A_90 : memref<64x128xf32, #tpu.memory_space<hbm>>) target_semaphore(%run_scoped3A : memref<!tpu.dma_semaphore, #tpu.memory_space<semaphore_mem>>)
      %dma_wait3A = arith.constant 0 : i32
      %dma_wait3A_91 = tpu.memref_slice %arg6[%arg0, %add3A_76, %dma_wait3A] : memref<2x5120x128xf32, #tpu.memory_space<hbm>> -> memref<1x64x128xf32, #tpu.memory_space<hbm>>
      %dma_wait3A_92 = tpu.memref_squeeze %dma_wait3A_91 : memref<1x64x128xf32, #tpu.memory_space<hbm>> -> memref<64x128xf32, #tpu.memory_space<hbm>>
      %dma_wait3A_93 = arith.constant 0 : i32
      %dma_wait3A_94 = tpu.memref_slice %arg6[%arg0, %add3A_76, %dma_wait3A_93] : memref<2x5120x128xf32, #tpu.memory_space<hbm>> -> memref<1x64x128xf32, #tpu.memory_space<hbm>>
      %dma_wait3A_95 = tpu.memref_squeeze %dma_wait3A_94 : memref<1x64x128xf32, #tpu.memory_space<hbm>> -> memref<64x128xf32, #tpu.memory_space<hbm>>
      tpu.wait_dma2 semaphore(%run_scoped3A : memref<!tpu.dma_semaphore, #tpu.memory_space<semaphore_mem>>) src(%arg12 : memref<64x128xf32, #tpu.memory_space<vmem>>) dst(%dma_wait3A_95 : memref<64x128xf32, #tpu.memory_space<hbm>>)
      tpu.yield
    }) : () -> ()
    %mul3A_77 = arith.constant 320 : i32
    %mul3A_78 = arith.muli %arg1, %mul3A_77 : i32
    %add3A_79 = arith.constant 256 : i32
    %add3A_80 = arith.addi %mul3A_78, %add3A_79 : i32
    "tpu.region"() ({
      %run_scoped3A = tpu.sem_alloc : memref<!tpu.dma_semaphore, #tpu.memory_space<semaphore_mem>>
      %dma_start3A_85 = arith.constant 0 : i32
      %dma_start3A_86 = tpu.memref_slice %arg13[%add3A_80, %dma_start3A_85] : memref<5128x128xf32, #tpu.memory_space<vmem_shared>> -> memref<64x128xf32, #tpu.memory_space<vmem_shared>>
      %dma_start3A_87 = arith.constant 0 : i32
      %dma_start3A_88 = tpu.memref_slice %arg13[%add3A_80, %dma_start3A_87] : memref<5128x128xf32, #tpu.memory_space<vmem_shared>> -> memref<64x128xf32, #tpu.memory_space<vmem_shared>>
      tpu.enqueue_dma source(%dma_start3A_88 : memref<64x128xf32, #tpu.memory_space<vmem_shared>>) target(%arg12 : memref<64x128xf32, #tpu.memory_space<vmem>>) target_semaphore(%run_scoped3A : memref<!tpu.dma_semaphore, #tpu.memory_space<semaphore_mem>>)
      %dma_wait3A = arith.constant 0 : i32
      %dma_wait3A_89 = tpu.memref_slice %arg13[%add3A_80, %dma_wait3A] : memref<5128x128xf32, #tpu.memory_space<vmem_shared>> -> memref<64x128xf32, #tpu.memory_space<vmem_shared>>
      %dma_wait3A_90 = arith.constant 0 : i32
      %dma_wait3A_91 = tpu.memref_slice %arg13[%add3A_80, %dma_wait3A_90] : memref<5128x128xf32, #tpu.memory_space<vmem_shared>> -> memref<64x128xf32, #tpu.memory_space<vmem_shared>>
      tpu.wait_dma2 semaphore(%run_scoped3A : memref<!tpu.dma_semaphore, #tpu.memory_space<semaphore_mem>>) src(%dma_wait3A_91 : memref<64x128xf32, #tpu.memory_space<vmem_shared>>) dst(%arg12 : memref<64x128xf32, #tpu.memory_space<vmem>>)
      tpu.yield
    }) : () -> ()
    %mul3A_81 = arith.constant 320 : i32
    %mul3A_82 = arith.muli %arg1, %mul3A_81 : i32
    %add3A_83 = arith.constant 256 : i32
    %add3A_84 = arith.addi %mul3A_82, %add3A_83 : i32
    "tpu.region"() ({
      %run_scoped3A = tpu.sem_alloc : memref<!tpu.dma_semaphore, #tpu.memory_space<semaphore_mem>>
      %dma_start3A_85 = arith.constant 0 : i32
      %dma_start3A_86 = tpu.memref_slice %arg6[%arg0, %add3A_84, %dma_start3A_85] : memref<2x5120x128xf32, #tpu.memory_space<hbm>> -> memref<1x64x128xf32, #tpu.memory_space<hbm>>
      %dma_start3A_87 = tpu.memref_squeeze %dma_start3A_86 : memref<1x64x128xf32, #tpu.memory_space<hbm>> -> memref<64x128xf32, #tpu.memory_space<hbm>>
      %dma_start3A_88 = arith.constant 0 : i32
      %dma_start3A_89 = tpu.memref_slice %arg6[%arg0, %add3A_84, %dma_start3A_88] : memref<2x5120x128xf32, #tpu.memory_space<hbm>> -> memref<1x64x128xf32, #tpu.memory_space<hbm>>
      %dma_start3A_90 = tpu.memref_squeeze %dma_start3A_89 : memref<1x64x128xf32, #tpu.memory_space<hbm>> -> memref<64x128xf32, #tpu.memory_space<hbm>>
      tpu.enqueue_dma source(%arg12 : memref<64x128xf32, #tpu.memory_space<vmem>>) target(%dma_start3A_90 : memref<64x128xf32, #tpu.memory_space<hbm>>) target_semaphore(%run_scoped3A : memref<!tpu.dma_semaphore, #tpu.memory_space<semaphore_mem>>)
      %dma_wait3A = arith.constant 0 : i32
      %dma_wait3A_91 = tpu.memref_slice %arg6[%arg0, %add3A_84, %dma_wait3A] : memref<2x5120x128xf32, #tpu.memory_space<hbm>> -> memref<1x64x128xf32, #tpu.memory_space<hbm>>
      %dma_wait3A_92 = tpu.memref_squeeze %dma_wait3A_91 : memref<1x64x128xf32, #tpu.memory_space<hbm>> -> memref<64x128xf32, #tpu.memory_space<hbm>>
      %dma_wait3A_93 = arith.constant 0 : i32
      %dma_wait3A_94 = tpu.memref_slice %arg6[%arg0, %add3A_84, %dma_wait3A_93] : memref<2x5120x128xf32, #tpu.memory_space<hbm>> -> memref<1x64x128xf32, #tpu.memory_space<hbm>>
      %dma_wait3A_95 = tpu.memref_squeeze %dma_wait3A_94 : memref<1x64x128xf32, #tpu.memory_space<hbm>> -> memref<64x128xf32, #tpu.memory_space<hbm>>
      tpu.wait_dma2 semaphore(%run_scoped3A : memref<!tpu.dma_semaphore, #tpu.memory_space<semaphore_mem>>) src(%arg12 : memref<64x128xf32, #tpu.memory_space<vmem>>) dst(%dma_wait3A_95 : memref<64x128xf32, #tpu.memory_space<hbm>>)
      tpu.yield
    }) : () -> ()
    return
  }
}

#map = affine_map<(d0, d1) -> (0, 0)>
#map1 = affine_map<(d0, d1) -> (0, 0, 0)>
module attributes {stable_mosaic.version = 14 : i64} {
  func.func @k(%arg0: i32, %arg1: i32, %arg2: memref<10240x128xf32, #tpu.memory_space<hbm>>, %arg3: memref<16x158x128xi32, #tpu.memory_space<hbm>>, %arg4: memref<16x158x128xi32, #tpu.memory_space<hbm>>, %arg5: memref<64x128xf32, #tpu.memory_space<hbm>>, %arg6: memref<2x5120x128xf32, #tpu.memory_space<hbm>>, %arg7: memref<158x128xi32, #tpu.memory_space<vmem>>, %arg8: memref<158x128xi32, #tpu.memory_space<vmem>>, %arg9: memref<2x128xi32, #tpu.memory_space<vmem>>, %arg10: memref<128x128xf32, #tpu.memory_space<vmem>>, %arg11: memref<128x128xf32, #tpu.memory_space<vmem>>, %arg12: memref<64x128xf32, #tpu.memory_space<vmem>>, %arg13: memref<5128x128xf32, #tpu.memory_space<vmem_shared>>, %arg14: memref<!tpu.dma_semaphore, #tpu.memory_space<semaphore_mem>>, %arg15: memref<!tpu.dma_semaphore, #tpu.memory_space<semaphore_mem>>, %arg16: memref<!tpu.dma_semaphore, #tpu.memory_space<semaphore_mem>>, %arg17: memref<!tpu.dma_semaphore, #tpu.memory_space<semaphore_mem>>) attributes {dimension_semantics = [#tpu.dimension_semantics<core_parallel>, #tpu.dimension_semantics<subcore_parallel>], iteration_bounds = array<i64: 2, 16>, scalar_prefetch = 0 : i64, scratch_operands = 11 : i64, tpu.core_type = #tpu.core_type<sc_vector_subcore>, window_params = [{transform_indices = #map}, {transform_indices = #map1}, {transform_indices = #map1}, {transform_indices = #map}, {transform_indices = #map1}]} {
    %mul3A = arith.constant 5120 : i32
    %mul3A_0 = arith.muli %arg0, %mul3A : i32
    "tpu.region"() ({
      %run_scoped3A = tpu.sem_alloc : memref<!tpu.dma_semaphore, #tpu.memory_space<semaphore_mem>>
      tpu.enqueue_dma source(%arg5 : memref<64x128xf32, #tpu.memory_space<hbm>>) target(%arg12 : memref<64x128xf32, #tpu.memory_space<vmem>>) target_semaphore(%run_scoped3A : memref<!tpu.dma_semaphore, #tpu.memory_space<semaphore_mem>>)
      tpu.wait_dma2 semaphore(%run_scoped3A : memref<!tpu.dma_semaphore, #tpu.memory_space<semaphore_mem>>) src(%arg5 : memref<64x128xf32, #tpu.memory_space<hbm>>) dst(%arg12 : memref<64x128xf32, #tpu.memory_space<vmem>>)
      tpu.yield
    }) : () -> ()
    %mul3A_1 = arith.constant 320 : i32
    %mul3A_2 = arith.muli %arg1, %mul3A_1 : i32
    %add3A = arith.constant 0 : i32
    %add3A_3 = arith.addi %mul3A_2, %add3A : i32
    "tpu.region"() ({
      %run_scoped3A = tpu.sem_alloc : memref<!tpu.dma_semaphore, #tpu.memory_space<semaphore_mem>>
      %dma_start3A_85 = arith.constant 0 : i32
      %dma_start3A_86 = tpu.memref_slice %arg13[%add3A_3, %dma_start3A_85] : memref<5128x128xf32, #tpu.memory_space<vmem_shared>> -> memref<64x128xf32, #tpu.memory_space<vmem_shared>>
      %dma_start3A_87 = arith.constant 0 : i32
      %dma_start3A_88 = tpu.memref_slice %arg13[%add3A_3, %dma_start3A_87] : memref<5128x128xf32, #tpu.memory_space<vmem_shared>> -> memref<64x128xf32, #tpu.memory_space<vmem_shared>>
      tpu.enqueue_dma source(%arg12 : memref<64x128xf32, #tpu.memory_space<vmem>>) target(%dma_start3A_88 : memref<64x128xf32, #tpu.memory_space<vmem_shared>>) target_semaphore(%run_scoped3A : memref<!tpu.dma_semaphore, #tpu.memory_space<semaphore_mem>>)
      %dma_wait3A = arith.constant 0 : i32
      %dma_wait3A_89 = tpu.memref_slice %arg13[%add3A_3, %dma_wait3A] : memref<5128x128xf32, #tpu.memory_space<vmem_shared>> -> memref<64x128xf32, #tpu.memory_space<vmem_shared>>
      %dma_wait3A_90 = arith.constant 0 : i32
      %dma_wait3A_91 = tpu.memref_slice %arg13[%add3A_3, %dma_wait3A_90] : memref<5128x128xf32, #tpu.memory_space<vmem_shared>> -> memref<64x128xf32, #tpu.memory_space<vmem_shared>>
      tpu.wait_dma2 semaphore(%run_scoped3A : memref<!tpu.dma_semaphore, #tpu.memory_space<semaphore_mem>>) src(%arg12 : memref<64x128xf32, #tpu.memory_space<vmem>>) dst(%dma_wait3A_91 : memref<64x128xf32, #tpu.memory_space<vmem_shared>>)
      tpu.yield
    }) : () -> ()
    %mul3A_4 = arith.constant 320 : i32
    %mul3A_5 = arith.muli %arg1, %mul3A_4 : i32
    %add3A_6 = arith.constant 64 : i32
    %add3A_7 = arith.addi %mul3A_5, %add3A_6 : i32
    "tpu.region"() ({
      %run_scoped3A = tpu.sem_alloc : memref<!tpu.dma_semaphore, #tpu.memory_space<semaphore_mem>>
      %dma_start3A_85 = arith.constant 0 : i32
      %dma_start3A_86 = tpu.memref_slice %arg13[%add3A_7, %dma_start3A_85] : memref<5128x128xf32, #tpu.memory_space<vmem_shared>> -> memref<64x128xf32, #tpu.memory_space<vmem_shared>>
      %dma_start3A_87 = arith.constant 0 : i32
      %dma_start3A_88 = tpu.memref_slice %arg13[%add3A_7, %dma_start3A_87] : memref<5128x128xf32, #tpu.memory_space<vmem_shared>> -> memref<64x128xf32, #tpu.memory_space<vmem_shared>>
      tpu.enqueue_dma source(%arg12 : memref<64x128xf32, #tpu.memory_space<vmem>>) target(%dma_start3A_88 : memref<64x128xf32, #tpu.memory_space<vmem_shared>>) target_semaphore(%run_scoped3A : memref<!tpu.dma_semaphore, #tpu.memory_space<semaphore_mem>>)
      %dma_wait3A = arith.constant 0 : i32
      %dma_wait3A_89 = tpu.memref_slice %arg13[%add3A_7, %dma_wait3A] : memref<5128x128xf32, #tpu.memory_space<vmem_shared>> -> memref<64x128xf32, #tpu.memory_space<vmem_shared>>
      %dma_wait3A_90 = arith.constant 0 : i32
      %dma_wait3A_91 = tpu.memref_slice %arg13[%add3A_7, %dma_wait3A_90] : memref<5128x128xf32, #tpu.memory_space<vmem_shared>> -> memref<64x128xf32, #tpu.memory_space<vmem_shared>>
      tpu.wait_dma2 semaphore(%run_scoped3A : memref<!tpu.dma_semaphore, #tpu.memory_space<semaphore_mem>>) src(%arg12 : memref<64x128xf32, #tpu.memory_space<vmem>>) dst(%dma_wait3A_91 : memref<64x128xf32, #tpu.memory_space<vmem_shared>>)
      tpu.yield
    }) : () -> ()
    %mul3A_8 = arith.constant 320 : i32
    %mul3A_9 = arith.muli %arg1, %mul3A_8 : i32
    %add3A_10 = arith.constant 128 : i32
    %add3A_11 = arith.addi %mul3A_9, %add3A_10 : i32
    "tpu.region"() ({
      %run_scoped3A = tpu.sem_alloc : memref<!tpu.dma_semaphore, #tpu.memory_space<semaphore_mem>>
      %dma_start3A_85 = arith.constant 0 : i32
      %dma_start3A_86 = tpu.memref_slice %arg13[%add3A_11, %dma_start3A_85] : memref<5128x128xf32, #tpu.memory_space<vmem_shared>> -> memref<64x128xf32, #tpu.memory_space<vmem_shared>>
      %dma_start3A_87 = arith.constant 0 : i32
      %dma_start3A_88 = tpu.memref_slice %arg13[%add3A_11, %dma_start3A_87] : memref<5128x128xf32, #tpu.memory_space<vmem_shared>> -> memref<64x128xf32, #tpu.memory_space<vmem_shared>>
      tpu.enqueue_dma source(%arg12 : memref<64x128xf32, #tpu.memory_space<vmem>>) target(%dma_start3A_88 : memref<64x128xf32, #tpu.memory_space<vmem_shared>>) target_semaphore(%run_scoped3A : memref<!tpu.dma_semaphore, #tpu.memory_space<semaphore_mem>>)
      %dma_wait3A = arith.constant 0 : i32
      %dma_wait3A_89 = tpu.memref_slice %arg13[%add3A_11, %dma_wait3A] : memref<5128x128xf32, #tpu.memory_space<vmem_shared>> -> memref<64x128xf32, #tpu.memory_space<vmem_shared>>
      %dma_wait3A_90 = arith.constant 0 : i32
      %dma_wait3A_91 = tpu.memref_slice %arg13[%add3A_11, %dma_wait3A_90] : memref<5128x128xf32, #tpu.memory_space<vmem_shared>> -> memref<64x128xf32, #tpu.memory_space<vmem_shared>>
      tpu.wait_dma2 semaphore(%run_scoped3A : memref<!tpu.dma_semaphore, #tpu.memory_space<semaphore_mem>>) src(%arg12 : memref<64x128xf32, #tpu.memory_space<vmem>>) dst(%dma_wait3A_91 : memref<64x128xf32, #tpu.memory_space<vmem_shared>>)
      tpu.yield
    }) : () -> ()
    %mul3A_12 = arith.constant 320 : i32
    %mul3A_13 = arith.muli %arg1, %mul3A_12 : i32
    %add3A_14 = arith.constant 192 : i32
    %add3A_15 = arith.addi %mul3A_13, %add3A_14 : i32
    "tpu.region"() ({
      %run_scoped3A = tpu.sem_alloc : memref<!tpu.dma_semaphore, #tpu.memory_space<semaphore_mem>>
      %dma_start3A_85 = arith.constant 0 : i32
      %dma_start3A_86 = tpu.memref_slice %arg13[%add3A_15, %dma_start3A_85] : memref<5128x128xf32, #tpu.memory_space<vmem_shared>> -> memref<64x128xf32, #tpu.memory_space<vmem_shared>>
      %dma_start3A_87 = arith.constant 0 : i32
      %dma_start3A_88 = tpu.memref_slice %arg13[%add3A_15, %dma_start3A_87] : memref<5128x128xf32, #tpu.memory_space<vmem_shared>> -> memref<64x128xf32, #tpu.memory_space<vmem_shared>>
      tpu.enqueue_dma source(%arg12 : memref<64x128xf32, #tpu.memory_space<vmem>>) target(%dma_start3A_88 : memref<64x128xf32, #tpu.memory_space<vmem_shared>>) target_semaphore(%run_scoped3A : memref<!tpu.dma_semaphore, #tpu.memory_space<semaphore_mem>>)
      %dma_wait3A = arith.constant 0 : i32
      %dma_wait3A_89 = tpu.memref_slice %arg13[%add3A_15, %dma_wait3A] : memref<5128x128xf32, #tpu.memory_space<vmem_shared>> -> memref<64x128xf32, #tpu.memory_space<vmem_shared>>
      %dma_wait3A_90 = arith.constant 0 : i32
      %dma_wait3A_91 = tpu.memref_slice %arg13[%add3A_15, %dma_wait3A_90] : memref<5128x128xf32, #tpu.memory_space<vmem_shared>> -> memref<64x128xf32, #tpu.memory_space<vmem_shared>>
      tpu.wait_dma2 semaphore(%run_scoped3A : memref<!tpu.dma_semaphore, #tpu.memory_space<semaphore_mem>>) src(%arg12 : memref<64x128xf32, #tpu.memory_space<vmem>>) dst(%dma_wait3A_91 : memref<64x128xf32, #tpu.memory_space<vmem_shared>>)
      tpu.yield
    }) : () -> ()
    %mul3A_16 = arith.constant 320 : i32
    %mul3A_17 = arith.muli %arg1, %mul3A_16 : i32
    %add3A_18 = arith.constant 256 : i32
    %add3A_19 = arith.addi %mul3A_17, %add3A_18 : i32
    "tpu.region"() ({
      %run_scoped3A = tpu.sem_alloc : memref<!tpu.dma_semaphore, #tpu.memory_space<semaphore_mem>>
      %dma_start3A_85 = arith.constant 0 : i32
      %dma_start3A_86 = tpu.memref_slice %arg13[%add3A_19, %dma_start3A_85] : memref<5128x128xf32, #tpu.memory_space<vmem_shared>> -> memref<64x128xf32, #tpu.memory_space<vmem_shared>>
      %dma_start3A_87 = arith.constant 0 : i32
      %dma_start3A_88 = tpu.memref_slice %arg13[%add3A_19, %dma_start3A_87] : memref<5128x128xf32, #tpu.memory_space<vmem_shared>> -> memref<64x128xf32, #tpu.memory_space<vmem_shared>>
      tpu.enqueue_dma source(%arg12 : memref<64x128xf32, #tpu.memory_space<vmem>>) target(%dma_start3A_88 : memref<64x128xf32, #tpu.memory_space<vmem_shared>>) target_semaphore(%run_scoped3A : memref<!tpu.dma_semaphore, #tpu.memory_space<semaphore_mem>>)
      %dma_wait3A = arith.constant 0 : i32
      %dma_wait3A_89 = tpu.memref_slice %arg13[%add3A_19, %dma_wait3A] : memref<5128x128xf32, #tpu.memory_space<vmem_shared>> -> memref<64x128xf32, #tpu.memory_space<vmem_shared>>
      %dma_wait3A_90 = arith.constant 0 : i32
      %dma_wait3A_91 = tpu.memref_slice %arg13[%add3A_19, %dma_wait3A_90] : memref<5128x128xf32, #tpu.memory_space<vmem_shared>> -> memref<64x128xf32, #tpu.memory_space<vmem_shared>>
      tpu.wait_dma2 semaphore(%run_scoped3A : memref<!tpu.dma_semaphore, #tpu.memory_space<semaphore_mem>>) src(%arg12 : memref<64x128xf32, #tpu.memory_space<vmem>>) dst(%dma_wait3A_91 : memref<64x128xf32, #tpu.memory_space<vmem_shared>>)
      tpu.yield
    }) : () -> ()
    "tpu.region"() ({
      %run_scoped3A = tpu.sem_alloc : memref<!tpu.dma_semaphore, #tpu.memory_space<semaphore_mem>>
      %dma_start3A_85 = arith.constant 0 : i32
      %dma_start3A_86 = arith.constant 0 : i32
      %dma_start3A_87 = tpu.memref_slice %arg3[%arg1, %dma_start3A_85, %dma_start3A_86] : memref<16x158x128xi32, #tpu.memory_space<hbm>> -> memref<1x158x128xi32, #tpu.memory_space<hbm>>
      %dma_start3A_88 = tpu.memref_squeeze %dma_start3A_87 : memref<1x158x128xi32, #tpu.memory_space<hbm>> -> memref<158x128xi32, #tpu.memory_space<hbm>>
      %dma_start3A_89 = arith.constant 0 : i32
      %dma_start3A_90 = arith.constant 0 : i32
      %dma_start3A_91 = tpu.memref_slice %arg3[%arg1, %dma_start3A_89, %dma_start3A_90] : memref<16x158x128xi32, #tpu.memory_space<hbm>> -> memref<1x158x128xi32, #tpu.memory_space<hbm>>
      %dma_start3A_92 = tpu.memref_squeeze %dma_start3A_91 : memref<1x158x128xi32, #tpu.memory_space<hbm>> -> memref<158x128xi32, #tpu.memory_space<hbm>>
      tpu.enqueue_dma source(%dma_start3A_92 : memref<158x128xi32, #tpu.memory_space<hbm>>) target(%arg7 : memref<158x128xi32, #tpu.memory_space<vmem>>) target_semaphore(%run_scoped3A : memref<!tpu.dma_semaphore, #tpu.memory_space<semaphore_mem>>)
      %dma_wait3A = arith.constant 0 : i32
      %dma_wait3A_93 = arith.constant 0 : i32
      %dma_wait3A_94 = tpu.memref_slice %arg3[%arg1, %dma_wait3A, %dma_wait3A_93] : memref<16x158x128xi32, #tpu.memory_space<hbm>> -> memref<1x158x128xi32, #tpu.memory_space<hbm>>
      %dma_wait3A_95 = tpu.memref_squeeze %dma_wait3A_94 : memref<1x158x128xi32, #tpu.memory_space<hbm>> -> memref<158x128xi32, #tpu.memory_space<hbm>>
      %dma_wait3A_96 = arith.constant 0 : i32
      %dma_wait3A_97 = arith.constant 0 : i32
      %dma_wait3A_98 = tpu.memref_slice %arg3[%arg1, %dma_wait3A_96, %dma_wait3A_97] : memref<16x158x128xi32, #tpu.memory_space<hbm>> -> memref<1x158x128xi32, #tpu.memory_space<hbm>>
      %dma_wait3A_99 = tpu.memref_squeeze %dma_wait3A_98 : memref<1x158x128xi32, #tpu.memory_space<hbm>> -> memref<158x128xi32, #tpu.memory_space<hbm>>
      tpu.wait_dma2 semaphore(%run_scoped3A : memref<!tpu.dma_semaphore, #tpu.memory_space<semaphore_mem>>) src(%dma_wait3A_99 : memref<158x128xi32, #tpu.memory_space<hbm>>) dst(%arg7 : memref<158x128xi32, #tpu.memory_space<vmem>>)
      tpu.yield
    }) : () -> ()
    "tpu.region"() ({
      %run_scoped3A = tpu.sem_alloc : memref<!tpu.dma_semaphore, #tpu.memory_space<semaphore_mem>>
      %dma_start3A_85 = arith.constant 0 : i32
      %dma_start3A_86 = arith.constant 0 : i32
      %dma_start3A_87 = tpu.memref_slice %arg4[%arg1, %dma_start3A_85, %dma_start3A_86] : memref<16x158x128xi32, #tpu.memory_space<hbm>> -> memref<1x158x128xi32, #tpu.memory_space<hbm>>
      %dma_start3A_88 = tpu.memref_squeeze %dma_start3A_87 : memref<1x158x128xi32, #tpu.memory_space<hbm>> -> memref<158x128xi32, #tpu.memory_space<hbm>>
      %dma_start3A_89 = arith.constant 0 : i32
      %dma_start3A_90 = arith.constant 0 : i32
      %dma_start3A_91 = tpu.memref_slice %arg4[%arg1, %dma_start3A_89, %dma_start3A_90] : memref<16x158x128xi32, #tpu.memory_space<hbm>> -> memref<1x158x128xi32, #tpu.memory_space<hbm>>
      %dma_start3A_92 = tpu.memref_squeeze %dma_start3A_91 : memref<1x158x128xi32, #tpu.memory_space<hbm>> -> memref<158x128xi32, #tpu.memory_space<hbm>>
      tpu.enqueue_dma source(%dma_start3A_92 : memref<158x128xi32, #tpu.memory_space<hbm>>) target(%arg8 : memref<158x128xi32, #tpu.memory_space<vmem>>) target_semaphore(%run_scoped3A : memref<!tpu.dma_semaphore, #tpu.memory_space<semaphore_mem>>)
      %dma_wait3A = arith.constant 0 : i32
      %dma_wait3A_93 = arith.constant 0 : i32
      %dma_wait3A_94 = tpu.memref_slice %arg4[%arg1, %dma_wait3A, %dma_wait3A_93] : memref<16x158x128xi32, #tpu.memory_space<hbm>> -> memref<1x158x128xi32, #tpu.memory_space<hbm>>
      %dma_wait3A_95 = tpu.memref_squeeze %dma_wait3A_94 : memref<1x158x128xi32, #tpu.memory_space<hbm>> -> memref<158x128xi32, #tpu.memory_space<hbm>>
      %dma_wait3A_96 = arith.constant 0 : i32
      %dma_wait3A_97 = arith.constant 0 : i32
      %dma_wait3A_98 = tpu.memref_slice %arg4[%arg1, %dma_wait3A_96, %dma_wait3A_97] : memref<16x158x128xi32, #tpu.memory_space<hbm>> -> memref<1x158x128xi32, #tpu.memory_space<hbm>>
      %dma_wait3A_99 = tpu.memref_squeeze %dma_wait3A_98 : memref<1x158x128xi32, #tpu.memory_space<hbm>> -> memref<158x128xi32, #tpu.memory_space<hbm>>
      tpu.wait_dma2 semaphore(%run_scoped3A : memref<!tpu.dma_semaphore, #tpu.memory_space<semaphore_mem>>) src(%dma_wait3A_99 : memref<158x128xi32, #tpu.memory_space<hbm>>) dst(%arg8 : memref<158x128xi32, #tpu.memory_space<vmem>>)
      tpu.yield
    }) : () -> ()
    %scan3A = arith.constant 0 : i32
    %scan3A_20 = arith.constant 0 : i32
    %scan3A_21 = arith.constant 158 : i32
    %scan3A_22 = arith.addi %scan3A_20, %scan3A_21 : i32
    %scan3A_23 = arith.constant 1 : i32
    scf.for %scan3A_85 = %scan3A_20 to %scan3A_22 step %scan3A_23  : i32 {
      %get3A = arith.index_cast %scan3A_85 : i32 to index
      %get3A_86 = arith.constant 0 : index
      %get3A_87 = tpu.vector_load %arg8[%get3A, %get3A_86] {strides = array<i32>} : memref<158x128xi32, #tpu.memory_space<vmem>>, vector<1x16xi32>,
      %get3A_88 = vector.shape_cast %get3A_87 : vector<1x16xi32> to vector<16xi32>
      %sub3A = vector.broadcast %mul3A_0 : i32 to vector<16xi32>
      %sub3A_89 = arith.subi %get3A_88, %sub3A : vector<16xi32>
      %swap3A = arith.index_cast %scan3A_85 : i32 to index
      %swap3A_90 = arith.constant 0 : index
      %swap3A_91 = tpu.vector_load %arg8[%swap3A, %swap3A_90] {strides = array<i32>} : memref<158x128xi32, #tpu.memory_space<vmem>>, vector<1x16xi32>,
      %swap3A_92 = vector.shape_cast %swap3A_91 : vector<1x16xi32> to vector<16xi32>
      %swap3A_93 = vector.shape_cast %sub3A_89 : vector<16xi32> to vector<1x16xi32>
      tpu.vector_store %arg8[%swap3A, %swap3A_90], %swap3A_93 {strides = array<i32>} : memref<158x128xi32, #tpu.memory_space<vmem>>, vector<1x16xi32>,
      %get3A_94 = arith.index_cast %scan3A_85 : i32 to index
      %get3A_95 = arith.constant 16 : index
      %get3A_96 = tpu.vector_load %arg8[%get3A_94, %get3A_95] {strides = array<i32>} : memref<158x128xi32, #tpu.memory_space<vmem>>, vector<1x16xi32>,
      %get3A_97 = vector.shape_cast %get3A_96 : vector<1x16xi32> to vector<16xi32>
      %sub3A_98 = vector.broadcast %mul3A_0 : i32 to vector<16xi32>
      %sub3A_99 = arith.subi %get3A_97, %sub3A_98 : vector<16xi32>
      %swap3A_100 = arith.index_cast %scan3A_85 : i32 to index
      %swap3A_101 = arith.constant 16 : index
      %swap3A_102 = tpu.vector_load %arg8[%swap3A_100, %swap3A_101] {strides = array<i32>} : memref<158x128xi32, #tpu.memory_space<vmem>>, vector<1x16xi32>,
      %swap3A_103 = vector.shape_cast %swap3A_102 : vector<1x16xi32> to vector<16xi32>
      %swap3A_104 = vector.shape_cast %sub3A_99 : vector<16xi32> to vector<1x16xi32>
      tpu.vector_store %arg8[%swap3A_100, %swap3A_101], %swap3A_104 {strides = array<i32>} : memref<158x128xi32, #tpu.memory_space<vmem>>, vector<1x16xi32>,
      %get3A_105 = arith.index_cast %scan3A_85 : i32 to index
      %get3A_106 = arith.constant 32 : index
      %get3A_107 = tpu.vector_load %arg8[%get3A_105, %get3A_106] {strides = array<i32>} : memref<158x128xi32, #tpu.memory_space<vmem>>, vector<1x16xi32>,
      %get3A_108 = vector.shape_cast %get3A_107 : vector<1x16xi32> to vector<16xi32>
      %sub3A_109 = vector.broadcast %mul3A_0 : i32 to vector<16xi32>
      %sub3A_110 = arith.subi %get3A_108, %sub3A_109 : vector<16xi32>
      %swap3A_111 = arith.index_cast %scan3A_85 : i32 to index
      %swap3A_112 = arith.constant 32 : index
      %swap3A_113 = tpu.vector_load %arg8[%swap3A_111, %swap3A_112] {strides = array<i32>} : memref<158x128xi32, #tpu.memory_space<vmem>>, vector<1x16xi32>,
      %swap3A_114 = vector.shape_cast %swap3A_113 : vector<1x16xi32> to vector<16xi32>
      %swap3A_115 = vector.shape_cast %sub3A_110 : vector<16xi32> to vector<1x16xi32>
      tpu.vector_store %arg8[%swap3A_111, %swap3A_112], %swap3A_115 {strides = array<i32>} : memref<158x128xi32, #tpu.memory_space<vmem>>, vector<1x16xi32>,
      %get3A_116 = arith.index_cast %scan3A_85 : i32 to index
      %get3A_117 = arith.constant 48 : index
      %get3A_118 = tpu.vector_load %arg8[%get3A_116, %get3A_117] {strides = array<i32>} : memref<158x128xi32, #tpu.memory_space<vmem>>, vector<1x16xi32>,
      %get3A_119 = vector.shape_cast %get3A_118 : vector<1x16xi32> to vector<16xi32>
      %sub3A_120 = vector.broadcast %mul3A_0 : i32 to vector<16xi32>
      %sub3A_121 = arith.subi %get3A_119, %sub3A_120 : vector<16xi32>
      %swap3A_122 = arith.index_cast %scan3A_85 : i32 to index
      %swap3A_123 = arith.constant 48 : index
      %swap3A_124 = tpu.vector_load %arg8[%swap3A_122, %swap3A_123] {strides = array<i32>} : memref<158x128xi32, #tpu.memory_space<vmem>>, vector<1x16xi32>,
      %swap3A_125 = vector.shape_cast %swap3A_124 : vector<1x16xi32> to vector<16xi32>
      %swap3A_126 = vector.shape_cast %sub3A_121 : vector<16xi32> to vector<1x16xi32>
      tpu.vector_store %arg8[%swap3A_122, %swap3A_123], %swap3A_126 {strides = array<i32>} : memref<158x128xi32, #tpu.memory_space<vmem>>, vector<1x16xi32>,
      %get3A_127 = arith.index_cast %scan3A_85 : i32 to index
      %get3A_128 = arith.constant 64 : index
      %get3A_129 = tpu.vector_load %arg8[%get3A_127, %get3A_128] {strides = array<i32>} : memref<158x128xi32, #tpu.memory_space<vmem>>, vector<1x16xi32>,
      %get3A_130 = vector.shape_cast %get3A_129 : vector<1x16xi32> to vector<16xi32>
      %sub3A_131 = vector.broadcast %mul3A_0 : i32 to vector<16xi32>
      %sub3A_132 = arith.subi %get3A_130, %sub3A_131 : vector<16xi32>
      %swap3A_133 = arith.index_cast %scan3A_85 : i32 to index
      %swap3A_134 = arith.constant 64 : index
      %swap3A_135 = tpu.vector_load %arg8[%swap3A_133, %swap3A_134] {strides = array<i32>} : memref<158x128xi32, #tpu.memory_space<vmem>>, vector<1x16xi32>,
      %swap3A_136 = vector.shape_cast %swap3A_135 : vector<1x16xi32> to vector<16xi32>
      %swap3A_137 = vector.shape_cast %sub3A_132 : vector<16xi32> to vector<1x16xi32>
      tpu.vector_store %arg8[%swap3A_133, %swap3A_134], %swap3A_137 {strides = array<i32>} : memref<158x128xi32, #tpu.memory_space<vmem>>, vector<1x16xi32>,
      %get3A_138 = arith.index_cast %scan3A_85 : i32 to index
      %get3A_139 = arith.constant 80 : index
      %get3A_140 = tpu.vector_load %arg8[%get3A_138, %get3A_139] {strides = array<i32>} : memref<158x128xi32, #tpu.memory_space<vmem>>, vector<1x16xi32>,
      %get3A_141 = vector.shape_cast %get3A_140 : vector<1x16xi32> to vector<16xi32>
      %sub3A_142 = vector.broadcast %mul3A_0 : i32 to vector<16xi32>
      %sub3A_143 = arith.subi %get3A_141, %sub3A_142 : vector<16xi32>
      %swap3A_144 = arith.index_cast %scan3A_85 : i32 to index
      %swap3A_145 = arith.constant 80 : index
      %swap3A_146 = tpu.vector_load %arg8[%swap3A_144, %swap3A_145] {strides = array<i32>} : memref<158x128xi32, #tpu.memory_space<vmem>>, vector<1x16xi32>,
      %swap3A_147 = vector.shape_cast %swap3A_146 : vector<1x16xi32> to vector<16xi32>
      %swap3A_148 = vector.shape_cast %sub3A_143 : vector<16xi32> to vector<1x16xi32>
      tpu.vector_store %arg8[%swap3A_144, %swap3A_145], %swap3A_148 {strides = array<i32>} : memref<158x128xi32, #tpu.memory_space<vmem>>, vector<1x16xi32>,
      %get3A_149 = arith.index_cast %scan3A_85 : i32 to index
      %get3A_150 = arith.constant 96 : index
      %get3A_151 = tpu.vector_load %arg8[%get3A_149, %get3A_150] {strides = array<i32>} : memref<158x128xi32, #tpu.memory_space<vmem>>, vector<1x16xi32>,
      %get3A_152 = vector.shape_cast %get3A_151 : vector<1x16xi32> to vector<16xi32>
      %sub3A_153 = vector.broadcast %mul3A_0 : i32 to vector<16xi32>
      %sub3A_154 = arith.subi %get3A_152, %sub3A_153 : vector<16xi32>
      %swap3A_155 = arith.index_cast %scan3A_85 : i32 to index
      %swap3A_156 = arith.constant 96 : index
      %swap3A_157 = tpu.vector_load %arg8[%swap3A_155, %swap3A_156] {strides = array<i32>} : memref<158x128xi32, #tpu.memory_space<vmem>>, vector<1x16xi32>,
      %swap3A_158 = vector.shape_cast %swap3A_157 : vector<1x16xi32> to vector<16xi32>
      %swap3A_159 = vector.shape_cast %sub3A_154 : vector<16xi32> to vector<1x16xi32>
      tpu.vector_store %arg8[%swap3A_155, %swap3A_156], %swap3A_159 {strides = array<i32>} : memref<158x128xi32, #tpu.memory_space<vmem>>, vector<1x16xi32>,
      %get3A_160 = arith.index_cast %scan3A_85 : i32 to index
      %get3A_161 = arith.constant 112 : index
      %get3A_162 = tpu.vector_load %arg8[%get3A_160, %get3A_161] {strides = array<i32>} : memref<158x128xi32, #tpu.memory_space<vmem>>, vector<1x16xi32>,
      %get3A_163 = vector.shape_cast %get3A_162 : vector<1x16xi32> to vector<16xi32>
      %sub3A_164 = vector.broadcast %mul3A_0 : i32 to vector<16xi32>
      %sub3A_165 = arith.subi %get3A_163, %sub3A_164 : vector<16xi32>
      %swap3A_166 = arith.index_cast %scan3A_85 : i32 to index
      %swap3A_167 = arith.constant 112 : index
      %swap3A_168 = tpu.vector_load %arg8[%swap3A_166, %swap3A_167] {strides = array<i32>} : memref<158x128xi32, #tpu.memory_space<vmem>>, vector<1x16xi32>,
      %swap3A_169 = vector.shape_cast %swap3A_168 : vector<1x16xi32> to vector<16xi32>
      %swap3A_170 = vector.shape_cast %sub3A_165 : vector<16xi32> to vector<1x16xi32>
      tpu.vector_store %arg8[%swap3A_166, %swap3A_167], %swap3A_170 {strides = array<i32>} : memref<158x128xi32, #tpu.memory_space<vmem>>, vector<1x16xi32>,
    }
    %scan3A_24 = arith.constant 158 : i32
    %barrier3A = arith.constant 0 : index
    tpu.barrier barrier_id(%barrier3A)
    %dma_start3A = arith.constant 0 : i32
    %dma_start3A_25 = arith.constant 0 : i32
    %dma_start3A_26 = tpu.memref_slice %arg7[%dma_start3A, %dma_start3A_25] : memref<158x128xi32, #tpu.memory_space<vmem>> -> memref<1x128xi32, #tpu.memory_space<vmem>>
    %dma_start3A_27 = tpu.memref_squeeze %dma_start3A_26 : memref<1x128xi32, #tpu.memory_space<vmem>> -> memref<128xi32, #tpu.memory_space<vmem>>
    %dma_start3A_28 = arith.constant 0 : i32
    %dma_start3A_29 = arith.constant 0 : i32
    %dma_start3A_30 = tpu.memref_slice %arg2[%dma_start3A_28, %dma_start3A_29] : memref<10240x128xf32, #tpu.memory_space<hbm>> -> memref<10240x128xf32, #tpu.memory_space<hbm>>
    tpu.enqueue_indirect_dma source(%dma_start3A_30 : memref<10240x128xf32, #tpu.memory_space<hbm>>) target(%arg10 : memref<128x128xf32, #tpu.memory_space<vmem>>) offsets(%dma_start3A_27 : memref<128xi32, #tpu.memory_space<vmem>>) semaphore(%arg14 : memref<!tpu.dma_semaphore, #tpu.memory_space<semaphore_mem>>)
    %dma_start3A_31 = arith.constant 1 : i32
    %dma_start3A_32 = arith.constant 0 : i32
    %dma_start3A_33 = tpu.memref_slice %arg7[%dma_start3A_31, %dma_start3A_32] : memref<158x128xi32, #tpu.memory_space<vmem>> -> memref<1x128xi32, #tpu.memory_space<vmem>>
    %dma_start3A_34 = tpu.memref_squeeze %dma_start3A_33 : memref<1x128xi32, #tpu.memory_space<vmem>> -> memref<128xi32, #tpu.memory_space<vmem>>
    %dma_start3A_35 = arith.constant 0 : i32
    %dma_start3A_36 = arith.constant 0 : i32
    %dma_start3A_37 = tpu.memref_slice %arg2[%dma_start3A_35, %dma_start3A_36] : memref<10240x128xf32, #tpu.memory_space<hbm>> -> memref<10240x128xf32, #tpu.memory_space<hbm>>
    tpu.enqueue_indirect_dma source(%dma_start3A_37 : memref<10240x128xf32, #tpu.memory_space<hbm>>) target(%arg11 : memref<128x128xf32, #tpu.memory_space<vmem>>) offsets(%dma_start3A_34 : memref<128xi32, #tpu.memory_space<vmem>>) semaphore(%arg15 : memref<!tpu.dma_semaphore, #tpu.memory_space<semaphore_mem>>)
    %scan3A_38 = arith.constant 0 : i32
    %scan3A_39 = arith.constant 0 : i32
    %scan3A_40 = arith.constant 79 : i32
    %scan3A_41 = arith.addi %scan3A_39, %scan3A_40 : i32
    %scan3A_42 = arith.constant 1 : i32
    scf.for %scan3A_85 = %scan3A_39 to %scan3A_41 step %scan3A_42  : i32 {
      %mul3A_86 = arith.constant 2 : i32
      %mul3A_87 = arith.muli %scan3A_85, %mul3A_86 : i32
      %add3A_88 = arith.constant 0 : i32
      %add3A_89 = arith.addi %mul3A_87, %add3A_88 : i32
      %dma_wait3A = arith.constant 0 : i32
      %dma_wait3A_90 = tpu.memref_slice %arg7[%add3A_89, %dma_wait3A] : memref<158x128xi32, #tpu.memory_space<vmem>> -> memref<1x128xi32, #tpu.memory_space<vmem>>
      %dma_wait3A_91 = tpu.memref_squeeze %dma_wait3A_90 : memref<1x128xi32, #tpu.memory_space<vmem>> -> memref<128xi32, #tpu.memory_space<vmem>>
      %dma_wait3A_92 = arith.constant 0 : i32
      %dma_wait3A_93 = arith.constant 0 : i32
      %dma_wait3A_94 = tpu.memref_slice %arg2[%dma_wait3A_92, %dma_wait3A_93] : memref<10240x128xf32, #tpu.memory_space<hbm>> -> memref<10240x128xf32, #tpu.memory_space<hbm>>
      tpu.wait_indirect_dma semaphore(%arg14 : memref<!tpu.dma_semaphore, #tpu.memory_space<semaphore_mem>>) src(%dma_wait3A_94 : memref<10240x128xf32, #tpu.memory_space<hbm>>) dst(%arg10 : memref<128x128xf32, #tpu.memory_space<vmem>>)
      %get3A = arith.index_cast %add3A_89 : i32 to index
      %get3A_95 = arith.constant 0 : index
      %get3A_96 = tpu.vector_load %arg8[%get3A, %get3A_95] {strides = array<i32>} : memref<158x128xi32, #tpu.memory_space<vmem>>, vector<1x16xi32>,
      %get3A_97 = vector.shape_cast %get3A_96 : vector<1x16xi32> to vector<16xi32>
      %ge3A = arith.constant 0 : i32
      %ge3A_98 = vector.broadcast %ge3A : i32 to vector<16xi32>
      %ge3A_99 = arith.cmpi sge, %get3A_97, %ge3A_98 : vector<16xi32>
      %lt3A = arith.constant 5120 : i32
      %lt3A_100 = vector.broadcast %lt3A : i32 to vector<16xi32>
      %lt3A_101 = arith.cmpi slt, %get3A_97, %lt3A_100 : vector<16xi32>
      %and3A = arith.andi %ge3A_99, %lt3A_101 : vector<16xi1>
      %jit3A = arith.constant 5120 : i32
      %broadcast_in_dim3A = vector.broadcast %jit3A : i32 to vector<16xi32>
      %select_n3A = arith.select %and3A, %get3A_97, %broadcast_in_dim3A : vector<16xi1>, vector<16xi32>
      %swap3A = arith.constant 0 : i32
      %swap3A_102 = arith.index_cast %swap3A : i32 to index
      %swap3A_103 = arith.constant 0 : index
      %swap3A_104 = tpu.vector_load %arg9[%swap3A_102, %swap3A_103] {strides = array<i32>} : memref<2x128xi32, #tpu.memory_space<vmem>>, vector<1x16xi32>,
      %swap3A_105 = vector.shape_cast %swap3A_104 : vector<1x16xi32> to vector<16xi32>
      %swap3A_106 = vector.shape_cast %select_n3A : vector<16xi32> to vector<1x16xi32>
      tpu.vector_store %arg9[%swap3A_102, %swap3A_103], %swap3A_106 {strides = array<i32>} : memref<2x128xi32, #tpu.memory_space<vmem>>, vector<1x16xi32>,
      %get3A_107 = arith.index_cast %add3A_89 : i32 to index
      %get3A_108 = arith.constant 16 : index
      %get3A_109 = tpu.vector_load %arg8[%get3A_107, %get3A_108] {strides = array<i32>} : memref<158x128xi32, #tpu.memory_space<vmem>>, vector<1x16xi32>,
      %get3A_110 = vector.shape_cast %get3A_109 : vector<1x16xi32> to vector<16xi32>
      %ge3A_111 = arith.constant 0 : i32
      %ge3A_112 = vector.broadcast %ge3A_111 : i32 to vector<16xi32>
      %ge3A_113 = arith.cmpi sge, %get3A_110, %ge3A_112 : vector<16xi32>
      %lt3A_114 = arith.constant 5120 : i32
      %lt3A_115 = vector.broadcast %lt3A_114 : i32 to vector<16xi32>
      %lt3A_116 = arith.cmpi slt, %get3A_110, %lt3A_115 : vector<16xi32>
      %and3A_117 = arith.andi %ge3A_113, %lt3A_116 : vector<16xi1>
      %jit3A_118 = arith.constant 5120 : i32
      %broadcast_in_dim3A_119 = vector.broadcast %jit3A_118 : i32 to vector<16xi32>
      %select_n3A_120 = arith.select %and3A_117, %get3A_110, %broadcast_in_dim3A_119 : vector<16xi1>, vector<16xi32>
      %swap3A_121 = arith.constant 0 : i32
      %swap3A_122 = arith.index_cast %swap3A_121 : i32 to index
      %swap3A_123 = arith.constant 16 : index
      %swap3A_124 = tpu.vector_load %arg9[%swap3A_122, %swap3A_123] {strides = array<i32>} : memref<2x128xi32, #tpu.memory_space<vmem>>, vector<1x16xi32>,
      %swap3A_125 = vector.shape_cast %swap3A_124 : vector<1x16xi32> to vector<16xi32>
      %swap3A_126 = vector.shape_cast %select_n3A_120 : vector<16xi32> to vector<1x16xi32>
      tpu.vector_store %arg9[%swap3A_122, %swap3A_123], %swap3A_126 {strides = array<i32>} : memref<2x128xi32, #tpu.memory_space<vmem>>, vector<1x16xi32>,
      %get3A_127 = arith.index_cast %add3A_89 : i32 to index
      %get3A_128 = arith.constant 32 : index
      %get3A_129 = tpu.vector_load %arg8[%get3A_127, %get3A_128] {strides = array<i32>} : memref<158x128xi32, #tpu.memory_space<vmem>>, vector<1x16xi32>,
      %get3A_130 = vector.shape_cast %get3A_129 : vector<1x16xi32> to vector<16xi32>
      %ge3A_131 = arith.constant 0 : i32
      %ge3A_132 = vector.broadcast %ge3A_131 : i32 to vector<16xi32>
      %ge3A_133 = arith.cmpi sge, %get3A_130, %ge3A_132 : vector<16xi32>
      %lt3A_134 = arith.constant 5120 : i32
      %lt3A_135 = vector.broadcast %lt3A_134 : i32 to vector<16xi32>
      %lt3A_136 = arith.cmpi slt, %get3A_130, %lt3A_135 : vector<16xi32>
      %and3A_137 = arith.andi %ge3A_133, %lt3A_136 : vector<16xi1>
      %jit3A_138 = arith.constant 5120 : i32
      %broadcast_in_dim3A_139 = vector.broadcast %jit3A_138 : i32 to vector<16xi32>
      %select_n3A_140 = arith.select %and3A_137, %get3A_130, %broadcast_in_dim3A_139 : vector<16xi1>, vector<16xi32>
      %swap3A_141 = arith.constant 0 : i32
      %swap3A_142 = arith.index_cast %swap3A_141 : i32 to index
      %swap3A_143 = arith.constant 32 : index
      %swap3A_144 = tpu.vector_load %arg9[%swap3A_142, %swap3A_143] {strides = array<i32>} : memref<2x128xi32, #tpu.memory_space<vmem>>, vector<1x16xi32>,
      %swap3A_145 = vector.shape_cast %swap3A_144 : vector<1x16xi32> to vector<16xi32>
      %swap3A_146 = vector.shape_cast %select_n3A_140 : vector<16xi32> to vector<1x16xi32>
      tpu.vector_store %arg9[%swap3A_142, %swap3A_143], %swap3A_146 {strides = array<i32>} : memref<2x128xi32, #tpu.memory_space<vmem>>, vector<1x16xi32>,
      %get3A_147 = arith.index_cast %add3A_89 : i32 to index
      %get3A_148 = arith.constant 48 : index
      %get3A_149 = tpu.vector_load %arg8[%get3A_147, %get3A_148] {strides = array<i32>} : memref<158x128xi32, #tpu.memory_space<vmem>>, vector<1x16xi32>,
      %get3A_150 = vector.shape_cast %get3A_149 : vector<1x16xi32> to vector<16xi32>
      %ge3A_151 = arith.constant 0 : i32
      %ge3A_152 = vector.broadcast %ge3A_151 : i32 to vector<16xi32>
      %ge3A_153 = arith.cmpi sge, %get3A_150, %ge3A_152 : vector<16xi32>
      %lt3A_154 = arith.constant 5120 : i32
      %lt3A_155 = vector.broadcast %lt3A_154 : i32 to vector<16xi32>
      %lt3A_156 = arith.cmpi slt, %get3A_150, %lt3A_155 : vector<16xi32>
      %and3A_157 = arith.andi %ge3A_153, %lt3A_156 : vector<16xi1>
      %jit3A_158 = arith.constant 5120 : i32
      %broadcast_in_dim3A_159 = vector.broadcast %jit3A_158 : i32 to vector<16xi32>
      %select_n3A_160 = arith.select %and3A_157, %get3A_150, %broadcast_in_dim3A_159 : vector<16xi1>, vector<16xi32>
      %swap3A_161 = arith.constant 0 : i32
      %swap3A_162 = arith.index_cast %swap3A_161 : i32 to index
      %swap3A_163 = arith.constant 48 : index
      %swap3A_164 = tpu.vector_load %arg9[%swap3A_162, %swap3A_163] {strides = array<i32>} : memref<2x128xi32, #tpu.memory_space<vmem>>, vector<1x16xi32>,
      %swap3A_165 = vector.shape_cast %swap3A_164 : vector<1x16xi32> to vector<16xi32>
      %swap3A_166 = vector.shape_cast %select_n3A_160 : vector<16xi32> to vector<1x16xi32>
      tpu.vector_store %arg9[%swap3A_162, %swap3A_163], %swap3A_166 {strides = array<i32>} : memref<2x128xi32, #tpu.memory_space<vmem>>, vector<1x16xi32>,
      %get3A_167 = arith.index_cast %add3A_89 : i32 to index
      %get3A_168 = arith.constant 64 : index
      %get3A_169 = tpu.vector_load %arg8[%get3A_167, %get3A_168] {strides = array<i32>} : memref<158x128xi32, #tpu.memory_space<vmem>>, vector<1x16xi32>,
      %get3A_170 = vector.shape_cast %get3A_169 : vector<1x16xi32> to vector<16xi32>
      %ge3A_171 = arith.constant 0 : i32
      %ge3A_172 = vector.broadcast %ge3A_171 : i32 to vector<16xi32>
      %ge3A_173 = arith.cmpi sge, %get3A_170, %ge3A_172 : vector<16xi32>
      %lt3A_174 = arith.constant 5120 : i32
      %lt3A_175 = vector.broadcast %lt3A_174 : i32 to vector<16xi32>
      %lt3A_176 = arith.cmpi slt, %get3A_170, %lt3A_175 : vector<16xi32>
      %and3A_177 = arith.andi %ge3A_173, %lt3A_176 : vector<16xi1>
      %jit3A_178 = arith.constant 5120 : i32
      %broadcast_in_dim3A_179 = vector.broadcast %jit3A_178 : i32 to vector<16xi32>
      %select_n3A_180 = arith.select %and3A_177, %get3A_170, %broadcast_in_dim3A_179 : vector<16xi1>, vector<16xi32>
      %swap3A_181 = arith.constant 0 : i32
      %swap3A_182 = arith.index_cast %swap3A_181 : i32 to index
      %swap3A_183 = arith.constant 64 : index
      %swap3A_184 = tpu.vector_load %arg9[%swap3A_182, %swap3A_183] {strides = array<i32>} : memref<2x128xi32, #tpu.memory_space<vmem>>, vector<1x16xi32>,
      %swap3A_185 = vector.shape_cast %swap3A_184 : vector<1x16xi32> to vector<16xi32>
      %swap3A_186 = vector.shape_cast %select_n3A_180 : vector<16xi32> to vector<1x16xi32>
      tpu.vector_store %arg9[%swap3A_182, %swap3A_183], %swap3A_186 {strides = array<i32>} : memref<2x128xi32, #tpu.memory_space<vmem>>, vector<1x16xi32>,
      %get3A_187 = arith.index_cast %add3A_89 : i32 to index
      %get3A_188 = arith.constant 80 : index
      %get3A_189 = tpu.vector_load %arg8[%get3A_187, %get3A_188] {strides = array<i32>} : memref<158x128xi32, #tpu.memory_space<vmem>>, vector<1x16xi32>,
      %get3A_190 = vector.shape_cast %get3A_189 : vector<1x16xi32> to vector<16xi32>
      %ge3A_191 = arith.constant 0 : i32
      %ge3A_192 = vector.broadcast %ge3A_191 : i32 to vector<16xi32>
      %ge3A_193 = arith.cmpi sge, %get3A_190, %ge3A_192 : vector<16xi32>
      %lt3A_194 = arith.constant 5120 : i32
      %lt3A_195 = vector.broadcast %lt3A_194 : i32 to vector<16xi32>
      %lt3A_196 = arith.cmpi slt, %get3A_190, %lt3A_195 : vector<16xi32>
      %and3A_197 = arith.andi %ge3A_193, %lt3A_196 : vector<16xi1>
      %jit3A_198 = arith.constant 5120 : i32
      %broadcast_in_dim3A_199 = vector.broadcast %jit3A_198 : i32 to vector<16xi32>
      %select_n3A_200 = arith.select %and3A_197, %get3A_190, %broadcast_in_dim3A_199 : vector<16xi1>, vector<16xi32>
      %swap3A_201 = arith.constant 0 : i32
      %swap3A_202 = arith.index_cast %swap3A_201 : i32 to index
      %swap3A_203 = arith.constant 80 : index
      %swap3A_204 = tpu.vector_load %arg9[%swap3A_202, %swap3A_203] {strides = array<i32>} : memref<2x128xi32, #tpu.memory_space<vmem>>, vector<1x16xi32>,
      %swap3A_205 = vector.shape_cast %swap3A_204 : vector<1x16xi32> to vector<16xi32>
      %swap3A_206 = vector.shape_cast %select_n3A_200 : vector<16xi32> to vector<1x16xi32>
      tpu.vector_store %arg9[%swap3A_202, %swap3A_203], %swap3A_206 {strides = array<i32>} : memref<2x128xi32, #tpu.memory_space<vmem>>, vector<1x16xi32>,
      %get3A_207 = arith.index_cast %add3A_89 : i32 to index
      %get3A_208 = arith.constant 96 : index
      %get3A_209 = tpu.vector_load %arg8[%get3A_207, %get3A_208] {strides = array<i32>} : memref<158x128xi32, #tpu.memory_space<vmem>>, vector<1x16xi32>,
      %get3A_210 = vector.shape_cast %get3A_209 : vector<1x16xi32> to vector<16xi32>
      %ge3A_211 = arith.constant 0 : i32
      %ge3A_212 = vector.broadcast %ge3A_211 : i32 to vector<16xi32>
      %ge3A_213 = arith.cmpi sge, %get3A_210, %ge3A_212 : vector<16xi32>
      %lt3A_214 = arith.constant 5120 : i32
      %lt3A_215 = vector.broadcast %lt3A_214 : i32 to vector<16xi32>
      %lt3A_216 = arith.cmpi slt, %get3A_210, %lt3A_215 : vector<16xi32>
      %and3A_217 = arith.andi %ge3A_213, %lt3A_216 : vector<16xi1>
      %jit3A_218 = arith.constant 5120 : i32
      %broadcast_in_dim3A_219 = vector.broadcast %jit3A_218 : i32 to vector<16xi32>
      %select_n3A_220 = arith.select %and3A_217, %get3A_210, %broadcast_in_dim3A_219 : vector<16xi1>, vector<16xi32>
      %swap3A_221 = arith.constant 0 : i32
      %swap3A_222 = arith.index_cast %swap3A_221 : i32 to index
      %swap3A_223 = arith.constant 96 : index
      %swap3A_224 = tpu.vector_load %arg9[%swap3A_222, %swap3A_223] {strides = array<i32>} : memref<2x128xi32, #tpu.memory_space<vmem>>, vector<1x16xi32>,
      %swap3A_225 = vector.shape_cast %swap3A_224 : vector<1x16xi32> to vector<16xi32>
      %swap3A_226 = vector.shape_cast %select_n3A_220 : vector<16xi32> to vector<1x16xi32>
      tpu.vector_store %arg9[%swap3A_222, %swap3A_223], %swap3A_226 {strides = array<i32>} : memref<2x128xi32, #tpu.memory_space<vmem>>, vector<1x16xi32>,
      %get3A_227 = arith.index_cast %add3A_89 : i32 to index
      %get3A_228 = arith.constant 112 : index
      %get3A_229 = tpu.vector_load %arg8[%get3A_227, %get3A_228] {strides = array<i32>} : memref<158x128xi32, #tpu.memory_space<vmem>>, vector<1x16xi32>,
      %get3A_230 = vector.shape_cast %get3A_229 : vector<1x16xi32> to vector<16xi32>
      %ge3A_231 = arith.constant 0 : i32
      %ge3A_232 = vector.broadcast %ge3A_231 : i32 to vector<16xi32>
      %ge3A_233 = arith.cmpi sge, %get3A_230, %ge3A_232 : vector<16xi32>
      %lt3A_234 = arith.constant 5120 : i32
      %lt3A_235 = vector.broadcast %lt3A_234 : i32 to vector<16xi32>
      %lt3A_236 = arith.cmpi slt, %get3A_230, %lt3A_235 : vector<16xi32>
      %and3A_237 = arith.andi %ge3A_233, %lt3A_236 : vector<16xi1>
      %jit3A_238 = arith.constant 5120 : i32
      %broadcast_in_dim3A_239 = vector.broadcast %jit3A_238 : i32 to vector<16xi32>
      %select_n3A_240 = arith.select %and3A_237, %get3A_230, %broadcast_in_dim3A_239 : vector<16xi1>, vector<16xi32>
      %swap3A_241 = arith.constant 0 : i32
      %swap3A_242 = arith.index_cast %swap3A_241 : i32 to index
      %swap3A_243 = arith.constant 112 : index
      %swap3A_244 = tpu.vector_load %arg9[%swap3A_242, %swap3A_243] {strides = array<i32>} : memref<2x128xi32, #tpu.memory_space<vmem>>, vector<1x16xi32>,
      %swap3A_245 = vector.shape_cast %swap3A_244 : vector<1x16xi32> to vector<16xi32>
      %swap3A_246 = vector.shape_cast %select_n3A_240 : vector<16xi32> to vector<1x16xi32>
      tpu.vector_store %arg9[%swap3A_242, %swap3A_243], %swap3A_246 {strides = array<i32>} : memref<2x128xi32, #tpu.memory_space<vmem>>, vector<1x16xi32>,
      %dma_start3A_247 = arith.constant 0 : i32
      %dma_start3A_248 = arith.constant 0 : i32
      %dma_start3A_249 = tpu.memref_slice %arg9[%dma_start3A_247, %dma_start3A_248] : memref<2x128xi32, #tpu.memory_space<vmem>> -> memref<1x128xi32, #tpu.memory_space<vmem>>
      %dma_start3A_250 = tpu.memref_squeeze %dma_start3A_249 : memref<1x128xi32, #tpu.memory_space<vmem>> -> memref<128xi32, #tpu.memory_space<vmem>>
      %dma_start3A_251 = arith.constant 0 : i32
      %dma_start3A_252 = arith.constant 0 : i32
      %dma_start3A_253 = tpu.memref_slice %arg13[%dma_start3A_251, %dma_start3A_252] : memref<5128x128xf32, #tpu.memory_space<vmem_shared>> -> memref<5128x128xf32, #tpu.memory_space<vmem_shared>>
      tpu.enqueue_indirect_dma source(%arg10 : memref<128x128xf32, #tpu.memory_space<vmem>>) target(%dma_start3A_253 : memref<5128x128xf32, #tpu.memory_space<vmem_shared>>) offsets(%dma_start3A_250 : memref<128xi32, #tpu.memory_space<vmem>>) semaphore(%arg16 : memref<!tpu.dma_semaphore, #tpu.memory_space<semaphore_mem>>) {add = true}
      %mul3A_254 = arith.constant 2 : i32
      %mul3A_255 = arith.muli %scan3A_85, %mul3A_254 : i32
      %add3A_256 = arith.constant 1 : i32
      %add3A_257 = arith.addi %mul3A_255, %add3A_256 : i32
      %dma_wait3A_258 = arith.constant 0 : i32
      %dma_wait3A_259 = tpu.memref_slice %arg7[%add3A_257, %dma_wait3A_258] : memref<158x128xi32, #tpu.memory_space<vmem>> -> memref<1x128xi32, #tpu.memory_space<vmem>>
      %dma_wait3A_260 = tpu.memref_squeeze %dma_wait3A_259 : memref<1x128xi32, #tpu.memory_space<vmem>> -> memref<128xi32, #tpu.memory_space<vmem>>
      %dma_wait3A_261 = arith.constant 0 : i32
      %dma_wait3A_262 = arith.constant 0 : i32
      %dma_wait3A_263 = tpu.memref_slice %arg2[%dma_wait3A_261, %dma_wait3A_262] : memref<10240x128xf32, #tpu.memory_space<hbm>> -> memref<10240x128xf32, #tpu.memory_space<hbm>>
      tpu.wait_indirect_dma semaphore(%arg15 : memref<!tpu.dma_semaphore, #tpu.memory_space<semaphore_mem>>) src(%dma_wait3A_263 : memref<10240x128xf32, #tpu.memory_space<hbm>>) dst(%arg11 : memref<128x128xf32, #tpu.memory_space<vmem>>)
      %get3A_264 = arith.index_cast %add3A_257 : i32 to index
      %get3A_265 = arith.constant 0 : index
      %get3A_266 = tpu.vector_load %arg8[%get3A_264, %get3A_265] {strides = array<i32>} : memref<158x128xi32, #tpu.memory_space<vmem>>, vector<1x16xi32>,
      %get3A_267 = vector.shape_cast %get3A_266 : vector<1x16xi32> to vector<16xi32>
      %ge3A_268 = arith.constant 0 : i32
      %ge3A_269 = vector.broadcast %ge3A_268 : i32 to vector<16xi32>
      %ge3A_270 = arith.cmpi sge, %get3A_267, %ge3A_269 : vector<16xi32>
      %lt3A_271 = arith.constant 5120 : i32
      %lt3A_272 = vector.broadcast %lt3A_271 : i32 to vector<16xi32>
      %lt3A_273 = arith.cmpi slt, %get3A_267, %lt3A_272 : vector<16xi32>
      %and3A_274 = arith.andi %ge3A_270, %lt3A_273 : vector<16xi1>
      %jit3A_275 = arith.constant 5120 : i32
      %broadcast_in_dim3A_276 = vector.broadcast %jit3A_275 : i32 to vector<16xi32>
      %select_n3A_277 = arith.select %and3A_274, %get3A_267, %broadcast_in_dim3A_276 : vector<16xi1>, vector<16xi32>
      %swap3A_278 = arith.constant 1 : i32
      %swap3A_279 = arith.index_cast %swap3A_278 : i32 to index
      %swap3A_280 = arith.constant 0 : index
      %swap3A_281 = tpu.vector_load %arg9[%swap3A_279, %swap3A_280] {strides = array<i32>} : memref<2x128xi32, #tpu.memory_space<vmem>>, vector<1x16xi32>,
      %swap3A_282 = vector.shape_cast %swap3A_281 : vector<1x16xi32> to vector<16xi32>
      %swap3A_283 = vector.shape_cast %select_n3A_277 : vector<16xi32> to vector<1x16xi32>
      tpu.vector_store %arg9[%swap3A_279, %swap3A_280], %swap3A_283 {strides = array<i32>} : memref<2x128xi32, #tpu.memory_space<vmem>>, vector<1x16xi32>,
      %get3A_284 = arith.index_cast %add3A_257 : i32 to index
      %get3A_285 = arith.constant 16 : index
      %get3A_286 = tpu.vector_load %arg8[%get3A_284, %get3A_285] {strides = array<i32>} : memref<158x128xi32, #tpu.memory_space<vmem>>, vector<1x16xi32>,
      %get3A_287 = vector.shape_cast %get3A_286 : vector<1x16xi32> to vector<16xi32>
      %ge3A_288 = arith.constant 0 : i32
      %ge3A_289 = vector.broadcast %ge3A_288 : i32 to vector<16xi32>
      %ge3A_290 = arith.cmpi sge, %get3A_287, %ge3A_289 : vector<16xi32>
      %lt3A_291 = arith.constant 5120 : i32
      %lt3A_292 = vector.broadcast %lt3A_291 : i32 to vector<16xi32>
      %lt3A_293 = arith.cmpi slt, %get3A_287, %lt3A_292 : vector<16xi32>
      %and3A_294 = arith.andi %ge3A_290, %lt3A_293 : vector<16xi1>
      %jit3A_295 = arith.constant 5120 : i32
      %broadcast_in_dim3A_296 = vector.broadcast %jit3A_295 : i32 to vector<16xi32>
      %select_n3A_297 = arith.select %and3A_294, %get3A_287, %broadcast_in_dim3A_296 : vector<16xi1>, vector<16xi32>
      %swap3A_298 = arith.constant 1 : i32
      %swap3A_299 = arith.index_cast %swap3A_298 : i32 to index
      %swap3A_300 = arith.constant 16 : index
      %swap3A_301 = tpu.vector_load %arg9[%swap3A_299, %swap3A_300] {strides = array<i32>} : memref<2x128xi32, #tpu.memory_space<vmem>>, vector<1x16xi32>,
      %swap3A_302 = vector.shape_cast %swap3A_301 : vector<1x16xi32> to vector<16xi32>
      %swap3A_303 = vector.shape_cast %select_n3A_297 : vector<16xi32> to vector<1x16xi32>
      tpu.vector_store %arg9[%swap3A_299, %swap3A_300], %swap3A_303 {strides = array<i32>} : memref<2x128xi32, #tpu.memory_space<vmem>>, vector<1x16xi32>,
      %get3A_304 = arith.index_cast %add3A_257 : i32 to index
      %get3A_305 = arith.constant 32 : index
      %get3A_306 = tpu.vector_load %arg8[%get3A_304, %get3A_305] {strides = array<i32>} : memref<158x128xi32, #tpu.memory_space<vmem>>, vector<1x16xi32>,
      %get3A_307 = vector.shape_cast %get3A_306 : vector<1x16xi32> to vector<16xi32>
      %ge3A_308 = arith.constant 0 : i32
      %ge3A_309 = vector.broadcast %ge3A_308 : i32 to vector<16xi32>
      %ge3A_310 = arith.cmpi sge, %get3A_307, %ge3A_309 : vector<16xi32>
      %lt3A_311 = arith.constant 5120 : i32
      %lt3A_312 = vector.broadcast %lt3A_311 : i32 to vector<16xi32>
      %lt3A_313 = arith.cmpi slt, %get3A_307, %lt3A_312 : vector<16xi32>
      %and3A_314 = arith.andi %ge3A_310, %lt3A_313 : vector<16xi1>
      %jit3A_315 = arith.constant 5120 : i32
      %broadcast_in_dim3A_316 = vector.broadcast %jit3A_315 : i32 to vector<16xi32>
      %select_n3A_317 = arith.select %and3A_314, %get3A_307, %broadcast_in_dim3A_316 : vector<16xi1>, vector<16xi32>
      %swap3A_318 = arith.constant 1 : i32
      %swap3A_319 = arith.index_cast %swap3A_318 : i32 to index
      %swap3A_320 = arith.constant 32 : index
      %swap3A_321 = tpu.vector_load %arg9[%swap3A_319, %swap3A_320] {strides = array<i32>} : memref<2x128xi32, #tpu.memory_space<vmem>>, vector<1x16xi32>,
      %swap3A_322 = vector.shape_cast %swap3A_321 : vector<1x16xi32> to vector<16xi32>
      %swap3A_323 = vector.shape_cast %select_n3A_317 : vector<16xi32> to vector<1x16xi32>
      tpu.vector_store %arg9[%swap3A_319, %swap3A_320], %swap3A_323 {strides = array<i32>} : memref<2x128xi32, #tpu.memory_space<vmem>>, vector<1x16xi32>,
      %get3A_324 = arith.index_cast %add3A_257 : i32 to index
      %get3A_325 = arith.constant 48 : index
      %get3A_326 = tpu.vector_load %arg8[%get3A_324, %get3A_325] {strides = array<i32>} : memref<158x128xi32, #tpu.memory_space<vmem>>, vector<1x16xi32>,
      %get3A_327 = vector.shape_cast %get3A_326 : vector<1x16xi32> to vector<16xi32>
      %ge3A_328 = arith.constant 0 : i32
      %ge3A_329 = vector.broadcast %ge3A_328 : i32 to vector<16xi32>
      %ge3A_330 = arith.cmpi sge, %get3A_327, %ge3A_329 : vector<16xi32>
      %lt3A_331 = arith.constant 5120 : i32
      %lt3A_332 = vector.broadcast %lt3A_331 : i32 to vector<16xi32>
      %lt3A_333 = arith.cmpi slt, %get3A_327, %lt3A_332 : vector<16xi32>
      %and3A_334 = arith.andi %ge3A_330, %lt3A_333 : vector<16xi1>
      %jit3A_335 = arith.constant 5120 : i32
      %broadcast_in_dim3A_336 = vector.broadcast %jit3A_335 : i32 to vector<16xi32>
      %select_n3A_337 = arith.select %and3A_334, %get3A_327, %broadcast_in_dim3A_336 : vector<16xi1>, vector<16xi32>
      %swap3A_338 = arith.constant 1 : i32
      %swap3A_339 = arith.index_cast %swap3A_338 : i32 to index
      %swap3A_340 = arith.constant 48 : index
      %swap3A_341 = tpu.vector_load %arg9[%swap3A_339, %swap3A_340] {strides = array<i32>} : memref<2x128xi32, #tpu.memory_space<vmem>>, vector<1x16xi32>,
      %swap3A_342 = vector.shape_cast %swap3A_341 : vector<1x16xi32> to vector<16xi32>
      %swap3A_343 = vector.shape_cast %select_n3A_337 : vector<16xi32> to vector<1x16xi32>
      tpu.vector_store %arg9[%swap3A_339, %swap3A_340], %swap3A_343 {strides = array<i32>} : memref<2x128xi32, #tpu.memory_space<vmem>>, vector<1x16xi32>,
      %get3A_344 = arith.index_cast %add3A_257 : i32 to index
      %get3A_345 = arith.constant 64 : index
      %get3A_346 = tpu.vector_load %arg8[%get3A_344, %get3A_345] {strides = array<i32>} : memref<158x128xi32, #tpu.memory_space<vmem>>, vector<1x16xi32>,
      %get3A_347 = vector.shape_cast %get3A_346 : vector<1x16xi32> to vector<16xi32>
      %ge3A_348 = arith.constant 0 : i32
      %ge3A_349 = vector.broadcast %ge3A_348 : i32 to vector<16xi32>
      %ge3A_350 = arith.cmpi sge, %get3A_347, %ge3A_349 : vector<16xi32>
      %lt3A_351 = arith.constant 5120 : i32
      %lt3A_352 = vector.broadcast %lt3A_351 : i32 to vector<16xi32>
      %lt3A_353 = arith.cmpi slt, %get3A_347, %lt3A_352 : vector<16xi32>
      %and3A_354 = arith.andi %ge3A_350, %lt3A_353 : vector<16xi1>
      %jit3A_355 = arith.constant 5120 : i32
      %broadcast_in_dim3A_356 = vector.broadcast %jit3A_355 : i32 to vector<16xi32>
      %select_n3A_357 = arith.select %and3A_354, %get3A_347, %broadcast_in_dim3A_356 : vector<16xi1>, vector<16xi32>
      %swap3A_358 = arith.constant 1 : i32
      %swap3A_359 = arith.index_cast %swap3A_358 : i32 to index
      %swap3A_360 = arith.constant 64 : index
      %swap3A_361 = tpu.vector_load %arg9[%swap3A_359, %swap3A_360] {strides = array<i32>} : memref<2x128xi32, #tpu.memory_space<vmem>>, vector<1x16xi32>,
      %swap3A_362 = vector.shape_cast %swap3A_361 : vector<1x16xi32> to vector<16xi32>
      %swap3A_363 = vector.shape_cast %select_n3A_357 : vector<16xi32> to vector<1x16xi32>
      tpu.vector_store %arg9[%swap3A_359, %swap3A_360], %swap3A_363 {strides = array<i32>} : memref<2x128xi32, #tpu.memory_space<vmem>>, vector<1x16xi32>,
      %get3A_364 = arith.index_cast %add3A_257 : i32 to index
      %get3A_365 = arith.constant 80 : index
      %get3A_366 = tpu.vector_load %arg8[%get3A_364, %get3A_365] {strides = array<i32>} : memref<158x128xi32, #tpu.memory_space<vmem>>, vector<1x16xi32>,
      %get3A_367 = vector.shape_cast %get3A_366 : vector<1x16xi32> to vector<16xi32>
      %ge3A_368 = arith.constant 0 : i32
      %ge3A_369 = vector.broadcast %ge3A_368 : i32 to vector<16xi32>
      %ge3A_370 = arith.cmpi sge, %get3A_367, %ge3A_369 : vector<16xi32>
      %lt3A_371 = arith.constant 5120 : i32
      %lt3A_372 = vector.broadcast %lt3A_371 : i32 to vector<16xi32>
      %lt3A_373 = arith.cmpi slt, %get3A_367, %lt3A_372 : vector<16xi32>
      %and3A_374 = arith.andi %ge3A_370, %lt3A_373 : vector<16xi1>
      %jit3A_375 = arith.constant 5120 : i32
      %broadcast_in_dim3A_376 = vector.broadcast %jit3A_375 : i32 to vector<16xi32>
      %select_n3A_377 = arith.select %and3A_374, %get3A_367, %broadcast_in_dim3A_376 : vector<16xi1>, vector<16xi32>
      %swap3A_378 = arith.constant 1 : i32
      %swap3A_379 = arith.index_cast %swap3A_378 : i32 to index
      %swap3A_380 = arith.constant 80 : index
      %swap3A_381 = tpu.vector_load %arg9[%swap3A_379, %swap3A_380] {strides = array<i32>} : memref<2x128xi32, #tpu.memory_space<vmem>>, vector<1x16xi32>,
      %swap3A_382 = vector.shape_cast %swap3A_381 : vector<1x16xi32> to vector<16xi32>
      %swap3A_383 = vector.shape_cast %select_n3A_377 : vector<16xi32> to vector<1x16xi32>
      tpu.vector_store %arg9[%swap3A_379, %swap3A_380], %swap3A_383 {strides = array<i32>} : memref<2x128xi32, #tpu.memory_space<vmem>>, vector<1x16xi32>,
      %get3A_384 = arith.index_cast %add3A_257 : i32 to index
      %get3A_385 = arith.constant 96 : index
      %get3A_386 = tpu.vector_load %arg8[%get3A_384, %get3A_385] {strides = array<i32>} : memref<158x128xi32, #tpu.memory_space<vmem>>, vector<1x16xi32>,
      %get3A_387 = vector.shape_cast %get3A_386 : vector<1x16xi32> to vector<16xi32>
      %ge3A_388 = arith.constant 0 : i32
      %ge3A_389 = vector.broadcast %ge3A_388 : i32 to vector<16xi32>
      %ge3A_390 = arith.cmpi sge, %get3A_387, %ge3A_389 : vector<16xi32>
      %lt3A_391 = arith.constant 5120 : i32
      %lt3A_392 = vector.broadcast %lt3A_391 : i32 to vector<16xi32>
      %lt3A_393 = arith.cmpi slt, %get3A_387, %lt3A_392 : vector<16xi32>
      %and3A_394 = arith.andi %ge3A_390, %lt3A_393 : vector<16xi1>
      %jit3A_395 = arith.constant 5120 : i32
      %broadcast_in_dim3A_396 = vector.broadcast %jit3A_395 : i32 to vector<16xi32>
      %select_n3A_397 = arith.select %and3A_394, %get3A_387, %broadcast_in_dim3A_396 : vector<16xi1>, vector<16xi32>
      %swap3A_398 = arith.constant 1 : i32
      %swap3A_399 = arith.index_cast %swap3A_398 : i32 to index
      %swap3A_400 = arith.constant 96 : index
      %swap3A_401 = tpu.vector_load %arg9[%swap3A_399, %swap3A_400] {strides = array<i32>} : memref<2x128xi32, #tpu.memory_space<vmem>>, vector<1x16xi32>,
      %swap3A_402 = vector.shape_cast %swap3A_401 : vector<1x16xi32> to vector<16xi32>
      %swap3A_403 = vector.shape_cast %select_n3A_397 : vector<16xi32> to vector<1x16xi32>
      tpu.vector_store %arg9[%swap3A_399, %swap3A_400], %swap3A_403 {strides = array<i32>} : memref<2x128xi32, #tpu.memory_space<vmem>>, vector<1x16xi32>,
      %get3A_404 = arith.index_cast %add3A_257 : i32 to index
      %get3A_405 = arith.constant 112 : index
      %get3A_406 = tpu.vector_load %arg8[%get3A_404, %get3A_405] {strides = array<i32>} : memref<158x128xi32, #tpu.memory_space<vmem>>, vector<1x16xi32>,
      %get3A_407 = vector.shape_cast %get3A_406 : vector<1x16xi32> to vector<16xi32>
      %ge3A_408 = arith.constant 0 : i32
      %ge3A_409 = vector.broadcast %ge3A_408 : i32 to vector<16xi32>
      %ge3A_410 = arith.cmpi sge, %get3A_407, %ge3A_409 : vector<16xi32>
      %lt3A_411 = arith.constant 5120 : i32
      %lt3A_412 = vector.broadcast %lt3A_411 : i32 to vector<16xi32>
      %lt3A_413 = arith.cmpi slt, %get3A_407, %lt3A_412 : vector<16xi32>
      %and3A_414 = arith.andi %ge3A_410, %lt3A_413 : vector<16xi1>
      %jit3A_415 = arith.constant 5120 : i32
      %broadcast_in_dim3A_416 = vector.broadcast %jit3A_415 : i32 to vector<16xi32>
      %select_n3A_417 = arith.select %and3A_414, %get3A_407, %broadcast_in_dim3A_416 : vector<16xi1>, vector<16xi32>
      %swap3A_418 = arith.constant 1 : i32
      %swap3A_419 = arith.index_cast %swap3A_418 : i32 to index
      %swap3A_420 = arith.constant 112 : index
      %swap3A_421 = tpu.vector_load %arg9[%swap3A_419, %swap3A_420] {strides = array<i32>} : memref<2x128xi32, #tpu.memory_space<vmem>>, vector<1x16xi32>,
      %swap3A_422 = vector.shape_cast %swap3A_421 : vector<1x16xi32> to vector<16xi32>
      %swap3A_423 = vector.shape_cast %select_n3A_417 : vector<16xi32> to vector<1x16xi32>
      tpu.vector_store %arg9[%swap3A_419, %swap3A_420], %swap3A_423 {strides = array<i32>} : memref<2x128xi32, #tpu.memory_space<vmem>>, vector<1x16xi32>,
      %dma_start3A_424 = arith.constant 1 : i32
      %dma_start3A_425 = arith.constant 0 : i32
      %dma_start3A_426 = tpu.memref_slice %arg9[%dma_start3A_424, %dma_start3A_425] : memref<2x128xi32, #tpu.memory_space<vmem>> -> memref<1x128xi32, #tpu.memory_space<vmem>>
      %dma_start3A_427 = tpu.memref_squeeze %dma_start3A_426 : memref<1x128xi32, #tpu.memory_space<vmem>> -> memref<128xi32, #tpu.memory_space<vmem>>
      %dma_start3A_428 = arith.constant 0 : i32
      %dma_start3A_429 = arith.constant 0 : i32
      %dma_start3A_430 = tpu.memref_slice %arg13[%dma_start3A_428, %dma_start3A_429] : memref<5128x128xf32, #tpu.memory_space<vmem_shared>> -> memref<5128x128xf32, #tpu.memory_space<vmem_shared>>
      tpu.enqueue_indirect_dma source(%arg11 : memref<128x128xf32, #tpu.memory_space<vmem>>) target(%dma_start3A_430 : memref<5128x128xf32, #tpu.memory_space<vmem_shared>>) offsets(%dma_start3A_427 : memref<128xi32, #tpu.memory_space<vmem>>) semaphore(%arg17 : memref<!tpu.dma_semaphore, #tpu.memory_space<semaphore_mem>>) {add = true}
      %dma_wait3A_431 = arith.constant 0 : i32
      %dma_wait3A_432 = arith.constant 0 : i32
      %dma_wait3A_433 = tpu.memref_slice %arg9[%dma_wait3A_431, %dma_wait3A_432] : memref<2x128xi32, #tpu.memory_space<vmem>> -> memref<1x128xi32, #tpu.memory_space<vmem>>
      %dma_wait3A_434 = tpu.memref_squeeze %dma_wait3A_433 : memref<1x128xi32, #tpu.memory_space<vmem>> -> memref<128xi32, #tpu.memory_space<vmem>>
      %dma_wait3A_435 = arith.constant 0 : i32
      %dma_wait3A_436 = arith.constant 0 : i32
      %dma_wait3A_437 = tpu.memref_slice %arg13[%dma_wait3A_435, %dma_wait3A_436] : memref<5128x128xf32, #tpu.memory_space<vmem_shared>> -> memref<5128x128xf32, #tpu.memory_space<vmem_shared>>
      tpu.wait_indirect_dma semaphore(%arg16 : memref<!tpu.dma_semaphore, #tpu.memory_space<semaphore_mem>>) src(%arg10 : memref<128x128xf32, #tpu.memory_space<vmem>>) dst(%dma_wait3A_437 : memref<5128x128xf32, #tpu.memory_space<vmem_shared>>)
      %lt3A_438 = arith.constant 78 : i32
      %lt3A_439 = arith.cmpi slt, %scan3A_85, %lt3A_438 : i32
      %convert_element_type3A = arith.extui %lt3A_439 : i1 to i32
      %cond3A = arith.constant 0 : i32
      %cond3A_440 = arith.cmpi ne, %convert_element_type3A, %cond3A : i32
      scf.if %cond3A_440 {
        %add3A_453 = arith.constant 1 : i32
        %add3A_454 = arith.addi %scan3A_85, %add3A_453 : i32
        %mul3A_455 = arith.constant 2 : i32
        %mul3A_456 = arith.muli %add3A_454, %mul3A_455 : i32
        %add3A_457 = arith.constant 0 : i32
        %add3A_458 = arith.addi %mul3A_456, %add3A_457 : i32
        %dma_start3A_459 = arith.constant 0 : i32
        %dma_start3A_460 = tpu.memref_slice %arg7[%add3A_458, %dma_start3A_459] : memref<158x128xi32, #tpu.memory_space<vmem>> -> memref<1x128xi32, #tpu.memory_space<vmem>>
        %dma_start3A_461 = tpu.memref_squeeze %dma_start3A_460 : memref<1x128xi32, #tpu.memory_space<vmem>> -> memref<128xi32, #tpu.memory_space<vmem>>
        %dma_start3A_462 = arith.constant 0 : i32
        %dma_start3A_463 = arith.constant 0 : i32
        %dma_start3A_464 = tpu.memref_slice %arg2[%dma_start3A_462, %dma_start3A_463] : memref<10240x128xf32, #tpu.memory_space<hbm>> -> memref<10240x128xf32, #tpu.memory_space<hbm>>
        tpu.enqueue_indirect_dma source(%dma_start3A_464 : memref<10240x128xf32, #tpu.memory_space<hbm>>) target(%arg10 : memref<128x128xf32, #tpu.memory_space<vmem>>) offsets(%dma_start3A_461 : memref<128xi32, #tpu.memory_space<vmem>>) semaphore(%arg14 : memref<!tpu.dma_semaphore, #tpu.memory_space<semaphore_mem>>)
      } else {
      }
      %dma_wait3A_441 = arith.constant 1 : i32
      %dma_wait3A_442 = arith.constant 0 : i32
      %dma_wait3A_443 = tpu.memref_slice %arg9[%dma_wait3A_441, %dma_wait3A_442] : memref<2x128xi32, #tpu.memory_space<vmem>> -> memref<1x128xi32, #tpu.memory_space<vmem>>
      %dma_wait3A_444 = tpu.memref_squeeze %dma_wait3A_443 : memref<1x128xi32, #tpu.memory_space<vmem>> -> memref<128xi32, #tpu.memory_space<vmem>>
      %dma_wait3A_445 = arith.constant 0 : i32
      %dma_wait3A_446 = arith.constant 0 : i32
      %dma_wait3A_447 = tpu.memref_slice %arg13[%dma_wait3A_445, %dma_wait3A_446] : memref<5128x128xf32, #tpu.memory_space<vmem_shared>> -> memref<5128x128xf32, #tpu.memory_space<vmem_shared>>
      tpu.wait_indirect_dma semaphore(%arg17 : memref<!tpu.dma_semaphore, #tpu.memory_space<semaphore_mem>>) src(%arg11 : memref<128x128xf32, #tpu.memory_space<vmem>>) dst(%dma_wait3A_447 : memref<5128x128xf32, #tpu.memory_space<vmem_shared>>)
      %lt3A_448 = arith.constant 78 : i32
      %lt3A_449 = arith.cmpi slt, %scan3A_85, %lt3A_448 : i32
      %convert_element_type3A_450 = arith.extui %lt3A_449 : i1 to i32
      %cond3A_451 = arith.constant 0 : i32
      %cond3A_452 = arith.cmpi ne, %convert_element_type3A_450, %cond3A_451 : i32
      scf.if %cond3A_452 {
        %add3A_453 = arith.constant 1 : i32
        %add3A_454 = arith.addi %scan3A_85, %add3A_453 : i32
        %mul3A_455 = arith.constant 2 : i32
        %mul3A_456 = arith.muli %add3A_454, %mul3A_455 : i32
        %add3A_457 = arith.constant 1 : i32
        %add3A_458 = arith.addi %mul3A_456, %add3A_457 : i32
        %dma_start3A_459 = arith.constant 0 : i32
        %dma_start3A_460 = tpu.memref_slice %arg7[%add3A_458, %dma_start3A_459] : memref<158x128xi32, #tpu.memory_space<vmem>> -> memref<1x128xi32, #tpu.memory_space<vmem>>
        %dma_start3A_461 = tpu.memref_squeeze %dma_start3A_460 : memref<1x128xi32, #tpu.memory_space<vmem>> -> memref<128xi32, #tpu.memory_space<vmem>>
        %dma_start3A_462 = arith.constant 0 : i32
        %dma_start3A_463 = arith.constant 0 : i32
        %dma_start3A_464 = tpu.memref_slice %arg2[%dma_start3A_462, %dma_start3A_463] : memref<10240x128xf32, #tpu.memory_space<hbm>> -> memref<10240x128xf32, #tpu.memory_space<hbm>>
        tpu.enqueue_indirect_dma source(%dma_start3A_464 : memref<10240x128xf32, #tpu.memory_space<hbm>>) target(%arg11 : memref<128x128xf32, #tpu.memory_space<vmem>>) offsets(%dma_start3A_461 : memref<128xi32, #tpu.memory_space<vmem>>) semaphore(%arg15 : memref<!tpu.dma_semaphore, #tpu.memory_space<semaphore_mem>>)
      } else {
      }
    }
    %scan3A_43 = arith.constant 79 : i32
    %barrier3A_44 = arith.constant 0 : index
    tpu.barrier barrier_id(%barrier3A_44)
    %mul3A_45 = arith.constant 320 : i32
    %mul3A_46 = arith.muli %arg1, %mul3A_45 : i32
    %add3A_47 = arith.constant 0 : i32
    %add3A_48 = arith.addi %mul3A_46, %add3A_47 : i32
    "tpu.region"() ({
      %run_scoped3A = tpu.sem_alloc : memref<!tpu.dma_semaphore, #tpu.memory_space<semaphore_mem>>
      %dma_start3A_85 = arith.constant 0 : i32
      %dma_start3A_86 = tpu.memref_slice %arg13[%add3A_48, %dma_start3A_85] : memref<5128x128xf32, #tpu.memory_space<vmem_shared>> -> memref<64x128xf32, #tpu.memory_space<vmem_shared>>
      %dma_start3A_87 = arith.constant 0 : i32
      %dma_start3A_88 = tpu.memref_slice %arg13[%add3A_48, %dma_start3A_87] : memref<5128x128xf32, #tpu.memory_space<vmem_shared>> -> memref<64x128xf32, #tpu.memory_space<vmem_shared>>
      tpu.enqueue_dma source(%dma_start3A_88 : memref<64x128xf32, #tpu.memory_space<vmem_shared>>) target(%arg12 : memref<64x128xf32, #tpu.memory_space<vmem>>) target_semaphore(%run_scoped3A : memref<!tpu.dma_semaphore, #tpu.memory_space<semaphore_mem>>)
      %dma_wait3A = arith.constant 0 : i32
      %dma_wait3A_89 = tpu.memref_slice %arg13[%add3A_48, %dma_wait3A] : memref<5128x128xf32, #tpu.memory_space<vmem_shared>> -> memref<64x128xf32, #tpu.memory_space<vmem_shared>>
      %dma_wait3A_90 = arith.constant 0 : i32
      %dma_wait3A_91 = tpu.memref_slice %arg13[%add3A_48, %dma_wait3A_90] : memref<5128x128xf32, #tpu.memory_space<vmem_shared>> -> memref<64x128xf32, #tpu.memory_space<vmem_shared>>
      tpu.wait_dma2 semaphore(%run_scoped3A : memref<!tpu.dma_semaphore, #tpu.memory_space<semaphore_mem>>) src(%dma_wait3A_91 : memref<64x128xf32, #tpu.memory_space<vmem_shared>>) dst(%arg12 : memref<64x128xf32, #tpu.memory_space<vmem>>)
      tpu.yield
    }) : () -> ()
    %mul3A_49 = arith.constant 320 : i32
    %mul3A_50 = arith.muli %arg1, %mul3A_49 : i32
    %add3A_51 = arith.constant 0 : i32
    %add3A_52 = arith.addi %mul3A_50, %add3A_51 : i32
    "tpu.region"() ({
      %run_scoped3A = tpu.sem_alloc : memref<!tpu.dma_semaphore, #tpu.memory_space<semaphore_mem>>
      %dma_start3A_85 = arith.constant 0 : i32
      %dma_start3A_86 = tpu.memref_slice %arg6[%arg0, %add3A_52, %dma_start3A_85] : memref<2x5120x128xf32, #tpu.memory_space<hbm>> -> memref<1x64x128xf32, #tpu.memory_space<hbm>>
      %dma_start3A_87 = tpu.memref_squeeze %dma_start3A_86 : memref<1x64x128xf32, #tpu.memory_space<hbm>> -> memref<64x128xf32, #tpu.memory_space<hbm>>
      %dma_start3A_88 = arith.constant 0 : i32
      %dma_start3A_89 = tpu.memref_slice %arg6[%arg0, %add3A_52, %dma_start3A_88] : memref<2x5120x128xf32, #tpu.memory_space<hbm>> -> memref<1x64x128xf32, #tpu.memory_space<hbm>>
      %dma_start3A_90 = tpu.memref_squeeze %dma_start3A_89 : memref<1x64x128xf32, #tpu.memory_space<hbm>> -> memref<64x128xf32, #tpu.memory_space<hbm>>
      tpu.enqueue_dma source(%arg12 : memref<64x128xf32, #tpu.memory_space<vmem>>) target(%dma_start3A_90 : memref<64x128xf32, #tpu.memory_space<hbm>>) target_semaphore(%run_scoped3A : memref<!tpu.dma_semaphore, #tpu.memory_space<semaphore_mem>>)
      %dma_wait3A = arith.constant 0 : i32
      %dma_wait3A_91 = tpu.memref_slice %arg6[%arg0, %add3A_52, %dma_wait3A] : memref<2x5120x128xf32, #tpu.memory_space<hbm>> -> memref<1x64x128xf32, #tpu.memory_space<hbm>>
      %dma_wait3A_92 = tpu.memref_squeeze %dma_wait3A_91 : memref<1x64x128xf32, #tpu.memory_space<hbm>> -> memref<64x128xf32, #tpu.memory_space<hbm>>
      %dma_wait3A_93 = arith.constant 0 : i32
      %dma_wait3A_94 = tpu.memref_slice %arg6[%arg0, %add3A_52, %dma_wait3A_93] : memref<2x5120x128xf32, #tpu.memory_space<hbm>> -> memref<1x64x128xf32, #tpu.memory_space<hbm>>
      %dma_wait3A_95 = tpu.memref_squeeze %dma_wait3A_94 : memref<1x64x128xf32, #tpu.memory_space<hbm>> -> memref<64x128xf32, #tpu.memory_space<hbm>>
      tpu.wait_dma2 semaphore(%run_scoped3A : memref<!tpu.dma_semaphore, #tpu.memory_space<semaphore_mem>>) src(%arg12 : memref<64x128xf32, #tpu.memory_space<vmem>>) dst(%dma_wait3A_95 : memref<64x128xf32, #tpu.memory_space<hbm>>)
      tpu.yield
    }) : () -> ()
    %mul3A_53 = arith.constant 320 : i32
    %mul3A_54 = arith.muli %arg1, %mul3A_53 : i32
    %add3A_55 = arith.constant 64 : i32
    %add3A_56 = arith.addi %mul3A_54, %add3A_55 : i32
    "tpu.region"() ({
      %run_scoped3A = tpu.sem_alloc : memref<!tpu.dma_semaphore, #tpu.memory_space<semaphore_mem>>
      %dma_start3A_85 = arith.constant 0 : i32
      %dma_start3A_86 = tpu.memref_slice %arg13[%add3A_56, %dma_start3A_85] : memref<5128x128xf32, #tpu.memory_space<vmem_shared>> -> memref<64x128xf32, #tpu.memory_space<vmem_shared>>
      %dma_start3A_87 = arith.constant 0 : i32
      %dma_start3A_88 = tpu.memref_slice %arg13[%add3A_56, %dma_start3A_87] : memref<5128x128xf32, #tpu.memory_space<vmem_shared>> -> memref<64x128xf32, #tpu.memory_space<vmem_shared>>
      tpu.enqueue_dma source(%dma_start3A_88 : memref<64x128xf32, #tpu.memory_space<vmem_shared>>) target(%arg12 : memref<64x128xf32, #tpu.memory_space<vmem>>) target_semaphore(%run_scoped3A : memref<!tpu.dma_semaphore, #tpu.memory_space<semaphore_mem>>)
      %dma_wait3A = arith.constant 0 : i32
      %dma_wait3A_89 = tpu.memref_slice %arg13[%add3A_56, %dma_wait3A] : memref<5128x128xf32, #tpu.memory_space<vmem_shared>> -> memref<64x128xf32, #tpu.memory_space<vmem_shared>>
      %dma_wait3A_90 = arith.constant 0 : i32
      %dma_wait3A_91 = tpu.memref_slice %arg13[%add3A_56, %dma_wait3A_90] : memref<5128x128xf32, #tpu.memory_space<vmem_shared>> -> memref<64x128xf32, #tpu.memory_space<vmem_shared>>
      tpu.wait_dma2 semaphore(%run_scoped3A : memref<!tpu.dma_semaphore, #tpu.memory_space<semaphore_mem>>) src(%dma_wait3A_91 : memref<64x128xf32, #tpu.memory_space<vmem_shared>>) dst(%arg12 : memref<64x128xf32, #tpu.memory_space<vmem>>)
      tpu.yield
    }) : () -> ()
    %mul3A_57 = arith.constant 320 : i32
    %mul3A_58 = arith.muli %arg1, %mul3A_57 : i32
    %add3A_59 = arith.constant 64 : i32
    %add3A_60 = arith.addi %mul3A_58, %add3A_59 : i32
    "tpu.region"() ({
      %run_scoped3A = tpu.sem_alloc : memref<!tpu.dma_semaphore, #tpu.memory_space<semaphore_mem>>
      %dma_start3A_85 = arith.constant 0 : i32
      %dma_start3A_86 = tpu.memref_slice %arg6[%arg0, %add3A_60, %dma_start3A_85] : memref<2x5120x128xf32, #tpu.memory_space<hbm>> -> memref<1x64x128xf32, #tpu.memory_space<hbm>>
      %dma_start3A_87 = tpu.memref_squeeze %dma_start3A_86 : memref<1x64x128xf32, #tpu.memory_space<hbm>> -> memref<64x128xf32, #tpu.memory_space<hbm>>
      %dma_start3A_88 = arith.constant 0 : i32
      %dma_start3A_89 = tpu.memref_slice %arg6[%arg0, %add3A_60, %dma_start3A_88] : memref<2x5120x128xf32, #tpu.memory_space<hbm>> -> memref<1x64x128xf32, #tpu.memory_space<hbm>>
      %dma_start3A_90 = tpu.memref_squeeze %dma_start3A_89 : memref<1x64x128xf32, #tpu.memory_space<hbm>> -> memref<64x128xf32, #tpu.memory_space<hbm>>
      tpu.enqueue_dma source(%arg12 : memref<64x128xf32, #tpu.memory_space<vmem>>) target(%dma_start3A_90 : memref<64x128xf32, #tpu.memory_space<hbm>>) target_semaphore(%run_scoped3A : memref<!tpu.dma_semaphore, #tpu.memory_space<semaphore_mem>>)
      %dma_wait3A = arith.constant 0 : i32
      %dma_wait3A_91 = tpu.memref_slice %arg6[%arg0, %add3A_60, %dma_wait3A] : memref<2x5120x128xf32, #tpu.memory_space<hbm>> -> memref<1x64x128xf32, #tpu.memory_space<hbm>>
      %dma_wait3A_92 = tpu.memref_squeeze %dma_wait3A_91 : memref<1x64x128xf32, #tpu.memory_space<hbm>> -> memref<64x128xf32, #tpu.memory_space<hbm>>
      %dma_wait3A_93 = arith.constant 0 : i32
      %dma_wait3A_94 = tpu.memref_slice %arg6[%arg0, %add3A_60, %dma_wait3A_93] : memref<2x5120x128xf32, #tpu.memory_space<hbm>> -> memref<1x64x128xf32, #tpu.memory_space<hbm>>
      %dma_wait3A_95 = tpu.memref_squeeze %dma_wait3A_94 : memref<1x64x128xf32, #tpu.memory_space<hbm>> -> memref<64x128xf32, #tpu.memory_space<hbm>>
      tpu.wait_dma2 semaphore(%run_scoped3A : memref<!tpu.dma_semaphore, #tpu.memory_space<semaphore_mem>>) src(%arg12 : memref<64x128xf32, #tpu.memory_space<vmem>>) dst(%dma_wait3A_95 : memref<64x128xf32, #tpu.memory_space<hbm>>)
      tpu.yield
    }) : () -> ()
    %mul3A_61 = arith.constant 320 : i32
    %mul3A_62 = arith.muli %arg1, %mul3A_61 : i32
    %add3A_63 = arith.constant 128 : i32
    %add3A_64 = arith.addi %mul3A_62, %add3A_63 : i32
    "tpu.region"() ({
      %run_scoped3A = tpu.sem_alloc : memref<!tpu.dma_semaphore, #tpu.memory_space<semaphore_mem>>
      %dma_start3A_85 = arith.constant 0 : i32
      %dma_start3A_86 = tpu.memref_slice %arg13[%add3A_64, %dma_start3A_85] : memref<5128x128xf32, #tpu.memory_space<vmem_shared>> -> memref<64x128xf32, #tpu.memory_space<vmem_shared>>
      %dma_start3A_87 = arith.constant 0 : i32
      %dma_start3A_88 = tpu.memref_slice %arg13[%add3A_64, %dma_start3A_87] : memref<5128x128xf32, #tpu.memory_space<vmem_shared>> -> memref<64x128xf32, #tpu.memory_space<vmem_shared>>
      tpu.enqueue_dma source(%dma_start3A_88 : memref<64x128xf32, #tpu.memory_space<vmem_shared>>) target(%arg12 : memref<64x128xf32, #tpu.memory_space<vmem>>) target_semaphore(%run_scoped3A : memref<!tpu.dma_semaphore, #tpu.memory_space<semaphore_mem>>)
      %dma_wait3A = arith.constant 0 : i32
      %dma_wait3A_89 = tpu.memref_slice %arg13[%add3A_64, %dma_wait3A] : memref<5128x128xf32, #tpu.memory_space<vmem_shared>> -> memref<64x128xf32, #tpu.memory_space<vmem_shared>>
      %dma_wait3A_90 = arith.constant 0 : i32
      %dma_wait3A_91 = tpu.memref_slice %arg13[%add3A_64, %dma_wait3A_90] : memref<5128x128xf32, #tpu.memory_space<vmem_shared>> -> memref<64x128xf32, #tpu.memory_space<vmem_shared>>
      tpu.wait_dma2 semaphore(%run_scoped3A : memref<!tpu.dma_semaphore, #tpu.memory_space<semaphore_mem>>) src(%dma_wait3A_91 : memref<64x128xf32, #tpu.memory_space<vmem_shared>>) dst(%arg12 : memref<64x128xf32, #tpu.memory_space<vmem>>)
      tpu.yield
    }) : () -> ()
    %mul3A_65 = arith.constant 320 : i32
    %mul3A_66 = arith.muli %arg1, %mul3A_65 : i32
    %add3A_67 = arith.constant 128 : i32
    %add3A_68 = arith.addi %mul3A_66, %add3A_67 : i32
    "tpu.region"() ({
      %run_scoped3A = tpu.sem_alloc : memref<!tpu.dma_semaphore, #tpu.memory_space<semaphore_mem>>
      %dma_start3A_85 = arith.constant 0 : i32
      %dma_start3A_86 = tpu.memref_slice %arg6[%arg0, %add3A_68, %dma_start3A_85] : memref<2x5120x128xf32, #tpu.memory_space<hbm>> -> memref<1x64x128xf32, #tpu.memory_space<hbm>>
      %dma_start3A_87 = tpu.memref_squeeze %dma_start3A_86 : memref<1x64x128xf32, #tpu.memory_space<hbm>> -> memref<64x128xf32, #tpu.memory_space<hbm>>
      %dma_start3A_88 = arith.constant 0 : i32
      %dma_start3A_89 = tpu.memref_slice %arg6[%arg0, %add3A_68, %dma_start3A_88] : memref<2x5120x128xf32, #tpu.memory_space<hbm>> -> memref<1x64x128xf32, #tpu.memory_space<hbm>>
      %dma_start3A_90 = tpu.memref_squeeze %dma_start3A_89 : memref<1x64x128xf32, #tpu.memory_space<hbm>> -> memref<64x128xf32, #tpu.memory_space<hbm>>
      tpu.enqueue_dma source(%arg12 : memref<64x128xf32, #tpu.memory_space<vmem>>) target(%dma_start3A_90 : memref<64x128xf32, #tpu.memory_space<hbm>>) target_semaphore(%run_scoped3A : memref<!tpu.dma_semaphore, #tpu.memory_space<semaphore_mem>>)
      %dma_wait3A = arith.constant 0 : i32
      %dma_wait3A_91 = tpu.memref_slice %arg6[%arg0, %add3A_68, %dma_wait3A] : memref<2x5120x128xf32, #tpu.memory_space<hbm>> -> memref<1x64x128xf32, #tpu.memory_space<hbm>>
      %dma_wait3A_92 = tpu.memref_squeeze %dma_wait3A_91 : memref<1x64x128xf32, #tpu.memory_space<hbm>> -> memref<64x128xf32, #tpu.memory_space<hbm>>
      %dma_wait3A_93 = arith.constant 0 : i32
      %dma_wait3A_94 = tpu.memref_slice %arg6[%arg0, %add3A_68, %dma_wait3A_93] : memref<2x5120x128xf32, #tpu.memory_space<hbm>> -> memref<1x64x128xf32, #tpu.memory_space<hbm>>
      %dma_wait3A_95 = tpu.memref_squeeze %dma_wait3A_94 : memref<1x64x128xf32, #tpu.memory_space<hbm>> -> memref<64x128xf32, #tpu.memory_space<hbm>>
      tpu.wait_dma2 semaphore(%run_scoped3A : memref<!tpu.dma_semaphore, #tpu.memory_space<semaphore_mem>>) src(%arg12 : memref<64x128xf32, #tpu.memory_space<vmem>>) dst(%dma_wait3A_95 : memref<64x128xf32, #tpu.memory_space<hbm>>)
      tpu.yield
    }) : () -> ()
    %mul3A_69 = arith.constant 320 : i32
    %mul3A_70 = arith.muli %arg1, %mul3A_69 : i32
    %add3A_71 = arith.constant 192 : i32
    %add3A_72 = arith.addi %mul3A_70, %add3A_71 : i32
    "tpu.region"() ({
      %run_scoped3A = tpu.sem_alloc : memref<!tpu.dma_semaphore, #tpu.memory_space<semaphore_mem>>
      %dma_start3A_85 = arith.constant 0 : i32
      %dma_start3A_86 = tpu.memref_slice %arg13[%add3A_72, %dma_start3A_85] : memref<5128x128xf32, #tpu.memory_space<vmem_shared>> -> memref<64x128xf32, #tpu.memory_space<vmem_shared>>
      %dma_start3A_87 = arith.constant 0 : i32
      %dma_start3A_88 = tpu.memref_slice %arg13[%add3A_72, %dma_start3A_87] : memref<5128x128xf32, #tpu.memory_space<vmem_shared>> -> memref<64x128xf32, #tpu.memory_space<vmem_shared>>
      tpu.enqueue_dma source(%dma_start3A_88 : memref<64x128xf32, #tpu.memory_space<vmem_shared>>) target(%arg12 : memref<64x128xf32, #tpu.memory_space<vmem>>) target_semaphore(%run_scoped3A : memref<!tpu.dma_semaphore, #tpu.memory_space<semaphore_mem>>)
      %dma_wait3A = arith.constant 0 : i32
      %dma_wait3A_89 = tpu.memref_slice %arg13[%add3A_72, %dma_wait3A] : memref<5128x128xf32, #tpu.memory_space<vmem_shared>> -> memref<64x128xf32, #tpu.memory_space<vmem_shared>>
      %dma_wait3A_90 = arith.constant 0 : i32
      %dma_wait3A_91 = tpu.memref_slice %arg13[%add3A_72, %dma_wait3A_90] : memref<5128x128xf32, #tpu.memory_space<vmem_shared>> -> memref<64x128xf32, #tpu.memory_space<vmem_shared>>
      tpu.wait_dma2 semaphore(%run_scoped3A : memref<!tpu.dma_semaphore, #tpu.memory_space<semaphore_mem>>) src(%dma_wait3A_91 : memref<64x128xf32, #tpu.memory_space<vmem_shared>>) dst(%arg12 : memref<64x128xf32, #tpu.memory_space<vmem>>)
      tpu.yield
    }) : () -> ()
    %mul3A_73 = arith.constant 320 : i32
    %mul3A_74 = arith.muli %arg1, %mul3A_73 : i32
    %add3A_75 = arith.constant 192 : i32
    %add3A_76 = arith.addi %mul3A_74, %add3A_75 : i32
    "tpu.region"() ({
      %run_scoped3A = tpu.sem_alloc : memref<!tpu.dma_semaphore, #tpu.memory_space<semaphore_mem>>
      %dma_start3A_85 = arith.constant 0 : i32
      %dma_start3A_86 = tpu.memref_slice %arg6[%arg0, %add3A_76, %dma_start3A_85] : memref<2x5120x128xf32, #tpu.memory_space<hbm>> -> memref<1x64x128xf32, #tpu.memory_space<hbm>>
      %dma_start3A_87 = tpu.memref_squeeze %dma_start3A_86 : memref<1x64x128xf32, #tpu.memory_space<hbm>> -> memref<64x128xf32, #tpu.memory_space<hbm>>
      %dma_start3A_88 = arith.constant 0 : i32
      %dma_start3A_89 = tpu.memref_slice %arg6[%arg0, %add3A_76, %dma_start3A_88] : memref<2x5120x128xf32, #tpu.memory_space<hbm>> -> memref<1x64x128xf32, #tpu.memory_space<hbm>>
      %dma_start3A_90 = tpu.memref_squeeze %dma_start3A_89 : memref<1x64x128xf32, #tpu.memory_space<hbm>> -> memref<64x128xf32, #tpu.memory_space<hbm>>
      tpu.enqueue_dma source(%arg12 : memref<64x128xf32, #tpu.memory_space<vmem>>) target(%dma_start3A_90 : memref<64x128xf32, #tpu.memory_space<hbm>>) target_semaphore(%run_scoped3A : memref<!tpu.dma_semaphore, #tpu.memory_space<semaphore_mem>>)
      %dma_wait3A = arith.constant 0 : i32
      %dma_wait3A_91 = tpu.memref_slice %arg6[%arg0, %add3A_76, %dma_wait3A] : memref<2x5120x128xf32, #tpu.memory_space<hbm>> -> memref<1x64x128xf32, #tpu.memory_space<hbm>>
      %dma_wait3A_92 = tpu.memref_squeeze %dma_wait3A_91 : memref<1x64x128xf32, #tpu.memory_space<hbm>> -> memref<64x128xf32, #tpu.memory_space<hbm>>
      %dma_wait3A_93 = arith.constant 0 : i32
      %dma_wait3A_94 = tpu.memref_slice %arg6[%arg0, %add3A_76, %dma_wait3A_93] : memref<2x5120x128xf32, #tpu.memory_space<hbm>> -> memref<1x64x128xf32, #tpu.memory_space<hbm>>
      %dma_wait3A_95 = tpu.memref_squeeze %dma_wait3A_94 : memref<1x64x128xf32, #tpu.memory_space<hbm>> -> memref<64x128xf32, #tpu.memory_space<hbm>>
      tpu.wait_dma2 semaphore(%run_scoped3A : memref<!tpu.dma_semaphore, #tpu.memory_space<semaphore_mem>>) src(%arg12 : memref<64x128xf32, #tpu.memory_space<vmem>>) dst(%dma_wait3A_95 : memref<64x128xf32, #tpu.memory_space<hbm>>)
      tpu.yield
    }) : () -> ()
    %mul3A_77 = arith.constant 320 : i32
    %mul3A_78 = arith.muli %arg1, %mul3A_77 : i32
    %add3A_79 = arith.constant 256 : i32
    %add3A_80 = arith.addi %mul3A_78, %add3A_79 : i32
    "tpu.region"() ({
      %run_scoped3A = tpu.sem_alloc : memref<!tpu.dma_semaphore, #tpu.memory_space<semaphore_mem>>
      %dma_start3A_85 = arith.constant 0 : i32
      %dma_start3A_86 = tpu.memref_slice %arg13[%add3A_80, %dma_start3A_85] : memref<5128x128xf32, #tpu.memory_space<vmem_shared>> -> memref<64x128xf32, #tpu.memory_space<vmem_shared>>
      %dma_start3A_87 = arith.constant 0 : i32
      %dma_start3A_88 = tpu.memref_slice %arg13[%add3A_80, %dma_start3A_87] : memref<5128x128xf32, #tpu.memory_space<vmem_shared>> -> memref<64x128xf32, #tpu.memory_space<vmem_shared>>
      tpu.enqueue_dma source(%dma_start3A_88 : memref<64x128xf32, #tpu.memory_space<vmem_shared>>) target(%arg12 : memref<64x128xf32, #tpu.memory_space<vmem>>) target_semaphore(%run_scoped3A : memref<!tpu.dma_semaphore, #tpu.memory_space<semaphore_mem>>)
      %dma_wait3A = arith.constant 0 : i32
      %dma_wait3A_89 = tpu.memref_slice %arg13[%add3A_80, %dma_wait3A] : memref<5128x128xf32, #tpu.memory_space<vmem_shared>> -> memref<64x128xf32, #tpu.memory_space<vmem_shared>>
      %dma_wait3A_90 = arith.constant 0 : i32
      %dma_wait3A_91 = tpu.memref_slice %arg13[%add3A_80, %dma_wait3A_90] : memref<5128x128xf32, #tpu.memory_space<vmem_shared>> -> memref<64x128xf32, #tpu.memory_space<vmem_shared>>
      tpu.wait_dma2 semaphore(%run_scoped3A : memref<!tpu.dma_semaphore, #tpu.memory_space<semaphore_mem>>) src(%dma_wait3A_91 : memref<64x128xf32, #tpu.memory_space<vmem_shared>>) dst(%arg12 : memref<64x128xf32, #tpu.memory_space<vmem>>)
      tpu.yield
    }) : () -> ()
    %mul3A_81 = arith.constant 320 : i32
    %mul3A_82 = arith.muli %arg1, %mul3A_81 : i32
    %add3A_83 = arith.constant 256 : i32
    %add3A_84 = arith.addi %mul3A_82, %add3A_83 : i32
    "tpu.region"() ({
      %run_scoped3A = tpu.sem_alloc : memref<!tpu.dma_semaphore, #tpu.memory_space<semaphore_mem>>
      %dma_start3A_85 = arith.constant 0 : i32
      %dma_start3A_86 = tpu.memref_slice %arg6[%arg0, %add3A_84, %dma_start3A_85] : memref<2x5120x128xf32, #tpu.memory_space<hbm>> -> memref<1x64x128xf32, #tpu.memory_space<hbm>>
      %dma_start3A_87 = tpu.memref_squeeze %dma_start3A_86 : memref<1x64x128xf32, #tpu.memory_space<hbm>> -> memref<64x128xf32, #tpu.memory_space<hbm>>
      %dma_start3A_88 = arith.constant 0 : i32
      %dma_start3A_89 = tpu.memref_slice %arg6[%arg0, %add3A_84, %dma_start3A_88] : memref<2x5120x128xf32, #tpu.memory_space<hbm>> -> memref<1x64x128xf32, #tpu.memory_space<hbm>>
      %dma_start3A_90 = tpu.memref_squeeze %dma_start3A_89 : memref<1x64x128xf32, #tpu.memory_space<hbm>> -> memref<64x128xf32, #tpu.memory_space<hbm>>
      tpu.enqueue_dma source(%arg12 : memref<64x128xf32, #tpu.memory_space<vmem>>) target(%dma_start3A_90 : memref<64x128xf32, #tpu.memory_space<hbm>>) target_semaphore(%run_scoped3A : memref<!tpu.dma_semaphore, #tpu.memory_space<semaphore_mem>>)
      %dma_wait3A = arith.constant 0 : i32
      %dma_wait3A_91 = tpu.memref_slice %arg6[%arg0, %add3A_84, %dma_wait3A] : memref<2x5120x128xf32, #tpu.memory_space<hbm>> -> memref<1x64x128xf32, #tpu.memory_space<hbm>>
      %dma_wait3A_92 = tpu.memref_squeeze %dma_wait3A_91 : memref<1x64x128xf32, #tpu.memory_space<hbm>> -> memref<64x128xf32, #tpu.memory_space<hbm>>
      %dma_wait3A_93 = arith.constant 0 : i32
      %dma_wait3A_94 = tpu.memref_slice %arg6[%arg0, %add3A_84, %dma_wait3A_93] : memref<2x5120x128xf32, #tpu.memory_space<hbm>> -> memref<1x64x128xf32, #tpu.memory_space<hbm>>
      %dma_wait3A_95 = tpu.memref_squeeze %dma_wait3A_94 : memref<1x64x128xf32, #tpu.memory_space<hbm>> -> memref<64x128xf32, #tpu.memory_space<hbm>>
      tpu.wait_dma2 semaphore(%run_scoped3A : memref<!tpu.dma_semaphore, #tpu.memory_space<semaphore_mem>>) src(%arg12 : memref<64x128xf32, #tpu.memory_space<vmem>>) dst(%dma_wait3A_95 : memref<64x128xf32, #tpu.memory_space<hbm>>)
      tpu.yield
    }) : () -> ()
    return
  }
}

module attributes {stable_mosaic.version = 14 : i64} {
  func.func @body(%arg0: i32, %arg1: memref<1024x128xf32, #tpu.memory_space<vmem>>, %arg2: memref<1024x128xf32, #tpu.memory_space<vmem>>, %arg3: memref<1024x128xf32, #tpu.memory_space<vmem>>) attributes {dimension_semantics = [#tpu.dimension_semantics<arbitrary>], iteration_bounds = array<i64: 10>, scalar_prefetch = 0 : i64, scratch_operands = 0 : i64, tpu.core_type = #tpu.core_type<tc>, window_params = [{transform_indices = @transform_0, window_bounds = array<i64: 1024, 128>}, {transform_indices = @transform_1, window_bounds = array<i64: 1024, 128>}, {transform_indices = @transform_2, window_bounds = array<i64: 1024, 128>}]} {
    %get3A = arith.constant 0 : index
    %get3A_0 = arith.constant 0 : index
    %get3A_1 = vector.load %arg1[%get3A, %get3A_0] : memref<1024x128xf32, #tpu.memory_space<vmem>>, vector<1024x128xf32>
    %add3A = arith.constant 1.000000e+00 : f32
    %add3A_2 = vector.broadcast %add3A : f32 to vector<1024x128xf32>
    %add3A_3 = arith.addf %add3A_2, %get3A_1 : vector<1024x128xf32>
    %rsqrt3A = math.rsqrt %add3A_3 : vector<1024x128xf32>
    %get3A_4 = arith.constant 0 : index
    %get3A_5 = arith.constant 0 : index
    %get3A_6 = vector.load %arg2[%get3A_4, %get3A_5] : memref<1024x128xf32, #tpu.memory_space<vmem>>, vector<1024x128xf32>
    %mul3A = arith.mulf %rsqrt3A, %get3A_6 : vector<1024x128xf32>
    %swap3A = arith.constant 0 : index
    %swap3A_7 = arith.constant 0 : index
    %swap3A_8 = vector.load %arg3[%swap3A, %swap3A_7] : memref<1024x128xf32, #tpu.memory_space<vmem>>, vector<1024x128xf32>
    tpu.vector_store %arg3[%swap3A, %swap3A_7], %mul3A {strides = array<i32>} : memref<1024x128xf32, #tpu.memory_space<vmem>>, vector<1024x128xf32>,
    return
  }
  func.func @transform_0(%arg0: i32) -> (i32, i32) {
    %c0_i32 = arith.constant 0 : i32
    %c0_i32_0 = arith.constant 0 : i32
    return %arg0, %c0_i32 : i32, i32
  }
  func.func @transform_1(%arg0: i32) -> (i32, i32) {
    %c0_i32 = arith.constant 0 : i32
    %c0_i32_0 = arith.constant 0 : i32
    return %arg0, %c0_i32 : i32, i32
  }
  func.func @transform_2(%arg0: i32) -> (i32, i32) {
    %c0_i32 = arith.constant 0 : i32
    %c0_i32_0 = arith.constant 0 : i32
    return %arg0, %c0_i32 : i32, i32
  }
}

module attributes {stable_mosaic.version = 14 : i64} {
  func.func @body(%arg0: i32, %arg1: memref<1024x128xf32, #tpu.memory_space<vmem>>, %arg2: memref<1024x128xf32, #tpu.memory_space<vmem>>, %arg3: memref<1024x128xf32, #tpu.memory_space<vmem>>, %arg4: memref<1024x128xf32, #tpu.memory_space<vmem>>, %arg5: memref<1024x128xf32, #tpu.memory_space<vmem>>, %arg6: memref<1024x128xf32, #tpu.memory_space<vmem>>) attributes {dimension_semantics = [#tpu.dimension_semantics<arbitrary>], iteration_bounds = array<i64: 10>, scalar_prefetch = 0 : i64, scratch_operands = 0 : i64, tpu.core_type = #tpu.core_type<tc>, window_params = [{transform_indices = @transform_0, window_bounds = array<i64: 1024, 128>}, {transform_indices = @transform_1, window_bounds = array<i64: 1024, 128>}, {transform_indices = @transform_2, window_bounds = array<i64: 1024, 128>}, {transform_indices = @transform_3, window_bounds = array<i64: 1024, 128>}, {transform_indices = @transform_4, window_bounds = array<i64: 1024, 128>}, {transform_indices = @transform_5, window_bounds = array<i64: 1024, 128>}]} {
    %get3A = arith.constant 0 : index
    %get3A_0 = arith.constant 0 : index
    %get3A_1 = vector.load %arg1[%get3A, %get3A_0] : memref<1024x128xf32, #tpu.memory_space<vmem>>, vector<1024x128xf32>
    %add3A = arith.constant 1.000000e+00 : f32
    %add3A_2 = vector.broadcast %add3A : f32 to vector<1024x128xf32>
    %add3A_3 = arith.addf %add3A_2, %get3A_1 : vector<1024x128xf32>
    %rsqrt3A = math.rsqrt %add3A_3 : vector<1024x128xf32>
    %mul3A = arith.constant 0.899999976 : f32
    %mul3A_4 = vector.broadcast %mul3A : f32 to vector<1024x128xf32>
    %mul3A_5 = arith.mulf %mul3A_4, %rsqrt3A : vector<1024x128xf32>
    %get3A_6 = arith.constant 0 : index
    %get3A_7 = arith.constant 0 : index
    %get3A_8 = vector.load %arg2[%get3A_6, %get3A_7] : memref<1024x128xf32, #tpu.memory_space<vmem>>, vector<1024x128xf32>
    %get3A_9 = arith.constant 0 : index
    %get3A_10 = arith.constant 0 : index
    %get3A_11 = vector.load %arg3[%get3A_9, %get3A_10] : memref<1024x128xf32, #tpu.memory_space<vmem>>, vector<1024x128xf32>
    %add3A_12 = arith.addf %get3A_8, %get3A_11 : vector<1024x128xf32>
    %mul3A_13 = arith.mulf %mul3A_5, %add3A_12 : vector<1024x128xf32>
    %get3A_14 = arith.constant 0 : index
    %get3A_15 = arith.constant 0 : index
    %get3A_16 = vector.load %arg4[%get3A_14, %get3A_15] : memref<1024x128xf32, #tpu.memory_space<vmem>>, vector<1024x128xf32>
    %mul3A_17 = arith.constant 1.000000e-01 : f32
    %mul3A_18 = vector.broadcast %mul3A_17 : f32 to vector<1024x128xf32>
    %mul3A_19 = arith.mulf %mul3A_18, %get3A_16 : vector<1024x128xf32>
    %add3A_20 = arith.addf %mul3A_13, %mul3A_19 : vector<1024x128xf32>
    %swap3A = arith.constant 0 : index
    %swap3A_21 = arith.constant 0 : index
    %swap3A_22 = vector.load %arg5[%swap3A, %swap3A_21] : memref<1024x128xf32, #tpu.memory_space<vmem>>, vector<1024x128xf32>
    tpu.vector_store %arg5[%swap3A, %swap3A_21], %add3A_20 {strides = array<i32>} : memref<1024x128xf32, #tpu.memory_space<vmem>>, vector<1024x128xf32>,
    %mul3A_23 = arith.mulf %rsqrt3A, %add3A_20 : vector<1024x128xf32>
    %swap3A_24 = arith.constant 0 : index
    %swap3A_25 = arith.constant 0 : index
    %swap3A_26 = vector.load %arg6[%swap3A_24, %swap3A_25] : memref<1024x128xf32, #tpu.memory_space<vmem>>, vector<1024x128xf32>
    tpu.vector_store %arg6[%swap3A_24, %swap3A_25], %mul3A_23 {strides = array<i32>} : memref<1024x128xf32, #tpu.memory_space<vmem>>, vector<1024x128xf32>,
    return
  }
  func.func @transform_0(%arg0: i32) -> (i32, i32) {
    %c0_i32 = arith.constant 0 : i32
    %c0_i32_0 = arith.constant 0 : i32
    return %arg0, %c0_i32 : i32, i32
  }
  func.func @transform_1(%arg0: i32) -> (i32, i32) {
    %c0_i32 = arith.constant 0 : i32
    %c0_i32_0 = arith.constant 0 : i32
    return %arg0, %c0_i32 : i32, i32
  }
  func.func @transform_2(%arg0: i32) -> (i32, i32) {
    %c0_i32 = arith.constant 0 : i32
    %c0_i32_0 = arith.constant 0 : i32
    return %arg0, %c0_i32 : i32, i32
  }
  func.func @transform_3(%arg0: i32) -> (i32, i32) {
    %c0_i32 = arith.constant 0 : i32
    %c0_i32_0 = arith.constant 0 : i32
    return %arg0, %c0_i32 : i32, i32
  }
  func.func @transform_4(%arg0: i32) -> (i32, i32) {
    %c0_i32 = arith.constant 0 : i32
    %c0_i32_0 = arith.constant 0 : i32
    return %arg0, %c0_i32 : i32, i32
  }
  func.func @transform_5(%arg0: i32) -> (i32, i32) {
    %c0_i32 = arith.constant 0 : i32
    %c0_i32_0 = arith.constant 0 : i32
    return %arg0, %c0_i32 : i32, i32
  }
}

module attributes {stable_mosaic.version = 14 : i64} {
  func.func @body(%arg0: i32, %arg1: memref<1024x128xf32, #tpu.memory_space<vmem>>, %arg2: memref<1024x128xf32, #tpu.memory_space<vmem>>, %arg3: memref<1024x128xf32, #tpu.memory_space<vmem>>, %arg4: memref<1024x128xf32, #tpu.memory_space<vmem>>, %arg5: memref<1024x128xf32, #tpu.memory_space<vmem>>, %arg6: memref<1024x128xf32, #tpu.memory_space<vmem>>) attributes {dimension_semantics = [#tpu.dimension_semantics<arbitrary>], iteration_bounds = array<i64: 10>, scalar_prefetch = 0 : i64, scratch_operands = 0 : i64, tpu.core_type = #tpu.core_type<tc>, window_params = [{transform_indices = @transform_0, window_bounds = array<i64: 1024, 128>}, {transform_indices = @transform_1, window_bounds = array<i64: 1024, 128>}, {transform_indices = @transform_2, window_bounds = array<i64: 1024, 128>}, {transform_indices = @transform_3, window_bounds = array<i64: 1024, 128>}, {transform_indices = @transform_4, window_bounds = array<i64: 1024, 128>}, {transform_indices = @transform_5, window_bounds = array<i64: 1024, 128>}]} {
    %get3A = arith.constant 0 : index
    %get3A_0 = arith.constant 0 : index
    %get3A_1 = vector.load %arg1[%get3A, %get3A_0] : memref<1024x128xf32, #tpu.memory_space<vmem>>, vector<1024x128xf32>
    %add3A = arith.constant 1.000000e+00 : f32
    %add3A_2 = vector.broadcast %add3A : f32 to vector<1024x128xf32>
    %add3A_3 = arith.addf %add3A_2, %get3A_1 : vector<1024x128xf32>
    %rsqrt3A = math.rsqrt %add3A_3 : vector<1024x128xf32>
    %mul3A = arith.constant 0.899999976 : f32
    %mul3A_4 = vector.broadcast %mul3A : f32 to vector<1024x128xf32>
    %mul3A_5 = arith.mulf %mul3A_4, %rsqrt3A : vector<1024x128xf32>
    %get3A_6 = arith.constant 0 : index
    %get3A_7 = arith.constant 0 : index
    %get3A_8 = vector.load %arg2[%get3A_6, %get3A_7] : memref<1024x128xf32, #tpu.memory_space<vmem>>, vector<1024x128xf32>
    %get3A_9 = arith.constant 0 : index
    %get3A_10 = arith.constant 0 : index
    %get3A_11 = vector.load %arg3[%get3A_9, %get3A_10] : memref<1024x128xf32, #tpu.memory_space<vmem>>, vector<1024x128xf32>
    %add3A_12 = arith.addf %get3A_8, %get3A_11 : vector<1024x128xf32>
    %mul3A_13 = arith.mulf %mul3A_5, %add3A_12 : vector<1024x128xf32>
    %get3A_14 = arith.constant 0 : index
    %get3A_15 = arith.constant 0 : index
    %get3A_16 = vector.load %arg4[%get3A_14, %get3A_15] : memref<1024x128xf32, #tpu.memory_space<vmem>>, vector<1024x128xf32>
    %mul3A_17 = arith.constant 1.000000e-01 : f32
    %mul3A_18 = vector.broadcast %mul3A_17 : f32 to vector<1024x128xf32>
    %mul3A_19 = arith.mulf %mul3A_18, %get3A_16 : vector<1024x128xf32>
    %add3A_20 = arith.addf %mul3A_13, %mul3A_19 : vector<1024x128xf32>
    %swap3A = arith.constant 0 : index
    %swap3A_21 = arith.constant 0 : index
    %swap3A_22 = vector.load %arg5[%swap3A, %swap3A_21] : memref<1024x128xf32, #tpu.memory_space<vmem>>, vector<1024x128xf32>
    tpu.vector_store %arg5[%swap3A, %swap3A_21], %add3A_20 {strides = array<i32>} : memref<1024x128xf32, #tpu.memory_space<vmem>>, vector<1024x128xf32>,
    %mul3A_23 = arith.mulf %rsqrt3A, %add3A_20 : vector<1024x128xf32>
    %swap3A_24 = arith.constant 0 : index
    %swap3A_25 = arith.constant 0 : index
    %swap3A_26 = vector.load %arg6[%swap3A_24, %swap3A_25] : memref<1024x128xf32, #tpu.memory_space<vmem>>, vector<1024x128xf32>
    tpu.vector_store %arg6[%swap3A_24, %swap3A_25], %mul3A_23 {strides = array<i32>} : memref<1024x128xf32, #tpu.memory_space<vmem>>, vector<1024x128xf32>,
    return
  }
  func.func @transform_0(%arg0: i32) -> (i32, i32) {
    %c0_i32 = arith.constant 0 : i32
    %c0_i32_0 = arith.constant 0 : i32
    return %arg0, %c0_i32 : i32, i32
  }
  func.func @transform_1(%arg0: i32) -> (i32, i32) {
    %c0_i32 = arith.constant 0 : i32
    %c0_i32_0 = arith.constant 0 : i32
    return %arg0, %c0_i32 : i32, i32
  }
  func.func @transform_2(%arg0: i32) -> (i32, i32) {
    %c0_i32 = arith.constant 0 : i32
    %c0_i32_0 = arith.constant 0 : i32
    return %arg0, %c0_i32 : i32, i32
  }
  func.func @transform_3(%arg0: i32) -> (i32, i32) {
    %c0_i32 = arith.constant 0 : i32
    %c0_i32_0 = arith.constant 0 : i32
    return %arg0, %c0_i32 : i32, i32
  }
  func.func @transform_4(%arg0: i32) -> (i32, i32) {
    %c0_i32 = arith.constant 0 : i32
    %c0_i32_0 = arith.constant 0 : i32
    return %arg0, %c0_i32 : i32, i32
  }
  func.func @transform_5(%arg0: i32) -> (i32, i32) {
    %c0_i32 = arith.constant 0 : i32
    %c0_i32_0 = arith.constant 0 : i32
    return %arg0, %c0_i32 : i32, i32
  }
}

</mosaic_0001>

<sc_bundles>
// kernel: kernel.10.cloned.1.call-start
scs
__scs_entry_jumppad:
0x0: {  	(pc) =	sbr.rel $0x88, $3  }
0x1: {  	(tag) =	ssettag $0x0;
	lr =	simm.s32 $0x1  }
0x2: {  	[smem:$0x3F9F] =	sst lr;
	_ =	strace $0xD0000000  }
0x3: {  	_ = 	snop  }
0x4: {  	_ = 	snop  }
0x5: {  	_ = 	snop  }
0x6: {  	_ = 	snop  }
0x7: {  	_ = 	snop  }
__scs_overlays_trampoline_lowered:
0x8: {  	[smem:$0x3FAE] =	sst s0  }
0x9: {  	[smem:$0x3FAF] =	sst s1  }
0xa: {  	[smem:$0x3FB0] =	sst s2  }
0xb: {  	[smem:$0x3FB1] =	sst s3  }
0xc: {  	[smem:$0x3FB2] =	sst s4  }
0xd: {  	[smem:$0x3FB3] =	sst s5  }
0xe: {  	[smem:$0x3FB4] =	sst s6  }
0xf: {  	[smem:$0x3FB5] =	sst s7  }
0x10: {  	[smem:$0x3FB6] =	sst s8  }
0x11: {  	[smem:$0x3FB7] =	sst s9;
	s0 =	simm.s32 @!p0 $0x0  }
0x12: {  	s1 =	sld [smem:$0x3F9D];
	s0 =	simm.s32 @p0 $0x1  }
0x13: {  	[smem:$0x3FB8] =	sst s0;
	s0 =	simm.s32 @!p1 $0x0  }
0x14: {  	s2 =	sld [smem:$0x3F9C];
	s0 =	simm.s32 @p1 $0x1  }
0x15: {  	[smem:$0x3FB9] =	sst s0;
	s0 =	simm.s32 @!p2 $0x0  }
0x16: {  	s3 =	sld [smem:$0x3FDB];
	s0 =	simm.s32 @p2 $0x1  }
0x17: {  	s4 =	simm.s32 $0x1BF5;
	[smem:$0x3FBB] =	sst s0  }
0x18: {  	s0 =	sld [smem:$0x3F9E];
	_ =	swait.ge [sflag:s4], $0x0  }
0x19: {  	s7 =	sld [smem:$0x3F9F]  }
0x1a: {  	s8 =	sadd.s32 $0xFFFFE003, lr  }
0x1b: {  	s9 =	sadd.s32 $0xFFFFFEF7, lr;
	s5 =	simm.s32 $0xFFFFFFFF;
	p2 =	slt.u32 s8, $0xFFFFF086  }
0x1c: {  	p1 =	slt.u32 s9, $0xF7A;
	s5 =	simm.s32 @!p2 $0x0  }
0x1d: {  	s5 =	simm.s32 @p1 $0x1;
	p0 =	seq.s32 s7, s2  }
0x1e: {  	s7 =	smul.u32 @!p0 $0xF7A, s2;
	p2 =	seq.s32 @!p0 s5, $0x0  }
0x1f: {  	s9 =	smul.u32 $0xF7A, s1;
	s8 =	simm.s32 @!p0 $0x1BF5;
	p2 =	por !p2, p0  }
0x20: {  	[sflag:s8] =	ssyncset.s32 @!p0 $0xFFFFF086;
	s6 =	sadd.s32 @!p0 s3, s7;
	s7 =	simm.s32 @!p0 $0x108  }
0x21: {  	s3 =	sadd.s32 s3, s9;
	s6 =	sadd.s32 @!p0 $0x88, s6;
	s7 =	simm.s32 @p2 $0x1082  }
0x22: {  	[simem:s7], [sflag:s8] =	dma.local @!p0 [hbm:s6], $0xF7A  }
0x23: {  	s9 =	sor.u32 $0xD0000000, s2;
	s6 =	simm.s32 $0x108;
	_ =	swait.ge @!p0 [sflag:s8], $0x0  }
0x24: {  	s3 =	sadd.s32 $0x88, s3;
	s6 =	simm.s32 @!p1 $0x1082;
	[sflag:s4] =	ssyncset.s32 $0xFFFFF086  }
0x25: {  	[simem:s6], [sflag:s4] =	dma.local [hbm:s3], $0xF7A  }
0x26: {  	[smem:$0x3F9F] =	sst s1;
	(tag) =	ssettag s2;
	_ =	strace s9  }
0x27: {  	s1 =	sld [smem:$0x3FAF]  }
0x28: {  	s2 =	sld [smem:$0x3FB0]  }
0x29: {  	s4 =	sld [smem:$0x3FB2]  }
0x2a: {  	p0 =	seq.s32 s5, $0x0;
	s5 =	sld [smem:$0x3FB3]  }
0x2b: {  	s6 =	sld [smem:$0x3FB4]  }
0x2c: {  	s7 =	sld [smem:$0x3FB5]  }
0x2d: {  	s3 =	simm.s32 $0x108;
	s8 =	sld [smem:$0x3FB6]  }
0x2e: {  	s3 =	simm.s32 @!p0 $0x1082;
	s9 =	sld [smem:$0x3FB7]  }
0x2f: {  	lr =	sadd.s32 s0, s3;
	s0 =	sld [smem:$0x3FAE]  }
0x30: {  	s3 =	sld [smem:$0x3FB1]  }
0x31: {  	[smem:$0x3FBA] =	sst s10  }
0x32: {  	s10 =	sld [smem:$0x3FB8];
	_ =	sdelay $0x3  }
0x33: {  	p0 =	seq.s32 s10, $0x1;
	s10 =	sld [smem:$0x3FBA];
	_ =	sdelay $0x3  }
0x34: {  	[smem:$0x3FBA] =	sst s10  }
0x35: {  	s10 =	sld [smem:$0x3FB9];
	_ =	sdelay $0x3  }
0x36: {  	p1 =	seq.s32 s10, $0x1;
	s10 =	sld [smem:$0x3FBA];
	_ =	sdelay $0x3  }
0x37: {  	[smem:$0x3FBA] =	sst s10  }
0x38: {  	s10 =	sld [smem:$0x3FBB]  }
0x39: {  	_ = 	snop;
	(pc) =	sbr.ind lr, $3  }
0x3a: {  	_ = 	snop  }
0x3b: {  	_ = 	snop  }
0x3c: {  	p2 =	seq.s32 s10, $0x1;
	s10 =	sld [smem:$0x3FBA]  }
0x3d: {  	_ =	shalt  }
0x3e: {  	_ =	shalt  }
0x3f: {  	_ =	shalt  }
0x40: {  	_ =	shalt  }
0x41: {  	_ =	shalt  }
0x42: {  	_ =	shalt  }
0x43: {  	_ =	shalt  }
0x44: {  	_ =	shalt  }
0x45: {  	_ =	shalt  }
0x46: {  	_ =	shalt  }
0x47: {  	_ =	shalt  }
0x48: {  	_ =	shalt  }
0x49: {  	_ =	shalt  }
0x4a: {  	_ =	shalt  }
0x4b: {  	_ =	shalt  }
0x4c: {  	_ =	shalt  }
0x4d: {  	_ =	shalt  }
0x4e: {  	_ =	shalt  }
0x4f: {  	_ =	shalt  }
0x50: {  	_ =	shalt  }
0x51: {  	_ =	shalt  }
0x52: {  	_ =	shalt  }
0x53: {  	_ =	shalt  }
0x54: {  	_ =	shalt  }
0x55: {  	_ =	shalt  }
0x56: {  	_ =	shalt  }
0x57: {  	_ =	shalt  }
0x58: {  	_ =	shalt  }
0x59: {  	_ =	shalt  }
0x5a: {  	_ =	shalt  }
0x5b: {  	_ =	shalt  }
0x5c: {  	_ =	shalt  }
0x5d: {  	_ =	shalt  }
0x5e: {  	_ =	shalt  }
0x5f: {  	_ =	shalt  }
0x60: {  	_ =	shalt  }
0x61: {  	_ =	shalt  }
0x62: {  	_ =	shalt  }
0x63: {  	_ =	shalt  }
0x64: {  	_ =	shalt  }
0x65: {  	_ =	shalt  }
0x66: {  	_ =	shalt  }
0x67: {  	_ =	shalt  }
0x68: {  	_ =	shalt  }
0x69: {  	_ =	shalt  }
0x6a: {  	_ =	shalt  }
0x6b: {  	_ =	shalt  }
0x6c: {  	_ =	shalt  }
0x6d: {  	_ =	shalt  }
0x6e: {  	_ =	shalt  }
0x6f: {  	_ =	shalt  }
0x70: {  	_ =	shalt  }
0x71: {  	_ =	shalt  }
0x72: {  	_ =	shalt  }
0x73: {  	_ =	shalt  }
0x74: {  	_ =	shalt  }
0x75: {  	_ =	shalt  }
0x76: {  	_ =	shalt  }
0x77: {  	_ =	shalt  }
0x78: {  	_ =	shalt  }
0x79: {  	_ =	shalt  }
0x7a: {  	_ =	shalt  }
0x7b: {  	_ =	shalt  }
0x7c: {  	_ =	shalt  }
0x7d: {  	_ =	shalt  }
0x7e: {  	_ =	shalt  }
0x7f: {  	_ =	shalt  }
0x80: {  	_ =	shalt  }
0x81: {  	_ =	shalt  }
0x82: {  	_ =	shalt  }
0x83: {  	_ =	shalt  }
0x84: {  	_ =	shalt  }
0x85: {  	_ =	shalt  }
0x86: {  	_ =	shalt  }
0x87: {  	_ =	shalt  }
.Lfunc_end0:
.L_simem_size_0:
called_computation_lowered:
.L_overlay_start_0:
0x88: {  	s2 =	sld [smem:$0x3FD9]  }
0x89: {  	s3 =	sld [smem:$0x3FFE];
	_ =	sdelay $0x1  }
0x8a: {  	s1 =	srdreg.scid  }
0x8b: {  	s0 =	sand.u32 $0x1, s1  }
0x8c: {  	s17 =	sshll.u32 s0, $0xA;
	s2 =	sadd.s32 s3, s2  }
0x8d: {  	s2 =	sadd.s32 s2, s17  }
0x8e: {  	[smem:$0x3FC6] =	sst s2  }
0x8f: {  	_ = 	snop  }
0x90: {  	s2 =	sld [smem:$0x3FD0];
	(tm) =	ssettm $0x1  }
0x91: {  	s18 =	sld [smem:$0x3FFB];
	_ =	sdelay $0x3  }
0x92: {  	_ =	strace s18  }
0x93: {  	s3 =	sld [smem:$0x3FFC];
	_ =	sdelay $0x3  }
0x94: {  	_ =	strace s3  }
0x95: {  	s3 =	sld [smem:$0x3FFD];
	_ =	sdelay $0x3  }
0x96: {  	_ =	strace s3  }
0x97: {  	_ =	strace $0x8FFFFFFF  }
0x98: {  	s19 =	sld [smem:$0x3FDB];
	_ =	sdelay $0x1  }
0x99: {  	s4 =	simm.s32 $_scs_section_size  }
0x9a: {  	s5 =	simm.s32 $_size__tile_overlayer_lowered;
	s6 =	simm.s32 $_tile_overlayer_lowered  }
0x9b: {  	s22 =	simm.s32 $0x1BFF;
	s21 =	sshll.u32 s6, $0x1;
	s3 =	sadd.s32 s4, s19  }
0x9c: {  	s7 =	simm.s32 $0x0;
	s20 =	sshll.u32 s5, $0x1;
	s5 =	sadd.s32 s21, s3  }
0x9d: {  	[timem:s7], [sflag:s22] =	dma.local [hbm:s5], s20  }
0x9e: {  	_ =	swait.ge [sflag:s22], s20  }
0x9f: {  	s4 =	ssub.s32 $0x0, s20;
	[sflag:s22] =	ssyncset.done $0x0  }
0xa0: {  	[sflag:s22] =	ssyncadd.s32 s4;
	_ =	sdelay $0x1  }
0xa1: {  	s23 =	simm.s32 $0x1B8B  }
0xa2: {  	_ =	swait.ge [sflag:s23], $0x1  }
0xa3: {  	[sflag:s23] =	ssyncset.done $0x0  }
0xa4: {  	s25 =	simm.s32 $0x1B8E;
	s24 =	sld [smem:$0x3FFE];
	[sflag:s23] =	ssyncadd.s32 $0xFFFFFFFF  }
0xa5: {  	s26 =	simm.s32 $execute0_lowered;
	[smem:$0x3FD2] =	sst s25  }
0xa6: {  	s5 =	sshll.u32 s26, $0x1;
	_ =	strace $0x80000046;
	[dreg:$0x1] =	wrdreg $0xFFFFFFFF  }
0xa7: {  	s28 =	simm.s32 $_size_execute0_lowered;
	s3 =	sadd.s32 s3, s5;
	[dreg:$0x0] =	wrdreg $0x0  }
0xa8: {  	s5 =	sshll.u32 s28, $0x1;
	[dreg:$0x2] =	wrdreg s3  }
0xa9: {  	[dreg:$0x3] =	wrdreg s5  }
0xaa: {  	[dreg:$0x4] =	wrdreg $0xC0  }
0xab: {  	_ =	task [dreg:s7], $0x5FFFF  }
0xac: {  	[dreg:$0x1] =	wrdreg $0xFFFFFFFF  }
0xad: {  	[dreg:$0x0] =	wrdreg $0x60  }
0xae: {  	[dreg:$0x2] =	wrdreg s24  }
0xaf: {  	[dreg:$0x3] =	wrdreg s2  }
0xb0: {  	[dreg:$0x4] =	wrdreg $0x141000  }
0xb1: {  	[dreg:$0x5] =	wrdreg $0x9  }
0xb2: {  	_ =	task.clear_ibuf [dreg:s7], $0x6FFFF;
	_ =	strace $0x90000046  }
0xb3: {  	s29 =	simm.s32 $0x9;
	_ =	strace $0x80000048  }
0xb4: {  	_ =	swait.ge [sflag:s29], $0x1  }
0xb5: {  	[sflag:s29] =	ssyncadd.s32 $0xFFFFFFFF  }
0xb6: {  	_ =	strace $0x90000048  }
0xb7: {  	_ =	sfence  }
0xb8: {  	s30 =	sld [smem:$0x0];
	_ =	sdelay $0x2  }
0xb9: {  	s31 =	sshll.u32 s1, $0xD;
	s1 =	sshrl.u32 s1, $0x2  }
0xba: {  	s3 =	sand.u32 $0x4000, s31;
	s1 =	sadd.s32 s1, s30  }
0xbb: {  	s0 =	sor.u32 s3, s0;
	s1 =	sshll.u32 s1, $0x11  }
0xbc: {  	s0 =	sor.u32 s1, s0  }
0xbd: {  	s0 =	sadd.s32 $0x8F2B, s0  }
0xbe: {  	[sflag:s0] =	ssyncadd.remote.s32 $0x1  }
0xbf: {  	_ =	sfence.sel $0xFFFF  }
0xc0: {  	[dreg:$0x0] =	wrdreg $0xFFFFFFFF;
	(pc) =	sbr.abs _section_cstart, $3  }
0xc1: {  	[dreg:$0x1] =	wrdreg $0xFFFFFFFF  }
0xc2: {  	_ =	task.clear_ibuf [dreg:s7], $0x2FFFF;
	_ =	strace $0x9FFFFFFF  }
0xc3: {  	(tm) =	ssettm $0x7FFFFFFF  }
tec
execute0_lowered:
.L_overlay_start_1:
0x0: {  	(tag) =	ssettag $0x1  }
0x1: {  	s0 =	rddreg [dreg:$0x0]  }
0x2: {  	s1 =	rddreg [dreg:$0x1]  }
0x3: {  	s2 =	rddreg [dreg:$0x2]  }
0x4: {  	s3 =	simm.s32 $0x0;
	s10 =	stileid.u32;
	s5 =	srdreg.scid  }
0x5: {  	s28 =	simm.s32 $0x2;
	s29 =	simm.s32 $0xA080;
	s30 =	simm.s32 $0x3  }
0x6: {  	s31 =	simm.s32 $0x4;
	[smem:$0x7FF] =	sst s3;
	s11 =	smul.u32 $0xA00, s10  }
0x7: {  	s4 =	sadd.s32 $0xCC00, s0;
	s8 =	sand.u32 $0x1, s5;
	s7 =	smul.u32 $0x28000, s10  }
0x8: {  	s19 =	sadd.s32 $0xC800, s0;
	s13 =	smul.u32 $0xA000, s10;
	_ =	strace $0x80000047  }
0x9: {  	s6 =	ssub.s32 $0x2, s8;
	[dreg:$0x4] =	wrdreg s19;
	s21 =	smul.u32 $0x1400, s8  }
0xa: {  	s16 =	smul.u32 $0xA0000, s8;
	s12 =	sadd.s32 s11, s0;
	s9 =	sshrl.u32 s6, $0x1  }
0xb: {  	s0 =	sadd.s32 $0x34C00, s0;
	s20 =	sshrl.u32 s7, $0x2;
	s14 =	sadd.s32 $0x2000, s13  }
0xc: {  	s15 =	sadd.s32 $0x4000, s13;
	s17 =	sadd.s32 $0x6000, s13;
	s19 =	sadd.s32 $0x8000, s13  }
0xd: {  	s11 =	sadd.s32 s1, s11;
	s18 =	ssub.s32 s6, s9;
	s6 =	sadd.s32 s20, s2  }
0xe: {  	s7 =	sadd.s32 s14, s2;
	s8 =	sadd.s32 s15, s2;
	s9 =	sadd.s32 s17, s2  }
0xf: {  	s10 =	sadd.s32 s19, s2;
	s13 =	sadd.s32 s13, s16;
	s14 =	sadd.s32 s16, s14  }
0x10: {  	s12 =	sadd.s32 $0x2800, s12;
	s24 =	sadd.s32 s16, s15;
	s25 =	sadd.s32 s16, s17  }
0x11: {  	s19 =	sadd.s32 s16, s19;
	s20 =	simm.s32 $0x5;
	s22 =	sshrl.u32 s13, $0x3  }
0x12: {  	s23 =	sshrl.u32 s14, $0x3;
	s1 =	sshrl.u32 s24, $0x3;
	s17 =	sshrl.u32 s25, $0x3  }
.Ltmp0:
0x13: {  	s26 =	sshrl.u32 s19, $0x3;
	s18 =	smax.u32 s18, $0x1;
	(pc) =	sbr.rel .LBB2_1-.Ltmp0, $4  }
0x14: {  	s19 =	simm.s32 $0x12100;
	s24 =	simm.s32 $0xE100;
	s25 =	simm.s32 $0x1  }
0x15: {  	s13 =	sadd.s32 s0, s22;
	s14 =	sadd.s32 s0, s23;
	s15 =	sadd.s32 s0, s1  }
0x16: {  	s16 =	sadd.s32 s0, s17;
	s17 =	sadd.s32 s0, s26;
	s22 =	simm.s32 $0x80  }
0x17: {  	v0 =	vmov s21;
	s23 =	simm.s32 $0xA100;
	s26 =	simm.s32 $0xA000;
	s0 =	simm.s32 $0x0  }
.LBB2_6:
0x18: {  	_ =	swait.ge [sflag:s31], $0x4000  }
0x19: {  	[sflag:s31] =	ssyncset.done $0x0  }
0x1a: {  	[sflag:s31] =	ssyncadd.s32 $0xFFFFC000  }
0x1b: {  	[bflag:$0x0] =	sbarrier.arrive $0xFFFF  }
0x1c: {  	[tilespmem:s19], [sflag:$0x5] =	stream.linear.gather [spmem:s6], $0x2000, $0x38;
	[tilespmem:$0x1E140] =	vst v63  }
0x1d: {  	_ =	swait.ge [sflag:s20], $0x2000  }
0x1e: {  	[sflag:s20] =	ssyncset.done $0x0  }
0x1f: {  	[sflag:s20] =	ssyncadd.s32 $0xFFFFE000  }
0x20: {  	[hbm4b:s13+s3] =	stream.linear.scatter [tilespmem:s19], [sflag:$0x5], $0x2000, $0x38;
	[tilespmem:$0x1E140] =	vst v63  }
0x21: {  	_ =	swait.ge [sflag:s20], $0x2000  }
0x22: {  	[sflag:s20] =	ssyncset.done $0x0  }
0x23: {  	[sflag:s20] =	ssyncadd.s32 $0xFFFFE000  }
0x24: {  	[tilespmem:s19], [sflag:$0x5] =	stream.linear.gather [spmem:s7], $0x2000, $0x38;
	[tilespmem:$0x1E140] =	vst v63  }
0x25: {  	_ =	swait.ge [sflag:s20], $0x2000  }
0x26: {  	[sflag:s20] =	ssyncset.done $0x0  }
0x27: {  	[sflag:s20] =	ssyncadd.s32 $0xFFFFE000  }
0x28: {  	[hbm4b:s14+s3] =	stream.linear.scatter [tilespmem:s19], [sflag:$0x5], $0x2000, $0x38;
	[tilespmem:$0x1E140] =	vst v63  }
0x29: {  	_ =	swait.ge [sflag:s20], $0x2000  }
0x2a: {  	[sflag:s20] =	ssyncset.done $0x0  }
0x2b: {  	[sflag:s20] =	ssyncadd.s32 $0xFFFFE000  }
0x2c: {  	[tilespmem:s19], [sflag:$0x5] =	stream.linear.gather [spmem:s8], $0x2000, $0x38;
	[tilespmem:$0x1E140] =	vst v63  }
0x2d: {  	_ =	swait.ge [sflag:s20], $0x2000  }
0x2e: {  	[sflag:s20] =	ssyncset.done $0x0  }
0x2f: {  	[sflag:s20] =	ssyncadd.s32 $0xFFFFE000  }
0x30: {  	[hbm4b:s15+s3] =	stream.linear.scatter [tilespmem:s19], [sflag:$0x5], $0x2000, $0x38;
	[tilespmem:$0x1E140] =	vst v63  }
0x31: {  	_ =	swait.ge [sflag:s20], $0x2000  }
0x32: {  	[sflag:s20] =	ssyncset.done $0x0  }
0x33: {  	[sflag:s20] =	ssyncadd.s32 $0xFFFFE000  }
0x34: {  	[tilespmem:s19], [sflag:$0x5] =	stream.linear.gather [spmem:s9], $0x2000, $0x38;
	[tilespmem:$0x1E140] =	vst v63  }
0x35: {  	_ =	swait.ge [sflag:s20], $0x2000  }
0x36: {  	[sflag:s20] =	ssyncset.done $0x0  }
0x37: {  	[sflag:s20] =	ssyncadd.s32 $0xFFFFE000  }
0x38: {  	[hbm4b:s16+s3] =	stream.linear.scatter [tilespmem:s19], [sflag:$0x5], $0x2000, $0x38;
	[tilespmem:$0x1E140] =	vst v63  }
0x39: {  	_ =	swait.ge [sflag:s20], $0x2000  }
0x3a: {  	[sflag:s20] =	ssyncset.done $0x0  }
0x3b: {  	[sflag:s20] =	ssyncadd.s32 $0xFFFFE000  }
0x3c: {  	[tilespmem:s19], [sflag:$0x5] =	stream.linear.gather [spmem:s10], $0x2000, $0x38;
	[tilespmem:$0x1E140] =	vst v63  }
0x3d: {  	s0 =	sadd.s32 $0x1, s0;
	_ =	swait.ge [sflag:s20], $0x2000  }
0x3e: {  	p0 =	sne.s32 s0, s18;
	[sflag:s20] =	ssyncset.done $0x0  }
.Ltmp1:
0x3f: {  	[sflag:s20] =	ssyncadd.s32 $0xFFFFE000;
	(pc) =	sbr.rel @!p0 .LBB2_7-.Ltmp1, $4  }
0x40: {  	[hbm4b:s17+s3] =	stream.linear.scatter [tilespmem:s19], [sflag:$0x5], $0x2000, $0x38;
	[tilespmem:$0x1E140] =	vst v63  }
0x41: {  	_ =	swait.ge [sflag:s20], $0x2000  }
0x42: {  	[sflag:s20] =	ssyncset.done $0x0  }
0x43: {  	[sflag:s20] =	ssyncadd.s32 $0xFFFFE000  }
.LBB2_1:
0x44: {  	s1 =	rddreg [dreg:$0x4]  }
0x45: {  	[tilespmem:s19], [sflag:$0x5] =	stream.linear.gather [hbm4b:s1+s3], $0x2000, $0x38;
	[tilespmem:$0x1E140] =	vst v63  }
0x46: {  	_ =	swait.ge [sflag:s20], $0x2000  }
0x47: {  	[sflag:s20] =	ssyncset.done $0x0  }
0x48: {  	[sflag:s20] =	ssyncadd.s32 $0xFFFFE000  }
0x49: {  	[spmem:s6] =	stream.linear.scatter [tilespmem:s19], [sflag:$0x5], $0x2000, $0x38;
	[tilespmem:$0x1E140] =	vst v63  }
0x4a: {  	_ =	swait.ge [sflag:s20], $0x2000  }
0x4b: {  	[sflag:s20] =	ssyncset.done $0x0  }
0x4c: {  	[sflag:s20] =	ssyncadd.s32 $0xFFFFE000  }
0x4d: {  	[spmem:s7] =	stream.linear.scatter [tilespmem:s19], [sflag:$0x5], $0x2000, $0x38;
	[tilespmem:$0x1E140] =	vst v63  }
0x4e: {  	_ =	swait.ge [sflag:s20], $0x2000  }
0x4f: {  	[sflag:s20] =	ssyncset.done $0x0  }
0x50: {  	[sflag:s20] =	ssyncadd.s32 $0xFFFFE000  }
0x51: {  	[spmem:s8] =	stream.linear.scatter [tilespmem:s19], [sflag:$0x5], $0x2000, $0x38;
	[tilespmem:$0x1E140] =	vst v63  }
0x52: {  	_ =	swait.ge [sflag:s20], $0x2000  }
0x53: {  	[sflag:s20] =	ssyncset.done $0x0  }
0x54: {  	[sflag:s20] =	ssyncadd.s32 $0xFFFFE000  }
0x55: {  	[spmem:s9] =	stream.linear.scatter [tilespmem:s19], [sflag:$0x5], $0x2000, $0x38;
	[tilespmem:$0x1E140] =	vst v63  }
0x56: {  	_ =	swait.ge [sflag:s20], $0x2000  }
0x57: {  	[sflag:s20] =	ssyncset.done $0x0  }
0x58: {  	[sflag:s20] =	ssyncadd.s32 $0xFFFFE000  }
0x59: {  	[spmem:s10] =	stream.linear.scatter [tilespmem:s19], [sflag:$0x5], $0x2000, $0x38;
	[tilespmem:$0x1E140] =	vst v63  }
0x5a: {  	_ =	swait.ge [sflag:s20], $0x2000  }
0x5b: {  	[sflag:s20] =	ssyncset.done $0x0  }
0x5c: {  	[sflag:s20] =	ssyncadd.s32 $0xFFFFE000  }
0x5d: {  	[tilespmem:s3], [sflag:$0x5] =	stream.linear.gather [hbm4b:s11+s3], $0x4F00, $0x38;
	[tilespmem:$0x1E140] =	vst v63  }
0x5e: {  	_ =	swait.ge [sflag:s20], $0x4F00  }
0x5f: {  	[sflag:s20] =	ssyncset.done $0x0  }
0x60: {  	s21 =	simm.s32 $0x5000;
	[sflag:s20] =	ssyncadd.s32 $0xFFFFB100  }
0x61: {  	[tilespmem:s21], [sflag:$0x5] =	stream.linear.gather [hbm4b:s12+s3], $0x4F00, $0x38;
	[tilespmem:$0x1E140] =	vst v63  }
0x62: {  	_ =	swait.ge [sflag:s20], $0x4F00  }
0x63: {  	[sflag:s20] =	ssyncset.done $0x0  }
0x64: {  	s1 =	simm.s32 $0x0;
	[sflag:s20] =	ssyncadd.s32 $0xFFFFB100  }
0x65: {  	v3 =	vld [tilespmem:s1+$0x5000]  }
0x66: {  	v5 =	vld [tilespmem:s1+$0x5010]  }
0x67: {  	v4 =	vld [tilespmem:s1+$0x5020]  }
0x68: {  	v2 =	vld [tilespmem:s1+$0x5030]  }
0x69: {  	v1 =	vld [tilespmem:s1+$0x5040]  }
0x6a: {  	v6 =	vsub.s32 v3, v0;
	v3 =	vld [tilespmem:s1+$0x5050]  }
0x6b: {  	s21 =	simm.s32 $0x200;
	[tilespmem:s1+$0x5000] =	vst v6;
	v6 =	vsub.s32 v5, v0;
	v5 =	vld [tilespmem:s1+$0x5060]  }
.LBB2_2:
0x6c: {  	s5 =	sshra.s32 s21, $0x2;
	p0 =	sne.s32 s21, $0x13A00;
	[tilespmem:s1+$0x5010] =	vst v6;
	v4 =	vsub.s32 v4, v0;
	v6 =	vld [tilespmem:s1+$0x5070]  }
0x6d: {  	v7 =	vld [tilespmem:s5+$0x5000];
	[tilespmem:s1+$0x5020] =	vst v4;
	v2 =	vsub.s32 v2, v0  }
0x6e: {  	v8 =	vld [tilespmem:s5+$0x5010];
	[tilespmem:s1+$0x5030] =	vst v2;
	v1 =	vsub.s32 v1, v0  }
.Ltmp2:
0x6f: {  	v4 =	vld [tilespmem:s5+$0x5020];
	[tilespmem:s1+$0x5040] =	vst v1;
	v1 =	vsub.s32 v3, v0;
	(pc) =	sbr.rel @p0 .LBB2_2-.Ltmp2, $4  }
0x70: {  	v2 =	vld [tilespmem:s5+$0x5030];
	[tilespmem:s1+$0x5050] =	vst v1;
	v3 =	vsub.s32 v5, v0  }
0x71: {  	v1 =	vld [tilespmem:s5+$0x5040];
	[tilespmem:s1+$0x5060] =	vst v3;
	v5 =	vsub.s32 v6, v0  }
0x72: {  	v6 =	vsub.s32 v7, v0;
	v3 =	vld [tilespmem:s5+$0x5050];
	[tilespmem:s1+$0x5070] =	vst v5;
	s1 =	smov.u32 s5  }
0x73: {  	s21 =	sadd.s32 $0x200, s21;
	[tilespmem:s1+$0x5000] =	vst v6;
	v6 =	vsub.s32 v8, v0;
	v5 =	vld [tilespmem:s1+$0x5060]  }
0x74: {  	[tilespmem:s1+$0x5010] =	vst v6;
	v4 =	vsub.s32 v4, v0;
	v63 =	vld [tilespmem:s1+$0x5070]  }
0x75: {  	[tilespmem:s1+$0x5020] =	vst v4;
	v2 =	vsub.s32 v2, v0  }
0x76: {  	[tilespmem:s1+$0x5030] =	vst v2;
	v1 =	vsub.s32 v1, v0  }
0x77: {  	[tilespmem:s1+$0x5040] =	vst v1;
	v1 =	vsub.s32 v3, v0  }
0x78: {  	[tilespmem:s1+$0x5050] =	vst v1;
	v1 =	vsub.s32 v5, v0  }
0x79: {  	[tilespmem:s1+$0x5060] =	vst v1;
	v1 =	vsub.s32 v63, v0  }
0x7a: {  	[tilespmem:s1+$0x5070] =	vst v1  }
0x7b: {  	s1 =	simm.s32 $0x0;
	[bflag:$0x0] =	sbarrier.arrive $0xFFFF  }
0x7c: {  	[tilespmem:s23], [sflag:$0x1] =	stream.indirect.gather [hbm4b:s4+s22], $0x80, s1, s22, $0xb8;
	[tilespmem:$0x1E140] =	vst v63  }
0x7d: {  	_ = 	snop  }
0x7e: {  	[tilespmem:s24], [sflag:$0x2] =	stream.indirect.gather [hbm4b:s4+s22], $0x80, s22, s22, $0xb8;
	[tilespmem:$0x1E140] =	vst v63  }
.LBB2_4:
0x7f: {  	_ =	swait.ge [sflag:s25], $0x4000  }
0x80: {  	[sflag:s25] =	ssyncset.done $0x0  }
0x81: {  	s21 =	sshra.s32 s1, $0x2;
	[sflag:s25] =	ssyncadd.s32 $0xFFFFC000  }
0x82: {  	v1 =	vld [tilespmem:s21+$0x5000];
	_ =	sdelay $0x4  }
0x83: {  	v1 =	vmin.u32 v1, $0x1400  }
0x84: {  	[tilespmem:$0xA000] =	vst v1  }
0x85: {  	v1 =	vld [tilespmem:s21+$0x5010];
	_ =	sdelay $0x4  }
0x86: {  	v1 =	vmin.u32 v1, $0x1400  }
0x87: {  	[tilespmem:$0xA010] =	vst v1  }
0x88: {  	v1 =	vld [tilespmem:s21+$0x5020];
	_ =	sdelay $0x4  }
0x89: {  	v1 =	vmin.u32 v1, $0x1400  }
0x8a: {  	[tilespmem:$0xA020] =	vst v1  }
0x8b: {  	v1 =	vld [tilespmem:s21+$0x5030];
	_ =	sdelay $0x4  }
0x8c: {  	v1 =	vmin.u32 v1, $0x1400  }
0x8d: {  	[tilespmem:$0xA030] =	vst v1  }
0x8e: {  	v1 =	vld [tilespmem:s21+$0x5040];
	_ =	sdelay $0x4  }
0x8f: {  	v1 =	vmin.u32 v1, $0x1400  }
0x90: {  	[tilespmem:$0xA040] =	vst v1  }
0x91: {  	v1 =	vld [tilespmem:s21+$0x5050];
	_ =	sdelay $0x4  }
0x92: {  	v1 =	vmin.u32 v1, $0x1400  }
0x93: {  	[tilespmem:$0xA050] =	vst v1  }
0x94: {  	v1 =	vld [tilespmem:s21+$0x5060];
	_ =	sdelay $0x4  }
0x95: {  	v1 =	vmin.u32 v1, $0x1400  }
0x96: {  	[tilespmem:$0xA060] =	vst v1  }
0x97: {  	v1 =	vld [tilespmem:s21+$0x5070];
	_ =	sdelay $0x4  }
0x98: {  	v1 =	vmin.u32 v1, $0x1400  }
0x99: {  	[tilespmem:$0xA070] =	vst v1  }
0x9a: {  	[spmem:s2] =	stream.indirect.scatter.add.f32 [tilespmem:s23], [sflag:$0x3], $0x80, s26, s22, $0xb8;
	[tilespmem:$0x1E140] =	vst v63  }
0x9b: {  	_ =	swait.ge [sflag:s28], $0x4000  }
0x9c: {  	[sflag:s28] =	ssyncset.done $0x0  }
0x9d: {  	[sflag:s28] =	ssyncadd.s32 $0xFFFFC000  }
0x9e: {  	v1 =	vld [tilespmem:s21+$0x5080];
	_ =	sdelay $0x4  }
0x9f: {  	v1 =	vmin.u32 v1, $0x1400  }
0xa0: {  	[tilespmem:$0xA080] =	vst v1  }
0xa1: {  	v1 =	vld [tilespmem:s21+$0x5090];
	_ =	sdelay $0x4  }
0xa2: {  	v1 =	vmin.u32 v1, $0x1400  }
0xa3: {  	[tilespmem:$0xA090] =	vst v1  }
0xa4: {  	v1 =	vld [tilespmem:s21+$0x50A0];
	_ =	sdelay $0x4  }
0xa5: {  	v1 =	vmin.u32 v1, $0x1400  }
0xa6: {  	[tilespmem:$0xA0A0] =	vst v1  }
0xa7: {  	v1 =	vld [tilespmem:s21+$0x50B0];
	_ =	sdelay $0x4  }
0xa8: {  	v1 =	vmin.u32 v1, $0x1400  }
0xa9: {  	[tilespmem:$0xA0B0] =	vst v1  }
0xaa: {  	v1 =	vld [tilespmem:s21+$0x50C0];
	_ =	sdelay $0x4  }
0xab: {  	v1 =	vmin.u32 v1, $0x1400  }
0xac: {  	[tilespmem:$0xA0C0] =	vst v1  }
0xad: {  	v1 =	vld [tilespmem:s21+$0x50D0];
	_ =	sdelay $0x4  }
0xae: {  	v1 =	vmin.u32 v1, $0x1400  }
0xaf: {  	[tilespmem:$0xA0D0] =	vst v1  }
0xb0: {  	v1 =	vld [tilespmem:s21+$0x50E0];
	_ =	sdelay $0x4  }
0xb1: {  	v1 =	vmin.u32 v1, $0x1400  }
0xb2: {  	[tilespmem:$0xA0E0] =	vst v1  }
0xb3: {  	v1 =	vld [tilespmem:s21+$0x50F0];
	_ =	sdelay $0x4  }
0xb4: {  	p0 =	seq.s32 s1, $0x13800;
	v1 =	vmin.u32 v1, $0x1400  }
.Ltmp3:
0xb5: {  	[tilespmem:$0xA0F0] =	vst v1;
	(pc) =	sbr.rel @p0 .LBB2_6-.Ltmp3, $4  }
0xb6: {  	[spmem:s2] =	stream.indirect.scatter.add.f32 [tilespmem:s24], [sflag:$0x4], $0x80, s29, s22, $0xb8;
	[tilespmem:$0x1E140] =	vst v63  }
0xb7: {  	_ =	swait.ge [sflag:s30], $0x4000  }
0xb8: {  	[sflag:s30] =	ssyncset.done $0x0  }
0xb9: {  	[sflag:s30] =	ssyncadd.s32 $0xFFFFC000  }
0xba: {  	s5 =	sadd.s32 $0x100, s21  }
0xbb: {  	[tilespmem:s23], [sflag:$0x1] =	stream.indirect.gather [hbm4b:s4+s22], $0x80, s5, s22, $0xb8;
	[tilespmem:$0x1E140] =	vst v63  }
.Ltmp4:
0xbc: {  	_ = 	snop;
	(pc) =	sbr.rel .LBB2_4-.Ltmp4, $4  }
0xbd: {  	_ =	swait.ge [sflag:s31], $0x4000  }
0xbe: {  	[sflag:s31] =	ssyncset.done $0x0  }
0xbf: {  	s21 =	sadd.s32 $0x180, s21;
	s1 =	sadd.s32 $0x400, s1;
	[sflag:s31] =	ssyncadd.s32 $0xFFFFC000  }
0xc0: {  	[tilespmem:s24], [sflag:$0x2] =	stream.indirect.gather [hbm4b:s4+s22], $0x80, s21, s22, $0xb8;
	[tilespmem:$0x1E140] =	vst v63  }
.LBB2_7:
0xc1: {  	_ =	sfence.sel $0x180000  }
0xc2: {  	[bflag:$0x0] =	sbarrier.arrive $0xFFFF  }
0xc3: {  	_ =	strace $0x90000047  }
0xc4: {  	s0 =	stileid.u32;
	[bflag:$0x2] =	sbarrier.arrive $0xFFFF  }
0xc5: {  	p0 =	sne.s32 s0, $0x0;
	s0 =	rddreg [dreg:$0x3]  }
0xc6: {  	s0 =	sadd.s32 @!p0 $0x100000, s0  }
0xc7: {  	[sflag:s0] =	ssyncadd.tile.s32 @!p0 $0x1;
	_ =	shalt  }
.Lfunc_end2:
_tile_overlayer_lowered:
.L_overlay_start_2:
0xc8: {  	(tag) =	ssettag $0x2  }
0xc9: {  	s0 =	rddreg [dreg:$0x0];
	s2 =	stileid.u32  }
0xca: {  	s1 =	rddreg [dreg:$0x1];
	p0 =	sne.s32 s2, $0x0  }
0xcb: {  	s3 =	rddreg [dreg:$0x2];
	[bflag:$0x3] =	sbarrier.arrive $0xFFFF;
	s2 =	simm.s32 @!p0 $0x1C05  }
0xcc: {  	[timem:s3], [sflag:s2] =	dma.local @!p0 [hbm:s0], s1  }
0xcd: {  	s0 =	simm.s32 @!p0 $0x5  }
0xce: {  	_ =	swait.ge @!p0 [sflag:s0], s1  }
0xcf: {  	s1 =	ssub.s32 @!p0 $0x0, s1;
	[sflag:s0] =	ssyncset.done @!p0 $0x0  }
0xd0: {  	[sflag:s0] =	ssyncadd.s32 @!p0 s1  }
0xd1: {  	[bflag:$0x3] =	sbarrier.arrive $0xFFFF  }
0xd2: {  	_ =	shalt  }

// kernel: kernel.13.cloned.1.call-start
scs
__scs_entry_jumppad:
0x0: {  	(pc) =	sbr.rel $0x88, $3  }
0x1: {  	(tag) =	ssettag $0x0;
	lr =	simm.s32 $0x1  }
0x2: {  	[smem:$0x3F9F] =	sst lr;
	_ =	strace $0xD0000000  }
0x3: {  	_ = 	snop  }
0x4: {  	_ = 	snop  }
0x5: {  	_ = 	snop  }
0x6: {  	_ = 	snop  }
0x7: {  	_ = 	snop  }
__scs_overlays_trampoline_lowered:
0x8: {  	[smem:$0x3FAE] =	sst s0  }
0x9: {  	[smem:$0x3FAF] =	sst s1  }
0xa: {  	[smem:$0x3FB0] =	sst s2  }
0xb: {  	[smem:$0x3FB1] =	sst s3  }
0xc: {  	[smem:$0x3FB2] =	sst s4  }
0xd: {  	[smem:$0x3FB3] =	sst s5  }
0xe: {  	[smem:$0x3FB4] =	sst s6  }
0xf: {  	[smem:$0x3FB5] =	sst s7  }
0x10: {  	[smem:$0x3FB6] =	sst s8  }
0x11: {  	[smem:$0x3FB7] =	sst s9;
	s0 =	simm.s32 @!p0 $0x0  }
0x12: {  	s1 =	sld [smem:$0x3F9D];
	s0 =	simm.s32 @p0 $0x1  }
0x13: {  	[smem:$0x3FB8] =	sst s0;
	s0 =	simm.s32 @!p1 $0x0  }
0x14: {  	s2 =	sld [smem:$0x3F9C];
	s0 =	simm.s32 @p1 $0x1  }
0x15: {  	[smem:$0x3FB9] =	sst s0;
	s0 =	simm.s32 @!p2 $0x0  }
0x16: {  	s3 =	sld [smem:$0x3FDB];
	s0 =	simm.s32 @p2 $0x1  }
0x17: {  	s4 =	simm.s32 $0x1BF5;
	[smem:$0x3FBB] =	sst s0  }
0x18: {  	s0 =	sld [smem:$0x3F9E];
	_ =	swait.ge [sflag:s4], $0x0  }
0x19: {  	s7 =	sld [smem:$0x3F9F]  }
0x1a: {  	s8 =	sadd.s32 $0xFFFFE003, lr  }
0x1b: {  	s9 =	sadd.s32 $0xFFFFFEF7, lr;
	s5 =	simm.s32 $0xFFFFFFFF;
	p2 =	slt.u32 s8, $0xFFFFF086  }
0x1c: {  	p1 =	slt.u32 s9, $0xF7A;
	s5 =	simm.s32 @!p2 $0x0  }
0x1d: {  	s5 =	simm.s32 @p1 $0x1;
	p0 =	seq.s32 s7, s2  }
0x1e: {  	s7 =	smul.u32 @!p0 $0xF7A, s2;
	p2 =	seq.s32 @!p0 s5, $0x0  }
0x1f: {  	s9 =	smul.u32 $0xF7A, s1;
	s8 =	simm.s32 @!p0 $0x1BF5;
	p2 =	por !p2, p0  }
0x20: {  	[sflag:s8] =	ssyncset.s32 @!p0 $0xFFFFF086;
	s6 =	sadd.s32 @!p0 s3, s7;
	s7 =	simm.s32 @!p0 $0x108  }
0x21: {  	s3 =	sadd.s32 s3, s9;
	s6 =	sadd.s32 @!p0 $0x88, s6;
	s7 =	simm.s32 @p2 $0x1082  }
0x22: {  	[simem:s7], [sflag:s8] =	dma.local @!p0 [hbm:s6], $0xF7A  }
0x23: {  	s9 =	sor.u32 $0xD0000000, s2;
	s6 =	simm.s32 $0x108;
	_ =	swait.ge @!p0 [sflag:s8], $0x0  }
0x24: {  	s3 =	sadd.s32 $0x88, s3;
	s6 =	simm.s32 @!p1 $0x1082;
	[sflag:s4] =	ssyncset.s32 $0xFFFFF086  }
0x25: {  	[simem:s6], [sflag:s4] =	dma.local [hbm:s3], $0xF7A  }
0x26: {  	[smem:$0x3F9F] =	sst s1;
	(tag) =	ssettag s2;
	_ =	strace s9  }
0x27: {  	s1 =	sld [smem:$0x3FAF]  }
0x28: {  	s2 =	sld [smem:$0x3FB0]  }
0x29: {  	s4 =	sld [smem:$0x3FB2]  }
0x2a: {  	p0 =	seq.s32 s5, $0x0;
	s5 =	sld [smem:$0x3FB3]  }
0x2b: {  	s6 =	sld [smem:$0x3FB4]  }
0x2c: {  	s7 =	sld [smem:$0x3FB5]  }
0x2d: {  	s3 =	simm.s32 $0x108;
	s8 =	sld [smem:$0x3FB6]  }
0x2e: {  	s3 =	simm.s32 @!p0 $0x1082;
	s9 =	sld [smem:$0x3FB7]  }
0x2f: {  	lr =	sadd.s32 s0, s3;
	s0 =	sld [smem:$0x3FAE]  }
0x30: {  	s3 =	sld [smem:$0x3FB1]  }
0x31: {  	[smem:$0x3FBA] =	sst s10  }
0x32: {  	s10 =	sld [smem:$0x3FB8];
	_ =	sdelay $0x3  }
0x33: {  	p0 =	seq.s32 s10, $0x1;
	s10 =	sld [smem:$0x3FBA];
	_ =	sdelay $0x3  }
0x34: {  	[smem:$0x3FBA] =	sst s10  }
0x35: {  	s10 =	sld [smem:$0x3FB9];
	_ =	sdelay $0x3  }
0x36: {  	p1 =	seq.s32 s10, $0x1;
	s10 =	sld [smem:$0x3FBA];
	_ =	sdelay $0x3  }
0x37: {  	[smem:$0x3FBA] =	sst s10  }
0x38: {  	s10 =	sld [smem:$0x3FBB]  }
0x39: {  	_ = 	snop;
	(pc) =	sbr.ind lr, $3  }
0x3a: {  	_ = 	snop  }
0x3b: {  	_ = 	snop  }
0x3c: {  	p2 =	seq.s32 s10, $0x1;
	s10 =	sld [smem:$0x3FBA]  }
0x3d: {  	_ =	shalt  }
0x3e: {  	_ =	shalt  }
0x3f: {  	_ =	shalt  }
0x40: {  	_ =	shalt  }
0x41: {  	_ =	shalt  }
0x42: {  	_ =	shalt  }
0x43: {  	_ =	shalt  }
0x44: {  	_ =	shalt  }
0x45: {  	_ =	shalt  }
0x46: {  	_ =	shalt  }
0x47: {  	_ =	shalt  }
0x48: {  	_ =	shalt  }
0x49: {  	_ =	shalt  }
0x4a: {  	_ =	shalt  }
0x4b: {  	_ =	shalt  }
0x4c: {  	_ =	shalt  }
0x4d: {  	_ =	shalt  }
0x4e: {  	_ =	shalt  }
0x4f: {  	_ =	shalt  }
0x50: {  	_ =	shalt  }
0x51: {  	_ =	shalt  }
0x52: {  	_ =	shalt  }
0x53: {  	_ =	shalt  }
0x54: {  	_ =	shalt  }
0x55: {  	_ =	shalt  }
0x56: {  	_ =	shalt  }
0x57: {  	_ =	shalt  }
0x58: {  	_ =	shalt  }
0x59: {  	_ =	shalt  }
0x5a: {  	_ =	shalt  }
0x5b: {  	_ =	shalt  }
0x5c: {  	_ =	shalt  }
0x5d: {  	_ =	shalt  }
0x5e: {  	_ =	shalt  }
0x5f: {  	_ =	shalt  }
0x60: {  	_ =	shalt  }
0x61: {  	_ =	shalt  }
0x62: {  	_ =	shalt  }
0x63: {  	_ =	shalt  }
0x64: {  	_ =	shalt  }
0x65: {  	_ =	shalt  }
0x66: {  	_ =	shalt  }
0x67: {  	_ =	shalt  }
0x68: {  	_ =	shalt  }
0x69: {  	_ =	shalt  }
0x6a: {  	_ =	shalt  }
0x6b: {  	_ =	shalt  }
0x6c: {  	_ =	shalt  }
0x6d: {  	_ =	shalt  }
0x6e: {  	_ =	shalt  }
0x6f: {  	_ =	shalt  }
0x70: {  	_ =	shalt  }
0x71: {  	_ =	shalt  }
0x72: {  	_ =	shalt  }
0x73: {  	_ =	shalt  }
0x74: {  	_ =	shalt  }
0x75: {  	_ =	shalt  }
0x76: {  	_ =	shalt  }
0x77: {  	_ =	shalt  }
0x78: {  	_ =	shalt  }
0x79: {  	_ =	shalt  }
0x7a: {  	_ =	shalt  }
0x7b: {  	_ =	shalt  }
0x7c: {  	_ =	shalt  }
0x7d: {  	_ =	shalt  }
0x7e: {  	_ =	shalt  }
0x7f: {  	_ =	shalt  }
0x80: {  	_ =	shalt  }
0x81: {  	_ =	shalt  }
0x82: {  	_ =	shalt  }
0x83: {  	_ =	shalt  }
0x84: {  	_ =	shalt  }
0x85: {  	_ =	shalt  }
0x86: {  	_ =	shalt  }
0x87: {  	_ =	shalt  }
.Lfunc_end0:
.L_simem_size_0:
called_computation.1_lowered:
.L_overlay_start_0:
0x88: {  	s2 =	sld [smem:$0x3FD9]  }
0x89: {  	s3 =	sld [smem:$0x3FFE];
	_ =	sdelay $0x1  }
0x8a: {  	s1 =	srdreg.scid  }
0x8b: {  	s0 =	sand.u32 $0x1, s1  }
0x8c: {  	s17 =	sshll.u32 s0, $0xA;
	s2 =	sadd.s32 s3, s2  }
0x8d: {  	s2 =	sadd.s32 s2, s17  }
0x8e: {  	[smem:$0x3FC6] =	sst s2  }
0x8f: {  	_ = 	snop  }
0x90: {  	s2 =	sld [smem:$0x3FD0];
	(tm) =	ssettm $0x1  }
0x91: {  	s18 =	sld [smem:$0x3FFB];
	_ =	sdelay $0x3  }
0x92: {  	_ =	strace s18  }
0x93: {  	s3 =	sld [smem:$0x3FFC];
	_ =	sdelay $0x3  }
0x94: {  	_ =	strace s3  }
0x95: {  	s3 =	sld [smem:$0x3FFD];
	_ =	sdelay $0x3  }
0x96: {  	_ =	strace s3  }
0x97: {  	_ =	strace $0x8FFFFFFF  }
0x98: {  	s19 =	sld [smem:$0x3FDB];
	_ =	sdelay $0x1  }
0x99: {  	s4 =	simm.s32 $_scs_section_size  }
0x9a: {  	s5 =	simm.s32 $_size__tile_overlayer_lowered;
	s6 =	simm.s32 $_tile_overlayer_lowered  }
0x9b: {  	s22 =	simm.s32 $0x1BFF;
	s21 =	sshll.u32 s6, $0x1;
	s3 =	sadd.s32 s4, s19  }
0x9c: {  	s7 =	simm.s32 $0x0;
	s20 =	sshll.u32 s5, $0x1;
	s5 =	sadd.s32 s21, s3  }
0x9d: {  	[timem:s7], [sflag:s22] =	dma.local [hbm:s5], s20  }
0x9e: {  	_ =	swait.ge [sflag:s22], s20  }
0x9f: {  	s4 =	ssub.s32 $0x0, s20;
	[sflag:s22] =	ssyncset.done $0x0  }
0xa0: {  	[sflag:s22] =	ssyncadd.s32 s4;
	_ =	sdelay $0x1  }
0xa1: {  	s23 =	simm.s32 $0x1B8B  }
0xa2: {  	_ =	swait.ge [sflag:s23], $0x1  }
0xa3: {  	[sflag:s23] =	ssyncset.done $0x0  }
0xa4: {  	s25 =	simm.s32 $0x1B8E;
	s24 =	sld [smem:$0x3FFE];
	[sflag:s23] =	ssyncadd.s32 $0xFFFFFFFF  }
0xa5: {  	s26 =	simm.s32 $execute0_lowered;
	[smem:$0x3FD2] =	sst s25  }
0xa6: {  	s5 =	sshll.u32 s26, $0x1;
	_ =	strace $0x80000049;
	[dreg:$0x1] =	wrdreg $0xFFFFFFFF  }
0xa7: {  	s28 =	simm.s32 $_size_execute0_lowered;
	s3 =	sadd.s32 s3, s5;
	[dreg:$0x0] =	wrdreg $0x0  }
0xa8: {  	s5 =	sshll.u32 s28, $0x1;
	[dreg:$0x2] =	wrdreg s3  }
0xa9: {  	[dreg:$0x3] =	wrdreg s5  }
0xaa: {  	[dreg:$0x4] =	wrdreg $0xC0  }
0xab: {  	_ =	task [dreg:s7], $0x5FFFF  }
0xac: {  	[dreg:$0x1] =	wrdreg $0xFFFFFFFF  }
0xad: {  	[dreg:$0x0] =	wrdreg $0x60  }
0xae: {  	[dreg:$0x2] =	wrdreg s24  }
0xaf: {  	[dreg:$0x3] =	wrdreg s2  }
0xb0: {  	[dreg:$0x4] =	wrdreg $0x141000  }
0xb1: {  	[dreg:$0x5] =	wrdreg $0x9  }
0xb2: {  	_ =	task.clear_ibuf [dreg:s7], $0x6FFFF;
	_ =	strace $0x90000049  }
0xb3: {  	s29 =	simm.s32 $0x9;
	_ =	strace $0x8000004B  }
0xb4: {  	_ =	swait.ge [sflag:s29], $0x1  }
0xb5: {  	[sflag:s29] =	ssyncadd.s32 $0xFFFFFFFF  }
0xb6: {  	_ =	strace $0x9000004B  }
0xb7: {  	_ =	sfence  }
0xb8: {  	s30 =	sld [smem:$0x0];
	_ =	sdelay $0x2  }
0xb9: {  	s31 =	sshll.u32 s1, $0xD;
	s1 =	sshrl.u32 s1, $0x2  }
0xba: {  	s3 =	sand.u32 $0x4000, s31;
	s1 =	sadd.s32 s1, s30  }
0xbb: {  	s0 =	sor.u32 s3, s0;
	s1 =	sshll.u32 s1, $0x11  }
0xbc: {  	s0 =	sor.u32 s1, s0  }
0xbd: {  	s0 =	sadd.s32 $0x8F2B, s0  }
0xbe: {  	[sflag:s0] =	ssyncadd.remote.s32 $0x1  }
0xbf: {  	_ =	sfence.sel $0xFFFF  }
0xc0: {  	[dreg:$0x0] =	wrdreg $0xFFFFFFFF;
	(pc) =	sbr.abs _section_cstart, $3  }
0xc1: {  	[dreg:$0x1] =	wrdreg $0xFFFFFFFF  }
0xc2: {  	_ =	task.clear_ibuf [dreg:s7], $0x2FFFF;
	_ =	strace $0x9FFFFFFF  }
0xc3: {  	(tm) =	ssettm $0x7FFFFFFF  }
tec
execute0_lowered:
.L_overlay_start_1:
0x0: {  	(tag) =	ssettag $0x1  }
0x1: {  	s0 =	rddreg [dreg:$0x0]  }
0x2: {  	s1 =	rddreg [dreg:$0x1]  }
0x3: {  	s2 =	rddreg [dreg:$0x2]  }
0x4: {  	s3 =	simm.s32 $0x0;
	s10 =	stileid.u32;
	s5 =	srdreg.scid  }
0x5: {  	s28 =	simm.s32 $0x2;
	s29 =	simm.s32 $0xA080;
	s30 =	simm.s32 $0x3  }
0x6: {  	s31 =	simm.s32 $0x4;
	[smem:$0x7FF] =	sst s3;
	s11 =	smul.u32 $0xA00, s10  }
0x7: {  	s4 =	sadd.s32 $0xCC00, s0;
	s8 =	sand.u32 $0x1, s5;
	s7 =	smul.u32 $0x28000, s10  }
0x8: {  	s19 =	sadd.s32 $0xC800, s0;
	s13 =	smul.u32 $0xA000, s10;
	_ =	strace $0x8000004A  }
0x9: {  	s6 =	ssub.s32 $0x2, s8;
	[dreg:$0x4] =	wrdreg s19;
	s21 =	smul.u32 $0x1400, s8  }
0xa: {  	s16 =	smul.u32 $0xA0000, s8;
	s12 =	sadd.s32 s11, s0;
	s9 =	sshrl.u32 s6, $0x1  }
0xb: {  	s0 =	sadd.s32 $0x34C00, s0;
	s20 =	sshrl.u32 s7, $0x2;
	s14 =	sadd.s32 $0x2000, s13  }
0xc: {  	s15 =	sadd.s32 $0x4000, s13;
	s17 =	sadd.s32 $0x6000, s13;
	s19 =	sadd.s32 $0x8000, s13  }
0xd: {  	s11 =	sadd.s32 s1, s11;
	s18 =	ssub.s32 s6, s9;
	s6 =	sadd.s32 s20, s2  }
0xe: {  	s7 =	sadd.s32 s14, s2;
	s8 =	sadd.s32 s15, s2;
	s9 =	sadd.s32 s17, s2  }
0xf: {  	s10 =	sadd.s32 s19, s2;
	s13 =	sadd.s32 s13, s16;
	s14 =	sadd.s32 s16, s14  }
0x10: {  	s12 =	sadd.s32 $0x2800, s12;
	s24 =	sadd.s32 s16, s15;
	s25 =	sadd.s32 s16, s17  }
0x11: {  	s19 =	sadd.s32 s16, s19;
	s20 =	simm.s32 $0x5;
	s22 =	sshrl.u32 s13, $0x3  }
0x12: {  	s23 =	sshrl.u32 s14, $0x3;
	s1 =	sshrl.u32 s24, $0x3;
	s17 =	sshrl.u32 s25, $0x3  }
.Ltmp0:
0x13: {  	s26 =	sshrl.u32 s19, $0x3;
	s18 =	smax.u32 s18, $0x1;
	(pc) =	sbr.rel .LBB2_1-.Ltmp0, $4  }
0x14: {  	s19 =	simm.s32 $0x12100;
	s24 =	simm.s32 $0xE100;
	s25 =	simm.s32 $0x1  }
0x15: {  	s13 =	sadd.s32 s0, s22;
	s14 =	sadd.s32 s0, s23;
	s15 =	sadd.s32 s0, s1  }
0x16: {  	s16 =	sadd.s32 s0, s17;
	s17 =	sadd.s32 s0, s26;
	s22 =	simm.s32 $0x80  }
0x17: {  	v0 =	vmov s21;
	s23 =	simm.s32 $0xA100;
	s26 =	simm.s32 $0xA000;
	s0 =	simm.s32 $0x0  }
.LBB2_6:
0x18: {  	_ =	swait.ge [sflag:s31], $0x4000  }
0x19: {  	[sflag:s31] =	ssyncset.done $0x0  }
0x1a: {  	[sflag:s31] =	ssyncadd.s32 $0xFFFFC000  }
0x1b: {  	[bflag:$0x0] =	sbarrier.arrive $0xFFFF  }
0x1c: {  	[tilespmem:s19], [sflag:$0x5] =	stream.linear.gather [spmem:s6], $0x2000, $0x38;
	[tilespmem:$0x1E140] =	vst v63  }
0x1d: {  	_ =	swait.ge [sflag:s20], $0x2000  }
0x1e: {  	[sflag:s20] =	ssyncset.done $0x0  }
0x1f: {  	[sflag:s20] =	ssyncadd.s32 $0xFFFFE000  }
0x20: {  	[hbm4b:s13+s3] =	stream.linear.scatter [tilespmem:s19], [sflag:$0x5], $0x2000, $0x38;
	[tilespmem:$0x1E140] =	vst v63  }
0x21: {  	_ =	swait.ge [sflag:s20], $0x2000  }
0x22: {  	[sflag:s20] =	ssyncset.done $0x0  }
0x23: {  	[sflag:s20] =	ssyncadd.s32 $0xFFFFE000  }
0x24: {  	[tilespmem:s19], [sflag:$0x5] =	stream.linear.gather [spmem:s7], $0x2000, $0x38;
	[tilespmem:$0x1E140] =	vst v63  }
0x25: {  	_ =	swait.ge [sflag:s20], $0x2000  }
0x26: {  	[sflag:s20] =	ssyncset.done $0x0  }
0x27: {  	[sflag:s20] =	ssyncadd.s32 $0xFFFFE000  }
0x28: {  	[hbm4b:s14+s3] =	stream.linear.scatter [tilespmem:s19], [sflag:$0x5], $0x2000, $0x38;
	[tilespmem:$0x1E140] =	vst v63  }
0x29: {  	_ =	swait.ge [sflag:s20], $0x2000  }
0x2a: {  	[sflag:s20] =	ssyncset.done $0x0  }
0x2b: {  	[sflag:s20] =	ssyncadd.s32 $0xFFFFE000  }
0x2c: {  	[tilespmem:s19], [sflag:$0x5] =	stream.linear.gather [spmem:s8], $0x2000, $0x38;
	[tilespmem:$0x1E140] =	vst v63  }
0x2d: {  	_ =	swait.ge [sflag:s20], $0x2000  }
0x2e: {  	[sflag:s20] =	ssyncset.done $0x0  }
0x2f: {  	[sflag:s20] =	ssyncadd.s32 $0xFFFFE000  }
0x30: {  	[hbm4b:s15+s3] =	stream.linear.scatter [tilespmem:s19], [sflag:$0x5], $0x2000, $0x38;
	[tilespmem:$0x1E140] =	vst v63  }
0x31: {  	_ =	swait.ge [sflag:s20], $0x2000  }
0x32: {  	[sflag:s20] =	ssyncset.done $0x0  }
0x33: {  	[sflag:s20] =	ssyncadd.s32 $0xFFFFE000  }
0x34: {  	[tilespmem:s19], [sflag:$0x5] =	stream.linear.gather [spmem:s9], $0x2000, $0x38;
	[tilespmem:$0x1E140] =	vst v63  }
0x35: {  	_ =	swait.ge [sflag:s20], $0x2000  }
0x36: {  	[sflag:s20] =	ssyncset.done $0x0  }
0x37: {  	[sflag:s20] =	ssyncadd.s32 $0xFFFFE000  }
0x38: {  	[hbm4b:s16+s3] =	stream.linear.scatter [tilespmem:s19], [sflag:$0x5], $0x2000, $0x38;
	[tilespmem:$0x1E140] =	vst v63  }
0x39: {  	_ =	swait.ge [sflag:s20], $0x2000  }
0x3a: {  	[sflag:s20] =	ssyncset.done $0x0  }
0x3b: {  	[sflag:s20] =	ssyncadd.s32 $0xFFFFE000  }
0x3c: {  	[tilespmem:s19], [sflag:$0x5] =	stream.linear.gather [spmem:s10], $0x2000, $0x38;
	[tilespmem:$0x1E140] =	vst v63  }
0x3d: {  	s0 =	sadd.s32 $0x1, s0;
	_ =	swait.ge [sflag:s20], $0x2000  }
0x3e: {  	p0 =	sne.s32 s0, s18;
	[sflag:s20] =	ssyncset.done $0x0  }
.Ltmp1:
0x3f: {  	[sflag:s20] =	ssyncadd.s32 $0xFFFFE000;
	(pc) =	sbr.rel @!p0 .LBB2_7-.Ltmp1, $4  }
0x40: {  	[hbm4b:s17+s3] =	stream.linear.scatter [tilespmem:s19], [sflag:$0x5], $0x2000, $0x38;
	[tilespmem:$0x1E140] =	vst v63  }
0x41: {  	_ =	swait.ge [sflag:s20], $0x2000  }
0x42: {  	[sflag:s20] =	ssyncset.done $0x0  }
0x43: {  	[sflag:s20] =	ssyncadd.s32 $0xFFFFE000  }
.LBB2_1:
0x44: {  	s1 =	rddreg [dreg:$0x4]  }
0x45: {  	[tilespmem:s19], [sflag:$0x5] =	stream.linear.gather [hbm4b:s1+s3], $0x2000, $0x38;
	[tilespmem:$0x1E140] =	vst v63  }
0x46: {  	_ =	swait.ge [sflag:s20], $0x2000  }
0x47: {  	[sflag:s20] =	ssyncset.done $0x0  }
0x48: {  	[sflag:s20] =	ssyncadd.s32 $0xFFFFE000  }
0x49: {  	[spmem:s6] =	stream.linear.scatter [tilespmem:s19], [sflag:$0x5], $0x2000, $0x38;
	[tilespmem:$0x1E140] =	vst v63  }
0x4a: {  	_ =	swait.ge [sflag:s20], $0x2000  }
0x4b: {  	[sflag:s20] =	ssyncset.done $0x0  }
0x4c: {  	[sflag:s20] =	ssyncadd.s32 $0xFFFFE000  }
0x4d: {  	[spmem:s7] =	stream.linear.scatter [tilespmem:s19], [sflag:$0x5], $0x2000, $0x38;
	[tilespmem:$0x1E140] =	vst v63  }
0x4e: {  	_ =	swait.ge [sflag:s20], $0x2000  }
0x4f: {  	[sflag:s20] =	ssyncset.done $0x0  }
0x50: {  	[sflag:s20] =	ssyncadd.s32 $0xFFFFE000  }
0x51: {  	[spmem:s8] =	stream.linear.scatter [tilespmem:s19], [sflag:$0x5], $0x2000, $0x38;
	[tilespmem:$0x1E140] =	vst v63  }
0x52: {  	_ =	swait.ge [sflag:s20], $0x2000  }
0x53: {  	[sflag:s20] =	ssyncset.done $0x0  }
0x54: {  	[sflag:s20] =	ssyncadd.s32 $0xFFFFE000  }
0x55: {  	[spmem:s9] =	stream.linear.scatter [tilespmem:s19], [sflag:$0x5], $0x2000, $0x38;
	[tilespmem:$0x1E140] =	vst v63  }
0x56: {  	_ =	swait.ge [sflag:s20], $0x2000  }
0x57: {  	[sflag:s20] =	ssyncset.done $0x0  }
0x58: {  	[sflag:s20] =	ssyncadd.s32 $0xFFFFE000  }
0x59: {  	[spmem:s10] =	stream.linear.scatter [tilespmem:s19], [sflag:$0x5], $0x2000, $0x38;
	[tilespmem:$0x1E140] =	vst v63  }
0x5a: {  	_ =	swait.ge [sflag:s20], $0x2000  }
0x5b: {  	[sflag:s20] =	ssyncset.done $0x0  }
0x5c: {  	[sflag:s20] =	ssyncadd.s32 $0xFFFFE000  }
0x5d: {  	[tilespmem:s3], [sflag:$0x5] =	stream.linear.gather [hbm4b:s11+s3], $0x4F00, $0x38;
	[tilespmem:$0x1E140] =	vst v63  }
0x5e: {  	_ =	swait.ge [sflag:s20], $0x4F00  }
0x5f: {  	[sflag:s20] =	ssyncset.done $0x0  }
0x60: {  	s21 =	simm.s32 $0x5000;
	[sflag:s20] =	ssyncadd.s32 $0xFFFFB100  }
0x61: {  	[tilespmem:s21], [sflag:$0x5] =	stream.linear.gather [hbm4b:s12+s3], $0x4F00, $0x38;
	[tilespmem:$0x1E140] =	vst v63  }
0x62: {  	_ =	swait.ge [sflag:s20], $0x4F00  }
0x63: {  	[sflag:s20] =	ssyncset.done $0x0  }
0x64: {  	s1 =	simm.s32 $0x0;
	[sflag:s20] =	ssyncadd.s32 $0xFFFFB100  }
0x65: {  	v3 =	vld [tilespmem:s1+$0x5000]  }
0x66: {  	v5 =	vld [tilespmem:s1+$0x5010]  }
0x67: {  	v4 =	vld [tilespmem:s1+$0x5020]  }
0x68: {  	v2 =	vld [tilespmem:s1+$0x5030]  }
0x69: {  	v1 =	vld [tilespmem:s1+$0x5040]  }
0x6a: {  	v6 =	vsub.s32 v3, v0;
	v3 =	vld [tilespmem:s1+$0x5050]  }
0x6b: {  	s21 =	simm.s32 $0x200;
	[tilespmem:s1+$0x5000] =	vst v6;
	v6 =	vsub.s32 v5, v0;
	v5 =	vld [tilespmem:s1+$0x5060]  }
.LBB2_2:
0x6c: {  	s5 =	sshra.s32 s21, $0x2;
	p0 =	sne.s32 s21, $0x13A00;
	[tilespmem:s1+$0x5010] =	vst v6;
	v4 =	vsub.s32 v4, v0;
	v6 =	vld [tilespmem:s1+$0x5070]  }
0x6d: {  	v7 =	vld [tilespmem:s5+$0x5000];
	[tilespmem:s1+$0x5020] =	vst v4;
	v2 =	vsub.s32 v2, v0  }
0x6e: {  	v8 =	vld [tilespmem:s5+$0x5010];
	[tilespmem:s1+$0x5030] =	vst v2;
	v1 =	vsub.s32 v1, v0  }
.Ltmp2:
0x6f: {  	v4 =	vld [tilespmem:s5+$0x5020];
	[tilespmem:s1+$0x5040] =	vst v1;
	v1 =	vsub.s32 v3, v0;
	(pc) =	sbr.rel @p0 .LBB2_2-.Ltmp2, $4  }
0x70: {  	v2 =	vld [tilespmem:s5+$0x5030];
	[tilespmem:s1+$0x5050] =	vst v1;
	v3 =	vsub.s32 v5, v0  }
0x71: {  	v1 =	vld [tilespmem:s5+$0x5040];
	[tilespmem:s1+$0x5060] =	vst v3;
	v5 =	vsub.s32 v6, v0  }
0x72: {  	v6 =	vsub.s32 v7, v0;
	v3 =	vld [tilespmem:s5+$0x5050];
	[tilespmem:s1+$0x5070] =	vst v5;
	s1 =	smov.u32 s5  }
0x73: {  	s21 =	sadd.s32 $0x200, s21;
	[tilespmem:s1+$0x5000] =	vst v6;
	v6 =	vsub.s32 v8, v0;
	v5 =	vld [tilespmem:s1+$0x5060]  }
0x74: {  	[tilespmem:s1+$0x5010] =	vst v6;
	v4 =	vsub.s32 v4, v0;
	v63 =	vld [tilespmem:s1+$0x5070]  }
0x75: {  	[tilespmem:s1+$0x5020] =	vst v4;
	v2 =	vsub.s32 v2, v0  }
0x76: {  	[tilespmem:s1+$0x5030] =	vst v2;
	v1 =	vsub.s32 v1, v0  }
0x77: {  	[tilespmem:s1+$0x5040] =	vst v1;
	v1 =	vsub.s32 v3, v0  }
0x78: {  	[tilespmem:s1+$0x5050] =	vst v1;
	v1 =	vsub.s32 v5, v0  }
0x79: {  	[tilespmem:s1+$0x5060] =	vst v1;
	v1 =	vsub.s32 v63, v0  }
0x7a: {  	[tilespmem:s1+$0x5070] =	vst v1  }
0x7b: {  	s1 =	simm.s32 $0x0;
	[bflag:$0x0] =	sbarrier.arrive $0xFFFF  }
0x7c: {  	[tilespmem:s23], [sflag:$0x1] =	stream.indirect.gather [hbm4b:s4+s22], $0x80, s1, s22, $0xb8;
	[tilespmem:$0x1E140] =	vst v63  }
0x7d: {  	_ = 	snop  }
0x7e: {  	[tilespmem:s24], [sflag:$0x2] =	stream.indirect.gather [hbm4b:s4+s22], $0x80, s22, s22, $0xb8;
	[tilespmem:$0x1E140] =	vst v63  }
.LBB2_4:
0x7f: {  	_ =	swait.ge [sflag:s25], $0x4000  }
0x80: {  	[sflag:s25] =	ssyncset.done $0x0  }
0x81: {  	s21 =	sshra.s32 s1, $0x2;
	[sflag:s25] =	ssyncadd.s32 $0xFFFFC000  }
0x82: {  	v1 =	vld [tilespmem:s21+$0x5000];
	_ =	sdelay $0x4  }
0x83: {  	v1 =	vmin.u32 v1, $0x1400  }
0x84: {  	[tilespmem:$0xA000] =	vst v1  }
0x85: {  	v1 =	vld [tilespmem:s21+$0x5010];
	_ =	sdelay $0x4  }
0x86: {  	v1 =	vmin.u32 v1, $0x1400  }
0x87: {  	[tilespmem:$0xA010] =	vst v1  }
0x88: {  	v1 =	vld [tilespmem:s21+$0x5020];
	_ =	sdelay $0x4  }
0x89: {  	v1 =	vmin.u32 v1, $0x1400  }
0x8a: {  	[tilespmem:$0xA020] =	vst v1  }
0x8b: {  	v1 =	vld [tilespmem:s21+$0x5030];
	_ =	sdelay $0x4  }
0x8c: {  	v1 =	vmin.u32 v1, $0x1400  }
0x8d: {  	[tilespmem:$0xA030] =	vst v1  }
0x8e: {  	v1 =	vld [tilespmem:s21+$0x5040];
	_ =	sdelay $0x4  }
0x8f: {  	v1 =	vmin.u32 v1, $0x1400  }
0x90: {  	[tilespmem:$0xA040] =	vst v1  }
0x91: {  	v1 =	vld [tilespmem:s21+$0x5050];
	_ =	sdelay $0x4  }
0x92: {  	v1 =	vmin.u32 v1, $0x1400  }
0x93: {  	[tilespmem:$0xA050] =	vst v1  }
0x94: {  	v1 =	vld [tilespmem:s21+$0x5060];
	_ =	sdelay $0x4  }
0x95: {  	v1 =	vmin.u32 v1, $0x1400  }
0x96: {  	[tilespmem:$0xA060] =	vst v1  }
0x97: {  	v1 =	vld [tilespmem:s21+$0x5070];
	_ =	sdelay $0x4  }
0x98: {  	v1 =	vmin.u32 v1, $0x1400  }
0x99: {  	[tilespmem:$0xA070] =	vst v1  }
0x9a: {  	[spmem:s2] =	stream.indirect.scatter.add.f32 [tilespmem:s23], [sflag:$0x3], $0x80, s26, s22, $0xb8;
	[tilespmem:$0x1E140] =	vst v63  }
0x9b: {  	_ =	swait.ge [sflag:s28], $0x4000  }
0x9c: {  	[sflag:s28] =	ssyncset.done $0x0  }
0x9d: {  	[sflag:s28] =	ssyncadd.s32 $0xFFFFC000  }
0x9e: {  	v1 =	vld [tilespmem:s21+$0x5080];
	_ =	sdelay $0x4  }
0x9f: {  	v1 =	vmin.u32 v1, $0x1400  }
0xa0: {  	[tilespmem:$0xA080] =	vst v1  }
0xa1: {  	v1 =	vld [tilespmem:s21+$0x5090];
	_ =	sdelay $0x4  }
0xa2: {  	v1 =	vmin.u32 v1, $0x1400  }
0xa3: {  	[tilespmem:$0xA090] =	vst v1  }
0xa4: {  	v1 =	vld [tilespmem:s21+$0x50A0];
	_ =	sdelay $0x4  }
0xa5: {  	v1 =	vmin.u32 v1, $0x1400  }
0xa6: {  	[tilespmem:$0xA0A0] =	vst v1  }
0xa7: {  	v1 =	vld [tilespmem:s21+$0x50B0];
	_ =	sdelay $0x4  }
0xa8: {  	v1 =	vmin.u32 v1, $0x1400  }
0xa9: {  	[tilespmem:$0xA0B0] =	vst v1  }
0xaa: {  	v1 =	vld [tilespmem:s21+$0x50C0];
	_ =	sdelay $0x4  }
0xab: {  	v1 =	vmin.u32 v1, $0x1400  }
0xac: {  	[tilespmem:$0xA0C0] =	vst v1  }
0xad: {  	v1 =	vld [tilespmem:s21+$0x50D0];
	_ =	sdelay $0x4  }
0xae: {  	v1 =	vmin.u32 v1, $0x1400  }
0xaf: {  	[tilespmem:$0xA0D0] =	vst v1  }
0xb0: {  	v1 =	vld [tilespmem:s21+$0x50E0];
	_ =	sdelay $0x4  }
0xb1: {  	v1 =	vmin.u32 v1, $0x1400  }
0xb2: {  	[tilespmem:$0xA0E0] =	vst v1  }
0xb3: {  	v1 =	vld [tilespmem:s21+$0x50F0];
	_ =	sdelay $0x4  }
0xb4: {  	p0 =	seq.s32 s1, $0x13800;
	v1 =	vmin.u32 v1, $0x1400  }
.Ltmp3:
0xb5: {  	[tilespmem:$0xA0F0] =	vst v1;
	(pc) =	sbr.rel @p0 .LBB2_6-.Ltmp3, $4  }
0xb6: {  	[spmem:s2] =	stream.indirect.scatter.add.f32 [tilespmem:s24], [sflag:$0x4], $0x80, s29, s22, $0xb8;
	[tilespmem:$0x1E140] =	vst v63  }
0xb7: {  	_ =	swait.ge [sflag:s30], $0x4000  }
0xb8: {  	[sflag:s30] =	ssyncset.done $0x0  }
0xb9: {  	[sflag:s30] =	ssyncadd.s32 $0xFFFFC000  }
0xba: {  	s5 =	sadd.s32 $0x100, s21  }
0xbb: {  	[tilespmem:s23], [sflag:$0x1] =	stream.indirect.gather [hbm4b:s4+s22], $0x80, s5, s22, $0xb8;
	[tilespmem:$0x1E140] =	vst v63  }
.Ltmp4:
0xbc: {  	_ = 	snop;
	(pc) =	sbr.rel .LBB2_4-.Ltmp4, $4  }
0xbd: {  	_ =	swait.ge [sflag:s31], $0x4000  }
0xbe: {  	[sflag:s31] =	ssyncset.done $0x0  }
0xbf: {  	s21 =	sadd.s32 $0x180, s21;
	s1 =	sadd.s32 $0x400, s1;
	[sflag:s31] =	ssyncadd.s32 $0xFFFFC000  }
0xc0: {  	[tilespmem:s24], [sflag:$0x2] =	stream.indirect.gather [hbm4b:s4+s22], $0x80, s21, s22, $0xb8;
	[tilespmem:$0x1E140] =	vst v63  }
.LBB2_7:
0xc1: {  	_ =	sfence.sel $0x180000  }
0xc2: {  	[bflag:$0x0] =	sbarrier.arrive $0xFFFF  }
0xc3: {  	_ =	strace $0x9000004A  }
0xc4: {  	s0 =	stileid.u32;
	[bflag:$0x2] =	sbarrier.arrive $0xFFFF  }
0xc5: {  	p0 =	sne.s32 s0, $0x0;
	s0 =	rddreg [dreg:$0x3]  }
0xc6: {  	s0 =	sadd.s32 @!p0 $0x100000, s0  }
0xc7: {  	[sflag:s0] =	ssyncadd.tile.s32 @!p0 $0x1;
	_ =	shalt  }
.Lfunc_end2:
_tile_overlayer_lowered:
.L_overlay_start_2:
0xc8: {  	(tag) =	ssettag $0x2  }
0xc9: {  	s0 =	rddreg [dreg:$0x0];
	s2 =	stileid.u32  }
0xca: {  	s1 =	rddreg [dreg:$0x1];
	p0 =	sne.s32 s2, $0x0  }
0xcb: {  	s3 =	rddreg [dreg:$0x2];
	[bflag:$0x3] =	sbarrier.arrive $0xFFFF;
	s2 =	simm.s32 @!p0 $0x1C05  }
0xcc: {  	[timem:s3], [sflag:s2] =	dma.local @!p0 [hbm:s0], s1  }
0xcd: {  	s0 =	simm.s32 @!p0 $0x5  }
0xce: {  	_ =	swait.ge @!p0 [sflag:s0], s1  }
0xcf: {  	s1 =	ssub.s32 @!p0 $0x0, s1;
	[sflag:s0] =	ssyncset.done @!p0 $0x0  }
0xd0: {  	[sflag:s0] =	ssyncadd.s32 @!p0 s1  }
0xd1: {  	[bflag:$0x3] =	sbarrier.arrive $0xFFFF  }
0xd2: {  	_ =	shalt  }

// kernel: kernel.16.cloned.1.call-start
scs
__scs_entry_jumppad:
0x0: {  	(pc) =	sbr.rel $0x88, $3  }
0x1: {  	(tag) =	ssettag $0x0;
	lr =	simm.s32 $0x1  }
0x2: {  	[smem:$0x3F9F] =	sst lr;
	_ =	strace $0xD0000000  }
0x3: {  	_ = 	snop  }
0x4: {  	_ = 	snop  }
0x5: {  	_ = 	snop  }
0x6: {  	_ = 	snop  }
0x7: {  	_ = 	snop  }
__scs_overlays_trampoline_lowered:
0x8: {  	[smem:$0x3FAE] =	sst s0  }
0x9: {  	[smem:$0x3FAF] =	sst s1  }
0xa: {  	[smem:$0x3FB0] =	sst s2  }
0xb: {  	[smem:$0x3FB1] =	sst s3  }
0xc: {  	[smem:$0x3FB2] =	sst s4  }
0xd: {  	[smem:$0x3FB3] =	sst s5  }
0xe: {  	[smem:$0x3FB4] =	sst s6  }
0xf: {  	[smem:$0x3FB5] =	sst s7  }
0x10: {  	[smem:$0x3FB6] =	sst s8  }
0x11: {  	[smem:$0x3FB7] =	sst s9;
	s0 =	simm.s32 @!p0 $0x0  }
0x12: {  	s1 =	sld [smem:$0x3F9D];
	s0 =	simm.s32 @p0 $0x1  }
0x13: {  	[smem:$0x3FB8] =	sst s0;
	s0 =	simm.s32 @!p1 $0x0  }
0x14: {  	s2 =	sld [smem:$0x3F9C];
	s0 =	simm.s32 @p1 $0x1  }
0x15: {  	[smem:$0x3FB9] =	sst s0;
	s0 =	simm.s32 @!p2 $0x0  }
0x16: {  	s3 =	sld [smem:$0x3FDB];
	s0 =	simm.s32 @p2 $0x1  }
0x17: {  	s4 =	simm.s32 $0x1BF5;
	[smem:$0x3FBB] =	sst s0  }
0x18: {  	s0 =	sld [smem:$0x3F9E];
	_ =	swait.ge [sflag:s4], $0x0  }
0x19: {  	s7 =	sld [smem:$0x3F9F]  }
0x1a: {  	s8 =	sadd.s32 $0xFFFFE003, lr  }
0x1b: {  	s9 =	sadd.s32 $0xFFFFFEF7, lr;
	s5 =	simm.s32 $0xFFFFFFFF;
	p2 =	slt.u32 s8, $0xFFFFF086  }
0x1c: {  	p1 =	slt.u32 s9, $0xF7A;
	s5 =	simm.s32 @!p2 $0x0  }
0x1d: {  	s5 =	simm.s32 @p1 $0x1;
	p0 =	seq.s32 s7, s2  }
0x1e: {  	s7 =	smul.u32 @!p0 $0xF7A, s2;
	p2 =	seq.s32 @!p0 s5, $0x0  }
0x1f: {  	s9 =	smul.u32 $0xF7A, s1;
	s8 =	simm.s32 @!p0 $0x1BF5;
	p2 =	por !p2, p0  }
0x20: {  	[sflag:s8] =	ssyncset.s32 @!p0 $0xFFFFF086;
	s6 =	sadd.s32 @!p0 s3, s7;
	s7 =	simm.s32 @!p0 $0x108  }
0x21: {  	s3 =	sadd.s32 s3, s9;
	s6 =	sadd.s32 @!p0 $0x88, s6;
	s7 =	simm.s32 @p2 $0x1082  }
0x22: {  	[simem:s7], [sflag:s8] =	dma.local @!p0 [hbm:s6], $0xF7A  }
0x23: {  	s9 =	sor.u32 $0xD0000000, s2;
	s6 =	simm.s32 $0x108;
	_ =	swait.ge @!p0 [sflag:s8], $0x0  }
0x24: {  	s3 =	sadd.s32 $0x88, s3;
	s6 =	simm.s32 @!p1 $0x1082;
	[sflag:s4] =	ssyncset.s32 $0xFFFFF086  }
0x25: {  	[simem:s6], [sflag:s4] =	dma.local [hbm:s3], $0xF7A  }
0x26: {  	[smem:$0x3F9F] =	sst s1;
	(tag) =	ssettag s2;
	_ =	strace s9  }
0x27: {  	s1 =	sld [smem:$0x3FAF]  }
0x28: {  	s2 =	sld [smem:$0x3FB0]  }
0x29: {  	s4 =	sld [smem:$0x3FB2]  }
0x2a: {  	p0 =	seq.s32 s5, $0x0;
	s5 =	sld [smem:$0x3FB3]  }
0x2b: {  	s6 =	sld [smem:$0x3FB4]  }
0x2c: {  	s7 =	sld [smem:$0x3FB5]  }
0x2d: {  	s3 =	simm.s32 $0x108;
	s8 =	sld [smem:$0x3FB6]  }
0x2e: {  	s3 =	simm.s32 @!p0 $0x1082;
	s9 =	sld [smem:$0x3FB7]  }
0x2f: {  	lr =	sadd.s32 s0, s3;
	s0 =	sld [smem:$0x3FAE]  }
0x30: {  	s3 =	sld [smem:$0x3FB1]  }
0x31: {  	[smem:$0x3FBA] =	sst s10  }
0x32: {  	s10 =	sld [smem:$0x3FB8];
	_ =	sdelay $0x3  }
0x33: {  	p0 =	seq.s32 s10, $0x1;
	s10 =	sld [smem:$0x3FBA];
	_ =	sdelay $0x3  }
0x34: {  	[smem:$0x3FBA] =	sst s10  }
0x35: {  	s10 =	sld [smem:$0x3FB9];
	_ =	sdelay $0x3  }
0x36: {  	p1 =	seq.s32 s10, $0x1;
	s10 =	sld [smem:$0x3FBA];
	_ =	sdelay $0x3  }
0x37: {  	[smem:$0x3FBA] =	sst s10  }
0x38: {  	s10 =	sld [smem:$0x3FBB]  }
0x39: {  	_ = 	snop;
	(pc) =	sbr.ind lr, $3  }
0x3a: {  	_ = 	snop  }
0x3b: {  	_ = 	snop  }
0x3c: {  	p2 =	seq.s32 s10, $0x1;
	s10 =	sld [smem:$0x3FBA]  }
0x3d: {  	_ =	shalt  }
0x3e: {  	_ =	shalt  }
0x3f: {  	_ =	shalt  }
0x40: {  	_ =	shalt  }
0x41: {  	_ =	shalt  }
0x42: {  	_ =	shalt  }
0x43: {  	_ =	shalt  }
0x44: {  	_ =	shalt  }
0x45: {  	_ =	shalt  }
0x46: {  	_ =	shalt  }
0x47: {  	_ =	shalt  }
0x48: {  	_ =	shalt  }
0x49: {  	_ =	shalt  }
0x4a: {  	_ =	shalt  }
0x4b: {  	_ =	shalt  }
0x4c: {  	_ =	shalt  }
0x4d: {  	_ =	shalt  }
0x4e: {  	_ =	shalt  }
0x4f: {  	_ =	shalt  }
0x50: {  	_ =	shalt  }
0x51: {  	_ =	shalt  }
0x52: {  	_ =	shalt  }
0x53: {  	_ =	shalt  }
0x54: {  	_ =	shalt  }
0x55: {  	_ =	shalt  }
0x56: {  	_ =	shalt  }
0x57: {  	_ =	shalt  }
0x58: {  	_ =	shalt  }
0x59: {  	_ =	shalt  }
0x5a: {  	_ =	shalt  }
0x5b: {  	_ =	shalt  }
0x5c: {  	_ =	shalt  }
0x5d: {  	_ =	shalt  }
0x5e: {  	_ =	shalt  }
0x5f: {  	_ =	shalt  }
0x60: {  	_ =	shalt  }
0x61: {  	_ =	shalt  }
0x62: {  	_ =	shalt  }
0x63: {  	_ =	shalt  }
0x64: {  	_ =	shalt  }
0x65: {  	_ =	shalt  }
0x66: {  	_ =	shalt  }
0x67: {  	_ =	shalt  }
0x68: {  	_ =	shalt  }
0x69: {  	_ =	shalt  }
0x6a: {  	_ =	shalt  }
0x6b: {  	_ =	shalt  }
0x6c: {  	_ =	shalt  }
0x6d: {  	_ =	shalt  }
0x6e: {  	_ =	shalt  }
0x6f: {  	_ =	shalt  }
0x70: {  	_ =	shalt  }
0x71: {  	_ =	shalt  }
0x72: {  	_ =	shalt  }
0x73: {  	_ =	shalt  }
0x74: {  	_ =	shalt  }
0x75: {  	_ =	shalt  }
0x76: {  	_ =	shalt  }
0x77: {  	_ =	shalt  }
0x78: {  	_ =	shalt  }
0x79: {  	_ =	shalt  }
0x7a: {  	_ =	shalt  }
0x7b: {  	_ =	shalt  }
0x7c: {  	_ =	shalt  }
0x7d: {  	_ =	shalt  }
0x7e: {  	_ =	shalt  }
0x7f: {  	_ =	shalt  }
0x80: {  	_ =	shalt  }
0x81: {  	_ =	shalt  }
0x82: {  	_ =	shalt  }
0x83: {  	_ =	shalt  }
0x84: {  	_ =	shalt  }
0x85: {  	_ =	shalt  }
0x86: {  	_ =	shalt  }
0x87: {  	_ =	shalt  }
.Lfunc_end0:
.L_simem_size_0:
called_computation.2_lowered:
.L_overlay_start_0:
0x88: {  	s2 =	sld [smem:$0x3FD9]  }
0x89: {  	s3 =	sld [smem:$0x3FFE];
	_ =	sdelay $0x1  }
0x8a: {  	s1 =	srdreg.scid  }
0x8b: {  	s0 =	sand.u32 $0x1, s1  }
0x8c: {  	s17 =	sshll.u32 s0, $0xA;
	s2 =	sadd.s32 s3, s2  }
0x8d: {  	s2 =	sadd.s32 s2, s17  }
0x8e: {  	[smem:$0x3FC6] =	sst s2  }
0x8f: {  	_ = 	snop  }
0x90: {  	s2 =	sld [smem:$0x3FD0];
	(tm) =	ssettm $0x1  }
0x91: {  	s18 =	sld [smem:$0x3FFB];
	_ =	sdelay $0x3  }
0x92: {  	_ =	strace s18  }
0x93: {  	s3 =	sld [smem:$0x3FFC];
	_ =	sdelay $0x3  }
0x94: {  	_ =	strace s3  }
0x95: {  	s3 =	sld [smem:$0x3FFD];
	_ =	sdelay $0x3  }
0x96: {  	_ =	strace s3  }
0x97: {  	_ =	strace $0x8FFFFFFF  }
0x98: {  	s19 =	sld [smem:$0x3FDB];
	_ =	sdelay $0x1  }
0x99: {  	s4 =	simm.s32 $_scs_section_size  }
0x9a: {  	s5 =	simm.s32 $_size__tile_overlayer_lowered;
	s6 =	simm.s32 $_tile_overlayer_lowered  }
0x9b: {  	s22 =	simm.s32 $0x1BFF;
	s21 =	sshll.u32 s6, $0x1;
	s3 =	sadd.s32 s4, s19  }
0x9c: {  	s7 =	simm.s32 $0x0;
	s20 =	sshll.u32 s5, $0x1;
	s5 =	sadd.s32 s21, s3  }
0x9d: {  	[timem:s7], [sflag:s22] =	dma.local [hbm:s5], s20  }
0x9e: {  	_ =	swait.ge [sflag:s22], s20  }
0x9f: {  	s4 =	ssub.s32 $0x0, s20;
	[sflag:s22] =	ssyncset.done $0x0  }
0xa0: {  	[sflag:s22] =	ssyncadd.s32 s4;
	_ =	sdelay $0x1  }
0xa1: {  	s23 =	simm.s32 $0x1B8B  }
0xa2: {  	_ =	swait.ge [sflag:s23], $0x1  }
0xa3: {  	[sflag:s23] =	ssyncset.done $0x0  }
0xa4: {  	s25 =	simm.s32 $0x1B8E;
	s24 =	sld [smem:$0x3FFE];
	[sflag:s23] =	ssyncadd.s32 $0xFFFFFFFF  }
0xa5: {  	s26 =	simm.s32 $execute0_lowered;
	[smem:$0x3FD2] =	sst s25  }
0xa6: {  	s5 =	sshll.u32 s26, $0x1;
	_ =	strace $0x8000004C;
	[dreg:$0x1] =	wrdreg $0xFFFFFFFF  }
0xa7: {  	s28 =	simm.s32 $_size_execute0_lowered;
	s3 =	sadd.s32 s3, s5;
	[dreg:$0x0] =	wrdreg $0x0  }
0xa8: {  	s5 =	sshll.u32 s28, $0x1;
	[dreg:$0x2] =	wrdreg s3  }
0xa9: {  	[dreg:$0x3] =	wrdreg s5  }
0xaa: {  	[dreg:$0x4] =	wrdreg $0xC0  }
0xab: {  	_ =	task [dreg:s7], $0x5FFFF  }
0xac: {  	[dreg:$0x1] =	wrdreg $0xFFFFFFFF  }
0xad: {  	[dreg:$0x0] =	wrdreg $0x60  }
0xae: {  	[dreg:$0x2] =	wrdreg s24  }
0xaf: {  	[dreg:$0x3] =	wrdreg s2  }
0xb0: {  	[dreg:$0x4] =	wrdreg $0x141000  }
0xb1: {  	[dreg:$0x5] =	wrdreg $0x9  }
0xb2: {  	_ =	task.clear_ibuf [dreg:s7], $0x6FFFF;
	_ =	strace $0x9000004C  }
0xb3: {  	s29 =	simm.s32 $0x9;
	_ =	strace $0x8000004E  }
0xb4: {  	_ =	swait.ge [sflag:s29], $0x1  }
0xb5: {  	[sflag:s29] =	ssyncadd.s32 $0xFFFFFFFF  }
0xb6: {  	_ =	strace $0x9000004E  }
0xb7: {  	_ =	sfence  }
0xb8: {  	s30 =	sld [smem:$0x0];
	_ =	sdelay $0x2  }
0xb9: {  	s31 =	sshll.u32 s1, $0xD;
	s1 =	sshrl.u32 s1, $0x2  }
0xba: {  	s3 =	sand.u32 $0x4000, s31;
	s1 =	sadd.s32 s1, s30  }
0xbb: {  	s0 =	sor.u32 s3, s0;
	s1 =	sshll.u32 s1, $0x11  }
0xbc: {  	s0 =	sor.u32 s1, s0  }
0xbd: {  	s0 =	sadd.s32 $0x8F2B, s0  }
0xbe: {  	[sflag:s0] =	ssyncadd.remote.s32 $0x1  }
0xbf: {  	_ =	sfence.sel $0xFFFF  }
0xc0: {  	[dreg:$0x0] =	wrdreg $0xFFFFFFFF;
	(pc) =	sbr.abs _section_cstart, $3  }
0xc1: {  	[dreg:$0x1] =	wrdreg $0xFFFFFFFF  }
0xc2: {  	_ =	task.clear_ibuf [dreg:s7], $0x2FFFF;
	_ =	strace $0x9FFFFFFF  }
0xc3: {  	(tm) =	ssettm $0x7FFFFFFF  }
tec
execute0_lowered:
.L_overlay_start_1:
0x0: {  	(tag) =	ssettag $0x1  }
0x1: {  	s0 =	rddreg [dreg:$0x0]  }
0x2: {  	s1 =	rddreg [dreg:$0x1]  }
0x3: {  	s2 =	rddreg [dreg:$0x2]  }
0x4: {  	s3 =	simm.s32 $0x0;
	s10 =	stileid.u32;
	s5 =	srdreg.scid  }
0x5: {  	s28 =	simm.s32 $0x2;
	s29 =	simm.s32 $0xA080;
	s30 =	simm.s32 $0x3  }
0x6: {  	s31 =	simm.s32 $0x4;
	[smem:$0x7FF] =	sst s3;
	s11 =	smul.u32 $0xA00, s10  }
0x7: {  	s4 =	sadd.s32 $0xCC00, s0;
	s8 =	sand.u32 $0x1, s5;
	s7 =	smul.u32 $0x28000, s10  }
0x8: {  	s19 =	sadd.s32 $0xC800, s0;
	s13 =	smul.u32 $0xA000, s10;
	_ =	strace $0x8000004D  }
0x9: {  	s6 =	ssub.s32 $0x2, s8;
	[dreg:$0x4] =	wrdreg s19;
	s21 =	smul.u32 $0x1400, s8  }
0xa: {  	s16 =	smul.u32 $0xA0000, s8;
	s12 =	sadd.s32 s11, s0;
	s9 =	sshrl.u32 s6, $0x1  }
0xb: {  	s0 =	sadd.s32 $0x34C00, s0;
	s20 =	sshrl.u32 s7, $0x2;
	s14 =	sadd.s32 $0x2000, s13  }
0xc: {  	s15 =	sadd.s32 $0x4000, s13;
	s17 =	sadd.s32 $0x6000, s13;
	s19 =	sadd.s32 $0x8000, s13  }
0xd: {  	s11 =	sadd.s32 s1, s11;
	s18 =	ssub.s32 s6, s9;
	s6 =	sadd.s32 s20, s2  }
0xe: {  	s7 =	sadd.s32 s14, s2;
	s8 =	sadd.s32 s15, s2;
	s9 =	sadd.s32 s17, s2  }
0xf: {  	s10 =	sadd.s32 s19, s2;
	s13 =	sadd.s32 s13, s16;
	s14 =	sadd.s32 s16, s14  }
0x10: {  	s12 =	sadd.s32 $0x2800, s12;
	s24 =	sadd.s32 s16, s15;
	s25 =	sadd.s32 s16, s17  }
0x11: {  	s19 =	sadd.s32 s16, s19;
	s20 =	simm.s32 $0x5;
	s22 =	sshrl.u32 s13, $0x3  }
0x12: {  	s23 =	sshrl.u32 s14, $0x3;
	s1 =	sshrl.u32 s24, $0x3;
	s17 =	sshrl.u32 s25, $0x3  }
.Ltmp0:
0x13: {  	s26 =	sshrl.u32 s19, $0x3;
	s18 =	smax.u32 s18, $0x1;
	(pc) =	sbr.rel .LBB2_1-.Ltmp0, $4  }
0x14: {  	s19 =	simm.s32 $0x12100;
	s24 =	simm.s32 $0xE100;
	s25 =	simm.s32 $0x1  }
0x15: {  	s13 =	sadd.s32 s0, s22;
	s14 =	sadd.s32 s0, s23;
	s15 =	sadd.s32 s0, s1  }
0x16: {  	s16 =	sadd.s32 s0, s17;
	s17 =	sadd.s32 s0, s26;
	s22 =	simm.s32 $0x80  }
0x17: {  	v0 =	vmov s21;
	s23 =	simm.s32 $0xA100;
	s26 =	simm.s32 $0xA000;
	s0 =	simm.s32 $0x0  }
.LBB2_6:
0x18: {  	_ =	swait.ge [sflag:s31], $0x4000  }
0x19: {  	[sflag:s31] =	ssyncset.done $0x0  }
0x1a: {  	[sflag:s31] =	ssyncadd.s32 $0xFFFFC000  }
0x1b: {  	[bflag:$0x0] =	sbarrier.arrive $0xFFFF  }
0x1c: {  	[tilespmem:s19], [sflag:$0x5] =	stream.linear.gather [spmem:s6], $0x2000, $0x38;
	[tilespmem:$0x1E140] =	vst v63  }
0x1d: {  	_ =	swait.ge [sflag:s20], $0x2000  }
0x1e: {  	[sflag:s20] =	ssyncset.done $0x0  }
0x1f: {  	[sflag:s20] =	ssyncadd.s32 $0xFFFFE000  }
0x20: {  	[hbm4b:s13+s3] =	stream.linear.scatter [tilespmem:s19], [sflag:$0x5], $0x2000, $0x38;
	[tilespmem:$0x1E140] =	vst v63  }
0x21: {  	_ =	swait.ge [sflag:s20], $0x2000  }
0x22: {  	[sflag:s20] =	ssyncset.done $0x0  }
0x23: {  	[sflag:s20] =	ssyncadd.s32 $0xFFFFE000  }
0x24: {  	[tilespmem:s19], [sflag:$0x5] =	stream.linear.gather [spmem:s7], $0x2000, $0x38;
	[tilespmem:$0x1E140] =	vst v63  }
0x25: {  	_ =	swait.ge [sflag:s20], $0x2000  }
0x26: {  	[sflag:s20] =	ssyncset.done $0x0  }
0x27: {  	[sflag:s20] =	ssyncadd.s32 $0xFFFFE000  }
0x28: {  	[hbm4b:s14+s3] =	stream.linear.scatter [tilespmem:s19], [sflag:$0x5], $0x2000, $0x38;
	[tilespmem:$0x1E140] =	vst v63  }
0x29: {  	_ =	swait.ge [sflag:s20], $0x2000  }
0x2a: {  	[sflag:s20] =	ssyncset.done $0x0  }
0x2b: {  	[sflag:s20] =	ssyncadd.s32 $0xFFFFE000  }
0x2c: {  	[tilespmem:s19], [sflag:$0x5] =	stream.linear.gather [spmem:s8], $0x2000, $0x38;
	[tilespmem:$0x1E140] =	vst v63  }
0x2d: {  	_ =	swait.ge [sflag:s20], $0x2000  }
0x2e: {  	[sflag:s20] =	ssyncset.done $0x0  }
0x2f: {  	[sflag:s20] =	ssyncadd.s32 $0xFFFFE000  }
0x30: {  	[hbm4b:s15+s3] =	stream.linear.scatter [tilespmem:s19], [sflag:$0x5], $0x2000, $0x38;
	[tilespmem:$0x1E140] =	vst v63  }
0x31: {  	_ =	swait.ge [sflag:s20], $0x2000  }
0x32: {  	[sflag:s20] =	ssyncset.done $0x0  }
0x33: {  	[sflag:s20] =	ssyncadd.s32 $0xFFFFE000  }
0x34: {  	[tilespmem:s19], [sflag:$0x5] =	stream.linear.gather [spmem:s9], $0x2000, $0x38;
	[tilespmem:$0x1E140] =	vst v63  }
0x35: {  	_ =	swait.ge [sflag:s20], $0x2000  }
0x36: {  	[sflag:s20] =	ssyncset.done $0x0  }
0x37: {  	[sflag:s20] =	ssyncadd.s32 $0xFFFFE000  }
0x38: {  	[hbm4b:s16+s3] =	stream.linear.scatter [tilespmem:s19], [sflag:$0x5], $0x2000, $0x38;
	[tilespmem:$0x1E140] =	vst v63  }
0x39: {  	_ =	swait.ge [sflag:s20], $0x2000  }
0x3a: {  	[sflag:s20] =	ssyncset.done $0x0  }
0x3b: {  	[sflag:s20] =	ssyncadd.s32 $0xFFFFE000  }
0x3c: {  	[tilespmem:s19], [sflag:$0x5] =	stream.linear.gather [spmem:s10], $0x2000, $0x38;
	[tilespmem:$0x1E140] =	vst v63  }
0x3d: {  	s0 =	sadd.s32 $0x1, s0;
	_ =	swait.ge [sflag:s20], $0x2000  }
0x3e: {  	p0 =	sne.s32 s0, s18;
	[sflag:s20] =	ssyncset.done $0x0  }
.Ltmp1:
0x3f: {  	[sflag:s20] =	ssyncadd.s32 $0xFFFFE000;
	(pc) =	sbr.rel @!p0 .LBB2_7-.Ltmp1, $4  }
0x40: {  	[hbm4b:s17+s3] =	stream.linear.scatter [tilespmem:s19], [sflag:$0x5], $0x2000, $0x38;
	[tilespmem:$0x1E140] =	vst v63  }
0x41: {  	_ =	swait.ge [sflag:s20], $0x2000  }
0x42: {  	[sflag:s20] =	ssyncset.done $0x0  }
0x43: {  	[sflag:s20] =	ssyncadd.s32 $0xFFFFE000  }
.LBB2_1:
0x44: {  	s1 =	rddreg [dreg:$0x4]  }
0x45: {  	[tilespmem:s19], [sflag:$0x5] =	stream.linear.gather [hbm4b:s1+s3], $0x2000, $0x38;
	[tilespmem:$0x1E140] =	vst v63  }
0x46: {  	_ =	swait.ge [sflag:s20], $0x2000  }
0x47: {  	[sflag:s20] =	ssyncset.done $0x0  }
0x48: {  	[sflag:s20] =	ssyncadd.s32 $0xFFFFE000  }
0x49: {  	[spmem:s6] =	stream.linear.scatter [tilespmem:s19], [sflag:$0x5], $0x2000, $0x38;
	[tilespmem:$0x1E140] =	vst v63  }
0x4a: {  	_ =	swait.ge [sflag:s20], $0x2000  }
0x4b: {  	[sflag:s20] =	ssyncset.done $0x0  }
0x4c: {  	[sflag:s20] =	ssyncadd.s32 $0xFFFFE000  }
0x4d: {  	[spmem:s7] =	stream.linear.scatter [tilespmem:s19], [sflag:$0x5], $0x2000, $0x38;
	[tilespmem:$0x1E140] =	vst v63  }
0x4e: {  	_ =	swait.ge [sflag:s20], $0x2000  }
0x4f: {  	[sflag:s20] =	ssyncset.done $0x0  }
0x50: {  	[sflag:s20] =	ssyncadd.s32 $0xFFFFE000  }
0x51: {  	[spmem:s8] =	stream.linear.scatter [tilespmem:s19], [sflag:$0x5], $0x2000, $0x38;
	[tilespmem:$0x1E140] =	vst v63  }
0x52: {  	_ =	swait.ge [sflag:s20], $0x2000  }
0x53: {  	[sflag:s20] =	ssyncset.done $0x0  }
0x54: {  	[sflag:s20] =	ssyncadd.s32 $0xFFFFE000  }
0x55: {  	[spmem:s9] =	stream.linear.scatter [tilespmem:s19], [sflag:$0x5], $0x2000, $0x38;
	[tilespmem:$0x1E140] =	vst v63  }
0x56: {  	_ =	swait.ge [sflag:s20], $0x2000  }
0x57: {  	[sflag:s20] =	ssyncset.done $0x0  }
0x58: {  	[sflag:s20] =	ssyncadd.s32 $0xFFFFE000  }
0x59: {  	[spmem:s10] =	stream.linear.scatter [tilespmem:s19], [sflag:$0x5], $0x2000, $0x38;
	[tilespmem:$0x1E140] =	vst v63  }
0x5a: {  	_ =	swait.ge [sflag:s20], $0x2000  }
0x5b: {  	[sflag:s20] =	ssyncset.done $0x0  }
0x5c: {  	[sflag:s20] =	ssyncadd.s32 $0xFFFFE000  }
0x5d: {  	[tilespmem:s3], [sflag:$0x5] =	stream.linear.gather [hbm4b:s11+s3], $0x4F00, $0x38;
	[tilespmem:$0x1E140] =	vst v63  }
0x5e: {  	_ =	swait.ge [sflag:s20], $0x4F00  }
0x5f: {  	[sflag:s20] =	ssyncset.done $0x0  }
0x60: {  	s21 =	simm.s32 $0x5000;
	[sflag:s20] =	ssyncadd.s32 $0xFFFFB100  }
0x61: {  	[tilespmem:s21], [sflag:$0x5] =	stream.linear.gather [hbm4b:s12+s3], $0x4F00, $0x38;
	[tilespmem:$0x1E140] =	vst v63  }
0x62: {  	_ =	swait.ge [sflag:s20], $0x4F00  }
0x63: {  	[sflag:s20] =	ssyncset.done $0x0  }
0x64: {  	s1 =	simm.s32 $0x0;
	[sflag:s20] =	ssyncadd.s32 $0xFFFFB100  }
0x65: {  	v3 =	vld [tilespmem:s1+$0x5000]  }
0x66: {  	v5 =	vld [tilespmem:s1+$0x5010]  }
0x67: {  	v4 =	vld [tilespmem:s1+$0x5020]  }
0x68: {  	v2 =	vld [tilespmem:s1+$0x5030]  }
0x69: {  	v1 =	vld [tilespmem:s1+$0x5040]  }
0x6a: {  	v6 =	vsub.s32 v3, v0;
	v3 =	vld [tilespmem:s1+$0x5050]  }
0x6b: {  	s21 =	simm.s32 $0x200;
	[tilespmem:s1+$0x5000] =	vst v6;
	v6 =	vsub.s32 v5, v0;
	v5 =	vld [tilespmem:s1+$0x5060]  }
.LBB2_2:
0x6c: {  	s5 =	sshra.s32 s21, $0x2;
	p0 =	sne.s32 s21, $0x13A00;
	[tilespmem:s1+$0x5010] =	vst v6;
	v4 =	vsub.s32 v4, v0;
	v6 =	vld [tilespmem:s1+$0x5070]  }
0x6d: {  	v7 =	vld [tilespmem:s5+$0x5000];
	[tilespmem:s1+$0x5020] =	vst v4;
	v2 =	vsub.s32 v2, v0  }
0x6e: {  	v8 =	vld [tilespmem:s5+$0x5010];
	[tilespmem:s1+$0x5030] =	vst v2;
	v1 =	vsub.s32 v1, v0  }
.Ltmp2:
0x6f: {  	v4 =	vld [tilespmem:s5+$0x5020];
	[tilespmem:s1+$0x5040] =	vst v1;
	v1 =	vsub.s32 v3, v0;
	(pc) =	sbr.rel @p0 .LBB2_2-.Ltmp2, $4  }
0x70: {  	v2 =	vld [tilespmem:s5+$0x5030];
	[tilespmem:s1+$0x5050] =	vst v1;
	v3 =	vsub.s32 v5, v0  }
0x71: {  	v1 =	vld [tilespmem:s5+$0x5040];
	[tilespmem:s1+$0x5060] =	vst v3;
	v5 =	vsub.s32 v6, v0  }
0x72: {  	v6 =	vsub.s32 v7, v0;
	v3 =	vld [tilespmem:s5+$0x5050];
	[tilespmem:s1+$0x5070] =	vst v5;
	s1 =	smov.u32 s5  }
0x73: {  	s21 =	sadd.s32 $0x200, s21;
	[tilespmem:s1+$0x5000] =	vst v6;
	v6 =	vsub.s32 v8, v0;
	v5 =	vld [tilespmem:s1+$0x5060]  }
0x74: {  	[tilespmem:s1+$0x5010] =	vst v6;
	v4 =	vsub.s32 v4, v0;
	v63 =	vld [tilespmem:s1+$0x5070]  }
0x75: {  	[tilespmem:s1+$0x5020] =	vst v4;
	v2 =	vsub.s32 v2, v0  }
0x76: {  	[tilespmem:s1+$0x5030] =	vst v2;
	v1 =	vsub.s32 v1, v0  }
0x77: {  	[tilespmem:s1+$0x5040] =	vst v1;
	v1 =	vsub.s32 v3, v0  }
0x78: {  	[tilespmem:s1+$0x5050] =	vst v1;
	v1 =	vsub.s32 v5, v0  }
0x79: {  	[tilespmem:s1+$0x5060] =	vst v1;
	v1 =	vsub.s32 v63, v0  }
0x7a: {  	[tilespmem:s1+$0x5070] =	vst v1  }
0x7b: {  	s1 =	simm.s32 $0x0;
	[bflag:$0x0] =	sbarrier.arrive $0xFFFF  }
0x7c: {  	[tilespmem:s23], [sflag:$0x1] =	stream.indirect.gather [hbm4b:s4+s22], $0x80, s1, s22, $0xb8;
	[tilespmem:$0x1E140] =	vst v63  }
0x7d: {  	_ = 	snop  }
0x7e: {  	[tilespmem:s24], [sflag:$0x2] =	stream.indirect.gather [hbm4b:s4+s22], $0x80, s22, s22, $0xb8;
	[tilespmem:$0x1E140] =	vst v63  }
.LBB2_4:
0x7f: {  	_ =	swait.ge [sflag:s25], $0x4000  }
0x80: {  	[sflag:s25] =	ssyncset.done $0x0  }
0x81: {  	s21 =	sshra.s32 s1, $0x2;
	[sflag:s25] =	ssyncadd.s32 $0xFFFFC000  }
0x82: {  	v1 =	vld [tilespmem:s21+$0x5000];
	_ =	sdelay $0x4  }
0x83: {  	v1 =	vmin.u32 v1, $0x1400  }
0x84: {  	[tilespmem:$0xA000] =	vst v1  }
0x85: {  	v1 =	vld [tilespmem:s21+$0x5010];
	_ =	sdelay $0x4  }
0x86: {  	v1 =	vmin.u32 v1, $0x1400  }
0x87: {  	[tilespmem:$0xA010] =	vst v1  }
0x88: {  	v1 =	vld [tilespmem:s21+$0x5020];
	_ =	sdelay $0x4  }
0x89: {  	v1 =	vmin.u32 v1, $0x1400  }
0x8a: {  	[tilespmem:$0xA020] =	vst v1  }
0x8b: {  	v1 =	vld [tilespmem:s21+$0x5030];
	_ =	sdelay $0x4  }
0x8c: {  	v1 =	vmin.u32 v1, $0x1400  }
0x8d: {  	[tilespmem:$0xA030] =	vst v1  }
0x8e: {  	v1 =	vld [tilespmem:s21+$0x5040];
	_ =	sdelay $0x4  }
0x8f: {  	v1 =	vmin.u32 v1, $0x1400  }
0x90: {  	[tilespmem:$0xA040] =	vst v1  }
0x91: {  	v1 =	vld [tilespmem:s21+$0x5050];
	_ =	sdelay $0x4  }
0x92: {  	v1 =	vmin.u32 v1, $0x1400  }
0x93: {  	[tilespmem:$0xA050] =	vst v1  }
0x94: {  	v1 =	vld [tilespmem:s21+$0x5060];
	_ =	sdelay $0x4  }
0x95: {  	v1 =	vmin.u32 v1, $0x1400  }
0x96: {  	[tilespmem:$0xA060] =	vst v1  }
0x97: {  	v1 =	vld [tilespmem:s21+$0x5070];
	_ =	sdelay $0x4  }
0x98: {  	v1 =	vmin.u32 v1, $0x1400  }
0x99: {  	[tilespmem:$0xA070] =	vst v1  }
0x9a: {  	[spmem:s2] =	stream.indirect.scatter.add.f32 [tilespmem:s23], [sflag:$0x3], $0x80, s26, s22, $0xb8;
	[tilespmem:$0x1E140] =	vst v63  }
0x9b: {  	_ =	swait.ge [sflag:s28], $0x4000  }
0x9c: {  	[sflag:s28] =	ssyncset.done $0x0  }
0x9d: {  	[sflag:s28] =	ssyncadd.s32 $0xFFFFC000  }
0x9e: {  	v1 =	vld [tilespmem:s21+$0x5080];
	_ =	sdelay $0x4  }
0x9f: {  	v1 =	vmin.u32 v1, $0x1400  }
0xa0: {  	[tilespmem:$0xA080] =	vst v1  }
0xa1: {  	v1 =	vld [tilespmem:s21+$0x5090];
	_ =	sdelay $0x4  }
0xa2: {  	v1 =	vmin.u32 v1, $0x1400  }
0xa3: {  	[tilespmem:$0xA090] =	vst v1  }
0xa4: {  	v1 =	vld [tilespmem:s21+$0x50A0];
	_ =	sdelay $0x4  }
0xa5: {  	v1 =	vmin.u32 v1, $0x1400  }
0xa6: {  	[tilespmem:$0xA0A0] =	vst v1  }
0xa7: {  	v1 =	vld [tilespmem:s21+$0x50B0];
	_ =	sdelay $0x4  }
0xa8: {  	v1 =	vmin.u32 v1, $0x1400  }
0xa9: {  	[tilespmem:$0xA0B0] =	vst v1  }
0xaa: {  	v1 =	vld [tilespmem:s21+$0x50C0];
	_ =	sdelay $0x4  }
0xab: {  	v1 =	vmin.u32 v1, $0x1400  }
0xac: {  	[tilespmem:$0xA0C0] =	vst v1  }
0xad: {  	v1 =	vld [tilespmem:s21+$0x50D0];
	_ =	sdelay $0x4  }
0xae: {  	v1 =	vmin.u32 v1, $0x1400  }
0xaf: {  	[tilespmem:$0xA0D0] =	vst v1  }
0xb0: {  	v1 =	vld [tilespmem:s21+$0x50E0];
	_ =	sdelay $0x4  }
0xb1: {  	v1 =	vmin.u32 v1, $0x1400  }
0xb2: {  	[tilespmem:$0xA0E0] =	vst v1  }
0xb3: {  	v1 =	vld [tilespmem:s21+$0x50F0];
	_ =	sdelay $0x4  }
0xb4: {  	p0 =	seq.s32 s1, $0x13800;
	v1 =	vmin.u32 v1, $0x1400  }
.Ltmp3:
0xb5: {  	[tilespmem:$0xA0F0] =	vst v1;
	(pc) =	sbr.rel @p0 .LBB2_6-.Ltmp3, $4  }
0xb6: {  	[spmem:s2] =	stream.indirect.scatter.add.f32 [tilespmem:s24], [sflag:$0x4], $0x80, s29, s22, $0xb8;
	[tilespmem:$0x1E140] =	vst v63  }
0xb7: {  	_ =	swait.ge [sflag:s30], $0x4000  }
0xb8: {  	[sflag:s30] =	ssyncset.done $0x0  }
0xb9: {  	[sflag:s30] =	ssyncadd.s32 $0xFFFFC000  }
0xba: {  	s5 =	sadd.s32 $0x100, s21  }
0xbb: {  	[tilespmem:s23], [sflag:$0x1] =	stream.indirect.gather [hbm4b:s4+s22], $0x80, s5, s22, $0xb8;
	[tilespmem:$0x1E140] =	vst v63  }
.Ltmp4:
0xbc: {  	_ = 	snop;
	(pc) =	sbr.rel .LBB2_4-.Ltmp4, $4  }
0xbd: {  	_ =	swait.ge [sflag:s31], $0x4000  }
0xbe: {  	[sflag:s31] =	ssyncset.done $0x0  }
0xbf: {  	s21 =	sadd.s32 $0x180, s21;
	s1 =	sadd.s32 $0x400, s1;
	[sflag:s31] =	ssyncadd.s32 $0xFFFFC000  }
0xc0: {  	[tilespmem:s24], [sflag:$0x2] =	stream.indirect.gather [hbm4b:s4+s22], $0x80, s21, s22, $0xb8;
	[tilespmem:$0x1E140] =	vst v63  }
.LBB2_7:
0xc1: {  	_ =	sfence.sel $0x180000  }
0xc2: {  	[bflag:$0x0] =	sbarrier.arrive $0xFFFF  }
0xc3: {  	_ =	strace $0x9000004D  }
0xc4: {  	s0 =	stileid.u32;
	[bflag:$0x2] =	sbarrier.arrive $0xFFFF  }
0xc5: {  	p0 =	sne.s32 s0, $0x0;
	s0 =	rddreg [dreg:$0x3]  }
0xc6: {  	s0 =	sadd.s32 @!p0 $0x100000, s0  }
0xc7: {  	[sflag:s0] =	ssyncadd.tile.s32 @!p0 $0x1;
	_ =	shalt  }
.Lfunc_end2:
_tile_overlayer_lowered:
.L_overlay_start_2:
0xc8: {  	(tag) =	ssettag $0x2  }
0xc9: {  	s0 =	rddreg [dreg:$0x0];
	s2 =	stileid.u32  }
0xca: {  	s1 =	rddreg [dreg:$0x1];
	p0 =	sne.s32 s2, $0x0  }
0xcb: {  	s3 =	rddreg [dreg:$0x2];
	[bflag:$0x3] =	sbarrier.arrive $0xFFFF;
	s2 =	simm.s32 @!p0 $0x1C05  }
0xcc: {  	[timem:s3], [sflag:s2] =	dma.local @!p0 [hbm:s0], s1  }
0xcd: {  	s0 =	simm.s32 @!p0 $0x5  }
0xce: {  	_ =	swait.ge @!p0 [sflag:s0], s1  }
0xcf: {  	s1 =	ssub.s32 @!p0 $0x0, s1;
	[sflag:s0] =	ssyncset.done @!p0 $0x0  }
0xd0: {  	[sflag:s0] =	ssyncadd.s32 @!p0 s1  }
0xd1: {  	[bflag:$0x3] =	sbarrier.arrive $0xFFFF  }
0xd2: {  	_ =	shalt  }

// kernel: kernel.19.cloned.1.call-start
scs
__scs_entry_jumppad:
0x0: {  	(pc) =	sbr.rel $0x88, $3  }
0x1: {  	(tag) =	ssettag $0x0;
	lr =	simm.s32 $0x1  }
0x2: {  	[smem:$0x3F9F] =	sst lr;
	_ =	strace $0xD0000000  }
0x3: {  	_ = 	snop  }
0x4: {  	_ = 	snop  }
0x5: {  	_ = 	snop  }
0x6: {  	_ = 	snop  }
0x7: {  	_ = 	snop  }
__scs_overlays_trampoline_lowered:
0x8: {  	[smem:$0x3FAE] =	sst s0  }
0x9: {  	[smem:$0x3FAF] =	sst s1  }
0xa: {  	[smem:$0x3FB0] =	sst s2  }
0xb: {  	[smem:$0x3FB1] =	sst s3  }
0xc: {  	[smem:$0x3FB2] =	sst s4  }
0xd: {  	[smem:$0x3FB3] =	sst s5  }
0xe: {  	[smem:$0x3FB4] =	sst s6  }
0xf: {  	[smem:$0x3FB5] =	sst s7  }
0x10: {  	[smem:$0x3FB6] =	sst s8  }
0x11: {  	[smem:$0x3FB7] =	sst s9;
	s0 =	simm.s32 @!p0 $0x0  }
0x12: {  	s1 =	sld [smem:$0x3F9D];
	s0 =	simm.s32 @p0 $0x1  }
0x13: {  	[smem:$0x3FB8] =	sst s0;
	s0 =	simm.s32 @!p1 $0x0  }
0x14: {  	s2 =	sld [smem:$0x3F9C];
	s0 =	simm.s32 @p1 $0x1  }
0x15: {  	[smem:$0x3FB9] =	sst s0;
	s0 =	simm.s32 @!p2 $0x0  }
0x16: {  	s3 =	sld [smem:$0x3FDB];
	s0 =	simm.s32 @p2 $0x1  }
0x17: {  	s4 =	simm.s32 $0x1BF5;
	[smem:$0x3FBB] =	sst s0  }
0x18: {  	s0 =	sld [smem:$0x3F9E];
	_ =	swait.ge [sflag:s4], $0x0  }
0x19: {  	s7 =	sld [smem:$0x3F9F]  }
0x1a: {  	s8 =	sadd.s32 $0xFFFFE003, lr  }
0x1b: {  	s9 =	sadd.s32 $0xFFFFFEF7, lr;
	s5 =	simm.s32 $0xFFFFFFFF;
	p2 =	slt.u32 s8, $0xFFFFF086  }
0x1c: {  	p1 =	slt.u32 s9, $0xF7A;
	s5 =	simm.s32 @!p2 $0x0  }
0x1d: {  	s5 =	simm.s32 @p1 $0x1;
	p0 =	seq.s32 s7, s2  }
0x1e: {  	s7 =	smul.u32 @!p0 $0xF7A, s2;
	p2 =	seq.s32 @!p0 s5, $0x0  }
0x1f: {  	s9 =	smul.u32 $0xF7A, s1;
	s8 =	simm.s32 @!p0 $0x1BF5;
	p2 =	por !p2, p0  }
0x20: {  	[sflag:s8] =	ssyncset.s32 @!p0 $0xFFFFF086;
	s6 =	sadd.s32 @!p0 s3, s7;
	s7 =	simm.s32 @!p0 $0x108  }
0x21: {  	s3 =	sadd.s32 s3, s9;
	s6 =	sadd.s32 @!p0 $0x88, s6;
	s7 =	simm.s32 @p2 $0x1082  }
0x22: {  	[simem:s7], [sflag:s8] =	dma.local @!p0 [hbm:s6], $0xF7A  }
0x23: {  	s9 =	sor.u32 $0xD0000000, s2;
	s6 =	simm.s32 $0x108;
	_ =	swait.ge @!p0 [sflag:s8], $0x0  }
0x24: {  	s3 =	sadd.s32 $0x88, s3;
	s6 =	simm.s32 @!p1 $0x1082;
	[sflag:s4] =	ssyncset.s32 $0xFFFFF086  }
0x25: {  	[simem:s6], [sflag:s4] =	dma.local [hbm:s3], $0xF7A  }
0x26: {  	[smem:$0x3F9F] =	sst s1;
	(tag) =	ssettag s2;
	_ =	strace s9  }
0x27: {  	s1 =	sld [smem:$0x3FAF]  }
0x28: {  	s2 =	sld [smem:$0x3FB0]  }
0x29: {  	s4 =	sld [smem:$0x3FB2]  }
0x2a: {  	p0 =	seq.s32 s5, $0x0;
	s5 =	sld [smem:$0x3FB3]  }
0x2b: {  	s6 =	sld [smem:$0x3FB4]  }
0x2c: {  	s7 =	sld [smem:$0x3FB5]  }
0x2d: {  	s3 =	simm.s32 $0x108;
	s8 =	sld [smem:$0x3FB6]  }
0x2e: {  	s3 =	simm.s32 @!p0 $0x1082;
	s9 =	sld [smem:$0x3FB7]  }
0x2f: {  	lr =	sadd.s32 s0, s3;
	s0 =	sld [smem:$0x3FAE]  }
0x30: {  	s3 =	sld [smem:$0x3FB1]  }
0x31: {  	[smem:$0x3FBA] =	sst s10  }
0x32: {  	s10 =	sld [smem:$0x3FB8];
	_ =	sdelay $0x3  }
0x33: {  	p0 =	seq.s32 s10, $0x1;
	s10 =	sld [smem:$0x3FBA];
	_ =	sdelay $0x3  }
0x34: {  	[smem:$0x3FBA] =	sst s10  }
0x35: {  	s10 =	sld [smem:$0x3FB9];
	_ =	sdelay $0x3  }
0x36: {  	p1 =	seq.s32 s10, $0x1;
	s10 =	sld [smem:$0x3FBA];
	_ =	sdelay $0x3  }
0x37: {  	[smem:$0x3FBA] =	sst s10  }
0x38: {  	s10 =	sld [smem:$0x3FBB]  }
0x39: {  	_ = 	snop;
	(pc) =	sbr.ind lr, $3  }
0x3a: {  	_ = 	snop  }
0x3b: {  	_ = 	snop  }
0x3c: {  	p2 =	seq.s32 s10, $0x1;
	s10 =	sld [smem:$0x3FBA]  }
0x3d: {  	_ =	shalt  }
0x3e: {  	_ =	shalt  }
0x3f: {  	_ =	shalt  }
0x40: {  	_ =	shalt  }
0x41: {  	_ =	shalt  }
0x42: {  	_ =	shalt  }
0x43: {  	_ =	shalt  }
0x44: {  	_ =	shalt  }
0x45: {  	_ =	shalt  }
0x46: {  	_ =	shalt  }
0x47: {  	_ =	shalt  }
0x48: {  	_ =	shalt  }
0x49: {  	_ =	shalt  }
0x4a: {  	_ =	shalt  }
0x4b: {  	_ =	shalt  }
0x4c: {  	_ =	shalt  }
0x4d: {  	_ =	shalt  }
0x4e: {  	_ =	shalt  }
0x4f: {  	_ =	shalt  }
0x50: {  	_ =	shalt  }
0x51: {  	_ =	shalt  }
0x52: {  	_ =	shalt  }
0x53: {  	_ =	shalt  }
0x54: {  	_ =	shalt  }
0x55: {  	_ =	shalt  }
0x56: {  	_ =	shalt  }
0x57: {  	_ =	shalt  }
0x58: {  	_ =	shalt  }
0x59: {  	_ =	shalt  }
0x5a: {  	_ =	shalt  }
0x5b: {  	_ =	shalt  }
0x5c: {  	_ =	shalt  }
0x5d: {  	_ =	shalt  }
0x5e: {  	_ =	shalt  }
0x5f: {  	_ =	shalt  }
0x60: {  	_ =	shalt  }
0x61: {  	_ =	shalt  }
0x62: {  	_ =	shalt  }
0x63: {  	_ =	shalt  }
0x64: {  	_ =	shalt  }
0x65: {  	_ =	shalt  }
0x66: {  	_ =	shalt  }
0x67: {  	_ =	shalt  }
0x68: {  	_ =	shalt  }
0x69: {  	_ =	shalt  }
0x6a: {  	_ =	shalt  }
0x6b: {  	_ =	shalt  }
0x6c: {  	_ =	shalt  }
0x6d: {  	_ =	shalt  }
0x6e: {  	_ =	shalt  }
0x6f: {  	_ =	shalt  }
0x70: {  	_ =	shalt  }
0x71: {  	_ =	shalt  }
0x72: {  	_ =	shalt  }
0x73: {  	_ =	shalt  }
0x74: {  	_ =	shalt  }
0x75: {  	_ =	shalt  }
0x76: {  	_ =	shalt  }
0x77: {  	_ =	shalt  }
0x78: {  	_ =	shalt  }
0x79: {  	_ =	shalt  }
0x7a: {  	_ =	shalt  }
0x7b: {  	_ =	shalt  }
0x7c: {  	_ =	shalt  }
0x7d: {  	_ =	shalt  }
0x7e: {  	_ =	shalt  }
0x7f: {  	_ =	shalt  }
0x80: {  	_ =	shalt  }
0x81: {  	_ =	shalt  }
0x82: {  	_ =	shalt  }
0x83: {  	_ =	shalt  }
0x84: {  	_ =	shalt  }
0x85: {  	_ =	shalt  }
0x86: {  	_ =	shalt  }
0x87: {  	_ =	shalt  }
.Lfunc_end0:
.L_simem_size_0:
called_computation.3_lowered:
.L_overlay_start_0:
0x88: {  	s2 =	sld [smem:$0x3FD9]  }
0x89: {  	s3 =	sld [smem:$0x3FFE];
	_ =	sdelay $0x1  }
0x8a: {  	s1 =	srdreg.scid  }
0x8b: {  	s0 =	sand.u32 $0x1, s1  }
0x8c: {  	s17 =	sshll.u32 s0, $0xA;
	s2 =	sadd.s32 s3, s2  }
0x8d: {  	s2 =	sadd.s32 s2, s17  }
0x8e: {  	[smem:$0x3FC6] =	sst s2  }
0x8f: {  	_ = 	snop  }
0x90: {  	s2 =	sld [smem:$0x3FD0];
	(tm) =	ssettm $0x1  }
0x91: {  	s18 =	sld [smem:$0x3FFB];
	_ =	sdelay $0x3  }
0x92: {  	_ =	strace s18  }
0x93: {  	s3 =	sld [smem:$0x3FFC];
	_ =	sdelay $0x3  }
0x94: {  	_ =	strace s3  }
0x95: {  	s3 =	sld [smem:$0x3FFD];
	_ =	sdelay $0x3  }
0x96: {  	_ =	strace s3  }
0x97: {  	_ =	strace $0x8FFFFFFF  }
0x98: {  	s19 =	sld [smem:$0x3FDB];
	_ =	sdelay $0x1  }
0x99: {  	s4 =	simm.s32 $_scs_section_size  }
0x9a: {  	s5 =	simm.s32 $_size__tile_overlayer_lowered;
	s6 =	simm.s32 $_tile_overlayer_lowered  }
0x9b: {  	s22 =	simm.s32 $0x1BFF;
	s21 =	sshll.u32 s6, $0x1;
	s3 =	sadd.s32 s4, s19  }
0x9c: {  	s7 =	simm.s32 $0x0;
	s20 =	sshll.u32 s5, $0x1;
	s5 =	sadd.s32 s21, s3  }
0x9d: {  	[timem:s7], [sflag:s22] =	dma.local [hbm:s5], s20  }
0x9e: {  	_ =	swait.ge [sflag:s22], s20  }
0x9f: {  	s4 =	ssub.s32 $0x0, s20;
	[sflag:s22] =	ssyncset.done $0x0  }
0xa0: {  	[sflag:s22] =	ssyncadd.s32 s4;
	_ =	sdelay $0x1  }
0xa1: {  	s23 =	simm.s32 $0x1B8B  }
0xa2: {  	_ =	swait.ge [sflag:s23], $0x1  }
0xa3: {  	[sflag:s23] =	ssyncset.done $0x0  }
0xa4: {  	s25 =	simm.s32 $0x1B8E;
	s24 =	sld [smem:$0x3FFE];
	[sflag:s23] =	ssyncadd.s32 $0xFFFFFFFF  }
0xa5: {  	s26 =	simm.s32 $execute0_lowered;
	[smem:$0x3FD2] =	sst s25  }
0xa6: {  	s5 =	sshll.u32 s26, $0x1;
	_ =	strace $0x8000004F;
	[dreg:$0x1] =	wrdreg $0xFFFFFFFF  }
0xa7: {  	s28 =	simm.s32 $_size_execute0_lowered;
	s3 =	sadd.s32 s3, s5;
	[dreg:$0x0] =	wrdreg $0x0  }
0xa8: {  	s5 =	sshll.u32 s28, $0x1;
	[dreg:$0x2] =	wrdreg s3  }
0xa9: {  	[dreg:$0x3] =	wrdreg s5  }
0xaa: {  	[dreg:$0x4] =	wrdreg $0xC0  }
0xab: {  	_ =	task [dreg:s7], $0x5FFFF  }
0xac: {  	[dreg:$0x1] =	wrdreg $0xFFFFFFFF  }
0xad: {  	[dreg:$0x0] =	wrdreg $0x60  }
0xae: {  	[dreg:$0x2] =	wrdreg s24  }
0xaf: {  	[dreg:$0x3] =	wrdreg s2  }
0xb0: {  	[dreg:$0x4] =	wrdreg $0x141000  }
0xb1: {  	[dreg:$0x5] =	wrdreg $0x9  }
0xb2: {  	_ =	task.clear_ibuf [dreg:s7], $0x6FFFF;
	_ =	strace $0x9000004F  }
0xb3: {  	s29 =	simm.s32 $0x9;
	_ =	strace $0x80000051  }
0xb4: {  	_ =	swait.ge [sflag:s29], $0x1  }
0xb5: {  	[sflag:s29] =	ssyncadd.s32 $0xFFFFFFFF  }
0xb6: {  	_ =	strace $0x90000051  }
0xb7: {  	_ =	sfence  }
0xb8: {  	s30 =	sld [smem:$0x0];
	_ =	sdelay $0x2  }
0xb9: {  	s31 =	sshll.u32 s1, $0xD;
	s1 =	sshrl.u32 s1, $0x2  }
0xba: {  	s3 =	sand.u32 $0x4000, s31;
	s1 =	sadd.s32 s1, s30  }
0xbb: {  	s0 =	sor.u32 s3, s0;
	s1 =	sshll.u32 s1, $0x11  }
0xbc: {  	s0 =	sor.u32 s1, s0  }
0xbd: {  	s0 =	sadd.s32 $0x8F2B, s0  }
0xbe: {  	[sflag:s0] =	ssyncadd.remote.s32 $0x1  }
0xbf: {  	_ =	sfence.sel $0xFFFF  }
0xc0: {  	[dreg:$0x0] =	wrdreg $0xFFFFFFFF;
	(pc) =	sbr.abs _section_cstart, $3  }
0xc1: {  	[dreg:$0x1] =	wrdreg $0xFFFFFFFF  }
0xc2: {  	_ =	task.clear_ibuf [dreg:s7], $0x2FFFF;
	_ =	strace $0x9FFFFFFF  }
0xc3: {  	(tm) =	ssettm $0x7FFFFFFF  }
tec
execute0_lowered:
.L_overlay_start_1:
0x0: {  	(tag) =	ssettag $0x1  }
0x1: {  	s0 =	rddreg [dreg:$0x0]  }
0x2: {  	s1 =	rddreg [dreg:$0x1]  }
0x3: {  	s2 =	rddreg [dreg:$0x2]  }
0x4: {  	s3 =	simm.s32 $0x0;
	s10 =	stileid.u32;
	s5 =	srdreg.scid  }
0x5: {  	s28 =	simm.s32 $0x2;
	s29 =	simm.s32 $0xA080;
	s30 =	simm.s32 $0x3  }
0x6: {  	s31 =	simm.s32 $0x4;
	[smem:$0x7FF] =	sst s3;
	s11 =	smul.u32 $0xA00, s10  }
0x7: {  	s4 =	sadd.s32 $0xCC00, s0;
	s8 =	sand.u32 $0x1, s5;
	s7 =	smul.u32 $0x28000, s10  }
0x8: {  	s19 =	sadd.s32 $0xC800, s0;
	s13 =	smul.u32 $0xA000, s10;
	_ =	strace $0x80000050  }
0x9: {  	s6 =	ssub.s32 $0x2, s8;
	[dreg:$0x4] =	wrdreg s19;
	s21 =	smul.u32 $0x1400, s8  }
0xa: {  	s16 =	smul.u32 $0xA0000, s8;
	s12 =	sadd.s32 s11, s0;
	s9 =	sshrl.u32 s6, $0x1  }
0xb: {  	s0 =	sadd.s32 $0x34C00, s0;
	s20 =	sshrl.u32 s7, $0x2;
	s14 =	sadd.s32 $0x2000, s13  }
0xc: {  	s15 =	sadd.s32 $0x4000, s13;
	s17 =	sadd.s32 $0x6000, s13;
	s19 =	sadd.s32 $0x8000, s13  }
0xd: {  	s11 =	sadd.s32 s1, s11;
	s18 =	ssub.s32 s6, s9;
	s6 =	sadd.s32 s20, s2  }
0xe: {  	s7 =	sadd.s32 s14, s2;
	s8 =	sadd.s32 s15, s2;
	s9 =	sadd.s32 s17, s2  }
0xf: {  	s10 =	sadd.s32 s19, s2;
	s13 =	sadd.s32 s13, s16;
	s14 =	sadd.s32 s16, s14  }
0x10: {  	s12 =	sadd.s32 $0x2800, s12;
	s24 =	sadd.s32 s16, s15;
	s25 =	sadd.s32 s16, s17  }
0x11: {  	s19 =	sadd.s32 s16, s19;
	s20 =	simm.s32 $0x5;
	s22 =	sshrl.u32 s13, $0x3  }
0x12: {  	s23 =	sshrl.u32 s14, $0x3;
	s1 =	sshrl.u32 s24, $0x3;
	s17 =	sshrl.u32 s25, $0x3  }
.Ltmp0:
0x13: {  	s26 =	sshrl.u32 s19, $0x3;
	s18 =	smax.u32 s18, $0x1;
	(pc) =	sbr.rel .LBB2_1-.Ltmp0, $4  }
0x14: {  	s19 =	simm.s32 $0x12100;
	s24 =	simm.s32 $0xE100;
	s25 =	simm.s32 $0x1  }
0x15: {  	s13 =	sadd.s32 s0, s22;
	s14 =	sadd.s32 s0, s23;
	s15 =	sadd.s32 s0, s1  }
0x16: {  	s16 =	sadd.s32 s0, s17;
	s17 =	sadd.s32 s0, s26;
	s22 =	simm.s32 $0x80  }
0x17: {  	v0 =	vmov s21;
	s23 =	simm.s32 $0xA100;
	s26 =	simm.s32 $0xA000;
	s0 =	simm.s32 $0x0  }
.LBB2_6:
0x18: {  	_ =	swait.ge [sflag:s31], $0x4000  }
0x19: {  	[sflag:s31] =	ssyncset.done $0x0  }
0x1a: {  	[sflag:s31] =	ssyncadd.s32 $0xFFFFC000  }
0x1b: {  	[bflag:$0x0] =	sbarrier.arrive $0xFFFF  }
0x1c: {  	[tilespmem:s19], [sflag:$0x5] =	stream.linear.gather [spmem:s6], $0x2000, $0x38;
	[tilespmem:$0x1E140] =	vst v63  }
0x1d: {  	_ =	swait.ge [sflag:s20], $0x2000  }
0x1e: {  	[sflag:s20] =	ssyncset.done $0x0  }
0x1f: {  	[sflag:s20] =	ssyncadd.s32 $0xFFFFE000  }
0x20: {  	[hbm4b:s13+s3] =	stream.linear.scatter [tilespmem:s19], [sflag:$0x5], $0x2000, $0x38;
	[tilespmem:$0x1E140] =	vst v63  }
0x21: {  	_ =	swait.ge [sflag:s20], $0x2000  }
0x22: {  	[sflag:s20] =	ssyncset.done $0x0  }
0x23: {  	[sflag:s20] =	ssyncadd.s32 $0xFFFFE000  }
0x24: {  	[tilespmem:s19], [sflag:$0x5] =	stream.linear.gather [spmem:s7], $0x2000, $0x38;
	[tilespmem:$0x1E140] =	vst v63  }
0x25: {  	_ =	swait.ge [sflag:s20], $0x2000  }
0x26: {  	[sflag:s20] =	ssyncset.done $0x0  }
0x27: {  	[sflag:s20] =	ssyncadd.s32 $0xFFFFE000  }
0x28: {  	[hbm4b:s14+s3] =	stream.linear.scatter [tilespmem:s19], [sflag:$0x5], $0x2000, $0x38;
	[tilespmem:$0x1E140] =	vst v63  }
0x29: {  	_ =	swait.ge [sflag:s20], $0x2000  }
0x2a: {  	[sflag:s20] =	ssyncset.done $0x0  }
0x2b: {  	[sflag:s20] =	ssyncadd.s32 $0xFFFFE000  }
0x2c: {  	[tilespmem:s19], [sflag:$0x5] =	stream.linear.gather [spmem:s8], $0x2000, $0x38;
	[tilespmem:$0x1E140] =	vst v63  }
0x2d: {  	_ =	swait.ge [sflag:s20], $0x2000  }
0x2e: {  	[sflag:s20] =	ssyncset.done $0x0  }
0x2f: {  	[sflag:s20] =	ssyncadd.s32 $0xFFFFE000  }
0x30: {  	[hbm4b:s15+s3] =	stream.linear.scatter [tilespmem:s19], [sflag:$0x5], $0x2000, $0x38;
	[tilespmem:$0x1E140] =	vst v63  }
0x31: {  	_ =	swait.ge [sflag:s20], $0x2000  }
0x32: {  	[sflag:s20] =	ssyncset.done $0x0  }
0x33: {  	[sflag:s20] =	ssyncadd.s32 $0xFFFFE000  }
0x34: {  	[tilespmem:s19], [sflag:$0x5] =	stream.linear.gather [spmem:s9], $0x2000, $0x38;
	[tilespmem:$0x1E140] =	vst v63  }
0x35: {  	_ =	swait.ge [sflag:s20], $0x2000  }
0x36: {  	[sflag:s20] =	ssyncset.done $0x0  }
0x37: {  	[sflag:s20] =	ssyncadd.s32 $0xFFFFE000  }
0x38: {  	[hbm4b:s16+s3] =	stream.linear.scatter [tilespmem:s19], [sflag:$0x5], $0x2000, $0x38;
	[tilespmem:$0x1E140] =	vst v63  }
0x39: {  	_ =	swait.ge [sflag:s20], $0x2000  }
0x3a: {  	[sflag:s20] =	ssyncset.done $0x0  }
0x3b: {  	[sflag:s20] =	ssyncadd.s32 $0xFFFFE000  }
0x3c: {  	[tilespmem:s19], [sflag:$0x5] =	stream.linear.gather [spmem:s10], $0x2000, $0x38;
	[tilespmem:$0x1E140] =	vst v63  }
0x3d: {  	s0 =	sadd.s32 $0x1, s0;
	_ =	swait.ge [sflag:s20], $0x2000  }
0x3e: {  	p0 =	sne.s32 s0, s18;
	[sflag:s20] =	ssyncset.done $0x0  }
.Ltmp1:
0x3f: {  	[sflag:s20] =	ssyncadd.s32 $0xFFFFE000;
	(pc) =	sbr.rel @!p0 .LBB2_7-.Ltmp1, $4  }
0x40: {  	[hbm4b:s17+s3] =	stream.linear.scatter [tilespmem:s19], [sflag:$0x5], $0x2000, $0x38;
	[tilespmem:$0x1E140] =	vst v63  }
0x41: {  	_ =	swait.ge [sflag:s20], $0x2000  }
0x42: {  	[sflag:s20] =	ssyncset.done $0x0  }
0x43: {  	[sflag:s20] =	ssyncadd.s32 $0xFFFFE000  }
.LBB2_1:
0x44: {  	s1 =	rddreg [dreg:$0x4]  }
0x45: {  	[tilespmem:s19], [sflag:$0x5] =	stream.linear.gather [hbm4b:s1+s3], $0x2000, $0x38;
	[tilespmem:$0x1E140] =	vst v63  }
0x46: {  	_ =	swait.ge [sflag:s20], $0x2000  }
0x47: {  	[sflag:s20] =	ssyncset.done $0x0  }
0x48: {  	[sflag:s20] =	ssyncadd.s32 $0xFFFFE000  }
0x49: {  	[spmem:s6] =	stream.linear.scatter [tilespmem:s19], [sflag:$0x5], $0x2000, $0x38;
	[tilespmem:$0x1E140] =	vst v63  }
0x4a: {  	_ =	swait.ge [sflag:s20], $0x2000  }
0x4b: {  	[sflag:s20] =	ssyncset.done $0x0  }
0x4c: {  	[sflag:s20] =	ssyncadd.s32 $0xFFFFE000  }
0x4d: {  	[spmem:s7] =	stream.linear.scatter [tilespmem:s19], [sflag:$0x5], $0x2000, $0x38;
	[tilespmem:$0x1E140] =	vst v63  }
0x4e: {  	_ =	swait.ge [sflag:s20], $0x2000  }
0x4f: {  	[sflag:s20] =	ssyncset.done $0x0  }
0x50: {  	[sflag:s20] =	ssyncadd.s32 $0xFFFFE000  }
0x51: {  	[spmem:s8] =	stream.linear.scatter [tilespmem:s19], [sflag:$0x5], $0x2000, $0x38;
	[tilespmem:$0x1E140] =	vst v63  }
0x52: {  	_ =	swait.ge [sflag:s20], $0x2000  }
0x53: {  	[sflag:s20] =	ssyncset.done $0x0  }
0x54: {  	[sflag:s20] =	ssyncadd.s32 $0xFFFFE000  }
0x55: {  	[spmem:s9] =	stream.linear.scatter [tilespmem:s19], [sflag:$0x5], $0x2000, $0x38;
	[tilespmem:$0x1E140] =	vst v63  }
0x56: {  	_ =	swait.ge [sflag:s20], $0x2000  }
0x57: {  	[sflag:s20] =	ssyncset.done $0x0  }
0x58: {  	[sflag:s20] =	ssyncadd.s32 $0xFFFFE000  }
0x59: {  	[spmem:s10] =	stream.linear.scatter [tilespmem:s19], [sflag:$0x5], $0x2000, $0x38;
	[tilespmem:$0x1E140] =	vst v63  }
0x5a: {  	_ =	swait.ge [sflag:s20], $0x2000  }
0x5b: {  	[sflag:s20] =	ssyncset.done $0x0  }
0x5c: {  	[sflag:s20] =	ssyncadd.s32 $0xFFFFE000  }
0x5d: {  	[tilespmem:s3], [sflag:$0x5] =	stream.linear.gather [hbm4b:s11+s3], $0x4F00, $0x38;
	[tilespmem:$0x1E140] =	vst v63  }
0x5e: {  	_ =	swait.ge [sflag:s20], $0x4F00  }
0x5f: {  	[sflag:s20] =	ssyncset.done $0x0  }
0x60: {  	s21 =	simm.s32 $0x5000;
	[sflag:s20] =	ssyncadd.s32 $0xFFFFB100  }
0x61: {  	[tilespmem:s21], [sflag:$0x5] =	stream.linear.gather [hbm4b:s12+s3], $0x4F00, $0x38;
	[tilespmem:$0x1E140] =	vst v63  }
0x62: {  	_ =	swait.ge [sflag:s20], $0x4F00  }
0x63: {  	[sflag:s20] =	ssyncset.done $0x0  }
0x64: {  	s1 =	simm.s32 $0x0;
	[sflag:s20] =	ssyncadd.s32 $0xFFFFB100  }
0x65: {  	v3 =	vld [tilespmem:s1+$0x5000]  }
0x66: {  	v5 =	vld [tilespmem:s1+$0x5010]  }
0x67: {  	v4 =	vld [tilespmem:s1+$0x5020]  }
0x68: {  	v2 =	vld [tilespmem:s1+$0x5030]  }
0x69: {  	v1 =	vld [tilespmem:s1+$0x5040]  }
0x6a: {  	v6 =	vsub.s32 v3, v0;
	v3 =	vld [tilespmem:s1+$0x5050]  }
0x6b: {  	s21 =	simm.s32 $0x200;
	[tilespmem:s1+$0x5000] =	vst v6;
	v6 =	vsub.s32 v5, v0;
	v5 =	vld [tilespmem:s1+$0x5060]  }
.LBB2_2:
0x6c: {  	s5 =	sshra.s32 s21, $0x2;
	p0 =	sne.s32 s21, $0x13A00;
	[tilespmem:s1+$0x5010] =	vst v6;
	v4 =	vsub.s32 v4, v0;
	v6 =	vld [tilespmem:s1+$0x5070]  }
0x6d: {  	v7 =	vld [tilespmem:s5+$0x5000];
	[tilespmem:s1+$0x5020] =	vst v4;
	v2 =	vsub.s32 v2, v0  }
0x6e: {  	v8 =	vld [tilespmem:s5+$0x5010];
	[tilespmem:s1+$0x5030] =	vst v2;
	v1 =	vsub.s32 v1, v0  }
.Ltmp2:
0x6f: {  	v4 =	vld [tilespmem:s5+$0x5020];
	[tilespmem:s1+$0x5040] =	vst v1;
	v1 =	vsub.s32 v3, v0;
	(pc) =	sbr.rel @p0 .LBB2_2-.Ltmp2, $4  }
0x70: {  	v2 =	vld [tilespmem:s5+$0x5030];
	[tilespmem:s1+$0x5050] =	vst v1;
	v3 =	vsub.s32 v5, v0  }
0x71: {  	v1 =	vld [tilespmem:s5+$0x5040];
	[tilespmem:s1+$0x5060] =	vst v3;
	v5 =	vsub.s32 v6, v0  }
0x72: {  	v6 =	vsub.s32 v7, v0;
	v3 =	vld [tilespmem:s5+$0x5050];
	[tilespmem:s1+$0x5070] =	vst v5;
	s1 =	smov.u32 s5  }
0x73: {  	s21 =	sadd.s32 $0x200, s21;
	[tilespmem:s1+$0x5000] =	vst v6;
	v6 =	vsub.s32 v8, v0;
	v5 =	vld [tilespmem:s1+$0x5060]  }
0x74: {  	[tilespmem:s1+$0x5010] =	vst v6;
	v4 =	vsub.s32 v4, v0;
	v63 =	vld [tilespmem:s1+$0x5070]  }
0x75: {  	[tilespmem:s1+$0x5020] =	vst v4;
	v2 =	vsub.s32 v2, v0  }
0x76: {  	[tilespmem:s1+$0x5030] =	vst v2;
	v1 =	vsub.s32 v1, v0  }
0x77: {  	[tilespmem:s1+$0x5040] =	vst v1;
	v1 =	vsub.s32 v3, v0  }
0x78: {  	[tilespmem:s1+$0x5050] =	vst v1;
	v1 =	vsub.s32 v5, v0  }
0x79: {  	[tilespmem:s1+$0x5060] =	vst v1;
	v1 =	vsub.s32 v63, v0  }
0x7a: {  	[tilespmem:s1+$0x5070] =	vst v1  }
0x7b: {  	s1 =	simm.s32 $0x0;
	[bflag:$0x0] =	sbarrier.arrive $0xFFFF  }
0x7c: {  	[tilespmem:s23], [sflag:$0x1] =	stream.indirect.gather [hbm4b:s4+s22], $0x80, s1, s22, $0xb8;
	[tilespmem:$0x1E140] =	vst v63  }
0x7d: {  	_ = 	snop  }
0x7e: {  	[tilespmem:s24], [sflag:$0x2] =	stream.indirect.gather [hbm4b:s4+s22], $0x80, s22, s22, $0xb8;
	[tilespmem:$0x1E140] =	vst v63  }
.LBB2_4:
0x7f: {  	_ =	swait.ge [sflag:s25], $0x4000  }
0x80: {  	[sflag:s25] =	ssyncset.done $0x0  }
0x81: {  	s21 =	sshra.s32 s1, $0x2;
	[sflag:s25] =	ssyncadd.s32 $0xFFFFC000  }
0x82: {  	v1 =	vld [tilespmem:s21+$0x5000];
	_ =	sdelay $0x4  }
0x83: {  	v1 =	vmin.u32 v1, $0x1400  }
0x84: {  	[tilespmem:$0xA000] =	vst v1  }
0x85: {  	v1 =	vld [tilespmem:s21+$0x5010];
	_ =	sdelay $0x4  }
0x86: {  	v1 =	vmin.u32 v1, $0x1400  }
0x87: {  	[tilespmem:$0xA010] =	vst v1  }
0x88: {  	v1 =	vld [tilespmem:s21+$0x5020];
	_ =	sdelay $0x4  }
0x89: {  	v1 =	vmin.u32 v1, $0x1400  }
0x8a: {  	[tilespmem:$0xA020] =	vst v1  }
0x8b: {  	v1 =	vld [tilespmem:s21+$0x5030];
	_ =	sdelay $0x4  }
0x8c: {  	v1 =	vmin.u32 v1, $0x1400  }
0x8d: {  	[tilespmem:$0xA030] =	vst v1  }
0x8e: {  	v1 =	vld [tilespmem:s21+$0x5040];
	_ =	sdelay $0x4  }
0x8f: {  	v1 =	vmin.u32 v1, $0x1400  }
0x90: {  	[tilespmem:$0xA040] =	vst v1  }
0x91: {  	v1 =	vld [tilespmem:s21+$0x5050];
	_ =	sdelay $0x4  }
0x92: {  	v1 =	vmin.u32 v1, $0x1400  }
0x93: {  	[tilespmem:$0xA050] =	vst v1  }
0x94: {  	v1 =	vld [tilespmem:s21+$0x5060];
	_ =	sdelay $0x4  }
0x95: {  	v1 =	vmin.u32 v1, $0x1400  }
0x96: {  	[tilespmem:$0xA060] =	vst v1  }
0x97: {  	v1 =	vld [tilespmem:s21+$0x5070];
	_ =	sdelay $0x4  }
0x98: {  	v1 =	vmin.u32 v1, $0x1400  }
0x99: {  	[tilespmem:$0xA070] =	vst v1  }
0x9a: {  	[spmem:s2] =	stream.indirect.scatter.add.f32 [tilespmem:s23], [sflag:$0x3], $0x80, s26, s22, $0xb8;
	[tilespmem:$0x1E140] =	vst v63  }
0x9b: {  	_ =	swait.ge [sflag:s28], $0x4000  }
0x9c: {  	[sflag:s28] =	ssyncset.done $0x0  }
0x9d: {  	[sflag:s28] =	ssyncadd.s32 $0xFFFFC000  }
0x9e: {  	v1 =	vld [tilespmem:s21+$0x5080];
	_ =	sdelay $0x4  }
0x9f: {  	v1 =	vmin.u32 v1, $0x1400  }
0xa0: {  	[tilespmem:$0xA080] =	vst v1  }
0xa1: {  	v1 =	vld [tilespmem:s21+$0x5090];
	_ =	sdelay $0x4  }
0xa2: {  	v1 =	vmin.u32 v1, $0x1400  }
0xa3: {  	[tilespmem:$0xA090] =	vst v1  }
0xa4: {  	v1 =	vld [tilespmem:s21+$0x50A0];
	_ =	sdelay $0x4  }
0xa5: {  	v1 =	vmin.u32 v1, $0x1400  }
0xa6: {  	[tilespmem:$0xA0A0] =	vst v1  }
0xa7: {  	v1 =	vld [tilespmem:s21+$0x50B0];
	_ =	sdelay $0x4  }
0xa8: {  	v1 =	vmin.u32 v1, $0x1400  }
0xa9: {  	[tilespmem:$0xA0B0] =	vst v1  }
0xaa: {  	v1 =	vld [tilespmem:s21+$0x50C0];
	_ =	sdelay $0x4  }
0xab: {  	v1 =	vmin.u32 v1, $0x1400  }
0xac: {  	[tilespmem:$0xA0C0] =	vst v1  }
0xad: {  	v1 =	vld [tilespmem:s21+$0x50D0];
	_ =	sdelay $0x4  }
0xae: {  	v1 =	vmin.u32 v1, $0x1400  }
0xaf: {  	[tilespmem:$0xA0D0] =	vst v1  }
0xb0: {  	v1 =	vld [tilespmem:s21+$0x50E0];
	_ =	sdelay $0x4  }
0xb1: {  	v1 =	vmin.u32 v1, $0x1400  }
0xb2: {  	[tilespmem:$0xA0E0] =	vst v1  }
0xb3: {  	v1 =	vld [tilespmem:s21+$0x50F0];
	_ =	sdelay $0x4  }
0xb4: {  	p0 =	seq.s32 s1, $0x13800;
	v1 =	vmin.u32 v1, $0x1400  }
.Ltmp3:
0xb5: {  	[tilespmem:$0xA0F0] =	vst v1;
	(pc) =	sbr.rel @p0 .LBB2_6-.Ltmp3, $4  }
0xb6: {  	[spmem:s2] =	stream.indirect.scatter.add.f32 [tilespmem:s24], [sflag:$0x4], $0x80, s29, s22, $0xb8;
	[tilespmem:$0x1E140] =	vst v63  }
0xb7: {  	_ =	swait.ge [sflag:s30], $0x4000  }
0xb8: {  	[sflag:s30] =	ssyncset.done $0x0  }
0xb9: {  	[sflag:s30] =	ssyncadd.s32 $0xFFFFC000  }
0xba: {  	s5 =	sadd.s32 $0x100, s21  }
0xbb: {  	[tilespmem:s23], [sflag:$0x1] =	stream.indirect.gather [hbm4b:s4+s22], $0x80, s5, s22, $0xb8;
	[tilespmem:$0x1E140] =	vst v63  }
.Ltmp4:
0xbc: {  	_ = 	snop;
	(pc) =	sbr.rel .LBB2_4-.Ltmp4, $4  }
0xbd: {  	_ =	swait.ge [sflag:s31], $0x4000  }
0xbe: {  	[sflag:s31] =	ssyncset.done $0x0  }
0xbf: {  	s21 =	sadd.s32 $0x180, s21;
	s1 =	sadd.s32 $0x400, s1;
	[sflag:s31] =	ssyncadd.s32 $0xFFFFC000  }
0xc0: {  	[tilespmem:s24], [sflag:$0x2] =	stream.indirect.gather [hbm4b:s4+s22], $0x80, s21, s22, $0xb8;
	[tilespmem:$0x1E140] =	vst v63  }
.LBB2_7:
0xc1: {  	_ =	sfence.sel $0x180000  }
0xc2: {  	[bflag:$0x0] =	sbarrier.arrive $0xFFFF  }
0xc3: {  	_ =	strace $0x90000050  }
0xc4: {  	s0 =	stileid.u32;
	[bflag:$0x2] =	sbarrier.arrive $0xFFFF  }
0xc5: {  	p0 =	sne.s32 s0, $0x0;
	s0 =	rddreg [dreg:$0x3]  }
0xc6: {  	s0 =	sadd.s32 @!p0 $0x100000, s0  }
0xc7: {  	[sflag:s0] =	ssyncadd.tile.s32 @!p0 $0x1;
	_ =	shalt  }
.Lfunc_end2:
_tile_overlayer_lowered:
.L_overlay_start_2:
0xc8: {  	(tag) =	ssettag $0x2  }
0xc9: {  	s0 =	rddreg [dreg:$0x0];
	s2 =	stileid.u32  }
0xca: {  	s1 =	rddreg [dreg:$0x1];
	p0 =	sne.s32 s2, $0x0  }
0xcb: {  	s3 =	rddreg [dreg:$0x2];
	[bflag:$0x3] =	sbarrier.arrive $0xFFFF;
	s2 =	simm.s32 @!p0 $0x1C05  }
0xcc: {  	[timem:s3], [sflag:s2] =	dma.local @!p0 [hbm:s0], s1  }
0xcd: {  	s0 =	simm.s32 @!p0 $0x5  }
0xce: {  	_ =	swait.ge @!p0 [sflag:s0], s1  }
0xcf: {  	s1 =	ssub.s32 @!p0 $0x0, s1;
	[sflag:s0] =	ssyncset.done @!p0 $0x0  }
0xd0: {  	[sflag:s0] =	ssyncadd.s32 @!p0 s1  }
0xd1: {  	[bflag:$0x3] =	sbarrier.arrive $0xFFFF  }
0xd2: {  	_ =	shalt  }

</sc_bundles>
